<compile_context>
chip_gen: v7x
topology: tpu7x:2x2x1
jax: 0.10.2.dev20260603
libtpu: 0.0.44.dev20260713+nightly
codegen_flags: <defaults>
</compile_context>

<pallas_src>
import functools

import jax
import jax.numpy as jnp
from jax import lax
from jax.experimental import pallas as pl
from jax.experimental.pallas import tpu as pltpu
from jax.experimental.pallas import tpu_sc as plsc

N = 10000
D = 128
DP = 144
R = 10240
NNZ = 320000
NW = 32
K = 128
CH = 79
NNZ_PAD = NW * CH * K
TRASH = N
STRIPE = R // 16



def _seg_body(table, src_ids, dst_ids, out, acc,
              idx_s0, idx_s1, idx_d0, idx_d1, rows0, rows1,
              gsem0, gsem1, ssem0, ssem1):
    c = lax.axis_index("c")
    s = lax.axis_index("s")
    w = c * 16 + s

    idx_s = (idx_s0, idx_s1)
    idx_d = (idx_d0, idx_d1)
    rows = (rows0, rows1)
    gsem = (gsem0, gsem1)
    ssem = (ssem0, ssem1)

    def _zrow(i, _):
        for cc in range(DP // 16):
            rows0[i, pl.ds(cc * 16, 16)] = jnp.zeros((16,), jnp.float32)
        return _
    lax.fori_loop(0, K, _zrow, None)
    for t in range(STRIPE // K):
        pltpu.sync_copy(rows0, acc.at[pl.ds(s * STRIPE + t * K, K), :])
    plsc.subcore_barrier()

    def _chunk(j, b):
        @pl.when(j >= 2)
        def _():
            pltpu.make_async_copy(rows[b], acc.at[idx_d[b]], ssem[b]).wait()
        base = (w * CH + j) * K
        pltpu.sync_copy(src_ids.at[pl.ds(base, K)], idx_s[b])
        pltpu.sync_copy(dst_ids.at[pl.ds(base, K)], idx_d[b])
        pltpu.async_copy(table.at[idx_s[b]], rows[b], gsem[b]).wait()
        pltpu.async_copy(rows[b], acc.at[idx_d[b]], ssem[b], add=True)

    def _pair(i, _):
        jj = 2 * i
        _chunk(jj, 0)
        _chunk(jj + 1, 1)
        return _
    lax.fori_loop(0, (CH - 1) // 2, _pair, None)
    _chunk(CH - 1, 0)
    pltpu.make_async_copy(rows[0], acc.at[idx_d[0]], ssem[0]).wait()
    pltpu.make_async_copy(rows[1], acc.at[idx_d[1]], ssem[1]).wait()

    plsc.subcore_barrier()
    for t in range(STRIPE // K):
        base = s * STRIPE + t * K
        pltpu.sync_copy(acc.at[pl.ds(base, K), :], rows0)
        pltpu.sync_copy(rows0, out.at[c, pl.ds(base, K), :])


_seg = pl.kernel(
    _seg_body,
    out_type=jax.ShapeDtypeStruct((2, R, DP), jnp.float32),
    mesh=plsc.VectorSubcoreMesh(core_axis_name="c", subcore_axis_name="s"),
    scratch_types=[
        pltpu.VMEM_SHARED((R, DP), jnp.float32),
        pltpu.VMEM((K,), jnp.int32),
        pltpu.VMEM((K,), jnp.int32),
        pltpu.VMEM((K,), jnp.int32),
        pltpu.VMEM((K,), jnp.int32),
        pltpu.VMEM((K, DP), jnp.float32),
        pltpu.VMEM((K, DP), jnp.float32),
        pltpu.SemaphoreType.DMA,
        pltpu.SemaphoreType.DMA,
        pltpu.SemaphoreType.DMA,
        pltpu.SemaphoreType.DMA,
    ],
    compiler_params=pltpu.CompilerParams(use_tc_tiling_on_sc=False),
)



_BR = 512


def _mm_pad_body(x_ref, w_ref, b_ref, o_ref):
    h = jnp.dot(x_ref[...], w_ref[...],
                preferred_element_type=jnp.float32) + b_ref[...]
    o_ref[...] = jnp.concatenate(
        [h, jnp.ones((h.shape[0], 1), jnp.float32),
         jnp.zeros((h.shape[0], DP - D - 1), jnp.float32)], axis=1)


def _mm_pad(xp, w, b):
    return pl.pallas_call(
        _mm_pad_body,
        grid=(R // _BR,),
        in_specs=[
            pl.BlockSpec((_BR, D), lambda i: (i, 0)),
            pl.BlockSpec((D, D), lambda i: (0, 0)),
            pl.BlockSpec((1, D), lambda i: (0, 0)),
        ],
        out_specs=pl.BlockSpec((_BR, DP), lambda i: (i, 0)),
        out_shape=jax.ShapeDtypeStruct((R, DP), jnp.float32),
    )(xp, w, b)


def _comb_body(p_ref, o_ref):
    t = p_ref[0] + p_ref[1]
    d = jnp.maximum(t[:, D:D + 1], 1.0)
    o_ref[...] = t / d


def _comb(p):
    return pl.pallas_call(
        _comb_body,
        grid=(R // _BR,),
        in_specs=[pl.BlockSpec((2, _BR, DP), lambda i: (0, i, 0))],
        out_specs=pl.BlockSpec((_BR, DP), lambda i: (i, 0)),
        out_shape=jax.ShapeDtypeStruct((R, DP), jnp.float32),
    )(p)


def _relu_mm_pad_body(p_ref, w_ref, b_ref, o_ref):
    t = p_ref[0] + p_ref[1]
    d = jnp.maximum(t[:, D:D + 1], 1.0)
    xv = jnp.maximum(t[:, :D] / d, 0.0)
    h = jnp.dot(xv, w_ref[...], preferred_element_type=jnp.float32) + b_ref[...]
    o_ref[...] = jnp.concatenate(
        [h, jnp.ones((h.shape[0], 1), jnp.float32),
         jnp.zeros((h.shape[0], DP - D - 1), jnp.float32)], axis=1)


def _relu_mm_pad(p, w, b):
    return pl.pallas_call(
        _relu_mm_pad_body,
        grid=(R // _BR,),
        in_specs=[
            pl.BlockSpec((2, _BR, DP), lambda i: (0, i, 0)),
            pl.BlockSpec((D, D), lambda i: (0, 0)),
            pl.BlockSpec((1, D), lambda i: (0, 0)),
        ],
        out_specs=pl.BlockSpec((_BR, DP), lambda i: (i, 0)),
        out_shape=jax.ShapeDtypeStruct((R, DP), jnp.float32),
    )(p, w, b)


_FBR = 400


def _final_body(p_ref, o_ref):
    t = p_ref[0] + p_ref[1]
    d = jnp.maximum(t[:, D:D + 1], 1.0)
    o_ref[...] = jnp.maximum(t[:, :D] / d, 0.0)


def _final(p):
    return pl.pallas_call(
        _final_body,
        grid=(N // _FBR,),
        in_specs=[pl.BlockSpec((2, _FBR, DP), lambda i: (0, i, 0))],
        out_specs=pl.BlockSpec((_FBR, D), lambda i: (i, 0)),
        out_shape=jax.ShapeDtypeStruct((N, D), jnp.float32),
    )(p)



def kernel(X, vertex_ids, hyperedge_ids, W1, b1, W2, b2):
    xp = jnp.zeros((R, D), jnp.float32).at[:N].set(X)
    pad = jnp.full((NNZ_PAD - NNZ,), TRASH, jnp.int32)
    vv = jnp.concatenate([vertex_ids, pad])
    ee = jnp.concatenate([hyperedge_ids, pad])
    b1r = b1.reshape(1, D)
    b2r = b2.reshape(1, D)

    h = _mm_pad(xp, W1, b1r)
    p = _seg(h, vv, ee)
    xe = _comb(p)
    p = _seg(xe, ee, vv)
    h = _relu_mm_pad(p, W2, b2r)
    p = _seg(h, vv, ee)
    xe = _comb(p)
    p = _seg(xe, ee, vv)
    return _final(p)

# --- scband reference (transcript-rebuilt; emitter-appended) ---
"""Pipeline reference for scband-hgnnplus-encoder-41893111005433 (READ-ONLY COPY).

The authoritative reference and input builder live on the scoring server;
editing this copy changes nothing except your own understanding.
"""

import jax, jax.numpy as jnp
import numpy as np

N_NODES = 10000
N_HEDGES = 10000
D = 128
NNZ = 320000


def setup_inputs(seed: int = 0) -> dict:
    key = jax.random.key(seed)
    k1, k2, k3, k4, k5 = jax.random.split(key, 5)
    X = jax.random.normal(k1, (N_NODES, D), dtype=jnp.float32)
    vertex_ids = jax.random.randint(k2, (NNZ,), 0, N_NODES, dtype=jnp.int32)
    hyperedge_ids = jax.random.randint(k3, (NNZ,), 0, N_HEDGES, dtype=jnp.int32)
    s = 1.0 / np.sqrt(D)
    W1 = jax.random.normal(k4, (D, D), dtype=jnp.float32) * s
    b1 = jnp.zeros((D,), dtype=jnp.float32)
    W2 = jax.random.normal(k5, (D, D), dtype=jnp.float32) * s
    b2 = jnp.zeros((D,), dtype=jnp.float32)
    return {"X": X, "vertex_ids": vertex_ids, "hyperedge_ids": hyperedge_ids,
            "W1": W1, "b1": b1, "W2": W2, "b2": b2}


def _safe_deg(ids, length):
    d = jnp.bincount(ids, length=length).astype(jnp.float32)
    return jnp.maximum(d, 1.0)


def _v2v_mean(X, vids, eids):
    # HGNN+ two-stage mean message passing: D_v^-1 H D_e^-1 H^T X
    deg_e = _safe_deg(eids, N_HEDGES)
    deg_v = _safe_deg(vids, N_NODES)
    Xe = jax.ops.segment_sum(X[vids], eids, num_segments=N_HEDGES) / deg_e[:, None]
    Xv = jax.ops.segment_sum(Xe[eids], vids, num_segments=N_NODES) / deg_v[:, None]
    return Xv


def reference(X, vertex_ids, hyperedge_ids, W1, b1, W2, b2):
    # layer 1: theta -> v2v(mean) -> relu (dropout identity in eval)
    H = X @ W1 + b1
    H = _v2v_mean(H, vertex_ids, hyperedge_ids)
    H = jax.nn.relu(H)
    # layer 2
    H = H @ W2 + b2
    H = _v2v_mean(H, vertex_ids, hyperedge_ids)
    H = jax.nn.relu(H)
    return H

if __name__ == "__main__":
    import jax
    _d = setup_inputs()
    print(jax.jit(kernel)(*tuple(_d.values())))

</pallas_src>

<mosaic_0001>
#map = affine_map<(d0, d1) -> (0, 0)>
#map1 = affine_map<(d0, d1) -> (0)>
#map2 = affine_map<(d0, d1) -> (0, 0, 0)>
module attributes {stable_mosaic.version = 14 : i64} {
  func.func @_seg_body(%arg0: i32, %arg1: i32, %arg2: memref<10240x144xf32, #tpu.memory_space<hbm>>, %arg3: memref<323584xi32, #tpu.memory_space<hbm>>, %arg4: memref<323584xi32, #tpu.memory_space<hbm>>, %arg5: memref<2x10240x144xf32, #tpu.memory_space<hbm>>, %arg6: memref<10240x144xf32, #tpu.memory_space<vmem_shared>>, %arg7: memref<128xi32, #tpu.memory_space<vmem>>, %arg8: memref<128xi32, #tpu.memory_space<vmem>>, %arg9: memref<128xi32, #tpu.memory_space<vmem>>, %arg10: memref<128xi32, #tpu.memory_space<vmem>>, %arg11: memref<128x144xf32, #tpu.memory_space<vmem>>, %arg12: memref<128x144xf32, #tpu.memory_space<vmem>>, %arg13: memref<!tpu.dma_semaphore, #tpu.memory_space<semaphore_mem>>, %arg14: memref<!tpu.dma_semaphore, #tpu.memory_space<semaphore_mem>>, %arg15: memref<!tpu.dma_semaphore, #tpu.memory_space<semaphore_mem>>, %arg16: memref<!tpu.dma_semaphore, #tpu.memory_space<semaphore_mem>>) attributes {dimension_semantics = [#tpu.dimension_semantics<core_parallel>, #tpu.dimension_semantics<subcore_parallel>], iteration_bounds = array<i64: 2, 16>, scalar_prefetch = 0 : i64, scratch_operands = 11 : i64, tpu.core_type = #tpu.core_type<sc_vector_subcore>, window_params = [{transform_indices = #map}, {transform_indices = #map1}, {transform_indices = #map1}, {transform_indices = #map2}]} {
    %mul3A = arith.constant 16 : i32
    %mul3A_0 = arith.muli %arg0, %mul3A : i32
    %add3A = arith.addi %mul3A_0, %arg1 : i32
    %scan3A = arith.constant 0 : i32
    %scan3A_1 = arith.constant 128 : i32
    %scan3A_2 = arith.addi %scan3A, %scan3A_1 : i32
    %scan3A_3 = arith.constant 1 : i32
    scf.for %scan3A_73 = %scan3A to %scan3A_2 step %scan3A_3  : i32 {
      %broadcast_in_dim3A = arith.constant 0.000000e+00 : f32
      %broadcast_in_dim3A_74 = vector.broadcast %broadcast_in_dim3A : f32 to vector<16xf32>
      %swap3A = arith.index_cast %scan3A_73 : i32 to index
      %swap3A_75 = arith.constant 0 : index
      %swap3A_76 = tpu.vector_load %arg11[%swap3A, %swap3A_75] {strides = array<i32>} : memref<128x144xf32, #tpu.memory_space<vmem>>, vector<1x16xf32>,
      %swap3A_77 = vector.shape_cast %swap3A_76 : vector<1x16xf32> to vector<16xf32>
      %swap3A_78 = vector.shape_cast %broadcast_in_dim3A_74 : vector<16xf32> to vector<1x16xf32>
      tpu.vector_store %arg11[%swap3A, %swap3A_75], %swap3A_78 {strides = array<i32>} : memref<128x144xf32, #tpu.memory_space<vmem>>, vector<1x16xf32>,
      %broadcast_in_dim3A_79 = arith.constant 0.000000e+00 : f32
      %broadcast_in_dim3A_80 = vector.broadcast %broadcast_in_dim3A_79 : f32 to vector<16xf32>
      %swap3A_81 = arith.index_cast %scan3A_73 : i32 to index
      %swap3A_82 = arith.constant 16 : index
      %swap3A_83 = tpu.vector_load %arg11[%swap3A_81, %swap3A_82] {strides = array<i32>} : memref<128x144xf32, #tpu.memory_space<vmem>>, vector<1x16xf32>,
      %swap3A_84 = vector.shape_cast %swap3A_83 : vector<1x16xf32> to vector<16xf32>
      %swap3A_85 = vector.shape_cast %broadcast_in_dim3A_80 : vector<16xf32> to vector<1x16xf32>
      tpu.vector_store %arg11[%swap3A_81, %swap3A_82], %swap3A_85 {strides = array<i32>} : memref<128x144xf32, #tpu.memory_space<vmem>>, vector<1x16xf32>,
      %broadcast_in_dim3A_86 = arith.constant 0.000000e+00 : f32
      %broadcast_in_dim3A_87 = vector.broadcast %broadcast_in_dim3A_86 : f32 to vector<16xf32>
      %swap3A_88 = arith.index_cast %scan3A_73 : i32 to index
      %swap3A_89 = arith.constant 32 : index
      %swap3A_90 = tpu.vector_load %arg11[%swap3A_88, %swap3A_89] {strides = array<i32>} : memref<128x144xf32, #tpu.memory_space<vmem>>, vector<1x16xf32>,
      %swap3A_91 = vector.shape_cast %swap3A_90 : vector<1x16xf32> to vector<16xf32>
      %swap3A_92 = vector.shape_cast %broadcast_in_dim3A_87 : vector<16xf32> to vector<1x16xf32>
      tpu.vector_store %arg11[%swap3A_88, %swap3A_89], %swap3A_92 {strides = array<i32>} : memref<128x144xf32, #tpu.memory_space<vmem>>, vector<1x16xf32>,
      %broadcast_in_dim3A_93 = arith.constant 0.000000e+00 : f32
      %broadcast_in_dim3A_94 = vector.broadcast %broadcast_in_dim3A_93 : f32 to vector<16xf32>
      %swap3A_95 = arith.index_cast %scan3A_73 : i32 to index
      %swap3A_96 = arith.constant 48 : index
      %swap3A_97 = tpu.vector_load %arg11[%swap3A_95, %swap3A_96] {strides = array<i32>} : memref<128x144xf32, #tpu.memory_space<vmem>>, vector<1x16xf32>,
      %swap3A_98 = vector.shape_cast %swap3A_97 : vector<1x16xf32> to vector<16xf32>
      %swap3A_99 = vector.shape_cast %broadcast_in_dim3A_94 : vector<16xf32> to vector<1x16xf32>
      tpu.vector_store %arg11[%swap3A_95, %swap3A_96], %swap3A_99 {strides = array<i32>} : memref<128x144xf32, #tpu.memory_space<vmem>>, vector<1x16xf32>,
      %broadcast_in_dim3A_100 = arith.constant 0.000000e+00 : f32
      %broadcast_in_dim3A_101 = vector.broadcast %broadcast_in_dim3A_100 : f32 to vector<16xf32>
      %swap3A_102 = arith.index_cast %scan3A_73 : i32 to index
      %swap3A_103 = arith.constant 64 : index
      %swap3A_104 = tpu.vector_load %arg11[%swap3A_102, %swap3A_103] {strides = array<i32>} : memref<128x144xf32, #tpu.memory_space<vmem>>, vector<1x16xf32>,
      %swap3A_105 = vector.shape_cast %swap3A_104 : vector<1x16xf32> to vector<16xf32>
      %swap3A_106 = vector.shape_cast %broadcast_in_dim3A_101 : vector<16xf32> to vector<1x16xf32>
      tpu.vector_store %arg11[%swap3A_102, %swap3A_103], %swap3A_106 {strides = array<i32>} : memref<128x144xf32, #tpu.memory_space<vmem>>, vector<1x16xf32>,
      %broadcast_in_dim3A_107 = arith.constant 0.000000e+00 : f32
      %broadcast_in_dim3A_108 = vector.broadcast %broadcast_in_dim3A_107 : f32 to vector<16xf32>
      %swap3A_109 = arith.index_cast %scan3A_73 : i32 to index
      %swap3A_110 = arith.constant 80 : index
      %swap3A_111 = tpu.vector_load %arg11[%swap3A_109, %swap3A_110] {strides = array<i32>} : memref<128x144xf32, #tpu.memory_space<vmem>>, vector<1x16xf32>,
      %swap3A_112 = vector.shape_cast %swap3A_111 : vector<1x16xf32> to vector<16xf32>
      %swap3A_113 = vector.shape_cast %broadcast_in_dim3A_108 : vector<16xf32> to vector<1x16xf32>
      tpu.vector_store %arg11[%swap3A_109, %swap3A_110], %swap3A_113 {strides = array<i32>} : memref<128x144xf32, #tpu.memory_space<vmem>>, vector<1x16xf32>,
      %broadcast_in_dim3A_114 = arith.constant 0.000000e+00 : f32
      %broadcast_in_dim3A_115 = vector.broadcast %broadcast_in_dim3A_114 : f32 to vector<16xf32>
      %swap3A_116 = arith.index_cast %scan3A_73 : i32 to index
      %swap3A_117 = arith.constant 96 : index
      %swap3A_118 = tpu.vector_load %arg11[%swap3A_116, %swap3A_117] {strides = array<i32>} : memref<128x144xf32, #tpu.memory_space<vmem>>, vector<1x16xf32>,
      %swap3A_119 = vector.shape_cast %swap3A_118 : vector<1x16xf32> to vector<16xf32>
      %swap3A_120 = vector.shape_cast %broadcast_in_dim3A_115 : vector<16xf32> to vector<1x16xf32>
      tpu.vector_store %arg11[%swap3A_116, %swap3A_117], %swap3A_120 {strides = array<i32>} : memref<128x144xf32, #tpu.memory_space<vmem>>, vector<1x16xf32>,
      %broadcast_in_dim3A_121 = arith.constant 0.000000e+00 : f32
      %broadcast_in_dim3A_122 = vector.broadcast %broadcast_in_dim3A_121 : f32 to vector<16xf32>
      %swap3A_123 = arith.index_cast %scan3A_73 : i32 to index
      %swap3A_124 = arith.constant 112 : index
      %swap3A_125 = tpu.vector_load %arg11[%swap3A_123, %swap3A_124] {strides = array<i32>} : memref<128x144xf32, #tpu.memory_space<vmem>>, vector<1x16xf32>,
      %swap3A_126 = vector.shape_cast %swap3A_125 : vector<1x16xf32> to vector<16xf32>
      %swap3A_127 = vector.shape_cast %broadcast_in_dim3A_122 : vector<16xf32> to vector<1x16xf32>
      tpu.vector_store %arg11[%swap3A_123, %swap3A_124], %swap3A_127 {strides = array<i32>} : memref<128x144xf32, #tpu.memory_space<vmem>>, vector<1x16xf32>,
      %broadcast_in_dim3A_128 = arith.constant 0.000000e+00 : f32
      %broadcast_in_dim3A_129 = vector.broadcast %broadcast_in_dim3A_128 : f32 to vector<16xf32>
      %swap3A_130 = arith.index_cast %scan3A_73 : i32 to index
      %swap3A_131 = arith.constant 128 : index
      %swap3A_132 = tpu.vector_load %arg11[%swap3A_130, %swap3A_131] {strides = array<i32>} : memref<128x144xf32, #tpu.memory_space<vmem>>, vector<1x16xf32>,
      %swap3A_133 = vector.shape_cast %swap3A_132 : vector<1x16xf32> to vector<16xf32>
      %swap3A_134 = vector.shape_cast %broadcast_in_dim3A_129 : vector<16xf32> to vector<1x16xf32>
      tpu.vector_store %arg11[%swap3A_130, %swap3A_131], %swap3A_134 {strides = array<i32>} : memref<128x144xf32, #tpu.memory_space<vmem>>, vector<1x16xf32>,
    }
    %scan3A_4 = arith.constant 128 : i32
    %mul3A_5 = arith.constant 640 : i32
    %mul3A_6 = arith.muli %arg1, %mul3A_5 : i32
    %add3A_7 = arith.constant 0 : i32
    %add3A_8 = arith.addi %mul3A_6, %add3A_7 : i32
    "tpu.region"() ({
      %run_scoped3A = tpu.sem_alloc : memref<!tpu.dma_semaphore, #tpu.memory_space<semaphore_mem>>
      %dma_start3A_73 = arith.constant 0 : i32
      %dma_start3A_74 = tpu.memref_slice %arg6[%add3A_8, %dma_start3A_73] : memref<10240x144xf32, #tpu.memory_space<vmem_shared>> -> memref<128x144xf32, #tpu.memory_space<vmem_shared>>
      %dma_start3A_75 = arith.constant 0 : i32
      %dma_start3A_76 = tpu.memref_slice %arg6[%add3A_8, %dma_start3A_75] : memref<10240x144xf32, #tpu.memory_space<vmem_shared>> -> memref<128x144xf32, #tpu.memory_space<vmem_shared>>
      tpu.enqueue_dma source(%arg11 : memref<128x144xf32, #tpu.memory_space<vmem>>) target(%dma_start3A_76 : memref<128x144xf32, #tpu.memory_space<vmem_shared>>) target_semaphore(%run_scoped3A : memref<!tpu.dma_semaphore, #tpu.memory_space<semaphore_mem>>)
      %dma_wait3A_77 = arith.constant 0 : i32
      %dma_wait3A_78 = tpu.memref_slice %arg6[%add3A_8, %dma_wait3A_77] : memref<10240x144xf32, #tpu.memory_space<vmem_shared>> -> memref<128x144xf32, #tpu.memory_space<vmem_shared>>
      %dma_wait3A_79 = arith.constant 0 : i32
      %dma_wait3A_80 = tpu.memref_slice %arg6[%add3A_8, %dma_wait3A_79] : memref<10240x144xf32, #tpu.memory_space<vmem_shared>> -> memref<128x144xf32, #tpu.memory_space<vmem_shared>>
      tpu.wait_dma2 semaphore(%run_scoped3A : memref<!tpu.dma_semaphore, #tpu.memory_space<semaphore_mem>>) src(%arg11 : memref<128x144xf32, #tpu.memory_space<vmem>>) dst(%dma_wait3A_80 : memref<128x144xf32, #tpu.memory_space<vmem_shared>>)
      tpu.yield
    }) : () -> ()
    %mul3A_9 = arith.constant 640 : i32
    %mul3A_10 = arith.muli %arg1, %mul3A_9 : i32
    %add3A_11 = arith.constant 128 : i32
    %add3A_12 = arith.addi %mul3A_10, %add3A_11 : i32
    "tpu.region"() ({
      %run_scoped3A = tpu.sem_alloc : memref<!tpu.dma_semaphore, #tpu.memory_space<semaphore_mem>>
      %dma_start3A_73 = arith.constant 0 : i32
      %dma_start3A_74 = tpu.memref_slice %arg6[%add3A_12, %dma_start3A_73] : memref<10240x144xf32, #tpu.memory_space<vmem_shared>> -> memref<128x144xf32, #tpu.memory_space<vmem_shared>>
      %dma_start3A_75 = arith.constant 0 : i32
      %dma_start3A_76 = tpu.memref_slice %arg6[%add3A_12, %dma_start3A_75] : memref<10240x144xf32, #tpu.memory_space<vmem_shared>> -> memref<128x144xf32, #tpu.memory_space<vmem_shared>>
      tpu.enqueue_dma source(%arg11 : memref<128x144xf32, #tpu.memory_space<vmem>>) target(%dma_start3A_76 : memref<128x144xf32, #tpu.memory_space<vmem_shared>>) target_semaphore(%run_scoped3A : memref<!tpu.dma_semaphore, #tpu.memory_space<semaphore_mem>>)
      %dma_wait3A_77 = arith.constant 0 : i32
      %dma_wait3A_78 = tpu.memref_slice %arg6[%add3A_12, %dma_wait3A_77] : memref<10240x144xf32, #tpu.memory_space<vmem_shared>> -> memref<128x144xf32, #tpu.memory_space<vmem_shared>>
      %dma_wait3A_79 = arith.constant 0 : i32
      %dma_wait3A_80 = tpu.memref_slice %arg6[%add3A_12, %dma_wait3A_79] : memref<10240x144xf32, #tpu.memory_space<vmem_shared>> -> memref<128x144xf32, #tpu.memory_space<vmem_shared>>
      tpu.wait_dma2 semaphore(%run_scoped3A : memref<!tpu.dma_semaphore, #tpu.memory_space<semaphore_mem>>) src(%arg11 : memref<128x144xf32, #tpu.memory_space<vmem>>) dst(%dma_wait3A_80 : memref<128x144xf32, #tpu.memory_space<vmem_shared>>)
      tpu.yield
    }) : () -> ()
    %mul3A_13 = arith.constant 640 : i32
    %mul3A_14 = arith.muli %arg1, %mul3A_13 : i32
    %add3A_15 = arith.constant 256 : i32
    %add3A_16 = arith.addi %mul3A_14, %add3A_15 : i32
    "tpu.region"() ({
      %run_scoped3A = tpu.sem_alloc : memref<!tpu.dma_semaphore, #tpu.memory_space<semaphore_mem>>
      %dma_start3A_73 = arith.constant 0 : i32
      %dma_start3A_74 = tpu.memref_slice %arg6[%add3A_16, %dma_start3A_73] : memref<10240x144xf32, #tpu.memory_space<vmem_shared>> -> memref<128x144xf32, #tpu.memory_space<vmem_shared>>
      %dma_start3A_75 = arith.constant 0 : i32
      %dma_start3A_76 = tpu.memref_slice %arg6[%add3A_16, %dma_start3A_75] : memref<10240x144xf32, #tpu.memory_space<vmem_shared>> -> memref<128x144xf32, #tpu.memory_space<vmem_shared>>
      tpu.enqueue_dma source(%arg11 : memref<128x144xf32, #tpu.memory_space<vmem>>) target(%dma_start3A_76 : memref<128x144xf32, #tpu.memory_space<vmem_shared>>) target_semaphore(%run_scoped3A : memref<!tpu.dma_semaphore, #tpu.memory_space<semaphore_mem>>)
      %dma_wait3A_77 = arith.constant 0 : i32
      %dma_wait3A_78 = tpu.memref_slice %arg6[%add3A_16, %dma_wait3A_77] : memref<10240x144xf32, #tpu.memory_space<vmem_shared>> -> memref<128x144xf32, #tpu.memory_space<vmem_shared>>
      %dma_wait3A_79 = arith.constant 0 : i32
      %dma_wait3A_80 = tpu.memref_slice %arg6[%add3A_16, %dma_wait3A_79] : memref<10240x144xf32, #tpu.memory_space<vmem_shared>> -> memref<128x144xf32, #tpu.memory_space<vmem_shared>>
      tpu.wait_dma2 semaphore(%run_scoped3A : memref<!tpu.dma_semaphore, #tpu.memory_space<semaphore_mem>>) src(%arg11 : memref<128x144xf32, #tpu.memory_space<vmem>>) dst(%dma_wait3A_80 : memref<128x144xf32, #tpu.memory_space<vmem_shared>>)
      tpu.yield
    }) : () -> ()
    %mul3A_17 = arith.constant 640 : i32
    %mul3A_18 = arith.muli %arg1, %mul3A_17 : i32
    %add3A_19 = arith.constant 384 : i32
    %add3A_20 = arith.addi %mul3A_18, %add3A_19 : i32
    "tpu.region"() ({
      %run_scoped3A = tpu.sem_alloc : memref<!tpu.dma_semaphore, #tpu.memory_space<semaphore_mem>>
      %dma_start3A_73 = arith.constant 0 : i32
      %dma_start3A_74 = tpu.memref_slice %arg6[%add3A_20, %dma_start3A_73] : memref<10240x144xf32, #tpu.memory_space<vmem_shared>> -> memref<128x144xf32, #tpu.memory_space<vmem_shared>>
      %dma_start3A_75 = arith.constant 0 : i32
      %dma_start3A_76 = tpu.memref_slice %arg6[%add3A_20, %dma_start3A_75] : memref<10240x144xf32, #tpu.memory_space<vmem_shared>> -> memref<128x144xf32, #tpu.memory_space<vmem_shared>>
      tpu.enqueue_dma source(%arg11 : memref<128x144xf32, #tpu.memory_space<vmem>>) target(%dma_start3A_76 : memref<128x144xf32, #tpu.memory_space<vmem_shared>>) target_semaphore(%run_scoped3A : memref<!tpu.dma_semaphore, #tpu.memory_space<semaphore_mem>>)
      %dma_wait3A_77 = arith.constant 0 : i32
      %dma_wait3A_78 = tpu.memref_slice %arg6[%add3A_20, %dma_wait3A_77] : memref<10240x144xf32, #tpu.memory_space<vmem_shared>> -> memref<128x144xf32, #tpu.memory_space<vmem_shared>>
      %dma_wait3A_79 = arith.constant 0 : i32
      %dma_wait3A_80 = tpu.memref_slice %arg6[%add3A_20, %dma_wait3A_79] : memref<10240x144xf32, #tpu.memory_space<vmem_shared>> -> memref<128x144xf32, #tpu.memory_space<vmem_shared>>
      tpu.wait_dma2 semaphore(%run_scoped3A : memref<!tpu.dma_semaphore, #tpu.memory_space<semaphore_mem>>) src(%arg11 : memref<128x144xf32, #tpu.memory_space<vmem>>) dst(%dma_wait3A_80 : memref<128x144xf32, #tpu.memory_space<vmem_shared>>)
      tpu.yield
    }) : () -> ()
    %mul3A_21 = arith.constant 640 : i32
    %mul3A_22 = arith.muli %arg1, %mul3A_21 : i32
    %add3A_23 = arith.constant 512 : i32
    %add3A_24 = arith.addi %mul3A_22, %add3A_23 : i32
    "tpu.region"() ({
      %run_scoped3A = tpu.sem_alloc : memref<!tpu.dma_semaphore, #tpu.memory_space<semaphore_mem>>
      %dma_start3A_73 = arith.constant 0 : i32
      %dma_start3A_74 = tpu.memref_slice %arg6[%add3A_24, %dma_start3A_73] : memref<10240x144xf32, #tpu.memory_space<vmem_shared>> -> memref<128x144xf32, #tpu.memory_space<vmem_shared>>
      %dma_start3A_75 = arith.constant 0 : i32
      %dma_start3A_76 = tpu.memref_slice %arg6[%add3A_24, %dma_start3A_75] : memref<10240x144xf32, #tpu.memory_space<vmem_shared>> -> memref<128x144xf32, #tpu.memory_space<vmem_shared>>
      tpu.enqueue_dma source(%arg11 : memref<128x144xf32, #tpu.memory_space<vmem>>) target(%dma_start3A_76 : memref<128x144xf32, #tpu.memory_space<vmem_shared>>) target_semaphore(%run_scoped3A : memref<!tpu.dma_semaphore, #tpu.memory_space<semaphore_mem>>)
      %dma_wait3A_77 = arith.constant 0 : i32
      %dma_wait3A_78 = tpu.memref_slice %arg6[%add3A_24, %dma_wait3A_77] : memref<10240x144xf32, #tpu.memory_space<vmem_shared>> -> memref<128x144xf32, #tpu.memory_space<vmem_shared>>
      %dma_wait3A_79 = arith.constant 0 : i32
      %dma_wait3A_80 = tpu.memref_slice %arg6[%add3A_24, %dma_wait3A_79] : memref<10240x144xf32, #tpu.memory_space<vmem_shared>> -> memref<128x144xf32, #tpu.memory_space<vmem_shared>>
      tpu.wait_dma2 semaphore(%run_scoped3A : memref<!tpu.dma_semaphore, #tpu.memory_space<semaphore_mem>>) src(%arg11 : memref<128x144xf32, #tpu.memory_space<vmem>>) dst(%dma_wait3A_80 : memref<128x144xf32, #tpu.memory_space<vmem_shared>>)
      tpu.yield
    }) : () -> ()
    %barrier3A = arith.constant 0 : index
    tpu.barrier barrier_id(%barrier3A)
    %scan3A_25 = arith.constant 0 : i32
    %scan3A_26 = arith.constant 39 : i32
    %scan3A_27 = arith.addi %scan3A_25, %scan3A_26 : i32
    %scan3A_28 = arith.constant 1 : i32
    scf.for %scan3A_73 = %scan3A_25 to %scan3A_27 step %scan3A_28  : i32 {
      %mul3A_74 = arith.constant 2 : i32
      %mul3A_75 = arith.muli %mul3A_74, %scan3A_73 : i32
      %ge3A = arith.constant 2 : i32
      %ge3A_76 = arith.cmpi sge, %mul3A_75, %ge3A : i32
      %convert_element_type3A = arith.extui %ge3A_76 : i1 to i32
      %cond3A = arith.constant 0 : i32
      %cond3A_77 = arith.cmpi ne, %convert_element_type3A, %cond3A : i32
      scf.if %cond3A_77 {
        %dma_wait3A_113 = arith.constant 0 : i32
        %dma_wait3A_114 = arith.constant 0 : i32
        %dma_wait3A_115 = tpu.memref_slice %arg6[%dma_wait3A_113, %dma_wait3A_114] : memref<10240x144xf32, #tpu.memory_space<vmem_shared>> -> memref<10240x144xf32, #tpu.memory_space<vmem_shared>>
        tpu.wait_indirect_dma semaphore(%arg15 : memref<!tpu.dma_semaphore, #tpu.memory_space<semaphore_mem>>) src(%arg11 : memref<128x144xf32, #tpu.memory_space<vmem>>) dst(%dma_wait3A_115 : memref<10240x144xf32, #tpu.memory_space<vmem_shared>>)
      } else {
      }
      %mul3A_78 = arith.constant 79 : i32
      %mul3A_79 = arith.muli %add3A, %mul3A_78 : i32
      %add3A_80 = arith.addi %mul3A_79, %mul3A_75 : i32
      %mul3A_81 = arith.constant 128 : i32
      %mul3A_82 = arith.muli %add3A_80, %mul3A_81 : i32
      "tpu.region"() ({
        %run_scoped3A = tpu.sem_alloc : memref<!tpu.dma_semaphore, #tpu.memory_space<semaphore_mem>>
        %dma_start3A_113 = tpu.memref_slice %arg3[%mul3A_82] : memref<323584xi32, #tpu.memory_space<hbm>> -> memref<128xi32, #tpu.memory_space<hbm>>
        %dma_start3A_114 = tpu.memref_slice %arg3[%mul3A_82] : memref<323584xi32, #tpu.memory_space<hbm>> -> memref<128xi32, #tpu.memory_space<hbm>>
        tpu.enqueue_dma source(%dma_start3A_114 : memref<128xi32, #tpu.memory_space<hbm>>) target(%arg7 : memref<128xi32, #tpu.memory_space<vmem>>) target_semaphore(%run_scoped3A : memref<!tpu.dma_semaphore, #tpu.memory_space<semaphore_mem>>)
        %dma_wait3A_115 = tpu.memref_slice %arg3[%mul3A_82] : memref<323584xi32, #tpu.memory_space<hbm>> -> memref<128xi32, #tpu.memory_space<hbm>>
        %dma_wait3A_116 = tpu.memref_slice %arg3[%mul3A_82] : memref<323584xi32, #tpu.memory_space<hbm>> -> memref<128xi32, #tpu.memory_space<hbm>>
        tpu.wait_dma2 semaphore(%run_scoped3A : memref<!tpu.dma_semaphore, #tpu.memory_space<semaphore_mem>>) src(%dma_wait3A_116 : memref<128xi32, #tpu.memory_space<hbm>>) dst(%arg7 : memref<128xi32, #tpu.memory_space<vmem>>)
        tpu.yield
      }) : () -> ()
      "tpu.region"() ({
        %run_scoped3A = tpu.sem_alloc : memref<!tpu.dma_semaphore, #tpu.memory_space<semaphore_mem>>
        %dma_start3A_113 = tpu.memref_slice %arg4[%mul3A_82] : memref<323584xi32, #tpu.memory_space<hbm>> -> memref<128xi32, #tpu.memory_space<hbm>>
        %dma_start3A_114 = tpu.memref_slice %arg4[%mul3A_82] : memref<323584xi32, #tpu.memory_space<hbm>> -> memref<128xi32, #tpu.memory_space<hbm>>
        tpu.enqueue_dma source(%dma_start3A_114 : memref<128xi32, #tpu.memory_space<hbm>>) target(%arg9 : memref<128xi32, #tpu.memory_space<vmem>>) target_semaphore(%run_scoped3A : memref<!tpu.dma_semaphore, #tpu.memory_space<semaphore_mem>>)
        %dma_wait3A_115 = tpu.memref_slice %arg4[%mul3A_82] : memref<323584xi32, #tpu.memory_space<hbm>> -> memref<128xi32, #tpu.memory_space<hbm>>
        %dma_wait3A_116 = tpu.memref_slice %arg4[%mul3A_82] : memref<323584xi32, #tpu.memory_space<hbm>> -> memref<128xi32, #tpu.memory_space<hbm>>
        tpu.wait_dma2 semaphore(%run_scoped3A : memref<!tpu.dma_semaphore, #tpu.memory_space<semaphore_mem>>) src(%dma_wait3A_116 : memref<128xi32, #tpu.memory_space<hbm>>) dst(%arg9 : memref<128xi32, #tpu.memory_space<vmem>>)
        tpu.yield
      }) : () -> ()
      %dma_start3A_83 = arith.constant 0 : i32
      %dma_start3A_84 = arith.constant 0 : i32
      %dma_start3A_85 = tpu.memref_slice %arg2[%dma_start3A_83, %dma_start3A_84] : memref<10240x144xf32, #tpu.memory_space<hbm>> -> memref<10240x144xf32, #tpu.memory_space<hbm>>
      tpu.enqueue_indirect_dma source(%dma_start3A_85 : memref<10240x144xf32, #tpu.memory_space<hbm>>) target(%arg11 : memref<128x144xf32, #tpu.memory_space<vmem>>) offsets(%arg7 : memref<128xi32, #tpu.memory_space<vmem>>) semaphore(%arg13 : memref<!tpu.dma_semaphore, #tpu.memory_space<semaphore_mem>>)
      %dma_wait3A_86 = arith.constant 0 : i32
      %dma_wait3A_87 = arith.constant 0 : i32
      %dma_wait3A_88 = tpu.memref_slice %arg2[%dma_wait3A_86, %dma_wait3A_87] : memref<10240x144xf32, #tpu.memory_space<hbm>> -> memref<10240x144xf32, #tpu.memory_space<hbm>>
      tpu.wait_indirect_dma semaphore(%arg13 : memref<!tpu.dma_semaphore, #tpu.memory_space<semaphore_mem>>) src(%dma_wait3A_88 : memref<10240x144xf32, #tpu.memory_space<hbm>>) dst(%arg11 : memref<128x144xf32, #tpu.memory_space<vmem>>)
      %dma_start3A_89 = arith.constant 0 : i32
      %dma_start3A_90 = arith.constant 0 : i32
      %dma_start3A_91 = tpu.memref_slice %arg6[%dma_start3A_89, %dma_start3A_90] : memref<10240x144xf32, #tpu.memory_space<vmem_shared>> -> memref<10240x144xf32, #tpu.memory_space<vmem_shared>>
      tpu.enqueue_indirect_dma source(%arg11 : memref<128x144xf32, #tpu.memory_space<vmem>>) target(%dma_start3A_91 : memref<10240x144xf32, #tpu.memory_space<vmem_shared>>) offsets(%arg9 : memref<128xi32, #tpu.memory_space<vmem>>) semaphore(%arg15 : memref<!tpu.dma_semaphore, #tpu.memory_space<semaphore_mem>>) {add = true}
      %add3A_92 = arith.constant 1 : i32
      %add3A_93 = arith.addi %mul3A_75, %add3A_92 : i32
      %ge3A_94 = arith.constant 2 : i32
      %ge3A_95 = arith.cmpi sge, %add3A_93, %ge3A_94 : i32
      %convert_element_type3A_96 = arith.extui %ge3A_95 : i1 to i32
      %cond3A_97 = arith.constant 0 : i32
      %cond3A_98 = arith.cmpi ne, %convert_element_type3A_96, %cond3A_97 : i32
      scf.if %cond3A_98 {
        %dma_wait3A_113 = arith.constant 0 : i32
        %dma_wait3A_114 = arith.constant 0 : i32
        %dma_wait3A_115 = tpu.memref_slice %arg6[%dma_wait3A_113, %dma_wait3A_114] : memref<10240x144xf32, #tpu.memory_space<vmem_shared>> -> memref<10240x144xf32, #tpu.memory_space<vmem_shared>>
        tpu.wait_indirect_dma semaphore(%arg16 : memref<!tpu.dma_semaphore, #tpu.memory_space<semaphore_mem>>) src(%arg12 : memref<128x144xf32, #tpu.memory_space<vmem>>) dst(%dma_wait3A_115 : memref<10240x144xf32, #tpu.memory_space<vmem_shared>>)
      } else {
      }
      %mul3A_99 = arith.constant 79 : i32
      %mul3A_100 = arith.muli %add3A, %mul3A_99 : i32
      %add3A_101 = arith.addi %mul3A_100, %add3A_93 : i32
      %mul3A_102 = arith.constant 128 : i32
      %mul3A_103 = arith.muli %add3A_101, %mul3A_102 : i32
      "tpu.region"() ({
        %run_scoped3A = tpu.sem_alloc : memref<!tpu.dma_semaphore, #tpu.memory_space<semaphore_mem>>
        %dma_start3A_113 = tpu.memref_slice %arg3[%mul3A_103] : memref<323584xi32, #tpu.memory_space<hbm>> -> memref<128xi32, #tpu.memory_space<hbm>>
        %dma_start3A_114 = tpu.memref_slice %arg3[%mul3A_103] : memref<323584xi32, #tpu.memory_space<hbm>> -> memref<128xi32, #tpu.memory_space<hbm>>
        tpu.enqueue_dma source(%dma_start3A_114 : memref<128xi32, #tpu.memory_space<hbm>>) target(%arg8 : memref<128xi32, #tpu.memory_space<vmem>>) target_semaphore(%run_scoped3A : memref<!tpu.dma_semaphore, #tpu.memory_space<semaphore_mem>>)
        %dma_wait3A_115 = tpu.memref_slice %arg3[%mul3A_103] : memref<323584xi32, #tpu.memory_space<hbm>> -> memref<128xi32, #tpu.memory_space<hbm>>
        %dma_wait3A_116 = tpu.memref_slice %arg3[%mul3A_103] : memref<323584xi32, #tpu.memory_space<hbm>> -> memref<128xi32, #tpu.memory_space<hbm>>
        tpu.wait_dma2 semaphore(%run_scoped3A : memref<!tpu.dma_semaphore, #tpu.memory_space<semaphore_mem>>) src(%dma_wait3A_116 : memref<128xi32, #tpu.memory_space<hbm>>) dst(%arg8 : memref<128xi32, #tpu.memory_space<vmem>>)
        tpu.yield
      }) : () -> ()
      "tpu.region"() ({
        %run_scoped3A = tpu.sem_alloc : memref<!tpu.dma_semaphore, #tpu.memory_space<semaphore_mem>>
        %dma_start3A_113 = tpu.memref_slice %arg4[%mul3A_103] : memref<323584xi32, #tpu.memory_space<hbm>> -> memref<128xi32, #tpu.memory_space<hbm>>
        %dma_start3A_114 = tpu.memref_slice %arg4[%mul3A_103] : memref<323584xi32, #tpu.memory_space<hbm>> -> memref<128xi32, #tpu.memory_space<hbm>>
        tpu.enqueue_dma source(%dma_start3A_114 : memref<128xi32, #tpu.memory_space<hbm>>) target(%arg10 : memref<128xi32, #tpu.memory_space<vmem>>) target_semaphore(%run_scoped3A : memref<!tpu.dma_semaphore, #tpu.memory_space<semaphore_mem>>)
        %dma_wait3A_115 = tpu.memref_slice %arg4[%mul3A_103] : memref<323584xi32, #tpu.memory_space<hbm>> -> memref<128xi32, #tpu.memory_space<hbm>>
        %dma_wait3A_116 = tpu.memref_slice %arg4[%mul3A_103] : memref<323584xi32, #tpu.memory_space<hbm>> -> memref<128xi32, #tpu.memory_space<hbm>>
        tpu.wait_dma2 semaphore(%run_scoped3A : memref<!tpu.dma_semaphore, #tpu.memory_space<semaphore_mem>>) src(%dma_wait3A_116 : memref<128xi32, #tpu.memory_space<hbm>>) dst(%arg10 : memref<128xi32, #tpu.memory_space<vmem>>)
        tpu.yield
      }) : () -> ()
      %dma_start3A_104 = arith.constant 0 : i32
      %dma_start3A_105 = arith.constant 0 : i32
      %dma_start3A_106 = tpu.memref_slice %arg2[%dma_start3A_104, %dma_start3A_105] : memref<10240x144xf32, #tpu.memory_space<hbm>> -> memref<10240x144xf32, #tpu.memory_space<hbm>>
      tpu.enqueue_indirect_dma source(%dma_start3A_106 : memref<10240x144xf32, #tpu.memory_space<hbm>>) target(%arg12 : memref<128x144xf32, #tpu.memory_space<vmem>>) offsets(%arg8 : memref<128xi32, #tpu.memory_space<vmem>>) semaphore(%arg14 : memref<!tpu.dma_semaphore, #tpu.memory_space<semaphore_mem>>)
      %dma_wait3A_107 = arith.constant 0 : i32
      %dma_wait3A_108 = arith.constant 0 : i32
      %dma_wait3A_109 = tpu.memref_slice %arg2[%dma_wait3A_107, %dma_wait3A_108] : memref<10240x144xf32, #tpu.memory_space<hbm>> -> memref<10240x144xf32, #tpu.memory_space<hbm>>
      tpu.wait_indirect_dma semaphore(%arg14 : memref<!tpu.dma_semaphore, #tpu.memory_space<semaphore_mem>>) src(%dma_wait3A_109 : memref<10240x144xf32, #tpu.memory_space<hbm>>) dst(%arg12 : memref<128x144xf32, #tpu.memory_space<vmem>>)
      %dma_start3A_110 = arith.constant 0 : i32
      %dma_start3A_111 = arith.constant 0 : i32
      %dma_start3A_112 = tpu.memref_slice %arg6[%dma_start3A_110, %dma_start3A_111] : memref<10240x144xf32, #tpu.memory_space<vmem_shared>> -> memref<10240x144xf32, #tpu.memory_space<vmem_shared>>
      tpu.enqueue_indirect_dma source(%arg12 : memref<128x144xf32, #tpu.memory_space<vmem>>) target(%dma_start3A_112 : memref<10240x144xf32, #tpu.memory_space<vmem_shared>>) offsets(%arg10 : memref<128xi32, #tpu.memory_space<vmem>>) semaphore(%arg16 : memref<!tpu.dma_semaphore, #tpu.memory_space<semaphore_mem>>) {add = true}
    }
    %scan3A_29 = arith.constant 39 : i32
    %dma_wait3A = arith.constant 0 : i32
    %dma_wait3A_30 = arith.constant 0 : i32
    %dma_wait3A_31 = tpu.memref_slice %arg6[%dma_wait3A, %dma_wait3A_30] : memref<10240x144xf32, #tpu.memory_space<vmem_shared>> -> memref<10240x144xf32, #tpu.memory_space<vmem_shared>>
    tpu.wait_indirect_dma semaphore(%arg15 : memref<!tpu.dma_semaphore, #tpu.memory_space<semaphore_mem>>) src(%arg11 : memref<128x144xf32, #tpu.memory_space<vmem>>) dst(%dma_wait3A_31 : memref<10240x144xf32, #tpu.memory_space<vmem_shared>>)
    %mul3A_32 = arith.constant 79 : i32
    %mul3A_33 = arith.muli %add3A, %mul3A_32 : i32
    %add3A_34 = arith.constant 78 : i32
    %add3A_35 = arith.addi %mul3A_33, %add3A_34 : i32
    %mul3A_36 = arith.constant 128 : i32
    %mul3A_37 = arith.muli %add3A_35, %mul3A_36 : i32
    "tpu.region"() ({
      %run_scoped3A = tpu.sem_alloc : memref<!tpu.dma_semaphore, #tpu.memory_space<semaphore_mem>>
      %dma_start3A_73 = tpu.memref_slice %arg3[%mul3A_37] : memref<323584xi32, #tpu.memory_space<hbm>> -> memref<128xi32, #tpu.memory_space<hbm>>
      %dma_start3A_74 = tpu.memref_slice %arg3[%mul3A_37] : memref<323584xi32, #tpu.memory_space<hbm>> -> memref<128xi32, #tpu.memory_space<hbm>>
      tpu.enqueue_dma source(%dma_start3A_74 : memref<128xi32, #tpu.memory_space<hbm>>) target(%arg7 : memref<128xi32, #tpu.memory_space<vmem>>) target_semaphore(%run_scoped3A : memref<!tpu.dma_semaphore, #tpu.memory_space<semaphore_mem>>)
      %dma_wait3A_75 = tpu.memref_slice %arg3[%mul3A_37] : memref<323584xi32, #tpu.memory_space<hbm>> -> memref<128xi32, #tpu.memory_space<hbm>>
      %dma_wait3A_76 = tpu.memref_slice %arg3[%mul3A_37] : memref<323584xi32, #tpu.memory_space<hbm>> -> memref<128xi32, #tpu.memory_space<hbm>>
      tpu.wait_dma2 semaphore(%run_scoped3A : memref<!tpu.dma_semaphore, #tpu.memory_space<semaphore_mem>>) src(%dma_wait3A_76 : memref<128xi32, #tpu.memory_space<hbm>>) dst(%arg7 : memref<128xi32, #tpu.memory_space<vmem>>)
      tpu.yield
    }) : () -> ()
    "tpu.region"() ({
      %run_scoped3A = tpu.sem_alloc : memref<!tpu.dma_semaphore, #tpu.memory_space<semaphore_mem>>
      %dma_start3A_73 = tpu.memref_slice %arg4[%mul3A_37] : memref<323584xi32, #tpu.memory_space<hbm>> -> memref<128xi32, #tpu.memory_space<hbm>>
      %dma_start3A_74 = tpu.memref_slice %arg4[%mul3A_37] : memref<323584xi32, #tpu.memory_space<hbm>> -> memref<128xi32, #tpu.memory_space<hbm>>
      tpu.enqueue_dma source(%dma_start3A_74 : memref<128xi32, #tpu.memory_space<hbm>>) target(%arg9 : memref<128xi32, #tpu.memory_space<vmem>>) target_semaphore(%run_scoped3A : memref<!tpu.dma_semaphore, #tpu.memory_space<semaphore_mem>>)
      %dma_wait3A_75 = tpu.memref_slice %arg4[%mul3A_37] : memref<323584xi32, #tpu.memory_space<hbm>> -> memref<128xi32, #tpu.memory_space<hbm>>
      %dma_wait3A_76 = tpu.memref_slice %arg4[%mul3A_37] : memref<323584xi32, #tpu.memory_space<hbm>> -> memref<128xi32, #tpu.memory_space<hbm>>
      tpu.wait_dma2 semaphore(%run_scoped3A : memref<!tpu.dma_semaphore, #tpu.memory_space<semaphore_mem>>) src(%dma_wait3A_76 : memref<128xi32, #tpu.memory_space<hbm>>) dst(%arg9 : memref<128xi32, #tpu.memory_space<vmem>>)
      tpu.yield
    }) : () -> ()
    %dma_start3A = arith.constant 0 : i32
    %dma_start3A_38 = arith.constant 0 : i32
    %dma_start3A_39 = tpu.memref_slice %arg2[%dma_start3A, %dma_start3A_38] : memref<10240x144xf32, #tpu.memory_space<hbm>> -> memref<10240x144xf32, #tpu.memory_space<hbm>>
    tpu.enqueue_indirect_dma source(%dma_start3A_39 : memref<10240x144xf32, #tpu.memory_space<hbm>>) target(%arg11 : memref<128x144xf32, #tpu.memory_space<vmem>>) offsets(%arg7 : memref<128xi32, #tpu.memory_space<vmem>>) semaphore(%arg13 : memref<!tpu.dma_semaphore, #tpu.memory_space<semaphore_mem>>)
    %dma_wait3A_40 = arith.constant 0 : i32
    %dma_wait3A_41 = arith.constant 0 : i32
    %dma_wait3A_42 = tpu.memref_slice %arg2[%dma_wait3A_40, %dma_wait3A_41] : memref<10240x144xf32, #tpu.memory_space<hbm>> -> memref<10240x144xf32, #tpu.memory_space<hbm>>
    tpu.wait_indirect_dma semaphore(%arg13 : memref<!tpu.dma_semaphore, #tpu.memory_space<semaphore_mem>>) src(%dma_wait3A_42 : memref<10240x144xf32, #tpu.memory_space<hbm>>) dst(%arg11 : memref<128x144xf32, #tpu.memory_space<vmem>>)
    %dma_start3A_43 = arith.constant 0 : i32
    %dma_start3A_44 = arith.constant 0 : i32
    %dma_start3A_45 = tpu.memref_slice %arg6[%dma_start3A_43, %dma_start3A_44] : memref<10240x144xf32, #tpu.memory_space<vmem_shared>> -> memref<10240x144xf32, #tpu.memory_space<vmem_shared>>
    tpu.enqueue_indirect_dma source(%arg11 : memref<128x144xf32, #tpu.memory_space<vmem>>) target(%dma_start3A_45 : memref<10240x144xf32, #tpu.memory_space<vmem_shared>>) offsets(%arg9 : memref<128xi32, #tpu.memory_space<vmem>>) semaphore(%arg15 : memref<!tpu.dma_semaphore, #tpu.memory_space<semaphore_mem>>) {add = true}
    %dma_wait3A_46 = arith.constant 0 : i32
    %dma_wait3A_47 = arith.constant 0 : i32
    %dma_wait3A_48 = tpu.memref_slice %arg6[%dma_wait3A_46, %dma_wait3A_47] : memref<10240x144xf32, #tpu.memory_space<vmem_shared>> -> memref<10240x144xf32, #tpu.memory_space<vmem_shared>>
    tpu.wait_indirect_dma semaphore(%arg15 : memref<!tpu.dma_semaphore, #tpu.memory_space<semaphore_mem>>) src(%arg11 : memref<128x144xf32, #tpu.memory_space<vmem>>) dst(%dma_wait3A_48 : memref<10240x144xf32, #tpu.memory_space<vmem_shared>>)
    %dma_wait3A_49 = arith.constant 0 : i32
    %dma_wait3A_50 = arith.constant 0 : i32
    %dma_wait3A_51 = tpu.memref_slice %arg6[%dma_wait3A_49, %dma_wait3A_50] : memref<10240x144xf32, #tpu.memory_space<vmem_shared>> -> memref<10240x144xf32, #tpu.memory_space<vmem_shared>>
    tpu.wait_indirect_dma semaphore(%arg16 : memref<!tpu.dma_semaphore, #tpu.memory_space<semaphore_mem>>) src(%arg12 : memref<128x144xf32, #tpu.memory_space<vmem>>) dst(%dma_wait3A_51 : memref<10240x144xf32, #tpu.memory_space<vmem_shared>>)
    %barrier3A_52 = arith.constant 0 : index
    tpu.barrier barrier_id(%barrier3A_52)
    %mul3A_53 = arith.constant 640 : i32
    %mul3A_54 = arith.muli %arg1, %mul3A_53 : i32
    %add3A_55 = arith.constant 0 : i32
    %add3A_56 = arith.addi %mul3A_54, %add3A_55 : i32
    "tpu.region"() ({
      %run_scoped3A = tpu.sem_alloc : memref<!tpu.dma_semaphore, #tpu.memory_space<semaphore_mem>>
      %dma_start3A_73 = arith.constant 0 : i32
      %dma_start3A_74 = tpu.memref_slice %arg6[%add3A_56, %dma_start3A_73] : memref<10240x144xf32, #tpu.memory_space<vmem_shared>> -> memref<128x144xf32, #tpu.memory_space<vmem_shared>>
      %dma_start3A_75 = arith.constant 0 : i32
      %dma_start3A_76 = tpu.memref_slice %arg6[%add3A_56, %dma_start3A_75] : memref<10240x144xf32, #tpu.memory_space<vmem_shared>> -> memref<128x144xf32, #tpu.memory_space<vmem_shared>>
      tpu.enqueue_dma source(%dma_start3A_76 : memref<128x144xf32, #tpu.memory_space<vmem_shared>>) target(%arg11 : memref<128x144xf32, #tpu.memory_space<vmem>>) target_semaphore(%run_scoped3A : memref<!tpu.dma_semaphore, #tpu.memory_space<semaphore_mem>>)
      %dma_wait3A_77 = arith.constant 0 : i32
      %dma_wait3A_78 = tpu.memref_slice %arg6[%add3A_56, %dma_wait3A_77] : memref<10240x144xf32, #tpu.memory_space<vmem_shared>> -> memref<128x144xf32, #tpu.memory_space<vmem_shared>>
      %dma_wait3A_79 = arith.constant 0 : i32
      %dma_wait3A_80 = tpu.memref_slice %arg6[%add3A_56, %dma_wait3A_79] : memref<10240x144xf32, #tpu.memory_space<vmem_shared>> -> memref<128x144xf32, #tpu.memory_space<vmem_shared>>
      tpu.wait_dma2 semaphore(%run_scoped3A : memref<!tpu.dma_semaphore, #tpu.memory_space<semaphore_mem>>) src(%dma_wait3A_80 : memref<128x144xf32, #tpu.memory_space<vmem_shared>>) dst(%arg11 : memref<128x144xf32, #tpu.memory_space<vmem>>)
      tpu.yield
    }) : () -> ()
    "tpu.region"() ({
      %run_scoped3A = tpu.sem_alloc : memref<!tpu.dma_semaphore, #tpu.memory_space<semaphore_mem>>
      %dma_start3A_73 = arith.constant 0 : i32
      %dma_start3A_74 = tpu.memref_slice %arg5[%arg0, %add3A_56, %dma_start3A_73] : memref<2x10240x144xf32, #tpu.memory_space<hbm>> -> memref<1x128x144xf32, #tpu.memory_space<hbm>>
      %dma_start3A_75 = tpu.memref_squeeze %dma_start3A_74 : memref<1x128x144xf32, #tpu.memory_space<hbm>> -> memref<128x144xf32, #tpu.memory_space<hbm>>
      %dma_start3A_76 = arith.constant 0 : i32
      %dma_start3A_77 = tpu.memref_slice %arg5[%arg0, %add3A_56, %dma_start3A_76] : memref<2x10240x144xf32, #tpu.memory_space<hbm>> -> memref<1x128x144xf32, #tpu.memory_space<hbm>>
      %dma_start3A_78 = tpu.memref_squeeze %dma_start3A_77 : memref<1x128x144xf32, #tpu.memory_space<hbm>> -> memref<128x144xf32, #tpu.memory_space<hbm>>
      tpu.enqueue_dma source(%arg11 : memref<128x144xf32, #tpu.memory_space<vmem>>) target(%dma_start3A_78 : memref<128x144xf32, #tpu.memory_space<hbm>>) target_semaphore(%run_scoped3A : memref<!tpu.dma_semaphore, #tpu.memory_space<semaphore_mem>>)
      %dma_wait3A_79 = arith.constant 0 : i32
      %dma_wait3A_80 = tpu.memref_slice %arg5[%arg0, %add3A_56, %dma_wait3A_79] : memref<2x10240x144xf32, #tpu.memory_space<hbm>> -> memref<1x128x144xf32, #tpu.memory_space<hbm>>
      %dma_wait3A_81 = tpu.memref_squeeze %dma_wait3A_80 : memref<1x128x144xf32, #tpu.memory_space<hbm>> -> memref<128x144xf32, #tpu.memory_space<hbm>>
      %dma_wait3A_82 = arith.constant 0 : i32
      %dma_wait3A_83 = tpu.memref_slice %arg5[%arg0, %add3A_56, %dma_wait3A_82] : memref<2x10240x144xf32, #tpu.memory_space<hbm>> -> memref<1x128x144xf32, #tpu.memory_space<hbm>>
      %dma_wait3A_84 = tpu.memref_squeeze %dma_wait3A_83 : memref<1x128x144xf32, #tpu.memory_space<hbm>> -> memref<128x144xf32, #tpu.memory_space<hbm>>
      tpu.wait_dma2 semaphore(%run_scoped3A : memref<!tpu.dma_semaphore, #tpu.memory_space<semaphore_mem>>) src(%arg11 : memref<128x144xf32, #tpu.memory_space<vmem>>) dst(%dma_wait3A_84 : memref<128x144xf32, #tpu.memory_space<hbm>>)
      tpu.yield
    }) : () -> ()
    %mul3A_57 = arith.constant 640 : i32
    %mul3A_58 = arith.muli %arg1, %mul3A_57 : i32
    %add3A_59 = arith.constant 128 : i32
    %add3A_60 = arith.addi %mul3A_58, %add3A_59 : i32
    "tpu.region"() ({
      %run_scoped3A = tpu.sem_alloc : memref<!tpu.dma_semaphore, #tpu.memory_space<semaphore_mem>>
      %dma_start3A_73 = arith.constant 0 : i32
      %dma_start3A_74 = tpu.memref_slice %arg6[%add3A_60, %dma_start3A_73] : memref<10240x144xf32, #tpu.memory_space<vmem_shared>> -> memref<128x144xf32, #tpu.memory_space<vmem_shared>>
      %dma_start3A_75 = arith.constant 0 : i32
      %dma_start3A_76 = tpu.memref_slice %arg6[%add3A_60, %dma_start3A_75] : memref<10240x144xf32, #tpu.memory_space<vmem_shared>> -> memref<128x144xf32, #tpu.memory_space<vmem_shared>>
      tpu.enqueue_dma source(%dma_start3A_76 : memref<128x144xf32, #tpu.memory_space<vmem_shared>>) target(%arg11 : memref<128x144xf32, #tpu.memory_space<vmem>>) target_semaphore(%run_scoped3A : memref<!tpu.dma_semaphore, #tpu.memory_space<semaphore_mem>>)
      %dma_wait3A_77 = arith.constant 0 : i32
      %dma_wait3A_78 = tpu.memref_slice %arg6[%add3A_60, %dma_wait3A_77] : memref<10240x144xf32, #tpu.memory_space<vmem_shared>> -> memref<128x144xf32, #tpu.memory_space<vmem_shared>>
      %dma_wait3A_79 = arith.constant 0 : i32
      %dma_wait3A_80 = tpu.memref_slice %arg6[%add3A_60, %dma_wait3A_79] : memref<10240x144xf32, #tpu.memory_space<vmem_shared>> -> memref<128x144xf32, #tpu.memory_space<vmem_shared>>
      tpu.wait_dma2 semaphore(%run_scoped3A : memref<!tpu.dma_semaphore, #tpu.memory_space<semaphore_mem>>) src(%dma_wait3A_80 : memref<128x144xf32, #tpu.memory_space<vmem_shared>>) dst(%arg11 : memref<128x144xf32, #tpu.memory_space<vmem>>)
      tpu.yield
    }) : () -> ()
    "tpu.region"() ({
      %run_scoped3A = tpu.sem_alloc : memref<!tpu.dma_semaphore, #tpu.memory_space<semaphore_mem>>
      %dma_start3A_73 = arith.constant 0 : i32
      %dma_start3A_74 = tpu.memref_slice %arg5[%arg0, %add3A_60, %dma_start3A_73] : memref<2x10240x144xf32, #tpu.memory_space<hbm>> -> memref<1x128x144xf32, #tpu.memory_space<hbm>>
      %dma_start3A_75 = tpu.memref_squeeze %dma_start3A_74 : memref<1x128x144xf32, #tpu.memory_space<hbm>> -> memref<128x144xf32, #tpu.memory_space<hbm>>
      %dma_start3A_76 = arith.constant 0 : i32
      %dma_start3A_77 = tpu.memref_slice %arg5[%arg0, %add3A_60, %dma_start3A_76] : memref<2x10240x144xf32, #tpu.memory_space<hbm>> -> memref<1x128x144xf32, #tpu.memory_space<hbm>>
      %dma_start3A_78 = tpu.memref_squeeze %dma_start3A_77 : memref<1x128x144xf32, #tpu.memory_space<hbm>> -> memref<128x144xf32, #tpu.memory_space<hbm>>
      tpu.enqueue_dma source(%arg11 : memref<128x144xf32, #tpu.memory_space<vmem>>) target(%dma_start3A_78 : memref<128x144xf32, #tpu.memory_space<hbm>>) target_semaphore(%run_scoped3A : memref<!tpu.dma_semaphore, #tpu.memory_space<semaphore_mem>>)
      %dma_wait3A_79 = arith.constant 0 : i32
      %dma_wait3A_80 = tpu.memref_slice %arg5[%arg0, %add3A_60, %dma_wait3A_79] : memref<2x10240x144xf32, #tpu.memory_space<hbm>> -> memref<1x128x144xf32, #tpu.memory_space<hbm>>
      %dma_wait3A_81 = tpu.memref_squeeze %dma_wait3A_80 : memref<1x128x144xf32, #tpu.memory_space<hbm>> -> memref<128x144xf32, #tpu.memory_space<hbm>>
      %dma_wait3A_82 = arith.constant 0 : i32
      %dma_wait3A_83 = tpu.memref_slice %arg5[%arg0, %add3A_60, %dma_wait3A_82] : memref<2x10240x144xf32, #tpu.memory_space<hbm>> -> memref<1x128x144xf32, #tpu.memory_space<hbm>>
      %dma_wait3A_84 = tpu.memref_squeeze %dma_wait3A_83 : memref<1x128x144xf32, #tpu.memory_space<hbm>> -> memref<128x144xf32, #tpu.memory_space<hbm>>
      tpu.wait_dma2 semaphore(%run_scoped3A : memref<!tpu.dma_semaphore, #tpu.memory_space<semaphore_mem>>) src(%arg11 : memref<128x144xf32, #tpu.memory_space<vmem>>) dst(%dma_wait3A_84 : memref<128x144xf32, #tpu.memory_space<hbm>>)
      tpu.yield
    }) : () -> ()
    %mul3A_61 = arith.constant 640 : i32
    %mul3A_62 = arith.muli %arg1, %mul3A_61 : i32
    %add3A_63 = arith.constant 256 : i32
    %add3A_64 = arith.addi %mul3A_62, %add3A_63 : i32
    "tpu.region"() ({
      %run_scoped3A = tpu.sem_alloc : memref<!tpu.dma_semaphore, #tpu.memory_space<semaphore_mem>>
      %dma_start3A_73 = arith.constant 0 : i32
      %dma_start3A_74 = tpu.memref_slice %arg6[%add3A_64, %dma_start3A_73] : memref<10240x144xf32, #tpu.memory_space<vmem_shared>> -> memref<128x144xf32, #tpu.memory_space<vmem_shared>>
      %dma_start3A_75 = arith.constant 0 : i32
      %dma_start3A_76 = tpu.memref_slice %arg6[%add3A_64, %dma_start3A_75] : memref<10240x144xf32, #tpu.memory_space<vmem_shared>> -> memref<128x144xf32, #tpu.memory_space<vmem_shared>>
      tpu.enqueue_dma source(%dma_start3A_76 : memref<128x144xf32, #tpu.memory_space<vmem_shared>>) target(%arg11 : memref<128x144xf32, #tpu.memory_space<vmem>>) target_semaphore(%run_scoped3A : memref<!tpu.dma_semaphore, #tpu.memory_space<semaphore_mem>>)
      %dma_wait3A_77 = arith.constant 0 : i32
      %dma_wait3A_78 = tpu.memref_slice %arg6[%add3A_64, %dma_wait3A_77] : memref<10240x144xf32, #tpu.memory_space<vmem_shared>> -> memref<128x144xf32, #tpu.memory_space<vmem_shared>>
      %dma_wait3A_79 = arith.constant 0 : i32
      %dma_wait3A_80 = tpu.memref_slice %arg6[%add3A_64, %dma_wait3A_79] : memref<10240x144xf32, #tpu.memory_space<vmem_shared>> -> memref<128x144xf32, #tpu.memory_space<vmem_shared>>
      tpu.wait_dma2 semaphore(%run_scoped3A : memref<!tpu.dma_semaphore, #tpu.memory_space<semaphore_mem>>) src(%dma_wait3A_80 : memref<128x144xf32, #tpu.memory_space<vmem_shared>>) dst(%arg11 : memref<128x144xf32, #tpu.memory_space<vmem>>)
      tpu.yield
    }) : () -> ()
    "tpu.region"() ({
      %run_scoped3A = tpu.sem_alloc : memref<!tpu.dma_semaphore, #tpu.memory_space<semaphore_mem>>
      %dma_start3A_73 = arith.constant 0 : i32
      %dma_start3A_74 = tpu.memref_slice %arg5[%arg0, %add3A_64, %dma_start3A_73] : memref<2x10240x144xf32, #tpu.memory_space<hbm>> -> memref<1x128x144xf32, #tpu.memory_space<hbm>>
      %dma_start3A_75 = tpu.memref_squeeze %dma_start3A_74 : memref<1x128x144xf32, #tpu.memory_space<hbm>> -> memref<128x144xf32, #tpu.memory_space<hbm>>
      %dma_start3A_76 = arith.constant 0 : i32
      %dma_start3A_77 = tpu.memref_slice %arg5[%arg0, %add3A_64, %dma_start3A_76] : memref<2x10240x144xf32, #tpu.memory_space<hbm>> -> memref<1x128x144xf32, #tpu.memory_space<hbm>>
      %dma_start3A_78 = tpu.memref_squeeze %dma_start3A_77 : memref<1x128x144xf32, #tpu.memory_space<hbm>> -> memref<128x144xf32, #tpu.memory_space<hbm>>
      tpu.enqueue_dma source(%arg11 : memref<128x144xf32, #tpu.memory_space<vmem>>) target(%dma_start3A_78 : memref<128x144xf32, #tpu.memory_space<hbm>>) target_semaphore(%run_scoped3A : memref<!tpu.dma_semaphore, #tpu.memory_space<semaphore_mem>>)
      %dma_wait3A_79 = arith.constant 0 : i32
      %dma_wait3A_80 = tpu.memref_slice %arg5[%arg0, %add3A_64, %dma_wait3A_79] : memref<2x10240x144xf32, #tpu.memory_space<hbm>> -> memref<1x128x144xf32, #tpu.memory_space<hbm>>
      %dma_wait3A_81 = tpu.memref_squeeze %dma_wait3A_80 : memref<1x128x144xf32, #tpu.memory_space<hbm>> -> memref<128x144xf32, #tpu.memory_space<hbm>>
      %dma_wait3A_82 = arith.constant 0 : i32
      %dma_wait3A_83 = tpu.memref_slice %arg5[%arg0, %add3A_64, %dma_wait3A_82] : memref<2x10240x144xf32, #tpu.memory_space<hbm>> -> memref<1x128x144xf32, #tpu.memory_space<hbm>>
      %dma_wait3A_84 = tpu.memref_squeeze %dma_wait3A_83 : memref<1x128x144xf32, #tpu.memory_space<hbm>> -> memref<128x144xf32, #tpu.memory_space<hbm>>
      tpu.wait_dma2 semaphore(%run_scoped3A : memref<!tpu.dma_semaphore, #tpu.memory_space<semaphore_mem>>) src(%arg11 : memref<128x144xf32, #tpu.memory_space<vmem>>) dst(%dma_wait3A_84 : memref<128x144xf32, #tpu.memory_space<hbm>>)
      tpu.yield
    }) : () -> ()
    %mul3A_65 = arith.constant 640 : i32
    %mul3A_66 = arith.muli %arg1, %mul3A_65 : i32
    %add3A_67 = arith.constant 384 : i32
    %add3A_68 = arith.addi %mul3A_66, %add3A_67 : i32
    "tpu.region"() ({
      %run_scoped3A = tpu.sem_alloc : memref<!tpu.dma_semaphore, #tpu.memory_space<semaphore_mem>>
      %dma_start3A_73 = arith.constant 0 : i32
      %dma_start3A_74 = tpu.memref_slice %arg6[%add3A_68, %dma_start3A_73] : memref<10240x144xf32, #tpu.memory_space<vmem_shared>> -> memref<128x144xf32, #tpu.memory_space<vmem_shared>>
      %dma_start3A_75 = arith.constant 0 : i32
      %dma_start3A_76 = tpu.memref_slice %arg6[%add3A_68, %dma_start3A_75] : memref<10240x144xf32, #tpu.memory_space<vmem_shared>> -> memref<128x144xf32, #tpu.memory_space<vmem_shared>>
      tpu.enqueue_dma source(%dma_start3A_76 : memref<128x144xf32, #tpu.memory_space<vmem_shared>>) target(%arg11 : memref<128x144xf32, #tpu.memory_space<vmem>>) target_semaphore(%run_scoped3A : memref<!tpu.dma_semaphore, #tpu.memory_space<semaphore_mem>>)
      %dma_wait3A_77 = arith.constant 0 : i32
      %dma_wait3A_78 = tpu.memref_slice %arg6[%add3A_68, %dma_wait3A_77] : memref<10240x144xf32, #tpu.memory_space<vmem_shared>> -> memref<128x144xf32, #tpu.memory_space<vmem_shared>>
      %dma_wait3A_79 = arith.constant 0 : i32
      %dma_wait3A_80 = tpu.memref_slice %arg6[%add3A_68, %dma_wait3A_79] : memref<10240x144xf32, #tpu.memory_space<vmem_shared>> -> memref<128x144xf32, #tpu.memory_space<vmem_shared>>
      tpu.wait_dma2 semaphore(%run_scoped3A : memref<!tpu.dma_semaphore, #tpu.memory_space<semaphore_mem>>) src(%dma_wait3A_80 : memref<128x144xf32, #tpu.memory_space<vmem_shared>>) dst(%arg11 : memref<128x144xf32, #tpu.memory_space<vmem>>)
      tpu.yield
    }) : () -> ()
    "tpu.region"() ({
      %run_scoped3A = tpu.sem_alloc : memref<!tpu.dma_semaphore, #tpu.memory_space<semaphore_mem>>
      %dma_start3A_73 = arith.constant 0 : i32
      %dma_start3A_74 = tpu.memref_slice %arg5[%arg0, %add3A_68, %dma_start3A_73] : memref<2x10240x144xf32, #tpu.memory_space<hbm>> -> memref<1x128x144xf32, #tpu.memory_space<hbm>>
      %dma_start3A_75 = tpu.memref_squeeze %dma_start3A_74 : memref<1x128x144xf32, #tpu.memory_space<hbm>> -> memref<128x144xf32, #tpu.memory_space<hbm>>
      %dma_start3A_76 = arith.constant 0 : i32
      %dma_start3A_77 = tpu.memref_slice %arg5[%arg0, %add3A_68, %dma_start3A_76] : memref<2x10240x144xf32, #tpu.memory_space<hbm>> -> memref<1x128x144xf32, #tpu.memory_space<hbm>>
      %dma_start3A_78 = tpu.memref_squeeze %dma_start3A_77 : memref<1x128x144xf32, #tpu.memory_space<hbm>> -> memref<128x144xf32, #tpu.memory_space<hbm>>
      tpu.enqueue_dma source(%arg11 : memref<128x144xf32, #tpu.memory_space<vmem>>) target(%dma_start3A_78 : memref<128x144xf32, #tpu.memory_space<hbm>>) target_semaphore(%run_scoped3A : memref<!tpu.dma_semaphore, #tpu.memory_space<semaphore_mem>>)
      %dma_wait3A_79 = arith.constant 0 : i32
      %dma_wait3A_80 = tpu.memref_slice %arg5[%arg0, %add3A_68, %dma_wait3A_79] : memref<2x10240x144xf32, #tpu.memory_space<hbm>> -> memref<1x128x144xf32, #tpu.memory_space<hbm>>
      %dma_wait3A_81 = tpu.memref_squeeze %dma_wait3A_80 : memref<1x128x144xf32, #tpu.memory_space<hbm>> -> memref<128x144xf32, #tpu.memory_space<hbm>>
      %dma_wait3A_82 = arith.constant 0 : i32
      %dma_wait3A_83 = tpu.memref_slice %arg5[%arg0, %add3A_68, %dma_wait3A_82] : memref<2x10240x144xf32, #tpu.memory_space<hbm>> -> memref<1x128x144xf32, #tpu.memory_space<hbm>>
      %dma_wait3A_84 = tpu.memref_squeeze %dma_wait3A_83 : memref<1x128x144xf32, #tpu.memory_space<hbm>> -> memref<128x144xf32, #tpu.memory_space<hbm>>
      tpu.wait_dma2 semaphore(%run_scoped3A : memref<!tpu.dma_semaphore, #tpu.memory_space<semaphore_mem>>) src(%arg11 : memref<128x144xf32, #tpu.memory_space<vmem>>) dst(%dma_wait3A_84 : memref<128x144xf32, #tpu.memory_space<hbm>>)
      tpu.yield
    }) : () -> ()
    %mul3A_69 = arith.constant 640 : i32
    %mul3A_70 = arith.muli %arg1, %mul3A_69 : i32
    %add3A_71 = arith.constant 512 : i32
    %add3A_72 = arith.addi %mul3A_70, %add3A_71 : i32
    "tpu.region"() ({
      %run_scoped3A = tpu.sem_alloc : memref<!tpu.dma_semaphore, #tpu.memory_space<semaphore_mem>>
      %dma_start3A_73 = arith.constant 0 : i32
      %dma_start3A_74 = tpu.memref_slice %arg6[%add3A_72, %dma_start3A_73] : memref<10240x144xf32, #tpu.memory_space<vmem_shared>> -> memref<128x144xf32, #tpu.memory_space<vmem_shared>>
      %dma_start3A_75 = arith.constant 0 : i32
      %dma_start3A_76 = tpu.memref_slice %arg6[%add3A_72, %dma_start3A_75] : memref<10240x144xf32, #tpu.memory_space<vmem_shared>> -> memref<128x144xf32, #tpu.memory_space<vmem_shared>>
      tpu.enqueue_dma source(%dma_start3A_76 : memref<128x144xf32, #tpu.memory_space<vmem_shared>>) target(%arg11 : memref<128x144xf32, #tpu.memory_space<vmem>>) target_semaphore(%run_scoped3A : memref<!tpu.dma_semaphore, #tpu.memory_space<semaphore_mem>>)
      %dma_wait3A_77 = arith.constant 0 : i32
      %dma_wait3A_78 = tpu.memref_slice %arg6[%add3A_72, %dma_wait3A_77] : memref<10240x144xf32, #tpu.memory_space<vmem_shared>> -> memref<128x144xf32, #tpu.memory_space<vmem_shared>>
      %dma_wait3A_79 = arith.constant 0 : i32
      %dma_wait3A_80 = tpu.memref_slice %arg6[%add3A_72, %dma_wait3A_79] : memref<10240x144xf32, #tpu.memory_space<vmem_shared>> -> memref<128x144xf32, #tpu.memory_space<vmem_shared>>
      tpu.wait_dma2 semaphore(%run_scoped3A : memref<!tpu.dma_semaphore, #tpu.memory_space<semaphore_mem>>) src(%dma_wait3A_80 : memref<128x144xf32, #tpu.memory_space<vmem_shared>>) dst(%arg11 : memref<128x144xf32, #tpu.memory_space<vmem>>)
      tpu.yield
    }) : () -> ()
    "tpu.region"() ({
      %run_scoped3A = tpu.sem_alloc : memref<!tpu.dma_semaphore, #tpu.memory_space<semaphore_mem>>
      %dma_start3A_73 = arith.constant 0 : i32
      %dma_start3A_74 = tpu.memref_slice %arg5[%arg0, %add3A_72, %dma_start3A_73] : memref<2x10240x144xf32, #tpu.memory_space<hbm>> -> memref<1x128x144xf32, #tpu.memory_space<hbm>>
      %dma_start3A_75 = tpu.memref_squeeze %dma_start3A_74 : memref<1x128x144xf32, #tpu.memory_space<hbm>> -> memref<128x144xf32, #tpu.memory_space<hbm>>
      %dma_start3A_76 = arith.constant 0 : i32
      %dma_start3A_77 = tpu.memref_slice %arg5[%arg0, %add3A_72, %dma_start3A_76] : memref<2x10240x144xf32, #tpu.memory_space<hbm>> -> memref<1x128x144xf32, #tpu.memory_space<hbm>>
      %dma_start3A_78 = tpu.memref_squeeze %dma_start3A_77 : memref<1x128x144xf32, #tpu.memory_space<hbm>> -> memref<128x144xf32, #tpu.memory_space<hbm>>
      tpu.enqueue_dma source(%arg11 : memref<128x144xf32, #tpu.memory_space<vmem>>) target(%dma_start3A_78 : memref<128x144xf32, #tpu.memory_space<hbm>>) target_semaphore(%run_scoped3A : memref<!tpu.dma_semaphore, #tpu.memory_space<semaphore_mem>>)
      %dma_wait3A_79 = arith.constant 0 : i32
      %dma_wait3A_80 = tpu.memref_slice %arg5[%arg0, %add3A_72, %dma_wait3A_79] : memref<2x10240x144xf32, #tpu.memory_space<hbm>> -> memref<1x128x144xf32, #tpu.memory_space<hbm>>
      %dma_wait3A_81 = tpu.memref_squeeze %dma_wait3A_80 : memref<1x128x144xf32, #tpu.memory_space<hbm>> -> memref<128x144xf32, #tpu.memory_space<hbm>>
      %dma_wait3A_82 = arith.constant 0 : i32
      %dma_wait3A_83 = tpu.memref_slice %arg5[%arg0, %add3A_72, %dma_wait3A_82] : memref<2x10240x144xf32, #tpu.memory_space<hbm>> -> memref<1x128x144xf32, #tpu.memory_space<hbm>>
      %dma_wait3A_84 = tpu.memref_squeeze %dma_wait3A_83 : memref<1x128x144xf32, #tpu.memory_space<hbm>> -> memref<128x144xf32, #tpu.memory_space<hbm>>
      tpu.wait_dma2 semaphore(%run_scoped3A : memref<!tpu.dma_semaphore, #tpu.memory_space<semaphore_mem>>) src(%arg11 : memref<128x144xf32, #tpu.memory_space<vmem>>) dst(%dma_wait3A_84 : memref<128x144xf32, #tpu.memory_space<hbm>>)
      tpu.yield
    }) : () -> ()
    return
  }
}

#map = affine_map<(d0, d1) -> (0, 0)>
#map1 = affine_map<(d0, d1) -> (0)>
#map2 = affine_map<(d0, d1) -> (0, 0, 0)>
module attributes {stable_mosaic.version = 14 : i64} {
  func.func @_seg_body(%arg0: i32, %arg1: i32, %arg2: memref<10240x144xf32, #tpu.memory_space<hbm>>, %arg3: memref<323584xi32, #tpu.memory_space<hbm>>, %arg4: memref<323584xi32, #tpu.memory_space<hbm>>, %arg5: memref<2x10240x144xf32, #tpu.memory_space<hbm>>, %arg6: memref<10240x144xf32, #tpu.memory_space<vmem_shared>>, %arg7: memref<128xi32, #tpu.memory_space<vmem>>, %arg8: memref<128xi32, #tpu.memory_space<vmem>>, %arg9: memref<128xi32, #tpu.memory_space<vmem>>, %arg10: memref<128xi32, #tpu.memory_space<vmem>>, %arg11: memref<128x144xf32, #tpu.memory_space<vmem>>, %arg12: memref<128x144xf32, #tpu.memory_space<vmem>>, %arg13: memref<!tpu.dma_semaphore, #tpu.memory_space<semaphore_mem>>, %arg14: memref<!tpu.dma_semaphore, #tpu.memory_space<semaphore_mem>>, %arg15: memref<!tpu.dma_semaphore, #tpu.memory_space<semaphore_mem>>, %arg16: memref<!tpu.dma_semaphore, #tpu.memory_space<semaphore_mem>>) attributes {dimension_semantics = [#tpu.dimension_semantics<core_parallel>, #tpu.dimension_semantics<subcore_parallel>], iteration_bounds = array<i64: 2, 16>, scalar_prefetch = 0 : i64, scratch_operands = 11 : i64, tpu.core_type = #tpu.core_type<sc_vector_subcore>, window_params = [{transform_indices = #map}, {transform_indices = #map1}, {transform_indices = #map1}, {transform_indices = #map2}]} {
    %mul3A = arith.constant 16 : i32
    %mul3A_0 = arith.muli %arg0, %mul3A : i32
    %add3A = arith.addi %mul3A_0, %arg1 : i32
    %scan3A = arith.constant 0 : i32
    %scan3A_1 = arith.constant 128 : i32
    %scan3A_2 = arith.addi %scan3A, %scan3A_1 : i32
    %scan3A_3 = arith.constant 1 : i32
    scf.for %scan3A_73 = %scan3A to %scan3A_2 step %scan3A_3  : i32 {
      %broadcast_in_dim3A = arith.constant 0.000000e+00 : f32
      %broadcast_in_dim3A_74 = vector.broadcast %broadcast_in_dim3A : f32 to vector<16xf32>
      %swap3A = arith.index_cast %scan3A_73 : i32 to index
      %swap3A_75 = arith.constant 0 : index
      %swap3A_76 = tpu.vector_load %arg11[%swap3A, %swap3A_75] {strides = array<i32>} : memref<128x144xf32, #tpu.memory_space<vmem>>, vector<1x16xf32>,
      %swap3A_77 = vector.shape_cast %swap3A_76 : vector<1x16xf32> to vector<16xf32>
      %swap3A_78 = vector.shape_cast %broadcast_in_dim3A_74 : vector<16xf32> to vector<1x16xf32>
      tpu.vector_store %arg11[%swap3A, %swap3A_75], %swap3A_78 {strides = array<i32>} : memref<128x144xf32, #tpu.memory_space<vmem>>, vector<1x16xf32>,
      %broadcast_in_dim3A_79 = arith.constant 0.000000e+00 : f32
      %broadcast_in_dim3A_80 = vector.broadcast %broadcast_in_dim3A_79 : f32 to vector<16xf32>
      %swap3A_81 = arith.index_cast %scan3A_73 : i32 to index
      %swap3A_82 = arith.constant 16 : index
      %swap3A_83 = tpu.vector_load %arg11[%swap3A_81, %swap3A_82] {strides = array<i32>} : memref<128x144xf32, #tpu.memory_space<vmem>>, vector<1x16xf32>,
      %swap3A_84 = vector.shape_cast %swap3A_83 : vector<1x16xf32> to vector<16xf32>
      %swap3A_85 = vector.shape_cast %broadcast_in_dim3A_80 : vector<16xf32> to vector<1x16xf32>
      tpu.vector_store %arg11[%swap3A_81, %swap3A_82], %swap3A_85 {strides = array<i32>} : memref<128x144xf32, #tpu.memory_space<vmem>>, vector<1x16xf32>,
      %broadcast_in_dim3A_86 = arith.constant 0.000000e+00 : f32
      %broadcast_in_dim3A_87 = vector.broadcast %broadcast_in_dim3A_86 : f32 to vector<16xf32>
      %swap3A_88 = arith.index_cast %scan3A_73 : i32 to index
      %swap3A_89 = arith.constant 32 : index
      %swap3A_90 = tpu.vector_load %arg11[%swap3A_88, %swap3A_89] {strides = array<i32>} : memref<128x144xf32, #tpu.memory_space<vmem>>, vector<1x16xf32>,
      %swap3A_91 = vector.shape_cast %swap3A_90 : vector<1x16xf32> to vector<16xf32>
      %swap3A_92 = vector.shape_cast %broadcast_in_dim3A_87 : vector<16xf32> to vector<1x16xf32>
      tpu.vector_store %arg11[%swap3A_88, %swap3A_89], %swap3A_92 {strides = array<i32>} : memref<128x144xf32, #tpu.memory_space<vmem>>, vector<1x16xf32>,
      %broadcast_in_dim3A_93 = arith.constant 0.000000e+00 : f32
      %broadcast_in_dim3A_94 = vector.broadcast %broadcast_in_dim3A_93 : f32 to vector<16xf32>
      %swap3A_95 = arith.index_cast %scan3A_73 : i32 to index
      %swap3A_96 = arith.constant 48 : index
      %swap3A_97 = tpu.vector_load %arg11[%swap3A_95, %swap3A_96] {strides = array<i32>} : memref<128x144xf32, #tpu.memory_space<vmem>>, vector<1x16xf32>,
      %swap3A_98 = vector.shape_cast %swap3A_97 : vector<1x16xf32> to vector<16xf32>
      %swap3A_99 = vector.shape_cast %broadcast_in_dim3A_94 : vector<16xf32> to vector<1x16xf32>
      tpu.vector_store %arg11[%swap3A_95, %swap3A_96], %swap3A_99 {strides = array<i32>} : memref<128x144xf32, #tpu.memory_space<vmem>>, vector<1x16xf32>,
      %broadcast_in_dim3A_100 = arith.constant 0.000000e+00 : f32
      %broadcast_in_dim3A_101 = vector.broadcast %broadcast_in_dim3A_100 : f32 to vector<16xf32>
      %swap3A_102 = arith.index_cast %scan3A_73 : i32 to index
      %swap3A_103 = arith.constant 64 : index
      %swap3A_104 = tpu.vector_load %arg11[%swap3A_102, %swap3A_103] {strides = array<i32>} : memref<128x144xf32, #tpu.memory_space<vmem>>, vector<1x16xf32>,
      %swap3A_105 = vector.shape_cast %swap3A_104 : vector<1x16xf32> to vector<16xf32>
      %swap3A_106 = vector.shape_cast %broadcast_in_dim3A_101 : vector<16xf32> to vector<1x16xf32>
      tpu.vector_store %arg11[%swap3A_102, %swap3A_103], %swap3A_106 {strides = array<i32>} : memref<128x144xf32, #tpu.memory_space<vmem>>, vector<1x16xf32>,
      %broadcast_in_dim3A_107 = arith.constant 0.000000e+00 : f32
      %broadcast_in_dim3A_108 = vector.broadcast %broadcast_in_dim3A_107 : f32 to vector<16xf32>
      %swap3A_109 = arith.index_cast %scan3A_73 : i32 to index
      %swap3A_110 = arith.constant 80 : index
      %swap3A_111 = tpu.vector_load %arg11[%swap3A_109, %swap3A_110] {strides = array<i32>} : memref<128x144xf32, #tpu.memory_space<vmem>>, vector<1x16xf32>,
      %swap3A_112 = vector.shape_cast %swap3A_111 : vector<1x16xf32> to vector<16xf32>
      %swap3A_113 = vector.shape_cast %broadcast_in_dim3A_108 : vector<16xf32> to vector<1x16xf32>
      tpu.vector_store %arg11[%swap3A_109, %swap3A_110], %swap3A_113 {strides = array<i32>} : memref<128x144xf32, #tpu.memory_space<vmem>>, vector<1x16xf32>,
      %broadcast_in_dim3A_114 = arith.constant 0.000000e+00 : f32
      %broadcast_in_dim3A_115 = vector.broadcast %broadcast_in_dim3A_114 : f32 to vector<16xf32>
      %swap3A_116 = arith.index_cast %scan3A_73 : i32 to index
      %swap3A_117 = arith.constant 96 : index
      %swap3A_118 = tpu.vector_load %arg11[%swap3A_116, %swap3A_117] {strides = array<i32>} : memref<128x144xf32, #tpu.memory_space<vmem>>, vector<1x16xf32>,
      %swap3A_119 = vector.shape_cast %swap3A_118 : vector<1x16xf32> to vector<16xf32>
      %swap3A_120 = vector.shape_cast %broadcast_in_dim3A_115 : vector<16xf32> to vector<1x16xf32>
      tpu.vector_store %arg11[%swap3A_116, %swap3A_117], %swap3A_120 {strides = array<i32>} : memref<128x144xf32, #tpu.memory_space<vmem>>, vector<1x16xf32>,
      %broadcast_in_dim3A_121 = arith.constant 0.000000e+00 : f32
      %broadcast_in_dim3A_122 = vector.broadcast %broadcast_in_dim3A_121 : f32 to vector<16xf32>
      %swap3A_123 = arith.index_cast %scan3A_73 : i32 to index
      %swap3A_124 = arith.constant 112 : index
      %swap3A_125 = tpu.vector_load %arg11[%swap3A_123, %swap3A_124] {strides = array<i32>} : memref<128x144xf32, #tpu.memory_space<vmem>>, vector<1x16xf32>,
      %swap3A_126 = vector.shape_cast %swap3A_125 : vector<1x16xf32> to vector<16xf32>
      %swap3A_127 = vector.shape_cast %broadcast_in_dim3A_122 : vector<16xf32> to vector<1x16xf32>
      tpu.vector_store %arg11[%swap3A_123, %swap3A_124], %swap3A_127 {strides = array<i32>} : memref<128x144xf32, #tpu.memory_space<vmem>>, vector<1x16xf32>,
      %broadcast_in_dim3A_128 = arith.constant 0.000000e+00 : f32
      %broadcast_in_dim3A_129 = vector.broadcast %broadcast_in_dim3A_128 : f32 to vector<16xf32>
      %swap3A_130 = arith.index_cast %scan3A_73 : i32 to index
      %swap3A_131 = arith.constant 128 : index
      %swap3A_132 = tpu.vector_load %arg11[%swap3A_130, %swap3A_131] {strides = array<i32>} : memref<128x144xf32, #tpu.memory_space<vmem>>, vector<1x16xf32>,
      %swap3A_133 = vector.shape_cast %swap3A_132 : vector<1x16xf32> to vector<16xf32>
      %swap3A_134 = vector.shape_cast %broadcast_in_dim3A_129 : vector<16xf32> to vector<1x16xf32>
      tpu.vector_store %arg11[%swap3A_130, %swap3A_131], %swap3A_134 {strides = array<i32>} : memref<128x144xf32, #tpu.memory_space<vmem>>, vector<1x16xf32>,
    }
    %scan3A_4 = arith.constant 128 : i32
    %mul3A_5 = arith.constant 640 : i32
    %mul3A_6 = arith.muli %arg1, %mul3A_5 : i32
    %add3A_7 = arith.constant 0 : i32
    %add3A_8 = arith.addi %mul3A_6, %add3A_7 : i32
    "tpu.region"() ({
      %run_scoped3A = tpu.sem_alloc : memref<!tpu.dma_semaphore, #tpu.memory_space<semaphore_mem>>
      %dma_start3A_73 = arith.constant 0 : i32
      %dma_start3A_74 = tpu.memref_slice %arg6[%add3A_8, %dma_start3A_73] : memref<10240x144xf32, #tpu.memory_space<vmem_shared>> -> memref<128x144xf32, #tpu.memory_space<vmem_shared>>
      %dma_start3A_75 = arith.constant 0 : i32
      %dma_start3A_76 = tpu.memref_slice %arg6[%add3A_8, %dma_start3A_75] : memref<10240x144xf32, #tpu.memory_space<vmem_shared>> -> memref<128x144xf32, #tpu.memory_space<vmem_shared>>
      tpu.enqueue_dma source(%arg11 : memref<128x144xf32, #tpu.memory_space<vmem>>) target(%dma_start3A_76 : memref<128x144xf32, #tpu.memory_space<vmem_shared>>) target_semaphore(%run_scoped3A : memref<!tpu.dma_semaphore, #tpu.memory_space<semaphore_mem>>)
      %dma_wait3A_77 = arith.constant 0 : i32
      %dma_wait3A_78 = tpu.memref_slice %arg6[%add3A_8, %dma_wait3A_77] : memref<10240x144xf32, #tpu.memory_space<vmem_shared>> -> memref<128x144xf32, #tpu.memory_space<vmem_shared>>
      %dma_wait3A_79 = arith.constant 0 : i32
      %dma_wait3A_80 = tpu.memref_slice %arg6[%add3A_8, %dma_wait3A_79] : memref<10240x144xf32, #tpu.memory_space<vmem_shared>> -> memref<128x144xf32, #tpu.memory_space<vmem_shared>>
      tpu.wait_dma2 semaphore(%run_scoped3A : memref<!tpu.dma_semaphore, #tpu.memory_space<semaphore_mem>>) src(%arg11 : memref<128x144xf32, #tpu.memory_space<vmem>>) dst(%dma_wait3A_80 : memref<128x144xf32, #tpu.memory_space<vmem_shared>>)
      tpu.yield
    }) : () -> ()
    %mul3A_9 = arith.constant 640 : i32
    %mul3A_10 = arith.muli %arg1, %mul3A_9 : i32
    %add3A_11 = arith.constant 128 : i32
    %add3A_12 = arith.addi %mul3A_10, %add3A_11 : i32
    "tpu.region"() ({
      %run_scoped3A = tpu.sem_alloc : memref<!tpu.dma_semaphore, #tpu.memory_space<semaphore_mem>>
      %dma_start3A_73 = arith.constant 0 : i32
      %dma_start3A_74 = tpu.memref_slice %arg6[%add3A_12, %dma_start3A_73] : memref<10240x144xf32, #tpu.memory_space<vmem_shared>> -> memref<128x144xf32, #tpu.memory_space<vmem_shared>>
      %dma_start3A_75 = arith.constant 0 : i32
      %dma_start3A_76 = tpu.memref_slice %arg6[%add3A_12, %dma_start3A_75] : memref<10240x144xf32, #tpu.memory_space<vmem_shared>> -> memref<128x144xf32, #tpu.memory_space<vmem_shared>>
      tpu.enqueue_dma source(%arg11 : memref<128x144xf32, #tpu.memory_space<vmem>>) target(%dma_start3A_76 : memref<128x144xf32, #tpu.memory_space<vmem_shared>>) target_semaphore(%run_scoped3A : memref<!tpu.dma_semaphore, #tpu.memory_space<semaphore_mem>>)
      %dma_wait3A_77 = arith.constant 0 : i32
      %dma_wait3A_78 = tpu.memref_slice %arg6[%add3A_12, %dma_wait3A_77] : memref<10240x144xf32, #tpu.memory_space<vmem_shared>> -> memref<128x144xf32, #tpu.memory_space<vmem_shared>>
      %dma_wait3A_79 = arith.constant 0 : i32
      %dma_wait3A_80 = tpu.memref_slice %arg6[%add3A_12, %dma_wait3A_79] : memref<10240x144xf32, #tpu.memory_space<vmem_shared>> -> memref<128x144xf32, #tpu.memory_space<vmem_shared>>
      tpu.wait_dma2 semaphore(%run_scoped3A : memref<!tpu.dma_semaphore, #tpu.memory_space<semaphore_mem>>) src(%arg11 : memref<128x144xf32, #tpu.memory_space<vmem>>) dst(%dma_wait3A_80 : memref<128x144xf32, #tpu.memory_space<vmem_shared>>)
      tpu.yield
    }) : () -> ()
    %mul3A_13 = arith.constant 640 : i32
    %mul3A_14 = arith.muli %arg1, %mul3A_13 : i32
    %add3A_15 = arith.constant 256 : i32
    %add3A_16 = arith.addi %mul3A_14, %add3A_15 : i32
    "tpu.region"() ({
      %run_scoped3A = tpu.sem_alloc : memref<!tpu.dma_semaphore, #tpu.memory_space<semaphore_mem>>
      %dma_start3A_73 = arith.constant 0 : i32
      %dma_start3A_74 = tpu.memref_slice %arg6[%add3A_16, %dma_start3A_73] : memref<10240x144xf32, #tpu.memory_space<vmem_shared>> -> memref<128x144xf32, #tpu.memory_space<vmem_shared>>
      %dma_start3A_75 = arith.constant 0 : i32
      %dma_start3A_76 = tpu.memref_slice %arg6[%add3A_16, %dma_start3A_75] : memref<10240x144xf32, #tpu.memory_space<vmem_shared>> -> memref<128x144xf32, #tpu.memory_space<vmem_shared>>
      tpu.enqueue_dma source(%arg11 : memref<128x144xf32, #tpu.memory_space<vmem>>) target(%dma_start3A_76 : memref<128x144xf32, #tpu.memory_space<vmem_shared>>) target_semaphore(%run_scoped3A : memref<!tpu.dma_semaphore, #tpu.memory_space<semaphore_mem>>)
      %dma_wait3A_77 = arith.constant 0 : i32
      %dma_wait3A_78 = tpu.memref_slice %arg6[%add3A_16, %dma_wait3A_77] : memref<10240x144xf32, #tpu.memory_space<vmem_shared>> -> memref<128x144xf32, #tpu.memory_space<vmem_shared>>
      %dma_wait3A_79 = arith.constant 0 : i32
      %dma_wait3A_80 = tpu.memref_slice %arg6[%add3A_16, %dma_wait3A_79] : memref<10240x144xf32, #tpu.memory_space<vmem_shared>> -> memref<128x144xf32, #tpu.memory_space<vmem_shared>>
      tpu.wait_dma2 semaphore(%run_scoped3A : memref<!tpu.dma_semaphore, #tpu.memory_space<semaphore_mem>>) src(%arg11 : memref<128x144xf32, #tpu.memory_space<vmem>>) dst(%dma_wait3A_80 : memref<128x144xf32, #tpu.memory_space<vmem_shared>>)
      tpu.yield
    }) : () -> ()
    %mul3A_17 = arith.constant 640 : i32
    %mul3A_18 = arith.muli %arg1, %mul3A_17 : i32
    %add3A_19 = arith.constant 384 : i32
    %add3A_20 = arith.addi %mul3A_18, %add3A_19 : i32
    "tpu.region"() ({
      %run_scoped3A = tpu.sem_alloc : memref<!tpu.dma_semaphore, #tpu.memory_space<semaphore_mem>>
      %dma_start3A_73 = arith.constant 0 : i32
      %dma_start3A_74 = tpu.memref_slice %arg6[%add3A_20, %dma_start3A_73] : memref<10240x144xf32, #tpu.memory_space<vmem_shared>> -> memref<128x144xf32, #tpu.memory_space<vmem_shared>>
      %dma_start3A_75 = arith.constant 0 : i32
      %dma_start3A_76 = tpu.memref_slice %arg6[%add3A_20, %dma_start3A_75] : memref<10240x144xf32, #tpu.memory_space<vmem_shared>> -> memref<128x144xf32, #tpu.memory_space<vmem_shared>>
      tpu.enqueue_dma source(%arg11 : memref<128x144xf32, #tpu.memory_space<vmem>>) target(%dma_start3A_76 : memref<128x144xf32, #tpu.memory_space<vmem_shared>>) target_semaphore(%run_scoped3A : memref<!tpu.dma_semaphore, #tpu.memory_space<semaphore_mem>>)
      %dma_wait3A_77 = arith.constant 0 : i32
      %dma_wait3A_78 = tpu.memref_slice %arg6[%add3A_20, %dma_wait3A_77] : memref<10240x144xf32, #tpu.memory_space<vmem_shared>> -> memref<128x144xf32, #tpu.memory_space<vmem_shared>>
      %dma_wait3A_79 = arith.constant 0 : i32
      %dma_wait3A_80 = tpu.memref_slice %arg6[%add3A_20, %dma_wait3A_79] : memref<10240x144xf32, #tpu.memory_space<vmem_shared>> -> memref<128x144xf32, #tpu.memory_space<vmem_shared>>
      tpu.wait_dma2 semaphore(%run_scoped3A : memref<!tpu.dma_semaphore, #tpu.memory_space<semaphore_mem>>) src(%arg11 : memref<128x144xf32, #tpu.memory_space<vmem>>) dst(%dma_wait3A_80 : memref<128x144xf32, #tpu.memory_space<vmem_shared>>)
      tpu.yield
    }) : () -> ()
    %mul3A_21 = arith.constant 640 : i32
    %mul3A_22 = arith.muli %arg1, %mul3A_21 : i32
    %add3A_23 = arith.constant 512 : i32
    %add3A_24 = arith.addi %mul3A_22, %add3A_23 : i32
    "tpu.region"() ({
      %run_scoped3A = tpu.sem_alloc : memref<!tpu.dma_semaphore, #tpu.memory_space<semaphore_mem>>
      %dma_start3A_73 = arith.constant 0 : i32
      %dma_start3A_74 = tpu.memref_slice %arg6[%add3A_24, %dma_start3A_73] : memref<10240x144xf32, #tpu.memory_space<vmem_shared>> -> memref<128x144xf32, #tpu.memory_space<vmem_shared>>
      %dma_start3A_75 = arith.constant 0 : i32
      %dma_start3A_76 = tpu.memref_slice %arg6[%add3A_24, %dma_start3A_75] : memref<10240x144xf32, #tpu.memory_space<vmem_shared>> -> memref<128x144xf32, #tpu.memory_space<vmem_shared>>
      tpu.enqueue_dma source(%arg11 : memref<128x144xf32, #tpu.memory_space<vmem>>) target(%dma_start3A_76 : memref<128x144xf32, #tpu.memory_space<vmem_shared>>) target_semaphore(%run_scoped3A : memref<!tpu.dma_semaphore, #tpu.memory_space<semaphore_mem>>)
      %dma_wait3A_77 = arith.constant 0 : i32
      %dma_wait3A_78 = tpu.memref_slice %arg6[%add3A_24, %dma_wait3A_77] : memref<10240x144xf32, #tpu.memory_space<vmem_shared>> -> memref<128x144xf32, #tpu.memory_space<vmem_shared>>
      %dma_wait3A_79 = arith.constant 0 : i32
      %dma_wait3A_80 = tpu.memref_slice %arg6[%add3A_24, %dma_wait3A_79] : memref<10240x144xf32, #tpu.memory_space<vmem_shared>> -> memref<128x144xf32, #tpu.memory_space<vmem_shared>>
      tpu.wait_dma2 semaphore(%run_scoped3A : memref<!tpu.dma_semaphore, #tpu.memory_space<semaphore_mem>>) src(%arg11 : memref<128x144xf32, #tpu.memory_space<vmem>>) dst(%dma_wait3A_80 : memref<128x144xf32, #tpu.memory_space<vmem_shared>>)
      tpu.yield
    }) : () -> ()
    %barrier3A = arith.constant 0 : index
    tpu.barrier barrier_id(%barrier3A)
    %scan3A_25 = arith.constant 0 : i32
    %scan3A_26 = arith.constant 39 : i32
    %scan3A_27 = arith.addi %scan3A_25, %scan3A_26 : i32
    %scan3A_28 = arith.constant 1 : i32
    scf.for %scan3A_73 = %scan3A_25 to %scan3A_27 step %scan3A_28  : i32 {
      %mul3A_74 = arith.constant 2 : i32
      %mul3A_75 = arith.muli %mul3A_74, %scan3A_73 : i32
      %ge3A = arith.constant 2 : i32
      %ge3A_76 = arith.cmpi sge, %mul3A_75, %ge3A : i32
      %convert_element_type3A = arith.extui %ge3A_76 : i1 to i32
      %cond3A = arith.constant 0 : i32
      %cond3A_77 = arith.cmpi ne, %convert_element_type3A, %cond3A : i32
      scf.if %cond3A_77 {
        %dma_wait3A_113 = arith.constant 0 : i32
        %dma_wait3A_114 = arith.constant 0 : i32
        %dma_wait3A_115 = tpu.memref_slice %arg6[%dma_wait3A_113, %dma_wait3A_114] : memref<10240x144xf32, #tpu.memory_space<vmem_shared>> -> memref<10240x144xf32, #tpu.memory_space<vmem_shared>>
        tpu.wait_indirect_dma semaphore(%arg15 : memref<!tpu.dma_semaphore, #tpu.memory_space<semaphore_mem>>) src(%arg11 : memref<128x144xf32, #tpu.memory_space<vmem>>) dst(%dma_wait3A_115 : memref<10240x144xf32, #tpu.memory_space<vmem_shared>>)
      } else {
      }
      %mul3A_78 = arith.constant 79 : i32
      %mul3A_79 = arith.muli %add3A, %mul3A_78 : i32
      %add3A_80 = arith.addi %mul3A_79, %mul3A_75 : i32
      %mul3A_81 = arith.constant 128 : i32
      %mul3A_82 = arith.muli %add3A_80, %mul3A_81 : i32
      "tpu.region"() ({
        %run_scoped3A = tpu.sem_alloc : memref<!tpu.dma_semaphore, #tpu.memory_space<semaphore_mem>>
        %dma_start3A_113 = tpu.memref_slice %arg3[%mul3A_82] : memref<323584xi32, #tpu.memory_space<hbm>> -> memref<128xi32, #tpu.memory_space<hbm>>
        %dma_start3A_114 = tpu.memref_slice %arg3[%mul3A_82] : memref<323584xi32, #tpu.memory_space<hbm>> -> memref<128xi32, #tpu.memory_space<hbm>>
        tpu.enqueue_dma source(%dma_start3A_114 : memref<128xi32, #tpu.memory_space<hbm>>) target(%arg7 : memref<128xi32, #tpu.memory_space<vmem>>) target_semaphore(%run_scoped3A : memref<!tpu.dma_semaphore, #tpu.memory_space<semaphore_mem>>)
        %dma_wait3A_115 = tpu.memref_slice %arg3[%mul3A_82] : memref<323584xi32, #tpu.memory_space<hbm>> -> memref<128xi32, #tpu.memory_space<hbm>>
        %dma_wait3A_116 = tpu.memref_slice %arg3[%mul3A_82] : memref<323584xi32, #tpu.memory_space<hbm>> -> memref<128xi32, #tpu.memory_space<hbm>>
        tpu.wait_dma2 semaphore(%run_scoped3A : memref<!tpu.dma_semaphore, #tpu.memory_space<semaphore_mem>>) src(%dma_wait3A_116 : memref<128xi32, #tpu.memory_space<hbm>>) dst(%arg7 : memref<128xi32, #tpu.memory_space<vmem>>)
        tpu.yield
      }) : () -> ()
      "tpu.region"() ({
        %run_scoped3A = tpu.sem_alloc : memref<!tpu.dma_semaphore, #tpu.memory_space<semaphore_mem>>
        %dma_start3A_113 = tpu.memref_slice %arg4[%mul3A_82] : memref<323584xi32, #tpu.memory_space<hbm>> -> memref<128xi32, #tpu.memory_space<hbm>>
        %dma_start3A_114 = tpu.memref_slice %arg4[%mul3A_82] : memref<323584xi32, #tpu.memory_space<hbm>> -> memref<128xi32, #tpu.memory_space<hbm>>
        tpu.enqueue_dma source(%dma_start3A_114 : memref<128xi32, #tpu.memory_space<hbm>>) target(%arg9 : memref<128xi32, #tpu.memory_space<vmem>>) target_semaphore(%run_scoped3A : memref<!tpu.dma_semaphore, #tpu.memory_space<semaphore_mem>>)
        %dma_wait3A_115 = tpu.memref_slice %arg4[%mul3A_82] : memref<323584xi32, #tpu.memory_space<hbm>> -> memref<128xi32, #tpu.memory_space<hbm>>
        %dma_wait3A_116 = tpu.memref_slice %arg4[%mul3A_82] : memref<323584xi32, #tpu.memory_space<hbm>> -> memref<128xi32, #tpu.memory_space<hbm>>
        tpu.wait_dma2 semaphore(%run_scoped3A : memref<!tpu.dma_semaphore, #tpu.memory_space<semaphore_mem>>) src(%dma_wait3A_116 : memref<128xi32, #tpu.memory_space<hbm>>) dst(%arg9 : memref<128xi32, #tpu.memory_space<vmem>>)
        tpu.yield
      }) : () -> ()
      %dma_start3A_83 = arith.constant 0 : i32
      %dma_start3A_84 = arith.constant 0 : i32
      %dma_start3A_85 = tpu.memref_slice %arg2[%dma_start3A_83, %dma_start3A_84] : memref<10240x144xf32, #tpu.memory_space<hbm>> -> memref<10240x144xf32, #tpu.memory_space<hbm>>
      tpu.enqueue_indirect_dma source(%dma_start3A_85 : memref<10240x144xf32, #tpu.memory_space<hbm>>) target(%arg11 : memref<128x144xf32, #tpu.memory_space<vmem>>) offsets(%arg7 : memref<128xi32, #tpu.memory_space<vmem>>) semaphore(%arg13 : memref<!tpu.dma_semaphore, #tpu.memory_space<semaphore_mem>>)
      %dma_wait3A_86 = arith.constant 0 : i32
      %dma_wait3A_87 = arith.constant 0 : i32
      %dma_wait3A_88 = tpu.memref_slice %arg2[%dma_wait3A_86, %dma_wait3A_87] : memref<10240x144xf32, #tpu.memory_space<hbm>> -> memref<10240x144xf32, #tpu.memory_space<hbm>>
      tpu.wait_indirect_dma semaphore(%arg13 : memref<!tpu.dma_semaphore, #tpu.memory_space<semaphore_mem>>) src(%dma_wait3A_88 : memref<10240x144xf32, #tpu.memory_space<hbm>>) dst(%arg11 : memref<128x144xf32, #tpu.memory_space<vmem>>)
      %dma_start3A_89 = arith.constant 0 : i32
      %dma_start3A_90 = arith.constant 0 : i32
      %dma_start3A_91 = tpu.memref_slice %arg6[%dma_start3A_89, %dma_start3A_90] : memref<10240x144xf32, #tpu.memory_space<vmem_shared>> -> memref<10240x144xf32, #tpu.memory_space<vmem_shared>>
      tpu.enqueue_indirect_dma source(%arg11 : memref<128x144xf32, #tpu.memory_space<vmem>>) target(%dma_start3A_91 : memref<10240x144xf32, #tpu.memory_space<vmem_shared>>) offsets(%arg9 : memref<128xi32, #tpu.memory_space<vmem>>) semaphore(%arg15 : memref<!tpu.dma_semaphore, #tpu.memory_space<semaphore_mem>>) {add = true}
      %add3A_92 = arith.constant 1 : i32
      %add3A_93 = arith.addi %mul3A_75, %add3A_92 : i32
      %ge3A_94 = arith.constant 2 : i32
      %ge3A_95 = arith.cmpi sge, %add3A_93, %ge3A_94 : i32
      %convert_element_type3A_96 = arith.extui %ge3A_95 : i1 to i32
      %cond3A_97 = arith.constant 0 : i32
      %cond3A_98 = arith.cmpi ne, %convert_element_type3A_96, %cond3A_97 : i32
      scf.if %cond3A_98 {
        %dma_wait3A_113 = arith.constant 0 : i32
        %dma_wait3A_114 = arith.constant 0 : i32
        %dma_wait3A_115 = tpu.memref_slice %arg6[%dma_wait3A_113, %dma_wait3A_114] : memref<10240x144xf32, #tpu.memory_space<vmem_shared>> -> memref<10240x144xf32, #tpu.memory_space<vmem_shared>>
        tpu.wait_indirect_dma semaphore(%arg16 : memref<!tpu.dma_semaphore, #tpu.memory_space<semaphore_mem>>) src(%arg12 : memref<128x144xf32, #tpu.memory_space<vmem>>) dst(%dma_wait3A_115 : memref<10240x144xf32, #tpu.memory_space<vmem_shared>>)
      } else {
      }
      %mul3A_99 = arith.constant 79 : i32
      %mul3A_100 = arith.muli %add3A, %mul3A_99 : i32
      %add3A_101 = arith.addi %mul3A_100, %add3A_93 : i32
      %mul3A_102 = arith.constant 128 : i32
      %mul3A_103 = arith.muli %add3A_101, %mul3A_102 : i32
      "tpu.region"() ({
        %run_scoped3A = tpu.sem_alloc : memref<!tpu.dma_semaphore, #tpu.memory_space<semaphore_mem>>
        %dma_start3A_113 = tpu.memref_slice %arg3[%mul3A_103] : memref<323584xi32, #tpu.memory_space<hbm>> -> memref<128xi32, #tpu.memory_space<hbm>>
        %dma_start3A_114 = tpu.memref_slice %arg3[%mul3A_103] : memref<323584xi32, #tpu.memory_space<hbm>> -> memref<128xi32, #tpu.memory_space<hbm>>
        tpu.enqueue_dma source(%dma_start3A_114 : memref<128xi32, #tpu.memory_space<hbm>>) target(%arg8 : memref<128xi32, #tpu.memory_space<vmem>>) target_semaphore(%run_scoped3A : memref<!tpu.dma_semaphore, #tpu.memory_space<semaphore_mem>>)
        %dma_wait3A_115 = tpu.memref_slice %arg3[%mul3A_103] : memref<323584xi32, #tpu.memory_space<hbm>> -> memref<128xi32, #tpu.memory_space<hbm>>
        %dma_wait3A_116 = tpu.memref_slice %arg3[%mul3A_103] : memref<323584xi32, #tpu.memory_space<hbm>> -> memref<128xi32, #tpu.memory_space<hbm>>
        tpu.wait_dma2 semaphore(%run_scoped3A : memref<!tpu.dma_semaphore, #tpu.memory_space<semaphore_mem>>) src(%dma_wait3A_116 : memref<128xi32, #tpu.memory_space<hbm>>) dst(%arg8 : memref<128xi32, #tpu.memory_space<vmem>>)
        tpu.yield
      }) : () -> ()
      "tpu.region"() ({
        %run_scoped3A = tpu.sem_alloc : memref<!tpu.dma_semaphore, #tpu.memory_space<semaphore_mem>>
        %dma_start3A_113 = tpu.memref_slice %arg4[%mul3A_103] : memref<323584xi32, #tpu.memory_space<hbm>> -> memref<128xi32, #tpu.memory_space<hbm>>
        %dma_start3A_114 = tpu.memref_slice %arg4[%mul3A_103] : memref<323584xi32, #tpu.memory_space<hbm>> -> memref<128xi32, #tpu.memory_space<hbm>>
        tpu.enqueue_dma source(%dma_start3A_114 : memref<128xi32, #tpu.memory_space<hbm>>) target(%arg10 : memref<128xi32, #tpu.memory_space<vmem>>) target_semaphore(%run_scoped3A : memref<!tpu.dma_semaphore, #tpu.memory_space<semaphore_mem>>)
        %dma_wait3A_115 = tpu.memref_slice %arg4[%mul3A_103] : memref<323584xi32, #tpu.memory_space<hbm>> -> memref<128xi32, #tpu.memory_space<hbm>>
        %dma_wait3A_116 = tpu.memref_slice %arg4[%mul3A_103] : memref<323584xi32, #tpu.memory_space<hbm>> -> memref<128xi32, #tpu.memory_space<hbm>>
        tpu.wait_dma2 semaphore(%run_scoped3A : memref<!tpu.dma_semaphore, #tpu.memory_space<semaphore_mem>>) src(%dma_wait3A_116 : memref<128xi32, #tpu.memory_space<hbm>>) dst(%arg10 : memref<128xi32, #tpu.memory_space<vmem>>)
        tpu.yield
      }) : () -> ()
      %dma_start3A_104 = arith.constant 0 : i32
      %dma_start3A_105 = arith.constant 0 : i32
      %dma_start3A_106 = tpu.memref_slice %arg2[%dma_start3A_104, %dma_start3A_105] : memref<10240x144xf32, #tpu.memory_space<hbm>> -> memref<10240x144xf32, #tpu.memory_space<hbm>>
      tpu.enqueue_indirect_dma source(%dma_start3A_106 : memref<10240x144xf32, #tpu.memory_space<hbm>>) target(%arg12 : memref<128x144xf32, #tpu.memory_space<vmem>>) offsets(%arg8 : memref<128xi32, #tpu.memory_space<vmem>>) semaphore(%arg14 : memref<!tpu.dma_semaphore, #tpu.memory_space<semaphore_mem>>)
      %dma_wait3A_107 = arith.constant 0 : i32
      %dma_wait3A_108 = arith.constant 0 : i32
      %dma_wait3A_109 = tpu.memref_slice %arg2[%dma_wait3A_107, %dma_wait3A_108] : memref<10240x144xf32, #tpu.memory_space<hbm>> -> memref<10240x144xf32, #tpu.memory_space<hbm>>
      tpu.wait_indirect_dma semaphore(%arg14 : memref<!tpu.dma_semaphore, #tpu.memory_space<semaphore_mem>>) src(%dma_wait3A_109 : memref<10240x144xf32, #tpu.memory_space<hbm>>) dst(%arg12 : memref<128x144xf32, #tpu.memory_space<vmem>>)
      %dma_start3A_110 = arith.constant 0 : i32
      %dma_start3A_111 = arith.constant 0 : i32
      %dma_start3A_112 = tpu.memref_slice %arg6[%dma_start3A_110, %dma_start3A_111] : memref<10240x144xf32, #tpu.memory_space<vmem_shared>> -> memref<10240x144xf32, #tpu.memory_space<vmem_shared>>
      tpu.enqueue_indirect_dma source(%arg12 : memref<128x144xf32, #tpu.memory_space<vmem>>) target(%dma_start3A_112 : memref<10240x144xf32, #tpu.memory_space<vmem_shared>>) offsets(%arg10 : memref<128xi32, #tpu.memory_space<vmem>>) semaphore(%arg16 : memref<!tpu.dma_semaphore, #tpu.memory_space<semaphore_mem>>) {add = true}
    }
    %scan3A_29 = arith.constant 39 : i32
    %dma_wait3A = arith.constant 0 : i32
    %dma_wait3A_30 = arith.constant 0 : i32
    %dma_wait3A_31 = tpu.memref_slice %arg6[%dma_wait3A, %dma_wait3A_30] : memref<10240x144xf32, #tpu.memory_space<vmem_shared>> -> memref<10240x144xf32, #tpu.memory_space<vmem_shared>>
    tpu.wait_indirect_dma semaphore(%arg15 : memref<!tpu.dma_semaphore, #tpu.memory_space<semaphore_mem>>) src(%arg11 : memref<128x144xf32, #tpu.memory_space<vmem>>) dst(%dma_wait3A_31 : memref<10240x144xf32, #tpu.memory_space<vmem_shared>>)
    %mul3A_32 = arith.constant 79 : i32
    %mul3A_33 = arith.muli %add3A, %mul3A_32 : i32
    %add3A_34 = arith.constant 78 : i32
    %add3A_35 = arith.addi %mul3A_33, %add3A_34 : i32
    %mul3A_36 = arith.constant 128 : i32
    %mul3A_37 = arith.muli %add3A_35, %mul3A_36 : i32
    "tpu.region"() ({
      %run_scoped3A = tpu.sem_alloc : memref<!tpu.dma_semaphore, #tpu.memory_space<semaphore_mem>>
      %dma_start3A_73 = tpu.memref_slice %arg3[%mul3A_37] : memref<323584xi32, #tpu.memory_space<hbm>> -> memref<128xi32, #tpu.memory_space<hbm>>
      %dma_start3A_74 = tpu.memref_slice %arg3[%mul3A_37] : memref<323584xi32, #tpu.memory_space<hbm>> -> memref<128xi32, #tpu.memory_space<hbm>>
      tpu.enqueue_dma source(%dma_start3A_74 : memref<128xi32, #tpu.memory_space<hbm>>) target(%arg7 : memref<128xi32, #tpu.memory_space<vmem>>) target_semaphore(%run_scoped3A : memref<!tpu.dma_semaphore, #tpu.memory_space<semaphore_mem>>)
      %dma_wait3A_75 = tpu.memref_slice %arg3[%mul3A_37] : memref<323584xi32, #tpu.memory_space<hbm>> -> memref<128xi32, #tpu.memory_space<hbm>>
      %dma_wait3A_76 = tpu.memref_slice %arg3[%mul3A_37] : memref<323584xi32, #tpu.memory_space<hbm>> -> memref<128xi32, #tpu.memory_space<hbm>>
      tpu.wait_dma2 semaphore(%run_scoped3A : memref<!tpu.dma_semaphore, #tpu.memory_space<semaphore_mem>>) src(%dma_wait3A_76 : memref<128xi32, #tpu.memory_space<hbm>>) dst(%arg7 : memref<128xi32, #tpu.memory_space<vmem>>)
      tpu.yield
    }) : () -> ()
    "tpu.region"() ({
      %run_scoped3A = tpu.sem_alloc : memref<!tpu.dma_semaphore, #tpu.memory_space<semaphore_mem>>
      %dma_start3A_73 = tpu.memref_slice %arg4[%mul3A_37] : memref<323584xi32, #tpu.memory_space<hbm>> -> memref<128xi32, #tpu.memory_space<hbm>>
      %dma_start3A_74 = tpu.memref_slice %arg4[%mul3A_37] : memref<323584xi32, #tpu.memory_space<hbm>> -> memref<128xi32, #tpu.memory_space<hbm>>
      tpu.enqueue_dma source(%dma_start3A_74 : memref<128xi32, #tpu.memory_space<hbm>>) target(%arg9 : memref<128xi32, #tpu.memory_space<vmem>>) target_semaphore(%run_scoped3A : memref<!tpu.dma_semaphore, #tpu.memory_space<semaphore_mem>>)
      %dma_wait3A_75 = tpu.memref_slice %arg4[%mul3A_37] : memref<323584xi32, #tpu.memory_space<hbm>> -> memref<128xi32, #tpu.memory_space<hbm>>
      %dma_wait3A_76 = tpu.memref_slice %arg4[%mul3A_37] : memref<323584xi32, #tpu.memory_space<hbm>> -> memref<128xi32, #tpu.memory_space<hbm>>
      tpu.wait_dma2 semaphore(%run_scoped3A : memref<!tpu.dma_semaphore, #tpu.memory_space<semaphore_mem>>) src(%dma_wait3A_76 : memref<128xi32, #tpu.memory_space<hbm>>) dst(%arg9 : memref<128xi32, #tpu.memory_space<vmem>>)
      tpu.yield
    }) : () -> ()
    %dma_start3A = arith.constant 0 : i32
    %dma_start3A_38 = arith.constant 0 : i32
    %dma_start3A_39 = tpu.memref_slice %arg2[%dma_start3A, %dma_start3A_38] : memref<10240x144xf32, #tpu.memory_space<hbm>> -> memref<10240x144xf32, #tpu.memory_space<hbm>>
    tpu.enqueue_indirect_dma source(%dma_start3A_39 : memref<10240x144xf32, #tpu.memory_space<hbm>>) target(%arg11 : memref<128x144xf32, #tpu.memory_space<vmem>>) offsets(%arg7 : memref<128xi32, #tpu.memory_space<vmem>>) semaphore(%arg13 : memref<!tpu.dma_semaphore, #tpu.memory_space<semaphore_mem>>)
    %dma_wait3A_40 = arith.constant 0 : i32
    %dma_wait3A_41 = arith.constant 0 : i32
    %dma_wait3A_42 = tpu.memref_slice %arg2[%dma_wait3A_40, %dma_wait3A_41] : memref<10240x144xf32, #tpu.memory_space<hbm>> -> memref<10240x144xf32, #tpu.memory_space<hbm>>
    tpu.wait_indirect_dma semaphore(%arg13 : memref<!tpu.dma_semaphore, #tpu.memory_space<semaphore_mem>>) src(%dma_wait3A_42 : memref<10240x144xf32, #tpu.memory_space<hbm>>) dst(%arg11 : memref<128x144xf32, #tpu.memory_space<vmem>>)
    %dma_start3A_43 = arith.constant 0 : i32
    %dma_start3A_44 = arith.constant 0 : i32
    %dma_start3A_45 = tpu.memref_slice %arg6[%dma_start3A_43, %dma_start3A_44] : memref<10240x144xf32, #tpu.memory_space<vmem_shared>> -> memref<10240x144xf32, #tpu.memory_space<vmem_shared>>
    tpu.enqueue_indirect_dma source(%arg11 : memref<128x144xf32, #tpu.memory_space<vmem>>) target(%dma_start3A_45 : memref<10240x144xf32, #tpu.memory_space<vmem_shared>>) offsets(%arg9 : memref<128xi32, #tpu.memory_space<vmem>>) semaphore(%arg15 : memref<!tpu.dma_semaphore, #tpu.memory_space<semaphore_mem>>) {add = true}
    %dma_wait3A_46 = arith.constant 0 : i32
    %dma_wait3A_47 = arith.constant 0 : i32
    %dma_wait3A_48 = tpu.memref_slice %arg6[%dma_wait3A_46, %dma_wait3A_47] : memref<10240x144xf32, #tpu.memory_space<vmem_shared>> -> memref<10240x144xf32, #tpu.memory_space<vmem_shared>>
    tpu.wait_indirect_dma semaphore(%arg15 : memref<!tpu.dma_semaphore, #tpu.memory_space<semaphore_mem>>) src(%arg11 : memref<128x144xf32, #tpu.memory_space<vmem>>) dst(%dma_wait3A_48 : memref<10240x144xf32, #tpu.memory_space<vmem_shared>>)
    %dma_wait3A_49 = arith.constant 0 : i32
    %dma_wait3A_50 = arith.constant 0 : i32
    %dma_wait3A_51 = tpu.memref_slice %arg6[%dma_wait3A_49, %dma_wait3A_50] : memref<10240x144xf32, #tpu.memory_space<vmem_shared>> -> memref<10240x144xf32, #tpu.memory_space<vmem_shared>>
    tpu.wait_indirect_dma semaphore(%arg16 : memref<!tpu.dma_semaphore, #tpu.memory_space<semaphore_mem>>) src(%arg12 : memref<128x144xf32, #tpu.memory_space<vmem>>) dst(%dma_wait3A_51 : memref<10240x144xf32, #tpu.memory_space<vmem_shared>>)
    %barrier3A_52 = arith.constant 0 : index
    tpu.barrier barrier_id(%barrier3A_52)
    %mul3A_53 = arith.constant 640 : i32
    %mul3A_54 = arith.muli %arg1, %mul3A_53 : i32
    %add3A_55 = arith.constant 0 : i32
    %add3A_56 = arith.addi %mul3A_54, %add3A_55 : i32
    "tpu.region"() ({
      %run_scoped3A = tpu.sem_alloc : memref<!tpu.dma_semaphore, #tpu.memory_space<semaphore_mem>>
      %dma_start3A_73 = arith.constant 0 : i32
      %dma_start3A_74 = tpu.memref_slice %arg6[%add3A_56, %dma_start3A_73] : memref<10240x144xf32, #tpu.memory_space<vmem_shared>> -> memref<128x144xf32, #tpu.memory_space<vmem_shared>>
      %dma_start3A_75 = arith.constant 0 : i32
      %dma_start3A_76 = tpu.memref_slice %arg6[%add3A_56, %dma_start3A_75] : memref<10240x144xf32, #tpu.memory_space<vmem_shared>> -> memref<128x144xf32, #tpu.memory_space<vmem_shared>>
      tpu.enqueue_dma source(%dma_start3A_76 : memref<128x144xf32, #tpu.memory_space<vmem_shared>>) target(%arg11 : memref<128x144xf32, #tpu.memory_space<vmem>>) target_semaphore(%run_scoped3A : memref<!tpu.dma_semaphore, #tpu.memory_space<semaphore_mem>>)
      %dma_wait3A_77 = arith.constant 0 : i32
      %dma_wait3A_78 = tpu.memref_slice %arg6[%add3A_56, %dma_wait3A_77] : memref<10240x144xf32, #tpu.memory_space<vmem_shared>> -> memref<128x144xf32, #tpu.memory_space<vmem_shared>>
      %dma_wait3A_79 = arith.constant 0 : i32
      %dma_wait3A_80 = tpu.memref_slice %arg6[%add3A_56, %dma_wait3A_79] : memref<10240x144xf32, #tpu.memory_space<vmem_shared>> -> memref<128x144xf32, #tpu.memory_space<vmem_shared>>
      tpu.wait_dma2 semaphore(%run_scoped3A : memref<!tpu.dma_semaphore, #tpu.memory_space<semaphore_mem>>) src(%dma_wait3A_80 : memref<128x144xf32, #tpu.memory_space<vmem_shared>>) dst(%arg11 : memref<128x144xf32, #tpu.memory_space<vmem>>)
      tpu.yield
    }) : () -> ()
    "tpu.region"() ({
      %run_scoped3A = tpu.sem_alloc : memref<!tpu.dma_semaphore, #tpu.memory_space<semaphore_mem>>
      %dma_start3A_73 = arith.constant 0 : i32
      %dma_start3A_74 = tpu.memref_slice %arg5[%arg0, %add3A_56, %dma_start3A_73] : memref<2x10240x144xf32, #tpu.memory_space<hbm>> -> memref<1x128x144xf32, #tpu.memory_space<hbm>>
      %dma_start3A_75 = tpu.memref_squeeze %dma_start3A_74 : memref<1x128x144xf32, #tpu.memory_space<hbm>> -> memref<128x144xf32, #tpu.memory_space<hbm>>
      %dma_start3A_76 = arith.constant 0 : i32
      %dma_start3A_77 = tpu.memref_slice %arg5[%arg0, %add3A_56, %dma_start3A_76] : memref<2x10240x144xf32, #tpu.memory_space<hbm>> -> memref<1x128x144xf32, #tpu.memory_space<hbm>>
      %dma_start3A_78 = tpu.memref_squeeze %dma_start3A_77 : memref<1x128x144xf32, #tpu.memory_space<hbm>> -> memref<128x144xf32, #tpu.memory_space<hbm>>
      tpu.enqueue_dma source(%arg11 : memref<128x144xf32, #tpu.memory_space<vmem>>) target(%dma_start3A_78 : memref<128x144xf32, #tpu.memory_space<hbm>>) target_semaphore(%run_scoped3A : memref<!tpu.dma_semaphore, #tpu.memory_space<semaphore_mem>>)
      %dma_wait3A_79 = arith.constant 0 : i32
      %dma_wait3A_80 = tpu.memref_slice %arg5[%arg0, %add3A_56, %dma_wait3A_79] : memref<2x10240x144xf32, #tpu.memory_space<hbm>> -> memref<1x128x144xf32, #tpu.memory_space<hbm>>
      %dma_wait3A_81 = tpu.memref_squeeze %dma_wait3A_80 : memref<1x128x144xf32, #tpu.memory_space<hbm>> -> memref<128x144xf32, #tpu.memory_space<hbm>>
      %dma_wait3A_82 = arith.constant 0 : i32
      %dma_wait3A_83 = tpu.memref_slice %arg5[%arg0, %add3A_56, %dma_wait3A_82] : memref<2x10240x144xf32, #tpu.memory_space<hbm>> -> memref<1x128x144xf32, #tpu.memory_space<hbm>>
      %dma_wait3A_84 = tpu.memref_squeeze %dma_wait3A_83 : memref<1x128x144xf32, #tpu.memory_space<hbm>> -> memref<128x144xf32, #tpu.memory_space<hbm>>
      tpu.wait_dma2 semaphore(%run_scoped3A : memref<!tpu.dma_semaphore, #tpu.memory_space<semaphore_mem>>) src(%arg11 : memref<128x144xf32, #tpu.memory_space<vmem>>) dst(%dma_wait3A_84 : memref<128x144xf32, #tpu.memory_space<hbm>>)
      tpu.yield
    }) : () -> ()
    %mul3A_57 = arith.constant 640 : i32
    %mul3A_58 = arith.muli %arg1, %mul3A_57 : i32
    %add3A_59 = arith.constant 128 : i32
    %add3A_60 = arith.addi %mul3A_58, %add3A_59 : i32
    "tpu.region"() ({
      %run_scoped3A = tpu.sem_alloc : memref<!tpu.dma_semaphore, #tpu.memory_space<semaphore_mem>>
      %dma_start3A_73 = arith.constant 0 : i32
      %dma_start3A_74 = tpu.memref_slice %arg6[%add3A_60, %dma_start3A_73] : memref<10240x144xf32, #tpu.memory_space<vmem_shared>> -> memref<128x144xf32, #tpu.memory_space<vmem_shared>>
      %dma_start3A_75 = arith.constant 0 : i32
      %dma_start3A_76 = tpu.memref_slice %arg6[%add3A_60, %dma_start3A_75] : memref<10240x144xf32, #tpu.memory_space<vmem_shared>> -> memref<128x144xf32, #tpu.memory_space<vmem_shared>>
      tpu.enqueue_dma source(%dma_start3A_76 : memref<128x144xf32, #tpu.memory_space<vmem_shared>>) target(%arg11 : memref<128x144xf32, #tpu.memory_space<vmem>>) target_semaphore(%run_scoped3A : memref<!tpu.dma_semaphore, #tpu.memory_space<semaphore_mem>>)
      %dma_wait3A_77 = arith.constant 0 : i32
      %dma_wait3A_78 = tpu.memref_slice %arg6[%add3A_60, %dma_wait3A_77] : memref<10240x144xf32, #tpu.memory_space<vmem_shared>> -> memref<128x144xf32, #tpu.memory_space<vmem_shared>>
      %dma_wait3A_79 = arith.constant 0 : i32
      %dma_wait3A_80 = tpu.memref_slice %arg6[%add3A_60, %dma_wait3A_79] : memref<10240x144xf32, #tpu.memory_space<vmem_shared>> -> memref<128x144xf32, #tpu.memory_space<vmem_shared>>
      tpu.wait_dma2 semaphore(%run_scoped3A : memref<!tpu.dma_semaphore, #tpu.memory_space<semaphore_mem>>) src(%dma_wait3A_80 : memref<128x144xf32, #tpu.memory_space<vmem_shared>>) dst(%arg11 : memref<128x144xf32, #tpu.memory_space<vmem>>)
      tpu.yield
    }) : () -> ()
    "tpu.region"() ({
      %run_scoped3A = tpu.sem_alloc : memref<!tpu.dma_semaphore, #tpu.memory_space<semaphore_mem>>
      %dma_start3A_73 = arith.constant 0 : i32
      %dma_start3A_74 = tpu.memref_slice %arg5[%arg0, %add3A_60, %dma_start3A_73] : memref<2x10240x144xf32, #tpu.memory_space<hbm>> -> memref<1x128x144xf32, #tpu.memory_space<hbm>>
      %dma_start3A_75 = tpu.memref_squeeze %dma_start3A_74 : memref<1x128x144xf32, #tpu.memory_space<hbm>> -> memref<128x144xf32, #tpu.memory_space<hbm>>
      %dma_start3A_76 = arith.constant 0 : i32
      %dma_start3A_77 = tpu.memref_slice %arg5[%arg0, %add3A_60, %dma_start3A_76] : memref<2x10240x144xf32, #tpu.memory_space<hbm>> -> memref<1x128x144xf32, #tpu.memory_space<hbm>>
      %dma_start3A_78 = tpu.memref_squeeze %dma_start3A_77 : memref<1x128x144xf32, #tpu.memory_space<hbm>> -> memref<128x144xf32, #tpu.memory_space<hbm>>
      tpu.enqueue_dma source(%arg11 : memref<128x144xf32, #tpu.memory_space<vmem>>) target(%dma_start3A_78 : memref<128x144xf32, #tpu.memory_space<hbm>>) target_semaphore(%run_scoped3A : memref<!tpu.dma_semaphore, #tpu.memory_space<semaphore_mem>>)
      %dma_wait3A_79 = arith.constant 0 : i32
      %dma_wait3A_80 = tpu.memref_slice %arg5[%arg0, %add3A_60, %dma_wait3A_79] : memref<2x10240x144xf32, #tpu.memory_space<hbm>> -> memref<1x128x144xf32, #tpu.memory_space<hbm>>
      %dma_wait3A_81 = tpu.memref_squeeze %dma_wait3A_80 : memref<1x128x144xf32, #tpu.memory_space<hbm>> -> memref<128x144xf32, #tpu.memory_space<hbm>>
      %dma_wait3A_82 = arith.constant 0 : i32
      %dma_wait3A_83 = tpu.memref_slice %arg5[%arg0, %add3A_60, %dma_wait3A_82] : memref<2x10240x144xf32, #tpu.memory_space<hbm>> -> memref<1x128x144xf32, #tpu.memory_space<hbm>>
      %dma_wait3A_84 = tpu.memref_squeeze %dma_wait3A_83 : memref<1x128x144xf32, #tpu.memory_space<hbm>> -> memref<128x144xf32, #tpu.memory_space<hbm>>
      tpu.wait_dma2 semaphore(%run_scoped3A : memref<!tpu.dma_semaphore, #tpu.memory_space<semaphore_mem>>) src(%arg11 : memref<128x144xf32, #tpu.memory_space<vmem>>) dst(%dma_wait3A_84 : memref<128x144xf32, #tpu.memory_space<hbm>>)
      tpu.yield
    }) : () -> ()
    %mul3A_61 = arith.constant 640 : i32
    %mul3A_62 = arith.muli %arg1, %mul3A_61 : i32
    %add3A_63 = arith.constant 256 : i32
    %add3A_64 = arith.addi %mul3A_62, %add3A_63 : i32
    "tpu.region"() ({
      %run_scoped3A = tpu.sem_alloc : memref<!tpu.dma_semaphore, #tpu.memory_space<semaphore_mem>>
      %dma_start3A_73 = arith.constant 0 : i32
      %dma_start3A_74 = tpu.memref_slice %arg6[%add3A_64, %dma_start3A_73] : memref<10240x144xf32, #tpu.memory_space<vmem_shared>> -> memref<128x144xf32, #tpu.memory_space<vmem_shared>>
      %dma_start3A_75 = arith.constant 0 : i32
      %dma_start3A_76 = tpu.memref_slice %arg6[%add3A_64, %dma_start3A_75] : memref<10240x144xf32, #tpu.memory_space<vmem_shared>> -> memref<128x144xf32, #tpu.memory_space<vmem_shared>>
      tpu.enqueue_dma source(%dma_start3A_76 : memref<128x144xf32, #tpu.memory_space<vmem_shared>>) target(%arg11 : memref<128x144xf32, #tpu.memory_space<vmem>>) target_semaphore(%run_scoped3A : memref<!tpu.dma_semaphore, #tpu.memory_space<semaphore_mem>>)
      %dma_wait3A_77 = arith.constant 0 : i32
      %dma_wait3A_78 = tpu.memref_slice %arg6[%add3A_64, %dma_wait3A_77] : memref<10240x144xf32, #tpu.memory_space<vmem_shared>> -> memref<128x144xf32, #tpu.memory_space<vmem_shared>>
      %dma_wait3A_79 = arith.constant 0 : i32
      %dma_wait3A_80 = tpu.memref_slice %arg6[%add3A_64, %dma_wait3A_79] : memref<10240x144xf32, #tpu.memory_space<vmem_shared>> -> memref<128x144xf32, #tpu.memory_space<vmem_shared>>
      tpu.wait_dma2 semaphore(%run_scoped3A : memref<!tpu.dma_semaphore, #tpu.memory_space<semaphore_mem>>) src(%dma_wait3A_80 : memref<128x144xf32, #tpu.memory_space<vmem_shared>>) dst(%arg11 : memref<128x144xf32, #tpu.memory_space<vmem>>)
      tpu.yield
    }) : () -> ()
    "tpu.region"() ({
      %run_scoped3A = tpu.sem_alloc : memref<!tpu.dma_semaphore, #tpu.memory_space<semaphore_mem>>
      %dma_start3A_73 = arith.constant 0 : i32
      %dma_start3A_74 = tpu.memref_slice %arg5[%arg0, %add3A_64, %dma_start3A_73] : memref<2x10240x144xf32, #tpu.memory_space<hbm>> -> memref<1x128x144xf32, #tpu.memory_space<hbm>>
      %dma_start3A_75 = tpu.memref_squeeze %dma_start3A_74 : memref<1x128x144xf32, #tpu.memory_space<hbm>> -> memref<128x144xf32, #tpu.memory_space<hbm>>
      %dma_start3A_76 = arith.constant 0 : i32
      %dma_start3A_77 = tpu.memref_slice %arg5[%arg0, %add3A_64, %dma_start3A_76] : memref<2x10240x144xf32, #tpu.memory_space<hbm>> -> memref<1x128x144xf32, #tpu.memory_space<hbm>>
      %dma_start3A_78 = tpu.memref_squeeze %dma_start3A_77 : memref<1x128x144xf32, #tpu.memory_space<hbm>> -> memref<128x144xf32, #tpu.memory_space<hbm>>
      tpu.enqueue_dma source(%arg11 : memref<128x144xf32, #tpu.memory_space<vmem>>) target(%dma_start3A_78 : memref<128x144xf32, #tpu.memory_space<hbm>>) target_semaphore(%run_scoped3A : memref<!tpu.dma_semaphore, #tpu.memory_space<semaphore_mem>>)
      %dma_wait3A_79 = arith.constant 0 : i32
      %dma_wait3A_80 = tpu.memref_slice %arg5[%arg0, %add3A_64, %dma_wait3A_79] : memref<2x10240x144xf32, #tpu.memory_space<hbm>> -> memref<1x128x144xf32, #tpu.memory_space<hbm>>
      %dma_wait3A_81 = tpu.memref_squeeze %dma_wait3A_80 : memref<1x128x144xf32, #tpu.memory_space<hbm>> -> memref<128x144xf32, #tpu.memory_space<hbm>>
      %dma_wait3A_82 = arith.constant 0 : i32
      %dma_wait3A_83 = tpu.memref_slice %arg5[%arg0, %add3A_64, %dma_wait3A_82] : memref<2x10240x144xf32, #tpu.memory_space<hbm>> -> memref<1x128x144xf32, #tpu.memory_space<hbm>>
      %dma_wait3A_84 = tpu.memref_squeeze %dma_wait3A_83 : memref<1x128x144xf32, #tpu.memory_space<hbm>> -> memref<128x144xf32, #tpu.memory_space<hbm>>
      tpu.wait_dma2 semaphore(%run_scoped3A : memref<!tpu.dma_semaphore, #tpu.memory_space<semaphore_mem>>) src(%arg11 : memref<128x144xf32, #tpu.memory_space<vmem>>) dst(%dma_wait3A_84 : memref<128x144xf32, #tpu.memory_space<hbm>>)
      tpu.yield
    }) : () -> ()
    %mul3A_65 = arith.constant 640 : i32
    %mul3A_66 = arith.muli %arg1, %mul3A_65 : i32
    %add3A_67 = arith.constant 384 : i32
    %add3A_68 = arith.addi %mul3A_66, %add3A_67 : i32
    "tpu.region"() ({
      %run_scoped3A = tpu.sem_alloc : memref<!tpu.dma_semaphore, #tpu.memory_space<semaphore_mem>>
      %dma_start3A_73 = arith.constant 0 : i32
      %dma_start3A_74 = tpu.memref_slice %arg6[%add3A_68, %dma_start3A_73] : memref<10240x144xf32, #tpu.memory_space<vmem_shared>> -> memref<128x144xf32, #tpu.memory_space<vmem_shared>>
      %dma_start3A_75 = arith.constant 0 : i32
      %dma_start3A_76 = tpu.memref_slice %arg6[%add3A_68, %dma_start3A_75] : memref<10240x144xf32, #tpu.memory_space<vmem_shared>> -> memref<128x144xf32, #tpu.memory_space<vmem_shared>>
      tpu.enqueue_dma source(%dma_start3A_76 : memref<128x144xf32, #tpu.memory_space<vmem_shared>>) target(%arg11 : memref<128x144xf32, #tpu.memory_space<vmem>>) target_semaphore(%run_scoped3A : memref<!tpu.dma_semaphore, #tpu.memory_space<semaphore_mem>>)
      %dma_wait3A_77 = arith.constant 0 : i32
      %dma_wait3A_78 = tpu.memref_slice %arg6[%add3A_68, %dma_wait3A_77] : memref<10240x144xf32, #tpu.memory_space<vmem_shared>> -> memref<128x144xf32, #tpu.memory_space<vmem_shared>>
      %dma_wait3A_79 = arith.constant 0 : i32
      %dma_wait3A_80 = tpu.memref_slice %arg6[%add3A_68, %dma_wait3A_79] : memref<10240x144xf32, #tpu.memory_space<vmem_shared>> -> memref<128x144xf32, #tpu.memory_space<vmem_shared>>
      tpu.wait_dma2 semaphore(%run_scoped3A : memref<!tpu.dma_semaphore, #tpu.memory_space<semaphore_mem>>) src(%dma_wait3A_80 : memref<128x144xf32, #tpu.memory_space<vmem_shared>>) dst(%arg11 : memref<128x144xf32, #tpu.memory_space<vmem>>)
      tpu.yield
    }) : () -> ()
    "tpu.region"() ({
      %run_scoped3A = tpu.sem_alloc : memref<!tpu.dma_semaphore, #tpu.memory_space<semaphore_mem>>
      %dma_start3A_73 = arith.constant 0 : i32
      %dma_start3A_74 = tpu.memref_slice %arg5[%arg0, %add3A_68, %dma_start3A_73] : memref<2x10240x144xf32, #tpu.memory_space<hbm>> -> memref<1x128x144xf32, #tpu.memory_space<hbm>>
      %dma_start3A_75 = tpu.memref_squeeze %dma_start3A_74 : memref<1x128x144xf32, #tpu.memory_space<hbm>> -> memref<128x144xf32, #tpu.memory_space<hbm>>
      %dma_start3A_76 = arith.constant 0 : i32
      %dma_start3A_77 = tpu.memref_slice %arg5[%arg0, %add3A_68, %dma_start3A_76] : memref<2x10240x144xf32, #tpu.memory_space<hbm>> -> memref<1x128x144xf32, #tpu.memory_space<hbm>>
      %dma_start3A_78 = tpu.memref_squeeze %dma_start3A_77 : memref<1x128x144xf32, #tpu.memory_space<hbm>> -> memref<128x144xf32, #tpu.memory_space<hbm>>
      tpu.enqueue_dma source(%arg11 : memref<128x144xf32, #tpu.memory_space<vmem>>) target(%dma_start3A_78 : memref<128x144xf32, #tpu.memory_space<hbm>>) target_semaphore(%run_scoped3A : memref<!tpu.dma_semaphore, #tpu.memory_space<semaphore_mem>>)
      %dma_wait3A_79 = arith.constant 0 : i32
      %dma_wait3A_80 = tpu.memref_slice %arg5[%arg0, %add3A_68, %dma_wait3A_79] : memref<2x10240x144xf32, #tpu.memory_space<hbm>> -> memref<1x128x144xf32, #tpu.memory_space<hbm>>
      %dma_wait3A_81 = tpu.memref_squeeze %dma_wait3A_80 : memref<1x128x144xf32, #tpu.memory_space<hbm>> -> memref<128x144xf32, #tpu.memory_space<hbm>>
      %dma_wait3A_82 = arith.constant 0 : i32
      %dma_wait3A_83 = tpu.memref_slice %arg5[%arg0, %add3A_68, %dma_wait3A_82] : memref<2x10240x144xf32, #tpu.memory_space<hbm>> -> memref<1x128x144xf32, #tpu.memory_space<hbm>>
      %dma_wait3A_84 = tpu.memref_squeeze %dma_wait3A_83 : memref<1x128x144xf32, #tpu.memory_space<hbm>> -> memref<128x144xf32, #tpu.memory_space<hbm>>
      tpu.wait_dma2 semaphore(%run_scoped3A : memref<!tpu.dma_semaphore, #tpu.memory_space<semaphore_mem>>) src(%arg11 : memref<128x144xf32, #tpu.memory_space<vmem>>) dst(%dma_wait3A_84 : memref<128x144xf32, #tpu.memory_space<hbm>>)
      tpu.yield
    }) : () -> ()
    %mul3A_69 = arith.constant 640 : i32
    %mul3A_70 = arith.muli %arg1, %mul3A_69 : i32
    %add3A_71 = arith.constant 512 : i32
    %add3A_72 = arith.addi %mul3A_70, %add3A_71 : i32
    "tpu.region"() ({
      %run_scoped3A = tpu.sem_alloc : memref<!tpu.dma_semaphore, #tpu.memory_space<semaphore_mem>>
      %dma_start3A_73 = arith.constant 0 : i32
      %dma_start3A_74 = tpu.memref_slice %arg6[%add3A_72, %dma_start3A_73] : memref<10240x144xf32, #tpu.memory_space<vmem_shared>> -> memref<128x144xf32, #tpu.memory_space<vmem_shared>>
      %dma_start3A_75 = arith.constant 0 : i32
      %dma_start3A_76 = tpu.memref_slice %arg6[%add3A_72, %dma_start3A_75] : memref<10240x144xf32, #tpu.memory_space<vmem_shared>> -> memref<128x144xf32, #tpu.memory_space<vmem_shared>>
      tpu.enqueue_dma source(%dma_start3A_76 : memref<128x144xf32, #tpu.memory_space<vmem_shared>>) target(%arg11 : memref<128x144xf32, #tpu.memory_space<vmem>>) target_semaphore(%run_scoped3A : memref<!tpu.dma_semaphore, #tpu.memory_space<semaphore_mem>>)
      %dma_wait3A_77 = arith.constant 0 : i32
      %dma_wait3A_78 = tpu.memref_slice %arg6[%add3A_72, %dma_wait3A_77] : memref<10240x144xf32, #tpu.memory_space<vmem_shared>> -> memref<128x144xf32, #tpu.memory_space<vmem_shared>>
      %dma_wait3A_79 = arith.constant 0 : i32
      %dma_wait3A_80 = tpu.memref_slice %arg6[%add3A_72, %dma_wait3A_79] : memref<10240x144xf32, #tpu.memory_space<vmem_shared>> -> memref<128x144xf32, #tpu.memory_space<vmem_shared>>
      tpu.wait_dma2 semaphore(%run_scoped3A : memref<!tpu.dma_semaphore, #tpu.memory_space<semaphore_mem>>) src(%dma_wait3A_80 : memref<128x144xf32, #tpu.memory_space<vmem_shared>>) dst(%arg11 : memref<128x144xf32, #tpu.memory_space<vmem>>)
      tpu.yield
    }) : () -> ()
    "tpu.region"() ({
      %run_scoped3A = tpu.sem_alloc : memref<!tpu.dma_semaphore, #tpu.memory_space<semaphore_mem>>
      %dma_start3A_73 = arith.constant 0 : i32
      %dma_start3A_74 = tpu.memref_slice %arg5[%arg0, %add3A_72, %dma_start3A_73] : memref<2x10240x144xf32, #tpu.memory_space<hbm>> -> memref<1x128x144xf32, #tpu.memory_space<hbm>>
      %dma_start3A_75 = tpu.memref_squeeze %dma_start3A_74 : memref<1x128x144xf32, #tpu.memory_space<hbm>> -> memref<128x144xf32, #tpu.memory_space<hbm>>
      %dma_start3A_76 = arith.constant 0 : i32
      %dma_start3A_77 = tpu.memref_slice %arg5[%arg0, %add3A_72, %dma_start3A_76] : memref<2x10240x144xf32, #tpu.memory_space<hbm>> -> memref<1x128x144xf32, #tpu.memory_space<hbm>>
      %dma_start3A_78 = tpu.memref_squeeze %dma_start3A_77 : memref<1x128x144xf32, #tpu.memory_space<hbm>> -> memref<128x144xf32, #tpu.memory_space<hbm>>
      tpu.enqueue_dma source(%arg11 : memref<128x144xf32, #tpu.memory_space<vmem>>) target(%dma_start3A_78 : memref<128x144xf32, #tpu.memory_space<hbm>>) target_semaphore(%run_scoped3A : memref<!tpu.dma_semaphore, #tpu.memory_space<semaphore_mem>>)
      %dma_wait3A_79 = arith.constant 0 : i32
      %dma_wait3A_80 = tpu.memref_slice %arg5[%arg0, %add3A_72, %dma_wait3A_79] : memref<2x10240x144xf32, #tpu.memory_space<hbm>> -> memref<1x128x144xf32, #tpu.memory_space<hbm>>
      %dma_wait3A_81 = tpu.memref_squeeze %dma_wait3A_80 : memref<1x128x144xf32, #tpu.memory_space<hbm>> -> memref<128x144xf32, #tpu.memory_space<hbm>>
      %dma_wait3A_82 = arith.constant 0 : i32
      %dma_wait3A_83 = tpu.memref_slice %arg5[%arg0, %add3A_72, %dma_wait3A_82] : memref<2x10240x144xf32, #tpu.memory_space<hbm>> -> memref<1x128x144xf32, #tpu.memory_space<hbm>>
      %dma_wait3A_84 = tpu.memref_squeeze %dma_wait3A_83 : memref<1x128x144xf32, #tpu.memory_space<hbm>> -> memref<128x144xf32, #tpu.memory_space<hbm>>
      tpu.wait_dma2 semaphore(%run_scoped3A : memref<!tpu.dma_semaphore, #tpu.memory_space<semaphore_mem>>) src(%arg11 : memref<128x144xf32, #tpu.memory_space<vmem>>) dst(%dma_wait3A_84 : memref<128x144xf32, #tpu.memory_space<hbm>>)
      tpu.yield
    }) : () -> ()
    return
  }
}

#map = affine_map<(d0, d1) -> (0, 0)>
#map1 = affine_map<(d0, d1) -> (0)>
#map2 = affine_map<(d0, d1) -> (0, 0, 0)>
module attributes {stable_mosaic.version = 14 : i64} {
  func.func @_seg_body(%arg0: i32, %arg1: i32, %arg2: memref<10240x144xf32, #tpu.memory_space<hbm>>, %arg3: memref<323584xi32, #tpu.memory_space<hbm>>, %arg4: memref<323584xi32, #tpu.memory_space<hbm>>, %arg5: memref<2x10240x144xf32, #tpu.memory_space<hbm>>, %arg6: memref<10240x144xf32, #tpu.memory_space<vmem_shared>>, %arg7: memref<128xi32, #tpu.memory_space<vmem>>, %arg8: memref<128xi32, #tpu.memory_space<vmem>>, %arg9: memref<128xi32, #tpu.memory_space<vmem>>, %arg10: memref<128xi32, #tpu.memory_space<vmem>>, %arg11: memref<128x144xf32, #tpu.memory_space<vmem>>, %arg12: memref<128x144xf32, #tpu.memory_space<vmem>>, %arg13: memref<!tpu.dma_semaphore, #tpu.memory_space<semaphore_mem>>, %arg14: memref<!tpu.dma_semaphore, #tpu.memory_space<semaphore_mem>>, %arg15: memref<!tpu.dma_semaphore, #tpu.memory_space<semaphore_mem>>, %arg16: memref<!tpu.dma_semaphore, #tpu.memory_space<semaphore_mem>>) attributes {dimension_semantics = [#tpu.dimension_semantics<core_parallel>, #tpu.dimension_semantics<subcore_parallel>], iteration_bounds = array<i64: 2, 16>, scalar_prefetch = 0 : i64, scratch_operands = 11 : i64, tpu.core_type = #tpu.core_type<sc_vector_subcore>, window_params = [{transform_indices = #map}, {transform_indices = #map1}, {transform_indices = #map1}, {transform_indices = #map2}]} {
    %mul3A = arith.constant 16 : i32
    %mul3A_0 = arith.muli %arg0, %mul3A : i32
    %add3A = arith.addi %mul3A_0, %arg1 : i32
    %scan3A = arith.constant 0 : i32
    %scan3A_1 = arith.constant 128 : i32
    %scan3A_2 = arith.addi %scan3A, %scan3A_1 : i32
    %scan3A_3 = arith.constant 1 : i32
    scf.for %scan3A_73 = %scan3A to %scan3A_2 step %scan3A_3  : i32 {
      %broadcast_in_dim3A = arith.constant 0.000000e+00 : f32
      %broadcast_in_dim3A_74 = vector.broadcast %broadcast_in_dim3A : f32 to vector<16xf32>
      %swap3A = arith.index_cast %scan3A_73 : i32 to index
      %swap3A_75 = arith.constant 0 : index
      %swap3A_76 = tpu.vector_load %arg11[%swap3A, %swap3A_75] {strides = array<i32>} : memref<128x144xf32, #tpu.memory_space<vmem>>, vector<1x16xf32>,
      %swap3A_77 = vector.shape_cast %swap3A_76 : vector<1x16xf32> to vector<16xf32>
      %swap3A_78 = vector.shape_cast %broadcast_in_dim3A_74 : vector<16xf32> to vector<1x16xf32>
      tpu.vector_store %arg11[%swap3A, %swap3A_75], %swap3A_78 {strides = array<i32>} : memref<128x144xf32, #tpu.memory_space<vmem>>, vector<1x16xf32>,
      %broadcast_in_dim3A_79 = arith.constant 0.000000e+00 : f32
      %broadcast_in_dim3A_80 = vector.broadcast %broadcast_in_dim3A_79 : f32 to vector<16xf32>
      %swap3A_81 = arith.index_cast %scan3A_73 : i32 to index
      %swap3A_82 = arith.constant 16 : index
      %swap3A_83 = tpu.vector_load %arg11[%swap3A_81, %swap3A_82] {strides = array<i32>} : memref<128x144xf32, #tpu.memory_space<vmem>>, vector<1x16xf32>,
      %swap3A_84 = vector.shape_cast %swap3A_83 : vector<1x16xf32> to vector<16xf32>
      %swap3A_85 = vector.shape_cast %broadcast_in_dim3A_80 : vector<16xf32> to vector<1x16xf32>
      tpu.vector_store %arg11[%swap3A_81, %swap3A_82], %swap3A_85 {strides = array<i32>} : memref<128x144xf32, #tpu.memory_space<vmem>>, vector<1x16xf32>,
      %broadcast_in_dim3A_86 = arith.constant 0.000000e+00 : f32
      %broadcast_in_dim3A_87 = vector.broadcast %broadcast_in_dim3A_86 : f32 to vector<16xf32>
      %swap3A_88 = arith.index_cast %scan3A_73 : i32 to index
      %swap3A_89 = arith.constant 32 : index
      %swap3A_90 = tpu.vector_load %arg11[%swap3A_88, %swap3A_89] {strides = array<i32>} : memref<128x144xf32, #tpu.memory_space<vmem>>, vector<1x16xf32>,
      %swap3A_91 = vector.shape_cast %swap3A_90 : vector<1x16xf32> to vector<16xf32>
      %swap3A_92 = vector.shape_cast %broadcast_in_dim3A_87 : vector<16xf32> to vector<1x16xf32>
      tpu.vector_store %arg11[%swap3A_88, %swap3A_89], %swap3A_92 {strides = array<i32>} : memref<128x144xf32, #tpu.memory_space<vmem>>, vector<1x16xf32>,
      %broadcast_in_dim3A_93 = arith.constant 0.000000e+00 : f32
      %broadcast_in_dim3A_94 = vector.broadcast %broadcast_in_dim3A_93 : f32 to vector<16xf32>
      %swap3A_95 = arith.index_cast %scan3A_73 : i32 to index
      %swap3A_96 = arith.constant 48 : index
      %swap3A_97 = tpu.vector_load %arg11[%swap3A_95, %swap3A_96] {strides = array<i32>} : memref<128x144xf32, #tpu.memory_space<vmem>>, vector<1x16xf32>,
      %swap3A_98 = vector.shape_cast %swap3A_97 : vector<1x16xf32> to vector<16xf32>
      %swap3A_99 = vector.shape_cast %broadcast_in_dim3A_94 : vector<16xf32> to vector<1x16xf32>
      tpu.vector_store %arg11[%swap3A_95, %swap3A_96], %swap3A_99 {strides = array<i32>} : memref<128x144xf32, #tpu.memory_space<vmem>>, vector<1x16xf32>,
      %broadcast_in_dim3A_100 = arith.constant 0.000000e+00 : f32
      %broadcast_in_dim3A_101 = vector.broadcast %broadcast_in_dim3A_100 : f32 to vector<16xf32>
      %swap3A_102 = arith.index_cast %scan3A_73 : i32 to index
      %swap3A_103 = arith.constant 64 : index
      %swap3A_104 = tpu.vector_load %arg11[%swap3A_102, %swap3A_103] {strides = array<i32>} : memref<128x144xf32, #tpu.memory_space<vmem>>, vector<1x16xf32>,
      %swap3A_105 = vector.shape_cast %swap3A_104 : vector<1x16xf32> to vector<16xf32>
      %swap3A_106 = vector.shape_cast %broadcast_in_dim3A_101 : vector<16xf32> to vector<1x16xf32>
      tpu.vector_store %arg11[%swap3A_102, %swap3A_103], %swap3A_106 {strides = array<i32>} : memref<128x144xf32, #tpu.memory_space<vmem>>, vector<1x16xf32>,
      %broadcast_in_dim3A_107 = arith.constant 0.000000e+00 : f32
      %broadcast_in_dim3A_108 = vector.broadcast %broadcast_in_dim3A_107 : f32 to vector<16xf32>
      %swap3A_109 = arith.index_cast %scan3A_73 : i32 to index
      %swap3A_110 = arith.constant 80 : index
      %swap3A_111 = tpu.vector_load %arg11[%swap3A_109, %swap3A_110] {strides = array<i32>} : memref<128x144xf32, #tpu.memory_space<vmem>>, vector<1x16xf32>,
      %swap3A_112 = vector.shape_cast %swap3A_111 : vector<1x16xf32> to vector<16xf32>
      %swap3A_113 = vector.shape_cast %broadcast_in_dim3A_108 : vector<16xf32> to vector<1x16xf32>
      tpu.vector_store %arg11[%swap3A_109, %swap3A_110], %swap3A_113 {strides = array<i32>} : memref<128x144xf32, #tpu.memory_space<vmem>>, vector<1x16xf32>,
      %broadcast_in_dim3A_114 = arith.constant 0.000000e+00 : f32
      %broadcast_in_dim3A_115 = vector.broadcast %broadcast_in_dim3A_114 : f32 to vector<16xf32>
      %swap3A_116 = arith.index_cast %scan3A_73 : i32 to index
      %swap3A_117 = arith.constant 96 : index
      %swap3A_118 = tpu.vector_load %arg11[%swap3A_116, %swap3A_117] {strides = array<i32>} : memref<128x144xf32, #tpu.memory_space<vmem>>, vector<1x16xf32>,
      %swap3A_119 = vector.shape_cast %swap3A_118 : vector<1x16xf32> to vector<16xf32>
      %swap3A_120 = vector.shape_cast %broadcast_in_dim3A_115 : vector<16xf32> to vector<1x16xf32>
      tpu.vector_store %arg11[%swap3A_116, %swap3A_117], %swap3A_120 {strides = array<i32>} : memref<128x144xf32, #tpu.memory_space<vmem>>, vector<1x16xf32>,
      %broadcast_in_dim3A_121 = arith.constant 0.000000e+00 : f32
      %broadcast_in_dim3A_122 = vector.broadcast %broadcast_in_dim3A_121 : f32 to vector<16xf32>
      %swap3A_123 = arith.index_cast %scan3A_73 : i32 to index
      %swap3A_124 = arith.constant 112 : index
      %swap3A_125 = tpu.vector_load %arg11[%swap3A_123, %swap3A_124] {strides = array<i32>} : memref<128x144xf32, #tpu.memory_space<vmem>>, vector<1x16xf32>,
      %swap3A_126 = vector.shape_cast %swap3A_125 : vector<1x16xf32> to vector<16xf32>
      %swap3A_127 = vector.shape_cast %broadcast_in_dim3A_122 : vector<16xf32> to vector<1x16xf32>
      tpu.vector_store %arg11[%swap3A_123, %swap3A_124], %swap3A_127 {strides = array<i32>} : memref<128x144xf32, #tpu.memory_space<vmem>>, vector<1x16xf32>,
      %broadcast_in_dim3A_128 = arith.constant 0.000000e+00 : f32
      %broadcast_in_dim3A_129 = vector.broadcast %broadcast_in_dim3A_128 : f32 to vector<16xf32>
      %swap3A_130 = arith.index_cast %scan3A_73 : i32 to index
      %swap3A_131 = arith.constant 128 : index
      %swap3A_132 = tpu.vector_load %arg11[%swap3A_130, %swap3A_131] {strides = array<i32>} : memref<128x144xf32, #tpu.memory_space<vmem>>, vector<1x16xf32>,
      %swap3A_133 = vector.shape_cast %swap3A_132 : vector<1x16xf32> to vector<16xf32>
      %swap3A_134 = vector.shape_cast %broadcast_in_dim3A_129 : vector<16xf32> to vector<1x16xf32>
      tpu.vector_store %arg11[%swap3A_130, %swap3A_131], %swap3A_134 {strides = array<i32>} : memref<128x144xf32, #tpu.memory_space<vmem>>, vector<1x16xf32>,
    }
    %scan3A_4 = arith.constant 128 : i32
    %mul3A_5 = arith.constant 640 : i32
    %mul3A_6 = arith.muli %arg1, %mul3A_5 : i32
    %add3A_7 = arith.constant 0 : i32
    %add3A_8 = arith.addi %mul3A_6, %add3A_7 : i32
    "tpu.region"() ({
      %run_scoped3A = tpu.sem_alloc : memref<!tpu.dma_semaphore, #tpu.memory_space<semaphore_mem>>
      %dma_start3A_73 = arith.constant 0 : i32
      %dma_start3A_74 = tpu.memref_slice %arg6[%add3A_8, %dma_start3A_73] : memref<10240x144xf32, #tpu.memory_space<vmem_shared>> -> memref<128x144xf32, #tpu.memory_space<vmem_shared>>
      %dma_start3A_75 = arith.constant 0 : i32
      %dma_start3A_76 = tpu.memref_slice %arg6[%add3A_8, %dma_start3A_75] : memref<10240x144xf32, #tpu.memory_space<vmem_shared>> -> memref<128x144xf32, #tpu.memory_space<vmem_shared>>
      tpu.enqueue_dma source(%arg11 : memref<128x144xf32, #tpu.memory_space<vmem>>) target(%dma_start3A_76 : memref<128x144xf32, #tpu.memory_space<vmem_shared>>) target_semaphore(%run_scoped3A : memref<!tpu.dma_semaphore, #tpu.memory_space<semaphore_mem>>)
      %dma_wait3A_77 = arith.constant 0 : i32
      %dma_wait3A_78 = tpu.memref_slice %arg6[%add3A_8, %dma_wait3A_77] : memref<10240x144xf32, #tpu.memory_space<vmem_shared>> -> memref<128x144xf32, #tpu.memory_space<vmem_shared>>
      %dma_wait3A_79 = arith.constant 0 : i32
      %dma_wait3A_80 = tpu.memref_slice %arg6[%add3A_8, %dma_wait3A_79] : memref<10240x144xf32, #tpu.memory_space<vmem_shared>> -> memref<128x144xf32, #tpu.memory_space<vmem_shared>>
      tpu.wait_dma2 semaphore(%run_scoped3A : memref<!tpu.dma_semaphore, #tpu.memory_space<semaphore_mem>>) src(%arg11 : memref<128x144xf32, #tpu.memory_space<vmem>>) dst(%dma_wait3A_80 : memref<128x144xf32, #tpu.memory_space<vmem_shared>>)
      tpu.yield
    }) : () -> ()
    %mul3A_9 = arith.constant 640 : i32
    %mul3A_10 = arith.muli %arg1, %mul3A_9 : i32
    %add3A_11 = arith.constant 128 : i32
    %add3A_12 = arith.addi %mul3A_10, %add3A_11 : i32
    "tpu.region"() ({
      %run_scoped3A = tpu.sem_alloc : memref<!tpu.dma_semaphore, #tpu.memory_space<semaphore_mem>>
      %dma_start3A_73 = arith.constant 0 : i32
      %dma_start3A_74 = tpu.memref_slice %arg6[%add3A_12, %dma_start3A_73] : memref<10240x144xf32, #tpu.memory_space<vmem_shared>> -> memref<128x144xf32, #tpu.memory_space<vmem_shared>>
      %dma_start3A_75 = arith.constant 0 : i32
      %dma_start3A_76 = tpu.memref_slice %arg6[%add3A_12, %dma_start3A_75] : memref<10240x144xf32, #tpu.memory_space<vmem_shared>> -> memref<128x144xf32, #tpu.memory_space<vmem_shared>>
      tpu.enqueue_dma source(%arg11 : memref<128x144xf32, #tpu.memory_space<vmem>>) target(%dma_start3A_76 : memref<128x144xf32, #tpu.memory_space<vmem_shared>>) target_semaphore(%run_scoped3A : memref<!tpu.dma_semaphore, #tpu.memory_space<semaphore_mem>>)
      %dma_wait3A_77 = arith.constant 0 : i32
      %dma_wait3A_78 = tpu.memref_slice %arg6[%add3A_12, %dma_wait3A_77] : memref<10240x144xf32, #tpu.memory_space<vmem_shared>> -> memref<128x144xf32, #tpu.memory_space<vmem_shared>>
      %dma_wait3A_79 = arith.constant 0 : i32
      %dma_wait3A_80 = tpu.memref_slice %arg6[%add3A_12, %dma_wait3A_79] : memref<10240x144xf32, #tpu.memory_space<vmem_shared>> -> memref<128x144xf32, #tpu.memory_space<vmem_shared>>
      tpu.wait_dma2 semaphore(%run_scoped3A : memref<!tpu.dma_semaphore, #tpu.memory_space<semaphore_mem>>) src(%arg11 : memref<128x144xf32, #tpu.memory_space<vmem>>) dst(%dma_wait3A_80 : memref<128x144xf32, #tpu.memory_space<vmem_shared>>)
      tpu.yield
    }) : () -> ()
    %mul3A_13 = arith.constant 640 : i32
    %mul3A_14 = arith.muli %arg1, %mul3A_13 : i32
    %add3A_15 = arith.constant 256 : i32
    %add3A_16 = arith.addi %mul3A_14, %add3A_15 : i32
    "tpu.region"() ({
      %run_scoped3A = tpu.sem_alloc : memref<!tpu.dma_semaphore, #tpu.memory_space<semaphore_mem>>
      %dma_start3A_73 = arith.constant 0 : i32
      %dma_start3A_74 = tpu.memref_slice %arg6[%add3A_16, %dma_start3A_73] : memref<10240x144xf32, #tpu.memory_space<vmem_shared>> -> memref<128x144xf32, #tpu.memory_space<vmem_shared>>
      %dma_start3A_75 = arith.constant 0 : i32
      %dma_start3A_76 = tpu.memref_slice %arg6[%add3A_16, %dma_start3A_75] : memref<10240x144xf32, #tpu.memory_space<vmem_shared>> -> memref<128x144xf32, #tpu.memory_space<vmem_shared>>
      tpu.enqueue_dma source(%arg11 : memref<128x144xf32, #tpu.memory_space<vmem>>) target(%dma_start3A_76 : memref<128x144xf32, #tpu.memory_space<vmem_shared>>) target_semaphore(%run_scoped3A : memref<!tpu.dma_semaphore, #tpu.memory_space<semaphore_mem>>)
      %dma_wait3A_77 = arith.constant 0 : i32
      %dma_wait3A_78 = tpu.memref_slice %arg6[%add3A_16, %dma_wait3A_77] : memref<10240x144xf32, #tpu.memory_space<vmem_shared>> -> memref<128x144xf32, #tpu.memory_space<vmem_shared>>
      %dma_wait3A_79 = arith.constant 0 : i32
      %dma_wait3A_80 = tpu.memref_slice %arg6[%add3A_16, %dma_wait3A_79] : memref<10240x144xf32, #tpu.memory_space<vmem_shared>> -> memref<128x144xf32, #tpu.memory_space<vmem_shared>>
      tpu.wait_dma2 semaphore(%run_scoped3A : memref<!tpu.dma_semaphore, #tpu.memory_space<semaphore_mem>>) src(%arg11 : memref<128x144xf32, #tpu.memory_space<vmem>>) dst(%dma_wait3A_80 : memref<128x144xf32, #tpu.memory_space<vmem_shared>>)
      tpu.yield
    }) : () -> ()
    %mul3A_17 = arith.constant 640 : i32
    %mul3A_18 = arith.muli %arg1, %mul3A_17 : i32
    %add3A_19 = arith.constant 384 : i32
    %add3A_20 = arith.addi %mul3A_18, %add3A_19 : i32
    "tpu.region"() ({
      %run_scoped3A = tpu.sem_alloc : memref<!tpu.dma_semaphore, #tpu.memory_space<semaphore_mem>>
      %dma_start3A_73 = arith.constant 0 : i32
      %dma_start3A_74 = tpu.memref_slice %arg6[%add3A_20, %dma_start3A_73] : memref<10240x144xf32, #tpu.memory_space<vmem_shared>> -> memref<128x144xf32, #tpu.memory_space<vmem_shared>>
      %dma_start3A_75 = arith.constant 0 : i32
      %dma_start3A_76 = tpu.memref_slice %arg6[%add3A_20, %dma_start3A_75] : memref<10240x144xf32, #tpu.memory_space<vmem_shared>> -> memref<128x144xf32, #tpu.memory_space<vmem_shared>>
      tpu.enqueue_dma source(%arg11 : memref<128x144xf32, #tpu.memory_space<vmem>>) target(%dma_start3A_76 : memref<128x144xf32, #tpu.memory_space<vmem_shared>>) target_semaphore(%run_scoped3A : memref<!tpu.dma_semaphore, #tpu.memory_space<semaphore_mem>>)
      %dma_wait3A_77 = arith.constant 0 : i32
      %dma_wait3A_78 = tpu.memref_slice %arg6[%add3A_20, %dma_wait3A_77] : memref<10240x144xf32, #tpu.memory_space<vmem_shared>> -> memref<128x144xf32, #tpu.memory_space<vmem_shared>>
      %dma_wait3A_79 = arith.constant 0 : i32
      %dma_wait3A_80 = tpu.memref_slice %arg6[%add3A_20, %dma_wait3A_79] : memref<10240x144xf32, #tpu.memory_space<vmem_shared>> -> memref<128x144xf32, #tpu.memory_space<vmem_shared>>
      tpu.wait_dma2 semaphore(%run_scoped3A : memref<!tpu.dma_semaphore, #tpu.memory_space<semaphore_mem>>) src(%arg11 : memref<128x144xf32, #tpu.memory_space<vmem>>) dst(%dma_wait3A_80 : memref<128x144xf32, #tpu.memory_space<vmem_shared>>)
      tpu.yield
    }) : () -> ()
    %mul3A_21 = arith.constant 640 : i32
    %mul3A_22 = arith.muli %arg1, %mul3A_21 : i32
    %add3A_23 = arith.constant 512 : i32
    %add3A_24 = arith.addi %mul3A_22, %add3A_23 : i32
    "tpu.region"() ({
      %run_scoped3A = tpu.sem_alloc : memref<!tpu.dma_semaphore, #tpu.memory_space<semaphore_mem>>
      %dma_start3A_73 = arith.constant 0 : i32
      %dma_start3A_74 = tpu.memref_slice %arg6[%add3A_24, %dma_start3A_73] : memref<10240x144xf32, #tpu.memory_space<vmem_shared>> -> memref<128x144xf32, #tpu.memory_space<vmem_shared>>
      %dma_start3A_75 = arith.constant 0 : i32
      %dma_start3A_76 = tpu.memref_slice %arg6[%add3A_24, %dma_start3A_75] : memref<10240x144xf32, #tpu.memory_space<vmem_shared>> -> memref<128x144xf32, #tpu.memory_space<vmem_shared>>
      tpu.enqueue_dma source(%arg11 : memref<128x144xf32, #tpu.memory_space<vmem>>) target(%dma_start3A_76 : memref<128x144xf32, #tpu.memory_space<vmem_shared>>) target_semaphore(%run_scoped3A : memref<!tpu.dma_semaphore, #tpu.memory_space<semaphore_mem>>)
      %dma_wait3A_77 = arith.constant 0 : i32
      %dma_wait3A_78 = tpu.memref_slice %arg6[%add3A_24, %dma_wait3A_77] : memref<10240x144xf32, #tpu.memory_space<vmem_shared>> -> memref<128x144xf32, #tpu.memory_space<vmem_shared>>
      %dma_wait3A_79 = arith.constant 0 : i32
      %dma_wait3A_80 = tpu.memref_slice %arg6[%add3A_24, %dma_wait3A_79] : memref<10240x144xf32, #tpu.memory_space<vmem_shared>> -> memref<128x144xf32, #tpu.memory_space<vmem_shared>>
      tpu.wait_dma2 semaphore(%run_scoped3A : memref<!tpu.dma_semaphore, #tpu.memory_space<semaphore_mem>>) src(%arg11 : memref<128x144xf32, #tpu.memory_space<vmem>>) dst(%dma_wait3A_80 : memref<128x144xf32, #tpu.memory_space<vmem_shared>>)
      tpu.yield
    }) : () -> ()
    %barrier3A = arith.constant 0 : index
    tpu.barrier barrier_id(%barrier3A)
    %scan3A_25 = arith.constant 0 : i32
    %scan3A_26 = arith.constant 39 : i32
    %scan3A_27 = arith.addi %scan3A_25, %scan3A_26 : i32
    %scan3A_28 = arith.constant 1 : i32
    scf.for %scan3A_73 = %scan3A_25 to %scan3A_27 step %scan3A_28  : i32 {
      %mul3A_74 = arith.constant 2 : i32
      %mul3A_75 = arith.muli %mul3A_74, %scan3A_73 : i32
      %ge3A = arith.constant 2 : i32
      %ge3A_76 = arith.cmpi sge, %mul3A_75, %ge3A : i32
      %convert_element_type3A = arith.extui %ge3A_76 : i1 to i32
      %cond3A = arith.constant 0 : i32
      %cond3A_77 = arith.cmpi ne, %convert_element_type3A, %cond3A : i32
      scf.if %cond3A_77 {
        %dma_wait3A_113 = arith.constant 0 : i32
        %dma_wait3A_114 = arith.constant 0 : i32
        %dma_wait3A_115 = tpu.memref_slice %arg6[%dma_wait3A_113, %dma_wait3A_114] : memref<10240x144xf32, #tpu.memory_space<vmem_shared>> -> memref<10240x144xf32, #tpu.memory_space<vmem_shared>>
        tpu.wait_indirect_dma semaphore(%arg15 : memref<!tpu.dma_semaphore, #tpu.memory_space<semaphore_mem>>) src(%arg11 : memref<128x144xf32, #tpu.memory_space<vmem>>) dst(%dma_wait3A_115 : memref<10240x144xf32, #tpu.memory_space<vmem_shared>>)
      } else {
      }
      %mul3A_78 = arith.constant 79 : i32
      %mul3A_79 = arith.muli %add3A, %mul3A_78 : i32
      %add3A_80 = arith.addi %mul3A_79, %mul3A_75 : i32
      %mul3A_81 = arith.constant 128 : i32
      %mul3A_82 = arith.muli %add3A_80, %mul3A_81 : i32
      "tpu.region"() ({
        %run_scoped3A = tpu.sem_alloc : memref<!tpu.dma_semaphore, #tpu.memory_space<semaphore_mem>>
        %dma_start3A_113 = tpu.memref_slice %arg3[%mul3A_82] : memref<323584xi32, #tpu.memory_space<hbm>> -> memref<128xi32, #tpu.memory_space<hbm>>
        %dma_start3A_114 = tpu.memref_slice %arg3[%mul3A_82] : memref<323584xi32, #tpu.memory_space<hbm>> -> memref<128xi32, #tpu.memory_space<hbm>>
        tpu.enqueue_dma source(%dma_start3A_114 : memref<128xi32, #tpu.memory_space<hbm>>) target(%arg7 : memref<128xi32, #tpu.memory_space<vmem>>) target_semaphore(%run_scoped3A : memref<!tpu.dma_semaphore, #tpu.memory_space<semaphore_mem>>)
        %dma_wait3A_115 = tpu.memref_slice %arg3[%mul3A_82] : memref<323584xi32, #tpu.memory_space<hbm>> -> memref<128xi32, #tpu.memory_space<hbm>>
        %dma_wait3A_116 = tpu.memref_slice %arg3[%mul3A_82] : memref<323584xi32, #tpu.memory_space<hbm>> -> memref<128xi32, #tpu.memory_space<hbm>>
        tpu.wait_dma2 semaphore(%run_scoped3A : memref<!tpu.dma_semaphore, #tpu.memory_space<semaphore_mem>>) src(%dma_wait3A_116 : memref<128xi32, #tpu.memory_space<hbm>>) dst(%arg7 : memref<128xi32, #tpu.memory_space<vmem>>)
        tpu.yield
      }) : () -> ()
      "tpu.region"() ({
        %run_scoped3A = tpu.sem_alloc : memref<!tpu.dma_semaphore, #tpu.memory_space<semaphore_mem>>
        %dma_start3A_113 = tpu.memref_slice %arg4[%mul3A_82] : memref<323584xi32, #tpu.memory_space<hbm>> -> memref<128xi32, #tpu.memory_space<hbm>>
        %dma_start3A_114 = tpu.memref_slice %arg4[%mul3A_82] : memref<323584xi32, #tpu.memory_space<hbm>> -> memref<128xi32, #tpu.memory_space<hbm>>
        tpu.enqueue_dma source(%dma_start3A_114 : memref<128xi32, #tpu.memory_space<hbm>>) target(%arg9 : memref<128xi32, #tpu.memory_space<vmem>>) target_semaphore(%run_scoped3A : memref<!tpu.dma_semaphore, #tpu.memory_space<semaphore_mem>>)
        %dma_wait3A_115 = tpu.memref_slice %arg4[%mul3A_82] : memref<323584xi32, #tpu.memory_space<hbm>> -> memref<128xi32, #tpu.memory_space<hbm>>
        %dma_wait3A_116 = tpu.memref_slice %arg4[%mul3A_82] : memref<323584xi32, #tpu.memory_space<hbm>> -> memref<128xi32, #tpu.memory_space<hbm>>
        tpu.wait_dma2 semaphore(%run_scoped3A : memref<!tpu.dma_semaphore, #tpu.memory_space<semaphore_mem>>) src(%dma_wait3A_116 : memref<128xi32, #tpu.memory_space<hbm>>) dst(%arg9 : memref<128xi32, #tpu.memory_space<vmem>>)
        tpu.yield
      }) : () -> ()
      %dma_start3A_83 = arith.constant 0 : i32
      %dma_start3A_84 = arith.constant 0 : i32
      %dma_start3A_85 = tpu.memref_slice %arg2[%dma_start3A_83, %dma_start3A_84] : memref<10240x144xf32, #tpu.memory_space<hbm>> -> memref<10240x144xf32, #tpu.memory_space<hbm>>
      tpu.enqueue_indirect_dma source(%dma_start3A_85 : memref<10240x144xf32, #tpu.memory_space<hbm>>) target(%arg11 : memref<128x144xf32, #tpu.memory_space<vmem>>) offsets(%arg7 : memref<128xi32, #tpu.memory_space<vmem>>) semaphore(%arg13 : memref<!tpu.dma_semaphore, #tpu.memory_space<semaphore_mem>>)
      %dma_wait3A_86 = arith.constant 0 : i32
      %dma_wait3A_87 = arith.constant 0 : i32
      %dma_wait3A_88 = tpu.memref_slice %arg2[%dma_wait3A_86, %dma_wait3A_87] : memref<10240x144xf32, #tpu.memory_space<hbm>> -> memref<10240x144xf32, #tpu.memory_space<hbm>>
      tpu.wait_indirect_dma semaphore(%arg13 : memref<!tpu.dma_semaphore, #tpu.memory_space<semaphore_mem>>) src(%dma_wait3A_88 : memref<10240x144xf32, #tpu.memory_space<hbm>>) dst(%arg11 : memref<128x144xf32, #tpu.memory_space<vmem>>)
      %dma_start3A_89 = arith.constant 0 : i32
      %dma_start3A_90 = arith.constant 0 : i32
      %dma_start3A_91 = tpu.memref_slice %arg6[%dma_start3A_89, %dma_start3A_90] : memref<10240x144xf32, #tpu.memory_space<vmem_shared>> -> memref<10240x144xf32, #tpu.memory_space<vmem_shared>>
      tpu.enqueue_indirect_dma source(%arg11 : memref<128x144xf32, #tpu.memory_space<vmem>>) target(%dma_start3A_91 : memref<10240x144xf32, #tpu.memory_space<vmem_shared>>) offsets(%arg9 : memref<128xi32, #tpu.memory_space<vmem>>) semaphore(%arg15 : memref<!tpu.dma_semaphore, #tpu.memory_space<semaphore_mem>>) {add = true}
      %add3A_92 = arith.constant 1 : i32
      %add3A_93 = arith.addi %mul3A_75, %add3A_92 : i32
      %ge3A_94 = arith.constant 2 : i32
      %ge3A_95 = arith.cmpi sge, %add3A_93, %ge3A_94 : i32
      %convert_element_type3A_96 = arith.extui %ge3A_95 : i1 to i32
      %cond3A_97 = arith.constant 0 : i32
      %cond3A_98 = arith.cmpi ne, %convert_element_type3A_96, %cond3A_97 : i32
      scf.if %cond3A_98 {
        %dma_wait3A_113 = arith.constant 0 : i32
        %dma_wait3A_114 = arith.constant 0 : i32
        %dma_wait3A_115 = tpu.memref_slice %arg6[%dma_wait3A_113, %dma_wait3A_114] : memref<10240x144xf32, #tpu.memory_space<vmem_shared>> -> memref<10240x144xf32, #tpu.memory_space<vmem_shared>>
        tpu.wait_indirect_dma semaphore(%arg16 : memref<!tpu.dma_semaphore, #tpu.memory_space<semaphore_mem>>) src(%arg12 : memref<128x144xf32, #tpu.memory_space<vmem>>) dst(%dma_wait3A_115 : memref<10240x144xf32, #tpu.memory_space<vmem_shared>>)
      } else {
      }
      %mul3A_99 = arith.constant 79 : i32
      %mul3A_100 = arith.muli %add3A, %mul3A_99 : i32
      %add3A_101 = arith.addi %mul3A_100, %add3A_93 : i32
      %mul3A_102 = arith.constant 128 : i32
      %mul3A_103 = arith.muli %add3A_101, %mul3A_102 : i32
      "tpu.region"() ({
        %run_scoped3A = tpu.sem_alloc : memref<!tpu.dma_semaphore, #tpu.memory_space<semaphore_mem>>
        %dma_start3A_113 = tpu.memref_slice %arg3[%mul3A_103] : memref<323584xi32, #tpu.memory_space<hbm>> -> memref<128xi32, #tpu.memory_space<hbm>>
        %dma_start3A_114 = tpu.memref_slice %arg3[%mul3A_103] : memref<323584xi32, #tpu.memory_space<hbm>> -> memref<128xi32, #tpu.memory_space<hbm>>
        tpu.enqueue_dma source(%dma_start3A_114 : memref<128xi32, #tpu.memory_space<hbm>>) target(%arg8 : memref<128xi32, #tpu.memory_space<vmem>>) target_semaphore(%run_scoped3A : memref<!tpu.dma_semaphore, #tpu.memory_space<semaphore_mem>>)
        %dma_wait3A_115 = tpu.memref_slice %arg3[%mul3A_103] : memref<323584xi32, #tpu.memory_space<hbm>> -> memref<128xi32, #tpu.memory_space<hbm>>
        %dma_wait3A_116 = tpu.memref_slice %arg3[%mul3A_103] : memref<323584xi32, #tpu.memory_space<hbm>> -> memref<128xi32, #tpu.memory_space<hbm>>
        tpu.wait_dma2 semaphore(%run_scoped3A : memref<!tpu.dma_semaphore, #tpu.memory_space<semaphore_mem>>) src(%dma_wait3A_116 : memref<128xi32, #tpu.memory_space<hbm>>) dst(%arg8 : memref<128xi32, #tpu.memory_space<vmem>>)
        tpu.yield
      }) : () -> ()
      "tpu.region"() ({
        %run_scoped3A = tpu.sem_alloc : memref<!tpu.dma_semaphore, #tpu.memory_space<semaphore_mem>>
        %dma_start3A_113 = tpu.memref_slice %arg4[%mul3A_103] : memref<323584xi32, #tpu.memory_space<hbm>> -> memref<128xi32, #tpu.memory_space<hbm>>
        %dma_start3A_114 = tpu.memref_slice %arg4[%mul3A_103] : memref<323584xi32, #tpu.memory_space<hbm>> -> memref<128xi32, #tpu.memory_space<hbm>>
        tpu.enqueue_dma source(%dma_start3A_114 : memref<128xi32, #tpu.memory_space<hbm>>) target(%arg10 : memref<128xi32, #tpu.memory_space<vmem>>) target_semaphore(%run_scoped3A : memref<!tpu.dma_semaphore, #tpu.memory_space<semaphore_mem>>)
        %dma_wait3A_115 = tpu.memref_slice %arg4[%mul3A_103] : memref<323584xi32, #tpu.memory_space<hbm>> -> memref<128xi32, #tpu.memory_space<hbm>>
        %dma_wait3A_116 = tpu.memref_slice %arg4[%mul3A_103] : memref<323584xi32, #tpu.memory_space<hbm>> -> memref<128xi32, #tpu.memory_space<hbm>>
        tpu.wait_dma2 semaphore(%run_scoped3A : memref<!tpu.dma_semaphore, #tpu.memory_space<semaphore_mem>>) src(%dma_wait3A_116 : memref<128xi32, #tpu.memory_space<hbm>>) dst(%arg10 : memref<128xi32, #tpu.memory_space<vmem>>)
        tpu.yield
      }) : () -> ()
      %dma_start3A_104 = arith.constant 0 : i32
      %dma_start3A_105 = arith.constant 0 : i32
      %dma_start3A_106 = tpu.memref_slice %arg2[%dma_start3A_104, %dma_start3A_105] : memref<10240x144xf32, #tpu.memory_space<hbm>> -> memref<10240x144xf32, #tpu.memory_space<hbm>>
      tpu.enqueue_indirect_dma source(%dma_start3A_106 : memref<10240x144xf32, #tpu.memory_space<hbm>>) target(%arg12 : memref<128x144xf32, #tpu.memory_space<vmem>>) offsets(%arg8 : memref<128xi32, #tpu.memory_space<vmem>>) semaphore(%arg14 : memref<!tpu.dma_semaphore, #tpu.memory_space<semaphore_mem>>)
      %dma_wait3A_107 = arith.constant 0 : i32
      %dma_wait3A_108 = arith.constant 0 : i32
      %dma_wait3A_109 = tpu.memref_slice %arg2[%dma_wait3A_107, %dma_wait3A_108] : memref<10240x144xf32, #tpu.memory_space<hbm>> -> memref<10240x144xf32, #tpu.memory_space<hbm>>
      tpu.wait_indirect_dma semaphore(%arg14 : memref<!tpu.dma_semaphore, #tpu.memory_space<semaphore_mem>>) src(%dma_wait3A_109 : memref<10240x144xf32, #tpu.memory_space<hbm>>) dst(%arg12 : memref<128x144xf32, #tpu.memory_space<vmem>>)
      %dma_start3A_110 = arith.constant 0 : i32
      %dma_start3A_111 = arith.constant 0 : i32
      %dma_start3A_112 = tpu.memref_slice %arg6[%dma_start3A_110, %dma_start3A_111] : memref<10240x144xf32, #tpu.memory_space<vmem_shared>> -> memref<10240x144xf32, #tpu.memory_space<vmem_shared>>
      tpu.enqueue_indirect_dma source(%arg12 : memref<128x144xf32, #tpu.memory_space<vmem>>) target(%dma_start3A_112 : memref<10240x144xf32, #tpu.memory_space<vmem_shared>>) offsets(%arg10 : memref<128xi32, #tpu.memory_space<vmem>>) semaphore(%arg16 : memref<!tpu.dma_semaphore, #tpu.memory_space<semaphore_mem>>) {add = true}
    }
    %scan3A_29 = arith.constant 39 : i32
    %dma_wait3A = arith.constant 0 : i32
    %dma_wait3A_30 = arith.constant 0 : i32
    %dma_wait3A_31 = tpu.memref_slice %arg6[%dma_wait3A, %dma_wait3A_30] : memref<10240x144xf32, #tpu.memory_space<vmem_shared>> -> memref<10240x144xf32, #tpu.memory_space<vmem_shared>>
    tpu.wait_indirect_dma semaphore(%arg15 : memref<!tpu.dma_semaphore, #tpu.memory_space<semaphore_mem>>) src(%arg11 : memref<128x144xf32, #tpu.memory_space<vmem>>) dst(%dma_wait3A_31 : memref<10240x144xf32, #tpu.memory_space<vmem_shared>>)
    %mul3A_32 = arith.constant 79 : i32
    %mul3A_33 = arith.muli %add3A, %mul3A_32 : i32
    %add3A_34 = arith.constant 78 : i32
    %add3A_35 = arith.addi %mul3A_33, %add3A_34 : i32
    %mul3A_36 = arith.constant 128 : i32
    %mul3A_37 = arith.muli %add3A_35, %mul3A_36 : i32
    "tpu.region"() ({
      %run_scoped3A = tpu.sem_alloc : memref<!tpu.dma_semaphore, #tpu.memory_space<semaphore_mem>>
      %dma_start3A_73 = tpu.memref_slice %arg3[%mul3A_37] : memref<323584xi32, #tpu.memory_space<hbm>> -> memref<128xi32, #tpu.memory_space<hbm>>
      %dma_start3A_74 = tpu.memref_slice %arg3[%mul3A_37] : memref<323584xi32, #tpu.memory_space<hbm>> -> memref<128xi32, #tpu.memory_space<hbm>>
      tpu.enqueue_dma source(%dma_start3A_74 : memref<128xi32, #tpu.memory_space<hbm>>) target(%arg7 : memref<128xi32, #tpu.memory_space<vmem>>) target_semaphore(%run_scoped3A : memref<!tpu.dma_semaphore, #tpu.memory_space<semaphore_mem>>)
      %dma_wait3A_75 = tpu.memref_slice %arg3[%mul3A_37] : memref<323584xi32, #tpu.memory_space<hbm>> -> memref<128xi32, #tpu.memory_space<hbm>>
      %dma_wait3A_76 = tpu.memref_slice %arg3[%mul3A_37] : memref<323584xi32, #tpu.memory_space<hbm>> -> memref<128xi32, #tpu.memory_space<hbm>>
      tpu.wait_dma2 semaphore(%run_scoped3A : memref<!tpu.dma_semaphore, #tpu.memory_space<semaphore_mem>>) src(%dma_wait3A_76 : memref<128xi32, #tpu.memory_space<hbm>>) dst(%arg7 : memref<128xi32, #tpu.memory_space<vmem>>)
      tpu.yield
    }) : () -> ()
    "tpu.region"() ({
      %run_scoped3A = tpu.sem_alloc : memref<!tpu.dma_semaphore, #tpu.memory_space<semaphore_mem>>
      %dma_start3A_73 = tpu.memref_slice %arg4[%mul3A_37] : memref<323584xi32, #tpu.memory_space<hbm>> -> memref<128xi32, #tpu.memory_space<hbm>>
      %dma_start3A_74 = tpu.memref_slice %arg4[%mul3A_37] : memref<323584xi32, #tpu.memory_space<hbm>> -> memref<128xi32, #tpu.memory_space<hbm>>
      tpu.enqueue_dma source(%dma_start3A_74 : memref<128xi32, #tpu.memory_space<hbm>>) target(%arg9 : memref<128xi32, #tpu.memory_space<vmem>>) target_semaphore(%run_scoped3A : memref<!tpu.dma_semaphore, #tpu.memory_space<semaphore_mem>>)
      %dma_wait3A_75 = tpu.memref_slice %arg4[%mul3A_37] : memref<323584xi32, #tpu.memory_space<hbm>> -> memref<128xi32, #tpu.memory_space<hbm>>
      %dma_wait3A_76 = tpu.memref_slice %arg4[%mul3A_37] : memref<323584xi32, #tpu.memory_space<hbm>> -> memref<128xi32, #tpu.memory_space<hbm>>
      tpu.wait_dma2 semaphore(%run_scoped3A : memref<!tpu.dma_semaphore, #tpu.memory_space<semaphore_mem>>) src(%dma_wait3A_76 : memref<128xi32, #tpu.memory_space<hbm>>) dst(%arg9 : memref<128xi32, #tpu.memory_space<vmem>>)
      tpu.yield
    }) : () -> ()
    %dma_start3A = arith.constant 0 : i32
    %dma_start3A_38 = arith.constant 0 : i32
    %dma_start3A_39 = tpu.memref_slice %arg2[%dma_start3A, %dma_start3A_38] : memref<10240x144xf32, #tpu.memory_space<hbm>> -> memref<10240x144xf32, #tpu.memory_space<hbm>>
    tpu.enqueue_indirect_dma source(%dma_start3A_39 : memref<10240x144xf32, #tpu.memory_space<hbm>>) target(%arg11 : memref<128x144xf32, #tpu.memory_space<vmem>>) offsets(%arg7 : memref<128xi32, #tpu.memory_space<vmem>>) semaphore(%arg13 : memref<!tpu.dma_semaphore, #tpu.memory_space<semaphore_mem>>)
    %dma_wait3A_40 = arith.constant 0 : i32
    %dma_wait3A_41 = arith.constant 0 : i32
    %dma_wait3A_42 = tpu.memref_slice %arg2[%dma_wait3A_40, %dma_wait3A_41] : memref<10240x144xf32, #tpu.memory_space<hbm>> -> memref<10240x144xf32, #tpu.memory_space<hbm>>
    tpu.wait_indirect_dma semaphore(%arg13 : memref<!tpu.dma_semaphore, #tpu.memory_space<semaphore_mem>>) src(%dma_wait3A_42 : memref<10240x144xf32, #tpu.memory_space<hbm>>) dst(%arg11 : memref<128x144xf32, #tpu.memory_space<vmem>>)
    %dma_start3A_43 = arith.constant 0 : i32
    %dma_start3A_44 = arith.constant 0 : i32
    %dma_start3A_45 = tpu.memref_slice %arg6[%dma_start3A_43, %dma_start3A_44] : memref<10240x144xf32, #tpu.memory_space<vmem_shared>> -> memref<10240x144xf32, #tpu.memory_space<vmem_shared>>
    tpu.enqueue_indirect_dma source(%arg11 : memref<128x144xf32, #tpu.memory_space<vmem>>) target(%dma_start3A_45 : memref<10240x144xf32, #tpu.memory_space<vmem_shared>>) offsets(%arg9 : memref<128xi32, #tpu.memory_space<vmem>>) semaphore(%arg15 : memref<!tpu.dma_semaphore, #tpu.memory_space<semaphore_mem>>) {add = true}
    %dma_wait3A_46 = arith.constant 0 : i32
    %dma_wait3A_47 = arith.constant 0 : i32
    %dma_wait3A_48 = tpu.memref_slice %arg6[%dma_wait3A_46, %dma_wait3A_47] : memref<10240x144xf32, #tpu.memory_space<vmem_shared>> -> memref<10240x144xf32, #tpu.memory_space<vmem_shared>>
    tpu.wait_indirect_dma semaphore(%arg15 : memref<!tpu.dma_semaphore, #tpu.memory_space<semaphore_mem>>) src(%arg11 : memref<128x144xf32, #tpu.memory_space<vmem>>) dst(%dma_wait3A_48 : memref<10240x144xf32, #tpu.memory_space<vmem_shared>>)
    %dma_wait3A_49 = arith.constant 0 : i32
    %dma_wait3A_50 = arith.constant 0 : i32
    %dma_wait3A_51 = tpu.memref_slice %arg6[%dma_wait3A_49, %dma_wait3A_50] : memref<10240x144xf32, #tpu.memory_space<vmem_shared>> -> memref<10240x144xf32, #tpu.memory_space<vmem_shared>>
    tpu.wait_indirect_dma semaphore(%arg16 : memref<!tpu.dma_semaphore, #tpu.memory_space<semaphore_mem>>) src(%arg12 : memref<128x144xf32, #tpu.memory_space<vmem>>) dst(%dma_wait3A_51 : memref<10240x144xf32, #tpu.memory_space<vmem_shared>>)
    %barrier3A_52 = arith.constant 0 : index
    tpu.barrier barrier_id(%barrier3A_52)
    %mul3A_53 = arith.constant 640 : i32
    %mul3A_54 = arith.muli %arg1, %mul3A_53 : i32
    %add3A_55 = arith.constant 0 : i32
    %add3A_56 = arith.addi %mul3A_54, %add3A_55 : i32
    "tpu.region"() ({
      %run_scoped3A = tpu.sem_alloc : memref<!tpu.dma_semaphore, #tpu.memory_space<semaphore_mem>>
      %dma_start3A_73 = arith.constant 0 : i32
      %dma_start3A_74 = tpu.memref_slice %arg6[%add3A_56, %dma_start3A_73] : memref<10240x144xf32, #tpu.memory_space<vmem_shared>> -> memref<128x144xf32, #tpu.memory_space<vmem_shared>>
      %dma_start3A_75 = arith.constant 0 : i32
      %dma_start3A_76 = tpu.memref_slice %arg6[%add3A_56, %dma_start3A_75] : memref<10240x144xf32, #tpu.memory_space<vmem_shared>> -> memref<128x144xf32, #tpu.memory_space<vmem_shared>>
      tpu.enqueue_dma source(%dma_start3A_76 : memref<128x144xf32, #tpu.memory_space<vmem_shared>>) target(%arg11 : memref<128x144xf32, #tpu.memory_space<vmem>>) target_semaphore(%run_scoped3A : memref<!tpu.dma_semaphore, #tpu.memory_space<semaphore_mem>>)
      %dma_wait3A_77 = arith.constant 0 : i32
      %dma_wait3A_78 = tpu.memref_slice %arg6[%add3A_56, %dma_wait3A_77] : memref<10240x144xf32, #tpu.memory_space<vmem_shared>> -> memref<128x144xf32, #tpu.memory_space<vmem_shared>>
      %dma_wait3A_79 = arith.constant 0 : i32
      %dma_wait3A_80 = tpu.memref_slice %arg6[%add3A_56, %dma_wait3A_79] : memref<10240x144xf32, #tpu.memory_space<vmem_shared>> -> memref<128x144xf32, #tpu.memory_space<vmem_shared>>
      tpu.wait_dma2 semaphore(%run_scoped3A : memref<!tpu.dma_semaphore, #tpu.memory_space<semaphore_mem>>) src(%dma_wait3A_80 : memref<128x144xf32, #tpu.memory_space<vmem_shared>>) dst(%arg11 : memref<128x144xf32, #tpu.memory_space<vmem>>)
      tpu.yield
    }) : () -> ()
    "tpu.region"() ({
      %run_scoped3A = tpu.sem_alloc : memref<!tpu.dma_semaphore, #tpu.memory_space<semaphore_mem>>
      %dma_start3A_73 = arith.constant 0 : i32
      %dma_start3A_74 = tpu.memref_slice %arg5[%arg0, %add3A_56, %dma_start3A_73] : memref<2x10240x144xf32, #tpu.memory_space<hbm>> -> memref<1x128x144xf32, #tpu.memory_space<hbm>>
      %dma_start3A_75 = tpu.memref_squeeze %dma_start3A_74 : memref<1x128x144xf32, #tpu.memory_space<hbm>> -> memref<128x144xf32, #tpu.memory_space<hbm>>
      %dma_start3A_76 = arith.constant 0 : i32
      %dma_start3A_77 = tpu.memref_slice %arg5[%arg0, %add3A_56, %dma_start3A_76] : memref<2x10240x144xf32, #tpu.memory_space<hbm>> -> memref<1x128x144xf32, #tpu.memory_space<hbm>>
      %dma_start3A_78 = tpu.memref_squeeze %dma_start3A_77 : memref<1x128x144xf32, #tpu.memory_space<hbm>> -> memref<128x144xf32, #tpu.memory_space<hbm>>
      tpu.enqueue_dma source(%arg11 : memref<128x144xf32, #tpu.memory_space<vmem>>) target(%dma_start3A_78 : memref<128x144xf32, #tpu.memory_space<hbm>>) target_semaphore(%run_scoped3A : memref<!tpu.dma_semaphore, #tpu.memory_space<semaphore_mem>>)
      %dma_wait3A_79 = arith.constant 0 : i32
      %dma_wait3A_80 = tpu.memref_slice %arg5[%arg0, %add3A_56, %dma_wait3A_79] : memref<2x10240x144xf32, #tpu.memory_space<hbm>> -> memref<1x128x144xf32, #tpu.memory_space<hbm>>
      %dma_wait3A_81 = tpu.memref_squeeze %dma_wait3A_80 : memref<1x128x144xf32, #tpu.memory_space<hbm>> -> memref<128x144xf32, #tpu.memory_space<hbm>>
      %dma_wait3A_82 = arith.constant 0 : i32
      %dma_wait3A_83 = tpu.memref_slice %arg5[%arg0, %add3A_56, %dma_wait3A_82] : memref<2x10240x144xf32, #tpu.memory_space<hbm>> -> memref<1x128x144xf32, #tpu.memory_space<hbm>>
      %dma_wait3A_84 = tpu.memref_squeeze %dma_wait3A_83 : memref<1x128x144xf32, #tpu.memory_space<hbm>> -> memref<128x144xf32, #tpu.memory_space<hbm>>
      tpu.wait_dma2 semaphore(%run_scoped3A : memref<!tpu.dma_semaphore, #tpu.memory_space<semaphore_mem>>) src(%arg11 : memref<128x144xf32, #tpu.memory_space<vmem>>) dst(%dma_wait3A_84 : memref<128x144xf32, #tpu.memory_space<hbm>>)
      tpu.yield
    }) : () -> ()
    %mul3A_57 = arith.constant 640 : i32
    %mul3A_58 = arith.muli %arg1, %mul3A_57 : i32
    %add3A_59 = arith.constant 128 : i32
    %add3A_60 = arith.addi %mul3A_58, %add3A_59 : i32
    "tpu.region"() ({
      %run_scoped3A = tpu.sem_alloc : memref<!tpu.dma_semaphore, #tpu.memory_space<semaphore_mem>>
      %dma_start3A_73 = arith.constant 0 : i32
      %dma_start3A_74 = tpu.memref_slice %arg6[%add3A_60, %dma_start3A_73] : memref<10240x144xf32, #tpu.memory_space<vmem_shared>> -> memref<128x144xf32, #tpu.memory_space<vmem_shared>>
      %dma_start3A_75 = arith.constant 0 : i32
      %dma_start3A_76 = tpu.memref_slice %arg6[%add3A_60, %dma_start3A_75] : memref<10240x144xf32, #tpu.memory_space<vmem_shared>> -> memref<128x144xf32, #tpu.memory_space<vmem_shared>>
      tpu.enqueue_dma source(%dma_start3A_76 : memref<128x144xf32, #tpu.memory_space<vmem_shared>>) target(%arg11 : memref<128x144xf32, #tpu.memory_space<vmem>>) target_semaphore(%run_scoped3A : memref<!tpu.dma_semaphore, #tpu.memory_space<semaphore_mem>>)
      %dma_wait3A_77 = arith.constant 0 : i32
      %dma_wait3A_78 = tpu.memref_slice %arg6[%add3A_60, %dma_wait3A_77] : memref<10240x144xf32, #tpu.memory_space<vmem_shared>> -> memref<128x144xf32, #tpu.memory_space<vmem_shared>>
      %dma_wait3A_79 = arith.constant 0 : i32
      %dma_wait3A_80 = tpu.memref_slice %arg6[%add3A_60, %dma_wait3A_79] : memref<10240x144xf32, #tpu.memory_space<vmem_shared>> -> memref<128x144xf32, #tpu.memory_space<vmem_shared>>
      tpu.wait_dma2 semaphore(%run_scoped3A : memref<!tpu.dma_semaphore, #tpu.memory_space<semaphore_mem>>) src(%dma_wait3A_80 : memref<128x144xf32, #tpu.memory_space<vmem_shared>>) dst(%arg11 : memref<128x144xf32, #tpu.memory_space<vmem>>)
      tpu.yield
    }) : () -> ()
    "tpu.region"() ({
      %run_scoped3A = tpu.sem_alloc : memref<!tpu.dma_semaphore, #tpu.memory_space<semaphore_mem>>
      %dma_start3A_73 = arith.constant 0 : i32
      %dma_start3A_74 = tpu.memref_slice %arg5[%arg0, %add3A_60, %dma_start3A_73] : memref<2x10240x144xf32, #tpu.memory_space<hbm>> -> memref<1x128x144xf32, #tpu.memory_space<hbm>>
      %dma_start3A_75 = tpu.memref_squeeze %dma_start3A_74 : memref<1x128x144xf32, #tpu.memory_space<hbm>> -> memref<128x144xf32, #tpu.memory_space<hbm>>
      %dma_start3A_76 = arith.constant 0 : i32
      %dma_start3A_77 = tpu.memref_slice %arg5[%arg0, %add3A_60, %dma_start3A_76] : memref<2x10240x144xf32, #tpu.memory_space<hbm>> -> memref<1x128x144xf32, #tpu.memory_space<hbm>>
      %dma_start3A_78 = tpu.memref_squeeze %dma_start3A_77 : memref<1x128x144xf32, #tpu.memory_space<hbm>> -> memref<128x144xf32, #tpu.memory_space<hbm>>
      tpu.enqueue_dma source(%arg11 : memref<128x144xf32, #tpu.memory_space<vmem>>) target(%dma_start3A_78 : memref<128x144xf32, #tpu.memory_space<hbm>>) target_semaphore(%run_scoped3A : memref<!tpu.dma_semaphore, #tpu.memory_space<semaphore_mem>>)
      %dma_wait3A_79 = arith.constant 0 : i32
      %dma_wait3A_80 = tpu.memref_slice %arg5[%arg0, %add3A_60, %dma_wait3A_79] : memref<2x10240x144xf32, #tpu.memory_space<hbm>> -> memref<1x128x144xf32, #tpu.memory_space<hbm>>
      %dma_wait3A_81 = tpu.memref_squeeze %dma_wait3A_80 : memref<1x128x144xf32, #tpu.memory_space<hbm>> -> memref<128x144xf32, #tpu.memory_space<hbm>>
      %dma_wait3A_82 = arith.constant 0 : i32
      %dma_wait3A_83 = tpu.memref_slice %arg5[%arg0, %add3A_60, %dma_wait3A_82] : memref<2x10240x144xf32, #tpu.memory_space<hbm>> -> memref<1x128x144xf32, #tpu.memory_space<hbm>>
      %dma_wait3A_84 = tpu.memref_squeeze %dma_wait3A_83 : memref<1x128x144xf32, #tpu.memory_space<hbm>> -> memref<128x144xf32, #tpu.memory_space<hbm>>
      tpu.wait_dma2 semaphore(%run_scoped3A : memref<!tpu.dma_semaphore, #tpu.memory_space<semaphore_mem>>) src(%arg11 : memref<128x144xf32, #tpu.memory_space<vmem>>) dst(%dma_wait3A_84 : memref<128x144xf32, #tpu.memory_space<hbm>>)
      tpu.yield
    }) : () -> ()
    %mul3A_61 = arith.constant 640 : i32
    %mul3A_62 = arith.muli %arg1, %mul3A_61 : i32
    %add3A_63 = arith.constant 256 : i32
    %add3A_64 = arith.addi %mul3A_62, %add3A_63 : i32
    "tpu.region"() ({
      %run_scoped3A = tpu.sem_alloc : memref<!tpu.dma_semaphore, #tpu.memory_space<semaphore_mem>>
      %dma_start3A_73 = arith.constant 0 : i32
      %dma_start3A_74 = tpu.memref_slice %arg6[%add3A_64, %dma_start3A_73] : memref<10240x144xf32, #tpu.memory_space<vmem_shared>> -> memref<128x144xf32, #tpu.memory_space<vmem_shared>>
      %dma_start3A_75 = arith.constant 0 : i32
      %dma_start3A_76 = tpu.memref_slice %arg6[%add3A_64, %dma_start3A_75] : memref<10240x144xf32, #tpu.memory_space<vmem_shared>> -> memref<128x144xf32, #tpu.memory_space<vmem_shared>>
      tpu.enqueue_dma source(%dma_start3A_76 : memref<128x144xf32, #tpu.memory_space<vmem_shared>>) target(%arg11 : memref<128x144xf32, #tpu.memory_space<vmem>>) target_semaphore(%run_scoped3A : memref<!tpu.dma_semaphore, #tpu.memory_space<semaphore_mem>>)
      %dma_wait3A_77 = arith.constant 0 : i32
      %dma_wait3A_78 = tpu.memref_slice %arg6[%add3A_64, %dma_wait3A_77] : memref<10240x144xf32, #tpu.memory_space<vmem_shared>> -> memref<128x144xf32, #tpu.memory_space<vmem_shared>>
      %dma_wait3A_79 = arith.constant 0 : i32
      %dma_wait3A_80 = tpu.memref_slice %arg6[%add3A_64, %dma_wait3A_79] : memref<10240x144xf32, #tpu.memory_space<vmem_shared>> -> memref<128x144xf32, #tpu.memory_space<vmem_shared>>
      tpu.wait_dma2 semaphore(%run_scoped3A : memref<!tpu.dma_semaphore, #tpu.memory_space<semaphore_mem>>) src(%dma_wait3A_80 : memref<128x144xf32, #tpu.memory_space<vmem_shared>>) dst(%arg11 : memref<128x144xf32, #tpu.memory_space<vmem>>)
      tpu.yield
    }) : () -> ()
    "tpu.region"() ({
      %run_scoped3A = tpu.sem_alloc : memref<!tpu.dma_semaphore, #tpu.memory_space<semaphore_mem>>
      %dma_start3A_73 = arith.constant 0 : i32
      %dma_start3A_74 = tpu.memref_slice %arg5[%arg0, %add3A_64, %dma_start3A_73] : memref<2x10240x144xf32, #tpu.memory_space<hbm>> -> memref<1x128x144xf32, #tpu.memory_space<hbm>>
      %dma_start3A_75 = tpu.memref_squeeze %dma_start3A_74 : memref<1x128x144xf32, #tpu.memory_space<hbm>> -> memref<128x144xf32, #tpu.memory_space<hbm>>
      %dma_start3A_76 = arith.constant 0 : i32
      %dma_start3A_77 = tpu.memref_slice %arg5[%arg0, %add3A_64, %dma_start3A_76] : memref<2x10240x144xf32, #tpu.memory_space<hbm>> -> memref<1x128x144xf32, #tpu.memory_space<hbm>>
      %dma_start3A_78 = tpu.memref_squeeze %dma_start3A_77 : memref<1x128x144xf32, #tpu.memory_space<hbm>> -> memref<128x144xf32, #tpu.memory_space<hbm>>
      tpu.enqueue_dma source(%arg11 : memref<128x144xf32, #tpu.memory_space<vmem>>) target(%dma_start3A_78 : memref<128x144xf32, #tpu.memory_space<hbm>>) target_semaphore(%run_scoped3A : memref<!tpu.dma_semaphore, #tpu.memory_space<semaphore_mem>>)
      %dma_wait3A_79 = arith.constant 0 : i32
      %dma_wait3A_80 = tpu.memref_slice %arg5[%arg0, %add3A_64, %dma_wait3A_79] : memref<2x10240x144xf32, #tpu.memory_space<hbm>> -> memref<1x128x144xf32, #tpu.memory_space<hbm>>
      %dma_wait3A_81 = tpu.memref_squeeze %dma_wait3A_80 : memref<1x128x144xf32, #tpu.memory_space<hbm>> -> memref<128x144xf32, #tpu.memory_space<hbm>>
      %dma_wait3A_82 = arith.constant 0 : i32
      %dma_wait3A_83 = tpu.memref_slice %arg5[%arg0, %add3A_64, %dma_wait3A_82] : memref<2x10240x144xf32, #tpu.memory_space<hbm>> -> memref<1x128x144xf32, #tpu.memory_space<hbm>>
      %dma_wait3A_84 = tpu.memref_squeeze %dma_wait3A_83 : memref<1x128x144xf32, #tpu.memory_space<hbm>> -> memref<128x144xf32, #tpu.memory_space<hbm>>
      tpu.wait_dma2 semaphore(%run_scoped3A : memref<!tpu.dma_semaphore, #tpu.memory_space<semaphore_mem>>) src(%arg11 : memref<128x144xf32, #tpu.memory_space<vmem>>) dst(%dma_wait3A_84 : memref<128x144xf32, #tpu.memory_space<hbm>>)
      tpu.yield
    }) : () -> ()
    %mul3A_65 = arith.constant 640 : i32
    %mul3A_66 = arith.muli %arg1, %mul3A_65 : i32
    %add3A_67 = arith.constant 384 : i32
    %add3A_68 = arith.addi %mul3A_66, %add3A_67 : i32
    "tpu.region"() ({
      %run_scoped3A = tpu.sem_alloc : memref<!tpu.dma_semaphore, #tpu.memory_space<semaphore_mem>>
      %dma_start3A_73 = arith.constant 0 : i32
      %dma_start3A_74 = tpu.memref_slice %arg6[%add3A_68, %dma_start3A_73] : memref<10240x144xf32, #tpu.memory_space<vmem_shared>> -> memref<128x144xf32, #tpu.memory_space<vmem_shared>>
      %dma_start3A_75 = arith.constant 0 : i32
      %dma_start3A_76 = tpu.memref_slice %arg6[%add3A_68, %dma_start3A_75] : memref<10240x144xf32, #tpu.memory_space<vmem_shared>> -> memref<128x144xf32, #tpu.memory_space<vmem_shared>>
      tpu.enqueue_dma source(%dma_start3A_76 : memref<128x144xf32, #tpu.memory_space<vmem_shared>>) target(%arg11 : memref<128x144xf32, #tpu.memory_space<vmem>>) target_semaphore(%run_scoped3A : memref<!tpu.dma_semaphore, #tpu.memory_space<semaphore_mem>>)
      %dma_wait3A_77 = arith.constant 0 : i32
      %dma_wait3A_78 = tpu.memref_slice %arg6[%add3A_68, %dma_wait3A_77] : memref<10240x144xf32, #tpu.memory_space<vmem_shared>> -> memref<128x144xf32, #tpu.memory_space<vmem_shared>>
      %dma_wait3A_79 = arith.constant 0 : i32
      %dma_wait3A_80 = tpu.memref_slice %arg6[%add3A_68, %dma_wait3A_79] : memref<10240x144xf32, #tpu.memory_space<vmem_shared>> -> memref<128x144xf32, #tpu.memory_space<vmem_shared>>
      tpu.wait_dma2 semaphore(%run_scoped3A : memref<!tpu.dma_semaphore, #tpu.memory_space<semaphore_mem>>) src(%dma_wait3A_80 : memref<128x144xf32, #tpu.memory_space<vmem_shared>>) dst(%arg11 : memref<128x144xf32, #tpu.memory_space<vmem>>)
      tpu.yield
    }) : () -> ()
    "tpu.region"() ({
      %run_scoped3A = tpu.sem_alloc : memref<!tpu.dma_semaphore, #tpu.memory_space<semaphore_mem>>
      %dma_start3A_73 = arith.constant 0 : i32
      %dma_start3A_74 = tpu.memref_slice %arg5[%arg0, %add3A_68, %dma_start3A_73] : memref<2x10240x144xf32, #tpu.memory_space<hbm>> -> memref<1x128x144xf32, #tpu.memory_space<hbm>>
      %dma_start3A_75 = tpu.memref_squeeze %dma_start3A_74 : memref<1x128x144xf32, #tpu.memory_space<hbm>> -> memref<128x144xf32, #tpu.memory_space<hbm>>
      %dma_start3A_76 = arith.constant 0 : i32
      %dma_start3A_77 = tpu.memref_slice %arg5[%arg0, %add3A_68, %dma_start3A_76] : memref<2x10240x144xf32, #tpu.memory_space<hbm>> -> memref<1x128x144xf32, #tpu.memory_space<hbm>>
      %dma_start3A_78 = tpu.memref_squeeze %dma_start3A_77 : memref<1x128x144xf32, #tpu.memory_space<hbm>> -> memref<128x144xf32, #tpu.memory_space<hbm>>
      tpu.enqueue_dma source(%arg11 : memref<128x144xf32, #tpu.memory_space<vmem>>) target(%dma_start3A_78 : memref<128x144xf32, #tpu.memory_space<hbm>>) target_semaphore(%run_scoped3A : memref<!tpu.dma_semaphore, #tpu.memory_space<semaphore_mem>>)
      %dma_wait3A_79 = arith.constant 0 : i32
      %dma_wait3A_80 = tpu.memref_slice %arg5[%arg0, %add3A_68, %dma_wait3A_79] : memref<2x10240x144xf32, #tpu.memory_space<hbm>> -> memref<1x128x144xf32, #tpu.memory_space<hbm>>
      %dma_wait3A_81 = tpu.memref_squeeze %dma_wait3A_80 : memref<1x128x144xf32, #tpu.memory_space<hbm>> -> memref<128x144xf32, #tpu.memory_space<hbm>>
      %dma_wait3A_82 = arith.constant 0 : i32
      %dma_wait3A_83 = tpu.memref_slice %arg5[%arg0, %add3A_68, %dma_wait3A_82] : memref<2x10240x144xf32, #tpu.memory_space<hbm>> -> memref<1x128x144xf32, #tpu.memory_space<hbm>>
      %dma_wait3A_84 = tpu.memref_squeeze %dma_wait3A_83 : memref<1x128x144xf32, #tpu.memory_space<hbm>> -> memref<128x144xf32, #tpu.memory_space<hbm>>
      tpu.wait_dma2 semaphore(%run_scoped3A : memref<!tpu.dma_semaphore, #tpu.memory_space<semaphore_mem>>) src(%arg11 : memref<128x144xf32, #tpu.memory_space<vmem>>) dst(%dma_wait3A_84 : memref<128x144xf32, #tpu.memory_space<hbm>>)
      tpu.yield
    }) : () -> ()
    %mul3A_69 = arith.constant 640 : i32
    %mul3A_70 = arith.muli %arg1, %mul3A_69 : i32
    %add3A_71 = arith.constant 512 : i32
    %add3A_72 = arith.addi %mul3A_70, %add3A_71 : i32
    "tpu.region"() ({
      %run_scoped3A = tpu.sem_alloc : memref<!tpu.dma_semaphore, #tpu.memory_space<semaphore_mem>>
      %dma_start3A_73 = arith.constant 0 : i32
      %dma_start3A_74 = tpu.memref_slice %arg6[%add3A_72, %dma_start3A_73] : memref<10240x144xf32, #tpu.memory_space<vmem_shared>> -> memref<128x144xf32, #tpu.memory_space<vmem_shared>>
      %dma_start3A_75 = arith.constant 0 : i32
      %dma_start3A_76 = tpu.memref_slice %arg6[%add3A_72, %dma_start3A_75] : memref<10240x144xf32, #tpu.memory_space<vmem_shared>> -> memref<128x144xf32, #tpu.memory_space<vmem_shared>>
      tpu.enqueue_dma source(%dma_start3A_76 : memref<128x144xf32, #tpu.memory_space<vmem_shared>>) target(%arg11 : memref<128x144xf32, #tpu.memory_space<vmem>>) target_semaphore(%run_scoped3A : memref<!tpu.dma_semaphore, #tpu.memory_space<semaphore_mem>>)
      %dma_wait3A_77 = arith.constant 0 : i32
      %dma_wait3A_78 = tpu.memref_slice %arg6[%add3A_72, %dma_wait3A_77] : memref<10240x144xf32, #tpu.memory_space<vmem_shared>> -> memref<128x144xf32, #tpu.memory_space<vmem_shared>>
      %dma_wait3A_79 = arith.constant 0 : i32
      %dma_wait3A_80 = tpu.memref_slice %arg6[%add3A_72, %dma_wait3A_79] : memref<10240x144xf32, #tpu.memory_space<vmem_shared>> -> memref<128x144xf32, #tpu.memory_space<vmem_shared>>
      tpu.wait_dma2 semaphore(%run_scoped3A : memref<!tpu.dma_semaphore, #tpu.memory_space<semaphore_mem>>) src(%dma_wait3A_80 : memref<128x144xf32, #tpu.memory_space<vmem_shared>>) dst(%arg11 : memref<128x144xf32, #tpu.memory_space<vmem>>)
      tpu.yield
    }) : () -> ()
    "tpu.region"() ({
      %run_scoped3A = tpu.sem_alloc : memref<!tpu.dma_semaphore, #tpu.memory_space<semaphore_mem>>
      %dma_start3A_73 = arith.constant 0 : i32
      %dma_start3A_74 = tpu.memref_slice %arg5[%arg0, %add3A_72, %dma_start3A_73] : memref<2x10240x144xf32, #tpu.memory_space<hbm>> -> memref<1x128x144xf32, #tpu.memory_space<hbm>>
      %dma_start3A_75 = tpu.memref_squeeze %dma_start3A_74 : memref<1x128x144xf32, #tpu.memory_space<hbm>> -> memref<128x144xf32, #tpu.memory_space<hbm>>
      %dma_start3A_76 = arith.constant 0 : i32
      %dma_start3A_77 = tpu.memref_slice %arg5[%arg0, %add3A_72, %dma_start3A_76] : memref<2x10240x144xf32, #tpu.memory_space<hbm>> -> memref<1x128x144xf32, #tpu.memory_space<hbm>>
      %dma_start3A_78 = tpu.memref_squeeze %dma_start3A_77 : memref<1x128x144xf32, #tpu.memory_space<hbm>> -> memref<128x144xf32, #tpu.memory_space<hbm>>
      tpu.enqueue_dma source(%arg11 : memref<128x144xf32, #tpu.memory_space<vmem>>) target(%dma_start3A_78 : memref<128x144xf32, #tpu.memory_space<hbm>>) target_semaphore(%run_scoped3A : memref<!tpu.dma_semaphore, #tpu.memory_space<semaphore_mem>>)
      %dma_wait3A_79 = arith.constant 0 : i32
      %dma_wait3A_80 = tpu.memref_slice %arg5[%arg0, %add3A_72, %dma_wait3A_79] : memref<2x10240x144xf32, #tpu.memory_space<hbm>> -> memref<1x128x144xf32, #tpu.memory_space<hbm>>
      %dma_wait3A_81 = tpu.memref_squeeze %dma_wait3A_80 : memref<1x128x144xf32, #tpu.memory_space<hbm>> -> memref<128x144xf32, #tpu.memory_space<hbm>>
      %dma_wait3A_82 = arith.constant 0 : i32
      %dma_wait3A_83 = tpu.memref_slice %arg5[%arg0, %add3A_72, %dma_wait3A_82] : memref<2x10240x144xf32, #tpu.memory_space<hbm>> -> memref<1x128x144xf32, #tpu.memory_space<hbm>>
      %dma_wait3A_84 = tpu.memref_squeeze %dma_wait3A_83 : memref<1x128x144xf32, #tpu.memory_space<hbm>> -> memref<128x144xf32, #tpu.memory_space<hbm>>
      tpu.wait_dma2 semaphore(%run_scoped3A : memref<!tpu.dma_semaphore, #tpu.memory_space<semaphore_mem>>) src(%arg11 : memref<128x144xf32, #tpu.memory_space<vmem>>) dst(%dma_wait3A_84 : memref<128x144xf32, #tpu.memory_space<hbm>>)
      tpu.yield
    }) : () -> ()
    return
  }
}

#map = affine_map<(d0, d1) -> (0, 0)>
#map1 = affine_map<(d0, d1) -> (0)>
#map2 = affine_map<(d0, d1) -> (0, 0, 0)>
module attributes {stable_mosaic.version = 14 : i64} {
  func.func @_seg_body(%arg0: i32, %arg1: i32, %arg2: memref<10240x144xf32, #tpu.memory_space<hbm>>, %arg3: memref<323584xi32, #tpu.memory_space<hbm>>, %arg4: memref<323584xi32, #tpu.memory_space<hbm>>, %arg5: memref<2x10240x144xf32, #tpu.memory_space<hbm>>, %arg6: memref<10240x144xf32, #tpu.memory_space<vmem_shared>>, %arg7: memref<128xi32, #tpu.memory_space<vmem>>, %arg8: memref<128xi32, #tpu.memory_space<vmem>>, %arg9: memref<128xi32, #tpu.memory_space<vmem>>, %arg10: memref<128xi32, #tpu.memory_space<vmem>>, %arg11: memref<128x144xf32, #tpu.memory_space<vmem>>, %arg12: memref<128x144xf32, #tpu.memory_space<vmem>>, %arg13: memref<!tpu.dma_semaphore, #tpu.memory_space<semaphore_mem>>, %arg14: memref<!tpu.dma_semaphore, #tpu.memory_space<semaphore_mem>>, %arg15: memref<!tpu.dma_semaphore, #tpu.memory_space<semaphore_mem>>, %arg16: memref<!tpu.dma_semaphore, #tpu.memory_space<semaphore_mem>>) attributes {dimension_semantics = [#tpu.dimension_semantics<core_parallel>, #tpu.dimension_semantics<subcore_parallel>], iteration_bounds = array<i64: 2, 16>, scalar_prefetch = 0 : i64, scratch_operands = 11 : i64, tpu.core_type = #tpu.core_type<sc_vector_subcore>, window_params = [{transform_indices = #map}, {transform_indices = #map1}, {transform_indices = #map1}, {transform_indices = #map2}]} {
    %mul3A = arith.constant 16 : i32
    %mul3A_0 = arith.muli %arg0, %mul3A : i32
    %add3A = arith.addi %mul3A_0, %arg1 : i32
    %scan3A = arith.constant 0 : i32
    %scan3A_1 = arith.constant 128 : i32
    %scan3A_2 = arith.addi %scan3A, %scan3A_1 : i32
    %scan3A_3 = arith.constant 1 : i32
    scf.for %scan3A_73 = %scan3A to %scan3A_2 step %scan3A_3  : i32 {
      %broadcast_in_dim3A = arith.constant 0.000000e+00 : f32
      %broadcast_in_dim3A_74 = vector.broadcast %broadcast_in_dim3A : f32 to vector<16xf32>
      %swap3A = arith.index_cast %scan3A_73 : i32 to index
      %swap3A_75 = arith.constant 0 : index
      %swap3A_76 = tpu.vector_load %arg11[%swap3A, %swap3A_75] {strides = array<i32>} : memref<128x144xf32, #tpu.memory_space<vmem>>, vector<1x16xf32>,
      %swap3A_77 = vector.shape_cast %swap3A_76 : vector<1x16xf32> to vector<16xf32>
      %swap3A_78 = vector.shape_cast %broadcast_in_dim3A_74 : vector<16xf32> to vector<1x16xf32>
      tpu.vector_store %arg11[%swap3A, %swap3A_75], %swap3A_78 {strides = array<i32>} : memref<128x144xf32, #tpu.memory_space<vmem>>, vector<1x16xf32>,
      %broadcast_in_dim3A_79 = arith.constant 0.000000e+00 : f32
      %broadcast_in_dim3A_80 = vector.broadcast %broadcast_in_dim3A_79 : f32 to vector<16xf32>
      %swap3A_81 = arith.index_cast %scan3A_73 : i32 to index
      %swap3A_82 = arith.constant 16 : index
      %swap3A_83 = tpu.vector_load %arg11[%swap3A_81, %swap3A_82] {strides = array<i32>} : memref<128x144xf32, #tpu.memory_space<vmem>>, vector<1x16xf32>,
      %swap3A_84 = vector.shape_cast %swap3A_83 : vector<1x16xf32> to vector<16xf32>
      %swap3A_85 = vector.shape_cast %broadcast_in_dim3A_80 : vector<16xf32> to vector<1x16xf32>
      tpu.vector_store %arg11[%swap3A_81, %swap3A_82], %swap3A_85 {strides = array<i32>} : memref<128x144xf32, #tpu.memory_space<vmem>>, vector<1x16xf32>,
      %broadcast_in_dim3A_86 = arith.constant 0.000000e+00 : f32
      %broadcast_in_dim3A_87 = vector.broadcast %broadcast_in_dim3A_86 : f32 to vector<16xf32>
      %swap3A_88 = arith.index_cast %scan3A_73 : i32 to index
      %swap3A_89 = arith.constant 32 : index
      %swap3A_90 = tpu.vector_load %arg11[%swap3A_88, %swap3A_89] {strides = array<i32>} : memref<128x144xf32, #tpu.memory_space<vmem>>, vector<1x16xf32>,
      %swap3A_91 = vector.shape_cast %swap3A_90 : vector<1x16xf32> to vector<16xf32>
      %swap3A_92 = vector.shape_cast %broadcast_in_dim3A_87 : vector<16xf32> to vector<1x16xf32>
      tpu.vector_store %arg11[%swap3A_88, %swap3A_89], %swap3A_92 {strides = array<i32>} : memref<128x144xf32, #tpu.memory_space<vmem>>, vector<1x16xf32>,
      %broadcast_in_dim3A_93 = arith.constant 0.000000e+00 : f32
      %broadcast_in_dim3A_94 = vector.broadcast %broadcast_in_dim3A_93 : f32 to vector<16xf32>
      %swap3A_95 = arith.index_cast %scan3A_73 : i32 to index
      %swap3A_96 = arith.constant 48 : index
      %swap3A_97 = tpu.vector_load %arg11[%swap3A_95, %swap3A_96] {strides = array<i32>} : memref<128x144xf32, #tpu.memory_space<vmem>>, vector<1x16xf32>,
      %swap3A_98 = vector.shape_cast %swap3A_97 : vector<1x16xf32> to vector<16xf32>
      %swap3A_99 = vector.shape_cast %broadcast_in_dim3A_94 : vector<16xf32> to vector<1x16xf32>
      tpu.vector_store %arg11[%swap3A_95, %swap3A_96], %swap3A_99 {strides = array<i32>} : memref<128x144xf32, #tpu.memory_space<vmem>>, vector<1x16xf32>,
      %broadcast_in_dim3A_100 = arith.constant 0.000000e+00 : f32
      %broadcast_in_dim3A_101 = vector.broadcast %broadcast_in_dim3A_100 : f32 to vector<16xf32>
      %swap3A_102 = arith.index_cast %scan3A_73 : i32 to index
      %swap3A_103 = arith.constant 64 : index
      %swap3A_104 = tpu.vector_load %arg11[%swap3A_102, %swap3A_103] {strides = array<i32>} : memref<128x144xf32, #tpu.memory_space<vmem>>, vector<1x16xf32>,
      %swap3A_105 = vector.shape_cast %swap3A_104 : vector<1x16xf32> to vector<16xf32>
      %swap3A_106 = vector.shape_cast %broadcast_in_dim3A_101 : vector<16xf32> to vector<1x16xf32>
      tpu.vector_store %arg11[%swap3A_102, %swap3A_103], %swap3A_106 {strides = array<i32>} : memref<128x144xf32, #tpu.memory_space<vmem>>, vector<1x16xf32>,
      %broadcast_in_dim3A_107 = arith.constant 0.000000e+00 : f32
      %broadcast_in_dim3A_108 = vector.broadcast %broadcast_in_dim3A_107 : f32 to vector<16xf32>
      %swap3A_109 = arith.index_cast %scan3A_73 : i32 to index
      %swap3A_110 = arith.constant 80 : index
      %swap3A_111 = tpu.vector_load %arg11[%swap3A_109, %swap3A_110] {strides = array<i32>} : memref<128x144xf32, #tpu.memory_space<vmem>>, vector<1x16xf32>,
      %swap3A_112 = vector.shape_cast %swap3A_111 : vector<1x16xf32> to vector<16xf32>
      %swap3A_113 = vector.shape_cast %broadcast_in_dim3A_108 : vector<16xf32> to vector<1x16xf32>
      tpu.vector_store %arg11[%swap3A_109, %swap3A_110], %swap3A_113 {strides = array<i32>} : memref<128x144xf32, #tpu.memory_space<vmem>>, vector<1x16xf32>,
      %broadcast_in_dim3A_114 = arith.constant 0.000000e+00 : f32
      %broadcast_in_dim3A_115 = vector.broadcast %broadcast_in_dim3A_114 : f32 to vector<16xf32>
      %swap3A_116 = arith.index_cast %scan3A_73 : i32 to index
      %swap3A_117 = arith.constant 96 : index
      %swap3A_118 = tpu.vector_load %arg11[%swap3A_116, %swap3A_117] {strides = array<i32>} : memref<128x144xf32, #tpu.memory_space<vmem>>, vector<1x16xf32>,
      %swap3A_119 = vector.shape_cast %swap3A_118 : vector<1x16xf32> to vector<16xf32>
      %swap3A_120 = vector.shape_cast %broadcast_in_dim3A_115 : vector<16xf32> to vector<1x16xf32>
      tpu.vector_store %arg11[%swap3A_116, %swap3A_117], %swap3A_120 {strides = array<i32>} : memref<128x144xf32, #tpu.memory_space<vmem>>, vector<1x16xf32>,
      %broadcast_in_dim3A_121 = arith.constant 0.000000e+00 : f32
      %broadcast_in_dim3A_122 = vector.broadcast %broadcast_in_dim3A_121 : f32 to vector<16xf32>
      %swap3A_123 = arith.index_cast %scan3A_73 : i32 to index
      %swap3A_124 = arith.constant 112 : index
      %swap3A_125 = tpu.vector_load %arg11[%swap3A_123, %swap3A_124] {strides = array<i32>} : memref<128x144xf32, #tpu.memory_space<vmem>>, vector<1x16xf32>,
      %swap3A_126 = vector.shape_cast %swap3A_125 : vector<1x16xf32> to vector<16xf32>
      %swap3A_127 = vector.shape_cast %broadcast_in_dim3A_122 : vector<16xf32> to vector<1x16xf32>
      tpu.vector_store %arg11[%swap3A_123, %swap3A_124], %swap3A_127 {strides = array<i32>} : memref<128x144xf32, #tpu.memory_space<vmem>>, vector<1x16xf32>,
      %broadcast_in_dim3A_128 = arith.constant 0.000000e+00 : f32
      %broadcast_in_dim3A_129 = vector.broadcast %broadcast_in_dim3A_128 : f32 to vector<16xf32>
      %swap3A_130 = arith.index_cast %scan3A_73 : i32 to index
      %swap3A_131 = arith.constant 128 : index
      %swap3A_132 = tpu.vector_load %arg11[%swap3A_130, %swap3A_131] {strides = array<i32>} : memref<128x144xf32, #tpu.memory_space<vmem>>, vector<1x16xf32>,
      %swap3A_133 = vector.shape_cast %swap3A_132 : vector<1x16xf32> to vector<16xf32>
      %swap3A_134 = vector.shape_cast %broadcast_in_dim3A_129 : vector<16xf32> to vector<1x16xf32>
      tpu.vector_store %arg11[%swap3A_130, %swap3A_131], %swap3A_134 {strides = array<i32>} : memref<128x144xf32, #tpu.memory_space<vmem>>, vector<1x16xf32>,
    }
    %scan3A_4 = arith.constant 128 : i32
    %mul3A_5 = arith.constant 640 : i32
    %mul3A_6 = arith.muli %arg1, %mul3A_5 : i32
    %add3A_7 = arith.constant 0 : i32
    %add3A_8 = arith.addi %mul3A_6, %add3A_7 : i32
    "tpu.region"() ({
      %run_scoped3A = tpu.sem_alloc : memref<!tpu.dma_semaphore, #tpu.memory_space<semaphore_mem>>
      %dma_start3A_73 = arith.constant 0 : i32
      %dma_start3A_74 = tpu.memref_slice %arg6[%add3A_8, %dma_start3A_73] : memref<10240x144xf32, #tpu.memory_space<vmem_shared>> -> memref<128x144xf32, #tpu.memory_space<vmem_shared>>
      %dma_start3A_75 = arith.constant 0 : i32
      %dma_start3A_76 = tpu.memref_slice %arg6[%add3A_8, %dma_start3A_75] : memref<10240x144xf32, #tpu.memory_space<vmem_shared>> -> memref<128x144xf32, #tpu.memory_space<vmem_shared>>
      tpu.enqueue_dma source(%arg11 : memref<128x144xf32, #tpu.memory_space<vmem>>) target(%dma_start3A_76 : memref<128x144xf32, #tpu.memory_space<vmem_shared>>) target_semaphore(%run_scoped3A : memref<!tpu.dma_semaphore, #tpu.memory_space<semaphore_mem>>)
      %dma_wait3A_77 = arith.constant 0 : i32
      %dma_wait3A_78 = tpu.memref_slice %arg6[%add3A_8, %dma_wait3A_77] : memref<10240x144xf32, #tpu.memory_space<vmem_shared>> -> memref<128x144xf32, #tpu.memory_space<vmem_shared>>
      %dma_wait3A_79 = arith.constant 0 : i32
      %dma_wait3A_80 = tpu.memref_slice %arg6[%add3A_8, %dma_wait3A_79] : memref<10240x144xf32, #tpu.memory_space<vmem_shared>> -> memref<128x144xf32, #tpu.memory_space<vmem_shared>>
      tpu.wait_dma2 semaphore(%run_scoped3A : memref<!tpu.dma_semaphore, #tpu.memory_space<semaphore_mem>>) src(%arg11 : memref<128x144xf32, #tpu.memory_space<vmem>>) dst(%dma_wait3A_80 : memref<128x144xf32, #tpu.memory_space<vmem_shared>>)
      tpu.yield
    }) : () -> ()
    %mul3A_9 = arith.constant 640 : i32
    %mul3A_10 = arith.muli %arg1, %mul3A_9 : i32
    %add3A_11 = arith.constant 128 : i32
    %add3A_12 = arith.addi %mul3A_10, %add3A_11 : i32
    "tpu.region"() ({
      %run_scoped3A = tpu.sem_alloc : memref<!tpu.dma_semaphore, #tpu.memory_space<semaphore_mem>>
      %dma_start3A_73 = arith.constant 0 : i32
      %dma_start3A_74 = tpu.memref_slice %arg6[%add3A_12, %dma_start3A_73] : memref<10240x144xf32, #tpu.memory_space<vmem_shared>> -> memref<128x144xf32, #tpu.memory_space<vmem_shared>>
      %dma_start3A_75 = arith.constant 0 : i32
      %dma_start3A_76 = tpu.memref_slice %arg6[%add3A_12, %dma_start3A_75] : memref<10240x144xf32, #tpu.memory_space<vmem_shared>> -> memref<128x144xf32, #tpu.memory_space<vmem_shared>>
      tpu.enqueue_dma source(%arg11 : memref<128x144xf32, #tpu.memory_space<vmem>>) target(%dma_start3A_76 : memref<128x144xf32, #tpu.memory_space<vmem_shared>>) target_semaphore(%run_scoped3A : memref<!tpu.dma_semaphore, #tpu.memory_space<semaphore_mem>>)
      %dma_wait3A_77 = arith.constant 0 : i32
      %dma_wait3A_78 = tpu.memref_slice %arg6[%add3A_12, %dma_wait3A_77] : memref<10240x144xf32, #tpu.memory_space<vmem_shared>> -> memref<128x144xf32, #tpu.memory_space<vmem_shared>>
      %dma_wait3A_79 = arith.constant 0 : i32
      %dma_wait3A_80 = tpu.memref_slice %arg6[%add3A_12, %dma_wait3A_79] : memref<10240x144xf32, #tpu.memory_space<vmem_shared>> -> memref<128x144xf32, #tpu.memory_space<vmem_shared>>
      tpu.wait_dma2 semaphore(%run_scoped3A : memref<!tpu.dma_semaphore, #tpu.memory_space<semaphore_mem>>) src(%arg11 : memref<128x144xf32, #tpu.memory_space<vmem>>) dst(%dma_wait3A_80 : memref<128x144xf32, #tpu.memory_space<vmem_shared>>)
      tpu.yield
    }) : () -> ()
    %mul3A_13 = arith.constant 640 : i32
    %mul3A_14 = arith.muli %arg1, %mul3A_13 : i32
    %add3A_15 = arith.constant 256 : i32
    %add3A_16 = arith.addi %mul3A_14, %add3A_15 : i32
    "tpu.region"() ({
      %run_scoped3A = tpu.sem_alloc : memref<!tpu.dma_semaphore, #tpu.memory_space<semaphore_mem>>
      %dma_start3A_73 = arith.constant 0 : i32
      %dma_start3A_74 = tpu.memref_slice %arg6[%add3A_16, %dma_start3A_73] : memref<10240x144xf32, #tpu.memory_space<vmem_shared>> -> memref<128x144xf32, #tpu.memory_space<vmem_shared>>
      %dma_start3A_75 = arith.constant 0 : i32
      %dma_start3A_76 = tpu.memref_slice %arg6[%add3A_16, %dma_start3A_75] : memref<10240x144xf32, #tpu.memory_space<vmem_shared>> -> memref<128x144xf32, #tpu.memory_space<vmem_shared>>
      tpu.enqueue_dma source(%arg11 : memref<128x144xf32, #tpu.memory_space<vmem>>) target(%dma_start3A_76 : memref<128x144xf32, #tpu.memory_space<vmem_shared>>) target_semaphore(%run_scoped3A : memref<!tpu.dma_semaphore, #tpu.memory_space<semaphore_mem>>)
      %dma_wait3A_77 = arith.constant 0 : i32
      %dma_wait3A_78 = tpu.memref_slice %arg6[%add3A_16, %dma_wait3A_77] : memref<10240x144xf32, #tpu.memory_space<vmem_shared>> -> memref<128x144xf32, #tpu.memory_space<vmem_shared>>
      %dma_wait3A_79 = arith.constant 0 : i32
      %dma_wait3A_80 = tpu.memref_slice %arg6[%add3A_16, %dma_wait3A_79] : memref<10240x144xf32, #tpu.memory_space<vmem_shared>> -> memref<128x144xf32, #tpu.memory_space<vmem_shared>>
      tpu.wait_dma2 semaphore(%run_scoped3A : memref<!tpu.dma_semaphore, #tpu.memory_space<semaphore_mem>>) src(%arg11 : memref<128x144xf32, #tpu.memory_space<vmem>>) dst(%dma_wait3A_80 : memref<128x144xf32, #tpu.memory_space<vmem_shared>>)
      tpu.yield
    }) : () -> ()
    %mul3A_17 = arith.constant 640 : i32
    %mul3A_18 = arith.muli %arg1, %mul3A_17 : i32
    %add3A_19 = arith.constant 384 : i32
    %add3A_20 = arith.addi %mul3A_18, %add3A_19 : i32
    "tpu.region"() ({
      %run_scoped3A = tpu.sem_alloc : memref<!tpu.dma_semaphore, #tpu.memory_space<semaphore_mem>>
      %dma_start3A_73 = arith.constant 0 : i32
      %dma_start3A_74 = tpu.memref_slice %arg6[%add3A_20, %dma_start3A_73] : memref<10240x144xf32, #tpu.memory_space<vmem_shared>> -> memref<128x144xf32, #tpu.memory_space<vmem_shared>>
      %dma_start3A_75 = arith.constant 0 : i32
      %dma_start3A_76 = tpu.memref_slice %arg6[%add3A_20, %dma_start3A_75] : memref<10240x144xf32, #tpu.memory_space<vmem_shared>> -> memref<128x144xf32, #tpu.memory_space<vmem_shared>>
      tpu.enqueue_dma source(%arg11 : memref<128x144xf32, #tpu.memory_space<vmem>>) target(%dma_start3A_76 : memref<128x144xf32, #tpu.memory_space<vmem_shared>>) target_semaphore(%run_scoped3A : memref<!tpu.dma_semaphore, #tpu.memory_space<semaphore_mem>>)
      %dma_wait3A_77 = arith.constant 0 : i32
      %dma_wait3A_78 = tpu.memref_slice %arg6[%add3A_20, %dma_wait3A_77] : memref<10240x144xf32, #tpu.memory_space<vmem_shared>> -> memref<128x144xf32, #tpu.memory_space<vmem_shared>>
      %dma_wait3A_79 = arith.constant 0 : i32
      %dma_wait3A_80 = tpu.memref_slice %arg6[%add3A_20, %dma_wait3A_79] : memref<10240x144xf32, #tpu.memory_space<vmem_shared>> -> memref<128x144xf32, #tpu.memory_space<vmem_shared>>
      tpu.wait_dma2 semaphore(%run_scoped3A : memref<!tpu.dma_semaphore, #tpu.memory_space<semaphore_mem>>) src(%arg11 : memref<128x144xf32, #tpu.memory_space<vmem>>) dst(%dma_wait3A_80 : memref<128x144xf32, #tpu.memory_space<vmem_shared>>)
      tpu.yield
    }) : () -> ()
    %mul3A_21 = arith.constant 640 : i32
    %mul3A_22 = arith.muli %arg1, %mul3A_21 : i32
    %add3A_23 = arith.constant 512 : i32
    %add3A_24 = arith.addi %mul3A_22, %add3A_23 : i32
    "tpu.region"() ({
      %run_scoped3A = tpu.sem_alloc : memref<!tpu.dma_semaphore, #tpu.memory_space<semaphore_mem>>
      %dma_start3A_73 = arith.constant 0 : i32
      %dma_start3A_74 = tpu.memref_slice %arg6[%add3A_24, %dma_start3A_73] : memref<10240x144xf32, #tpu.memory_space<vmem_shared>> -> memref<128x144xf32, #tpu.memory_space<vmem_shared>>
      %dma_start3A_75 = arith.constant 0 : i32
      %dma_start3A_76 = tpu.memref_slice %arg6[%add3A_24, %dma_start3A_75] : memref<10240x144xf32, #tpu.memory_space<vmem_shared>> -> memref<128x144xf32, #tpu.memory_space<vmem_shared>>
      tpu.enqueue_dma source(%arg11 : memref<128x144xf32, #tpu.memory_space<vmem>>) target(%dma_start3A_76 : memref<128x144xf32, #tpu.memory_space<vmem_shared>>) target_semaphore(%run_scoped3A : memref<!tpu.dma_semaphore, #tpu.memory_space<semaphore_mem>>)
      %dma_wait3A_77 = arith.constant 0 : i32
      %dma_wait3A_78 = tpu.memref_slice %arg6[%add3A_24, %dma_wait3A_77] : memref<10240x144xf32, #tpu.memory_space<vmem_shared>> -> memref<128x144xf32, #tpu.memory_space<vmem_shared>>
      %dma_wait3A_79 = arith.constant 0 : i32
      %dma_wait3A_80 = tpu.memref_slice %arg6[%add3A_24, %dma_wait3A_79] : memref<10240x144xf32, #tpu.memory_space<vmem_shared>> -> memref<128x144xf32, #tpu.memory_space<vmem_shared>>
      tpu.wait_dma2 semaphore(%run_scoped3A : memref<!tpu.dma_semaphore, #tpu.memory_space<semaphore_mem>>) src(%arg11 : memref<128x144xf32, #tpu.memory_space<vmem>>) dst(%dma_wait3A_80 : memref<128x144xf32, #tpu.memory_space<vmem_shared>>)
      tpu.yield
    }) : () -> ()
    %barrier3A = arith.constant 0 : index
    tpu.barrier barrier_id(%barrier3A)
    %scan3A_25 = arith.constant 0 : i32
    %scan3A_26 = arith.constant 39 : i32
    %scan3A_27 = arith.addi %scan3A_25, %scan3A_26 : i32
    %scan3A_28 = arith.constant 1 : i32
    scf.for %scan3A_73 = %scan3A_25 to %scan3A_27 step %scan3A_28  : i32 {
      %mul3A_74 = arith.constant 2 : i32
      %mul3A_75 = arith.muli %mul3A_74, %scan3A_73 : i32
      %ge3A = arith.constant 2 : i32
      %ge3A_76 = arith.cmpi sge, %mul3A_75, %ge3A : i32
      %convert_element_type3A = arith.extui %ge3A_76 : i1 to i32
      %cond3A = arith.constant 0 : i32
      %cond3A_77 = arith.cmpi ne, %convert_element_type3A, %cond3A : i32
      scf.if %cond3A_77 {
        %dma_wait3A_113 = arith.constant 0 : i32
        %dma_wait3A_114 = arith.constant 0 : i32
        %dma_wait3A_115 = tpu.memref_slice %arg6[%dma_wait3A_113, %dma_wait3A_114] : memref<10240x144xf32, #tpu.memory_space<vmem_shared>> -> memref<10240x144xf32, #tpu.memory_space<vmem_shared>>
        tpu.wait_indirect_dma semaphore(%arg15 : memref<!tpu.dma_semaphore, #tpu.memory_space<semaphore_mem>>) src(%arg11 : memref<128x144xf32, #tpu.memory_space<vmem>>) dst(%dma_wait3A_115 : memref<10240x144xf32, #tpu.memory_space<vmem_shared>>)
      } else {
      }
      %mul3A_78 = arith.constant 79 : i32
      %mul3A_79 = arith.muli %add3A, %mul3A_78 : i32
      %add3A_80 = arith.addi %mul3A_79, %mul3A_75 : i32
      %mul3A_81 = arith.constant 128 : i32
      %mul3A_82 = arith.muli %add3A_80, %mul3A_81 : i32
      "tpu.region"() ({
        %run_scoped3A = tpu.sem_alloc : memref<!tpu.dma_semaphore, #tpu.memory_space<semaphore_mem>>
        %dma_start3A_113 = tpu.memref_slice %arg3[%mul3A_82] : memref<323584xi32, #tpu.memory_space<hbm>> -> memref<128xi32, #tpu.memory_space<hbm>>
        %dma_start3A_114 = tpu.memref_slice %arg3[%mul3A_82] : memref<323584xi32, #tpu.memory_space<hbm>> -> memref<128xi32, #tpu.memory_space<hbm>>
        tpu.enqueue_dma source(%dma_start3A_114 : memref<128xi32, #tpu.memory_space<hbm>>) target(%arg7 : memref<128xi32, #tpu.memory_space<vmem>>) target_semaphore(%run_scoped3A : memref<!tpu.dma_semaphore, #tpu.memory_space<semaphore_mem>>)
        %dma_wait3A_115 = tpu.memref_slice %arg3[%mul3A_82] : memref<323584xi32, #tpu.memory_space<hbm>> -> memref<128xi32, #tpu.memory_space<hbm>>
        %dma_wait3A_116 = tpu.memref_slice %arg3[%mul3A_82] : memref<323584xi32, #tpu.memory_space<hbm>> -> memref<128xi32, #tpu.memory_space<hbm>>
        tpu.wait_dma2 semaphore(%run_scoped3A : memref<!tpu.dma_semaphore, #tpu.memory_space<semaphore_mem>>) src(%dma_wait3A_116 : memref<128xi32, #tpu.memory_space<hbm>>) dst(%arg7 : memref<128xi32, #tpu.memory_space<vmem>>)
        tpu.yield
      }) : () -> ()
      "tpu.region"() ({
        %run_scoped3A = tpu.sem_alloc : memref<!tpu.dma_semaphore, #tpu.memory_space<semaphore_mem>>
        %dma_start3A_113 = tpu.memref_slice %arg4[%mul3A_82] : memref<323584xi32, #tpu.memory_space<hbm>> -> memref<128xi32, #tpu.memory_space<hbm>>
        %dma_start3A_114 = tpu.memref_slice %arg4[%mul3A_82] : memref<323584xi32, #tpu.memory_space<hbm>> -> memref<128xi32, #tpu.memory_space<hbm>>
        tpu.enqueue_dma source(%dma_start3A_114 : memref<128xi32, #tpu.memory_space<hbm>>) target(%arg9 : memref<128xi32, #tpu.memory_space<vmem>>) target_semaphore(%run_scoped3A : memref<!tpu.dma_semaphore, #tpu.memory_space<semaphore_mem>>)
        %dma_wait3A_115 = tpu.memref_slice %arg4[%mul3A_82] : memref<323584xi32, #tpu.memory_space<hbm>> -> memref<128xi32, #tpu.memory_space<hbm>>
        %dma_wait3A_116 = tpu.memref_slice %arg4[%mul3A_82] : memref<323584xi32, #tpu.memory_space<hbm>> -> memref<128xi32, #tpu.memory_space<hbm>>
        tpu.wait_dma2 semaphore(%run_scoped3A : memref<!tpu.dma_semaphore, #tpu.memory_space<semaphore_mem>>) src(%dma_wait3A_116 : memref<128xi32, #tpu.memory_space<hbm>>) dst(%arg9 : memref<128xi32, #tpu.memory_space<vmem>>)
        tpu.yield
      }) : () -> ()
      %dma_start3A_83 = arith.constant 0 : i32
      %dma_start3A_84 = arith.constant 0 : i32
      %dma_start3A_85 = tpu.memref_slice %arg2[%dma_start3A_83, %dma_start3A_84] : memref<10240x144xf32, #tpu.memory_space<hbm>> -> memref<10240x144xf32, #tpu.memory_space<hbm>>
      tpu.enqueue_indirect_dma source(%dma_start3A_85 : memref<10240x144xf32, #tpu.memory_space<hbm>>) target(%arg11 : memref<128x144xf32, #tpu.memory_space<vmem>>) offsets(%arg7 : memref<128xi32, #tpu.memory_space<vmem>>) semaphore(%arg13 : memref<!tpu.dma_semaphore, #tpu.memory_space<semaphore_mem>>)
      %dma_wait3A_86 = arith.constant 0 : i32
      %dma_wait3A_87 = arith.constant 0 : i32
      %dma_wait3A_88 = tpu.memref_slice %arg2[%dma_wait3A_86, %dma_wait3A_87] : memref<10240x144xf32, #tpu.memory_space<hbm>> -> memref<10240x144xf32, #tpu.memory_space<hbm>>
      tpu.wait_indirect_dma semaphore(%arg13 : memref<!tpu.dma_semaphore, #tpu.memory_space<semaphore_mem>>) src(%dma_wait3A_88 : memref<10240x144xf32, #tpu.memory_space<hbm>>) dst(%arg11 : memref<128x144xf32, #tpu.memory_space<vmem>>)
      %dma_start3A_89 = arith.constant 0 : i32
      %dma_start3A_90 = arith.constant 0 : i32
      %dma_start3A_91 = tpu.memref_slice %arg6[%dma_start3A_89, %dma_start3A_90] : memref<10240x144xf32, #tpu.memory_space<vmem_shared>> -> memref<10240x144xf32, #tpu.memory_space<vmem_shared>>
      tpu.enqueue_indirect_dma source(%arg11 : memref<128x144xf32, #tpu.memory_space<vmem>>) target(%dma_start3A_91 : memref<10240x144xf32, #tpu.memory_space<vmem_shared>>) offsets(%arg9 : memref<128xi32, #tpu.memory_space<vmem>>) semaphore(%arg15 : memref<!tpu.dma_semaphore, #tpu.memory_space<semaphore_mem>>) {add = true}
      %add3A_92 = arith.constant 1 : i32
      %add3A_93 = arith.addi %mul3A_75, %add3A_92 : i32
      %ge3A_94 = arith.constant 2 : i32
      %ge3A_95 = arith.cmpi sge, %add3A_93, %ge3A_94 : i32
      %convert_element_type3A_96 = arith.extui %ge3A_95 : i1 to i32
      %cond3A_97 = arith.constant 0 : i32
      %cond3A_98 = arith.cmpi ne, %convert_element_type3A_96, %cond3A_97 : i32
      scf.if %cond3A_98 {
        %dma_wait3A_113 = arith.constant 0 : i32
        %dma_wait3A_114 = arith.constant 0 : i32
        %dma_wait3A_115 = tpu.memref_slice %arg6[%dma_wait3A_113, %dma_wait3A_114] : memref<10240x144xf32, #tpu.memory_space<vmem_shared>> -> memref<10240x144xf32, #tpu.memory_space<vmem_shared>>
        tpu.wait_indirect_dma semaphore(%arg16 : memref<!tpu.dma_semaphore, #tpu.memory_space<semaphore_mem>>) src(%arg12 : memref<128x144xf32, #tpu.memory_space<vmem>>) dst(%dma_wait3A_115 : memref<10240x144xf32, #tpu.memory_space<vmem_shared>>)
      } else {
      }
      %mul3A_99 = arith.constant 79 : i32
      %mul3A_100 = arith.muli %add3A, %mul3A_99 : i32
      %add3A_101 = arith.addi %mul3A_100, %add3A_93 : i32
      %mul3A_102 = arith.constant 128 : i32
      %mul3A_103 = arith.muli %add3A_101, %mul3A_102 : i32
      "tpu.region"() ({
        %run_scoped3A = tpu.sem_alloc : memref<!tpu.dma_semaphore, #tpu.memory_space<semaphore_mem>>
        %dma_start3A_113 = tpu.memref_slice %arg3[%mul3A_103] : memref<323584xi32, #tpu.memory_space<hbm>> -> memref<128xi32, #tpu.memory_space<hbm>>
        %dma_start3A_114 = tpu.memref_slice %arg3[%mul3A_103] : memref<323584xi32, #tpu.memory_space<hbm>> -> memref<128xi32, #tpu.memory_space<hbm>>
        tpu.enqueue_dma source(%dma_start3A_114 : memref<128xi32, #tpu.memory_space<hbm>>) target(%arg8 : memref<128xi32, #tpu.memory_space<vmem>>) target_semaphore(%run_scoped3A : memref<!tpu.dma_semaphore, #tpu.memory_space<semaphore_mem>>)
        %dma_wait3A_115 = tpu.memref_slice %arg3[%mul3A_103] : memref<323584xi32, #tpu.memory_space<hbm>> -> memref<128xi32, #tpu.memory_space<hbm>>
        %dma_wait3A_116 = tpu.memref_slice %arg3[%mul3A_103] : memref<323584xi32, #tpu.memory_space<hbm>> -> memref<128xi32, #tpu.memory_space<hbm>>
        tpu.wait_dma2 semaphore(%run_scoped3A : memref<!tpu.dma_semaphore, #tpu.memory_space<semaphore_mem>>) src(%dma_wait3A_116 : memref<128xi32, #tpu.memory_space<hbm>>) dst(%arg8 : memref<128xi32, #tpu.memory_space<vmem>>)
        tpu.yield
      }) : () -> ()
      "tpu.region"() ({
        %run_scoped3A = tpu.sem_alloc : memref<!tpu.dma_semaphore, #tpu.memory_space<semaphore_mem>>
        %dma_start3A_113 = tpu.memref_slice %arg4[%mul3A_103] : memref<323584xi32, #tpu.memory_space<hbm>> -> memref<128xi32, #tpu.memory_space<hbm>>
        %dma_start3A_114 = tpu.memref_slice %arg4[%mul3A_103] : memref<323584xi32, #tpu.memory_space<hbm>> -> memref<128xi32, #tpu.memory_space<hbm>>
        tpu.enqueue_dma source(%dma_start3A_114 : memref<128xi32, #tpu.memory_space<hbm>>) target(%arg10 : memref<128xi32, #tpu.memory_space<vmem>>) target_semaphore(%run_scoped3A : memref<!tpu.dma_semaphore, #tpu.memory_space<semaphore_mem>>)
        %dma_wait3A_115 = tpu.memref_slice %arg4[%mul3A_103] : memref<323584xi32, #tpu.memory_space<hbm>> -> memref<128xi32, #tpu.memory_space<hbm>>
        %dma_wait3A_116 = tpu.memref_slice %arg4[%mul3A_103] : memref<323584xi32, #tpu.memory_space<hbm>> -> memref<128xi32, #tpu.memory_space<hbm>>
        tpu.wait_dma2 semaphore(%run_scoped3A : memref<!tpu.dma_semaphore, #tpu.memory_space<semaphore_mem>>) src(%dma_wait3A_116 : memref<128xi32, #tpu.memory_space<hbm>>) dst(%arg10 : memref<128xi32, #tpu.memory_space<vmem>>)
        tpu.yield
      }) : () -> ()
      %dma_start3A_104 = arith.constant 0 : i32
      %dma_start3A_105 = arith.constant 0 : i32
      %dma_start3A_106 = tpu.memref_slice %arg2[%dma_start3A_104, %dma_start3A_105] : memref<10240x144xf32, #tpu.memory_space<hbm>> -> memref<10240x144xf32, #tpu.memory_space<hbm>>
      tpu.enqueue_indirect_dma source(%dma_start3A_106 : memref<10240x144xf32, #tpu.memory_space<hbm>>) target(%arg12 : memref<128x144xf32, #tpu.memory_space<vmem>>) offsets(%arg8 : memref<128xi32, #tpu.memory_space<vmem>>) semaphore(%arg14 : memref<!tpu.dma_semaphore, #tpu.memory_space<semaphore_mem>>)
      %dma_wait3A_107 = arith.constant 0 : i32
      %dma_wait3A_108 = arith.constant 0 : i32
      %dma_wait3A_109 = tpu.memref_slice %arg2[%dma_wait3A_107, %dma_wait3A_108] : memref<10240x144xf32, #tpu.memory_space<hbm>> -> memref<10240x144xf32, #tpu.memory_space<hbm>>
      tpu.wait_indirect_dma semaphore(%arg14 : memref<!tpu.dma_semaphore, #tpu.memory_space<semaphore_mem>>) src(%dma_wait3A_109 : memref<10240x144xf32, #tpu.memory_space<hbm>>) dst(%arg12 : memref<128x144xf32, #tpu.memory_space<vmem>>)
      %dma_start3A_110 = arith.constant 0 : i32
      %dma_start3A_111 = arith.constant 0 : i32
      %dma_start3A_112 = tpu.memref_slice %arg6[%dma_start3A_110, %dma_start3A_111] : memref<10240x144xf32, #tpu.memory_space<vmem_shared>> -> memref<10240x144xf32, #tpu.memory_space<vmem_shared>>
      tpu.enqueue_indirect_dma source(%arg12 : memref<128x144xf32, #tpu.memory_space<vmem>>) target(%dma_start3A_112 : memref<10240x144xf32, #tpu.memory_space<vmem_shared>>) offsets(%arg10 : memref<128xi32, #tpu.memory_space<vmem>>) semaphore(%arg16 : memref<!tpu.dma_semaphore, #tpu.memory_space<semaphore_mem>>) {add = true}
    }
    %scan3A_29 = arith.constant 39 : i32
    %dma_wait3A = arith.constant 0 : i32
    %dma_wait3A_30 = arith.constant 0 : i32
    %dma_wait3A_31 = tpu.memref_slice %arg6[%dma_wait3A, %dma_wait3A_30] : memref<10240x144xf32, #tpu.memory_space<vmem_shared>> -> memref<10240x144xf32, #tpu.memory_space<vmem_shared>>
    tpu.wait_indirect_dma semaphore(%arg15 : memref<!tpu.dma_semaphore, #tpu.memory_space<semaphore_mem>>) src(%arg11 : memref<128x144xf32, #tpu.memory_space<vmem>>) dst(%dma_wait3A_31 : memref<10240x144xf32, #tpu.memory_space<vmem_shared>>)
    %mul3A_32 = arith.constant 79 : i32
    %mul3A_33 = arith.muli %add3A, %mul3A_32 : i32
    %add3A_34 = arith.constant 78 : i32
    %add3A_35 = arith.addi %mul3A_33, %add3A_34 : i32
    %mul3A_36 = arith.constant 128 : i32
    %mul3A_37 = arith.muli %add3A_35, %mul3A_36 : i32
    "tpu.region"() ({
      %run_scoped3A = tpu.sem_alloc : memref<!tpu.dma_semaphore, #tpu.memory_space<semaphore_mem>>
      %dma_start3A_73 = tpu.memref_slice %arg3[%mul3A_37] : memref<323584xi32, #tpu.memory_space<hbm>> -> memref<128xi32, #tpu.memory_space<hbm>>
      %dma_start3A_74 = tpu.memref_slice %arg3[%mul3A_37] : memref<323584xi32, #tpu.memory_space<hbm>> -> memref<128xi32, #tpu.memory_space<hbm>>
      tpu.enqueue_dma source(%dma_start3A_74 : memref<128xi32, #tpu.memory_space<hbm>>) target(%arg7 : memref<128xi32, #tpu.memory_space<vmem>>) target_semaphore(%run_scoped3A : memref<!tpu.dma_semaphore, #tpu.memory_space<semaphore_mem>>)
      %dma_wait3A_75 = tpu.memref_slice %arg3[%mul3A_37] : memref<323584xi32, #tpu.memory_space<hbm>> -> memref<128xi32, #tpu.memory_space<hbm>>
      %dma_wait3A_76 = tpu.memref_slice %arg3[%mul3A_37] : memref<323584xi32, #tpu.memory_space<hbm>> -> memref<128xi32, #tpu.memory_space<hbm>>
      tpu.wait_dma2 semaphore(%run_scoped3A : memref<!tpu.dma_semaphore, #tpu.memory_space<semaphore_mem>>) src(%dma_wait3A_76 : memref<128xi32, #tpu.memory_space<hbm>>) dst(%arg7 : memref<128xi32, #tpu.memory_space<vmem>>)
      tpu.yield
    }) : () -> ()
    "tpu.region"() ({
      %run_scoped3A = tpu.sem_alloc : memref<!tpu.dma_semaphore, #tpu.memory_space<semaphore_mem>>
      %dma_start3A_73 = tpu.memref_slice %arg4[%mul3A_37] : memref<323584xi32, #tpu.memory_space<hbm>> -> memref<128xi32, #tpu.memory_space<hbm>>
      %dma_start3A_74 = tpu.memref_slice %arg4[%mul3A_37] : memref<323584xi32, #tpu.memory_space<hbm>> -> memref<128xi32, #tpu.memory_space<hbm>>
      tpu.enqueue_dma source(%dma_start3A_74 : memref<128xi32, #tpu.memory_space<hbm>>) target(%arg9 : memref<128xi32, #tpu.memory_space<vmem>>) target_semaphore(%run_scoped3A : memref<!tpu.dma_semaphore, #tpu.memory_space<semaphore_mem>>)
      %dma_wait3A_75 = tpu.memref_slice %arg4[%mul3A_37] : memref<323584xi32, #tpu.memory_space<hbm>> -> memref<128xi32, #tpu.memory_space<hbm>>
      %dma_wait3A_76 = tpu.memref_slice %arg4[%mul3A_37] : memref<323584xi32, #tpu.memory_space<hbm>> -> memref<128xi32, #tpu.memory_space<hbm>>
      tpu.wait_dma2 semaphore(%run_scoped3A : memref<!tpu.dma_semaphore, #tpu.memory_space<semaphore_mem>>) src(%dma_wait3A_76 : memref<128xi32, #tpu.memory_space<hbm>>) dst(%arg9 : memref<128xi32, #tpu.memory_space<vmem>>)
      tpu.yield
    }) : () -> ()
    %dma_start3A = arith.constant 0 : i32
    %dma_start3A_38 = arith.constant 0 : i32
    %dma_start3A_39 = tpu.memref_slice %arg2[%dma_start3A, %dma_start3A_38] : memref<10240x144xf32, #tpu.memory_space<hbm>> -> memref<10240x144xf32, #tpu.memory_space<hbm>>
    tpu.enqueue_indirect_dma source(%dma_start3A_39 : memref<10240x144xf32, #tpu.memory_space<hbm>>) target(%arg11 : memref<128x144xf32, #tpu.memory_space<vmem>>) offsets(%arg7 : memref<128xi32, #tpu.memory_space<vmem>>) semaphore(%arg13 : memref<!tpu.dma_semaphore, #tpu.memory_space<semaphore_mem>>)
    %dma_wait3A_40 = arith.constant 0 : i32
    %dma_wait3A_41 = arith.constant 0 : i32
    %dma_wait3A_42 = tpu.memref_slice %arg2[%dma_wait3A_40, %dma_wait3A_41] : memref<10240x144xf32, #tpu.memory_space<hbm>> -> memref<10240x144xf32, #tpu.memory_space<hbm>>
    tpu.wait_indirect_dma semaphore(%arg13 : memref<!tpu.dma_semaphore, #tpu.memory_space<semaphore_mem>>) src(%dma_wait3A_42 : memref<10240x144xf32, #tpu.memory_space<hbm>>) dst(%arg11 : memref<128x144xf32, #tpu.memory_space<vmem>>)
    %dma_start3A_43 = arith.constant 0 : i32
    %dma_start3A_44 = arith.constant 0 : i32
    %dma_start3A_45 = tpu.memref_slice %arg6[%dma_start3A_43, %dma_start3A_44] : memref<10240x144xf32, #tpu.memory_space<vmem_shared>> -> memref<10240x144xf32, #tpu.memory_space<vmem_shared>>
    tpu.enqueue_indirect_dma source(%arg11 : memref<128x144xf32, #tpu.memory_space<vmem>>) target(%dma_start3A_45 : memref<10240x144xf32, #tpu.memory_space<vmem_shared>>) offsets(%arg9 : memref<128xi32, #tpu.memory_space<vmem>>) semaphore(%arg15 : memref<!tpu.dma_semaphore, #tpu.memory_space<semaphore_mem>>) {add = true}
    %dma_wait3A_46 = arith.constant 0 : i32
    %dma_wait3A_47 = arith.constant 0 : i32
    %dma_wait3A_48 = tpu.memref_slice %arg6[%dma_wait3A_46, %dma_wait3A_47] : memref<10240x144xf32, #tpu.memory_space<vmem_shared>> -> memref<10240x144xf32, #tpu.memory_space<vmem_shared>>
    tpu.wait_indirect_dma semaphore(%arg15 : memref<!tpu.dma_semaphore, #tpu.memory_space<semaphore_mem>>) src(%arg11 : memref<128x144xf32, #tpu.memory_space<vmem>>) dst(%dma_wait3A_48 : memref<10240x144xf32, #tpu.memory_space<vmem_shared>>)
    %dma_wait3A_49 = arith.constant 0 : i32
    %dma_wait3A_50 = arith.constant 0 : i32
    %dma_wait3A_51 = tpu.memref_slice %arg6[%dma_wait3A_49, %dma_wait3A_50] : memref<10240x144xf32, #tpu.memory_space<vmem_shared>> -> memref<10240x144xf32, #tpu.memory_space<vmem_shared>>
    tpu.wait_indirect_dma semaphore(%arg16 : memref<!tpu.dma_semaphore, #tpu.memory_space<semaphore_mem>>) src(%arg12 : memref<128x144xf32, #tpu.memory_space<vmem>>) dst(%dma_wait3A_51 : memref<10240x144xf32, #tpu.memory_space<vmem_shared>>)
    %barrier3A_52 = arith.constant 0 : index
    tpu.barrier barrier_id(%barrier3A_52)
    %mul3A_53 = arith.constant 640 : i32
    %mul3A_54 = arith.muli %arg1, %mul3A_53 : i32
    %add3A_55 = arith.constant 0 : i32
    %add3A_56 = arith.addi %mul3A_54, %add3A_55 : i32
    "tpu.region"() ({
      %run_scoped3A = tpu.sem_alloc : memref<!tpu.dma_semaphore, #tpu.memory_space<semaphore_mem>>
      %dma_start3A_73 = arith.constant 0 : i32
      %dma_start3A_74 = tpu.memref_slice %arg6[%add3A_56, %dma_start3A_73] : memref<10240x144xf32, #tpu.memory_space<vmem_shared>> -> memref<128x144xf32, #tpu.memory_space<vmem_shared>>
      %dma_start3A_75 = arith.constant 0 : i32
      %dma_start3A_76 = tpu.memref_slice %arg6[%add3A_56, %dma_start3A_75] : memref<10240x144xf32, #tpu.memory_space<vmem_shared>> -> memref<128x144xf32, #tpu.memory_space<vmem_shared>>
      tpu.enqueue_dma source(%dma_start3A_76 : memref<128x144xf32, #tpu.memory_space<vmem_shared>>) target(%arg11 : memref<128x144xf32, #tpu.memory_space<vmem>>) target_semaphore(%run_scoped3A : memref<!tpu.dma_semaphore, #tpu.memory_space<semaphore_mem>>)
      %dma_wait3A_77 = arith.constant 0 : i32
      %dma_wait3A_78 = tpu.memref_slice %arg6[%add3A_56, %dma_wait3A_77] : memref<10240x144xf32, #tpu.memory_space<vmem_shared>> -> memref<128x144xf32, #tpu.memory_space<vmem_shared>>
      %dma_wait3A_79 = arith.constant 0 : i32
      %dma_wait3A_80 = tpu.memref_slice %arg6[%add3A_56, %dma_wait3A_79] : memref<10240x144xf32, #tpu.memory_space<vmem_shared>> -> memref<128x144xf32, #tpu.memory_space<vmem_shared>>
      tpu.wait_dma2 semaphore(%run_scoped3A : memref<!tpu.dma_semaphore, #tpu.memory_space<semaphore_mem>>) src(%dma_wait3A_80 : memref<128x144xf32, #tpu.memory_space<vmem_shared>>) dst(%arg11 : memref<128x144xf32, #tpu.memory_space<vmem>>)
      tpu.yield
    }) : () -> ()
    "tpu.region"() ({
      %run_scoped3A = tpu.sem_alloc : memref<!tpu.dma_semaphore, #tpu.memory_space<semaphore_mem>>
      %dma_start3A_73 = arith.constant 0 : i32
      %dma_start3A_74 = tpu.memref_slice %arg5[%arg0, %add3A_56, %dma_start3A_73] : memref<2x10240x144xf32, #tpu.memory_space<hbm>> -> memref<1x128x144xf32, #tpu.memory_space<hbm>>
      %dma_start3A_75 = tpu.memref_squeeze %dma_start3A_74 : memref<1x128x144xf32, #tpu.memory_space<hbm>> -> memref<128x144xf32, #tpu.memory_space<hbm>>
      %dma_start3A_76 = arith.constant 0 : i32
      %dma_start3A_77 = tpu.memref_slice %arg5[%arg0, %add3A_56, %dma_start3A_76] : memref<2x10240x144xf32, #tpu.memory_space<hbm>> -> memref<1x128x144xf32, #tpu.memory_space<hbm>>
      %dma_start3A_78 = tpu.memref_squeeze %dma_start3A_77 : memref<1x128x144xf32, #tpu.memory_space<hbm>> -> memref<128x144xf32, #tpu.memory_space<hbm>>
      tpu.enqueue_dma source(%arg11 : memref<128x144xf32, #tpu.memory_space<vmem>>) target(%dma_start3A_78 : memref<128x144xf32, #tpu.memory_space<hbm>>) target_semaphore(%run_scoped3A : memref<!tpu.dma_semaphore, #tpu.memory_space<semaphore_mem>>)
      %dma_wait3A_79 = arith.constant 0 : i32
      %dma_wait3A_80 = tpu.memref_slice %arg5[%arg0, %add3A_56, %dma_wait3A_79] : memref<2x10240x144xf32, #tpu.memory_space<hbm>> -> memref<1x128x144xf32, #tpu.memory_space<hbm>>
      %dma_wait3A_81 = tpu.memref_squeeze %dma_wait3A_80 : memref<1x128x144xf32, #tpu.memory_space<hbm>> -> memref<128x144xf32, #tpu.memory_space<hbm>>
      %dma_wait3A_82 = arith.constant 0 : i32
      %dma_wait3A_83 = tpu.memref_slice %arg5[%arg0, %add3A_56, %dma_wait3A_82] : memref<2x10240x144xf32, #tpu.memory_space<hbm>> -> memref<1x128x144xf32, #tpu.memory_space<hbm>>
      %dma_wait3A_84 = tpu.memref_squeeze %dma_wait3A_83 : memref<1x128x144xf32, #tpu.memory_space<hbm>> -> memref<128x144xf32, #tpu.memory_space<hbm>>
      tpu.wait_dma2 semaphore(%run_scoped3A : memref<!tpu.dma_semaphore, #tpu.memory_space<semaphore_mem>>) src(%arg11 : memref<128x144xf32, #tpu.memory_space<vmem>>) dst(%dma_wait3A_84 : memref<128x144xf32, #tpu.memory_space<hbm>>)
      tpu.yield
    }) : () -> ()
    %mul3A_57 = arith.constant 640 : i32
    %mul3A_58 = arith.muli %arg1, %mul3A_57 : i32
    %add3A_59 = arith.constant 128 : i32
    %add3A_60 = arith.addi %mul3A_58, %add3A_59 : i32
    "tpu.region"() ({
      %run_scoped3A = tpu.sem_alloc : memref<!tpu.dma_semaphore, #tpu.memory_space<semaphore_mem>>
      %dma_start3A_73 = arith.constant 0 : i32
      %dma_start3A_74 = tpu.memref_slice %arg6[%add3A_60, %dma_start3A_73] : memref<10240x144xf32, #tpu.memory_space<vmem_shared>> -> memref<128x144xf32, #tpu.memory_space<vmem_shared>>
      %dma_start3A_75 = arith.constant 0 : i32
      %dma_start3A_76 = tpu.memref_slice %arg6[%add3A_60, %dma_start3A_75] : memref<10240x144xf32, #tpu.memory_space<vmem_shared>> -> memref<128x144xf32, #tpu.memory_space<vmem_shared>>
      tpu.enqueue_dma source(%dma_start3A_76 : memref<128x144xf32, #tpu.memory_space<vmem_shared>>) target(%arg11 : memref<128x144xf32, #tpu.memory_space<vmem>>) target_semaphore(%run_scoped3A : memref<!tpu.dma_semaphore, #tpu.memory_space<semaphore_mem>>)
      %dma_wait3A_77 = arith.constant 0 : i32
      %dma_wait3A_78 = tpu.memref_slice %arg6[%add3A_60, %dma_wait3A_77] : memref<10240x144xf32, #tpu.memory_space<vmem_shared>> -> memref<128x144xf32, #tpu.memory_space<vmem_shared>>
      %dma_wait3A_79 = arith.constant 0 : i32
      %dma_wait3A_80 = tpu.memref_slice %arg6[%add3A_60, %dma_wait3A_79] : memref<10240x144xf32, #tpu.memory_space<vmem_shared>> -> memref<128x144xf32, #tpu.memory_space<vmem_shared>>
      tpu.wait_dma2 semaphore(%run_scoped3A : memref<!tpu.dma_semaphore, #tpu.memory_space<semaphore_mem>>) src(%dma_wait3A_80 : memref<128x144xf32, #tpu.memory_space<vmem_shared>>) dst(%arg11 : memref<128x144xf32, #tpu.memory_space<vmem>>)
      tpu.yield
    }) : () -> ()
    "tpu.region"() ({
      %run_scoped3A = tpu.sem_alloc : memref<!tpu.dma_semaphore, #tpu.memory_space<semaphore_mem>>
      %dma_start3A_73 = arith.constant 0 : i32
      %dma_start3A_74 = tpu.memref_slice %arg5[%arg0, %add3A_60, %dma_start3A_73] : memref<2x10240x144xf32, #tpu.memory_space<hbm>> -> memref<1x128x144xf32, #tpu.memory_space<hbm>>
      %dma_start3A_75 = tpu.memref_squeeze %dma_start3A_74 : memref<1x128x144xf32, #tpu.memory_space<hbm>> -> memref<128x144xf32, #tpu.memory_space<hbm>>
      %dma_start3A_76 = arith.constant 0 : i32
      %dma_start3A_77 = tpu.memref_slice %arg5[%arg0, %add3A_60, %dma_start3A_76] : memref<2x10240x144xf32, #tpu.memory_space<hbm>> -> memref<1x128x144xf32, #tpu.memory_space<hbm>>
      %dma_start3A_78 = tpu.memref_squeeze %dma_start3A_77 : memref<1x128x144xf32, #tpu.memory_space<hbm>> -> memref<128x144xf32, #tpu.memory_space<hbm>>
      tpu.enqueue_dma source(%arg11 : memref<128x144xf32, #tpu.memory_space<vmem>>) target(%dma_start3A_78 : memref<128x144xf32, #tpu.memory_space<hbm>>) target_semaphore(%run_scoped3A : memref<!tpu.dma_semaphore, #tpu.memory_space<semaphore_mem>>)
      %dma_wait3A_79 = arith.constant 0 : i32
      %dma_wait3A_80 = tpu.memref_slice %arg5[%arg0, %add3A_60, %dma_wait3A_79] : memref<2x10240x144xf32, #tpu.memory_space<hbm>> -> memref<1x128x144xf32, #tpu.memory_space<hbm>>
      %dma_wait3A_81 = tpu.memref_squeeze %dma_wait3A_80 : memref<1x128x144xf32, #tpu.memory_space<hbm>> -> memref<128x144xf32, #tpu.memory_space<hbm>>
      %dma_wait3A_82 = arith.constant 0 : i32
      %dma_wait3A_83 = tpu.memref_slice %arg5[%arg0, %add3A_60, %dma_wait3A_82] : memref<2x10240x144xf32, #tpu.memory_space<hbm>> -> memref<1x128x144xf32, #tpu.memory_space<hbm>>
      %dma_wait3A_84 = tpu.memref_squeeze %dma_wait3A_83 : memref<1x128x144xf32, #tpu.memory_space<hbm>> -> memref<128x144xf32, #tpu.memory_space<hbm>>
      tpu.wait_dma2 semaphore(%run_scoped3A : memref<!tpu.dma_semaphore, #tpu.memory_space<semaphore_mem>>) src(%arg11 : memref<128x144xf32, #tpu.memory_space<vmem>>) dst(%dma_wait3A_84 : memref<128x144xf32, #tpu.memory_space<hbm>>)
      tpu.yield
    }) : () -> ()
    %mul3A_61 = arith.constant 640 : i32
    %mul3A_62 = arith.muli %arg1, %mul3A_61 : i32
    %add3A_63 = arith.constant 256 : i32
    %add3A_64 = arith.addi %mul3A_62, %add3A_63 : i32
    "tpu.region"() ({
      %run_scoped3A = tpu.sem_alloc : memref<!tpu.dma_semaphore, #tpu.memory_space<semaphore_mem>>
      %dma_start3A_73 = arith.constant 0 : i32
      %dma_start3A_74 = tpu.memref_slice %arg6[%add3A_64, %dma_start3A_73] : memref<10240x144xf32, #tpu.memory_space<vmem_shared>> -> memref<128x144xf32, #tpu.memory_space<vmem_shared>>
      %dma_start3A_75 = arith.constant 0 : i32
      %dma_start3A_76 = tpu.memref_slice %arg6[%add3A_64, %dma_start3A_75] : memref<10240x144xf32, #tpu.memory_space<vmem_shared>> -> memref<128x144xf32, #tpu.memory_space<vmem_shared>>
      tpu.enqueue_dma source(%dma_start3A_76 : memref<128x144xf32, #tpu.memory_space<vmem_shared>>) target(%arg11 : memref<128x144xf32, #tpu.memory_space<vmem>>) target_semaphore(%run_scoped3A : memref<!tpu.dma_semaphore, #tpu.memory_space<semaphore_mem>>)
      %dma_wait3A_77 = arith.constant 0 : i32
      %dma_wait3A_78 = tpu.memref_slice %arg6[%add3A_64, %dma_wait3A_77] : memref<10240x144xf32, #tpu.memory_space<vmem_shared>> -> memref<128x144xf32, #tpu.memory_space<vmem_shared>>
      %dma_wait3A_79 = arith.constant 0 : i32
      %dma_wait3A_80 = tpu.memref_slice %arg6[%add3A_64, %dma_wait3A_79] : memref<10240x144xf32, #tpu.memory_space<vmem_shared>> -> memref<128x144xf32, #tpu.memory_space<vmem_shared>>
      tpu.wait_dma2 semaphore(%run_scoped3A : memref<!tpu.dma_semaphore, #tpu.memory_space<semaphore_mem>>) src(%dma_wait3A_80 : memref<128x144xf32, #tpu.memory_space<vmem_shared>>) dst(%arg11 : memref<128x144xf32, #tpu.memory_space<vmem>>)
      tpu.yield
    }) : () -> ()
    "tpu.region"() ({
      %run_scoped3A = tpu.sem_alloc : memref<!tpu.dma_semaphore, #tpu.memory_space<semaphore_mem>>
      %dma_start3A_73 = arith.constant 0 : i32
      %dma_start3A_74 = tpu.memref_slice %arg5[%arg0, %add3A_64, %dma_start3A_73] : memref<2x10240x144xf32, #tpu.memory_space<hbm>> -> memref<1x128x144xf32, #tpu.memory_space<hbm>>
      %dma_start3A_75 = tpu.memref_squeeze %dma_start3A_74 : memref<1x128x144xf32, #tpu.memory_space<hbm>> -> memref<128x144xf32, #tpu.memory_space<hbm>>
      %dma_start3A_76 = arith.constant 0 : i32
      %dma_start3A_77 = tpu.memref_slice %arg5[%arg0, %add3A_64, %dma_start3A_76] : memref<2x10240x144xf32, #tpu.memory_space<hbm>> -> memref<1x128x144xf32, #tpu.memory_space<hbm>>
      %dma_start3A_78 = tpu.memref_squeeze %dma_start3A_77 : memref<1x128x144xf32, #tpu.memory_space<hbm>> -> memref<128x144xf32, #tpu.memory_space<hbm>>
      tpu.enqueue_dma source(%arg11 : memref<128x144xf32, #tpu.memory_space<vmem>>) target(%dma_start3A_78 : memref<128x144xf32, #tpu.memory_space<hbm>>) target_semaphore(%run_scoped3A : memref<!tpu.dma_semaphore, #tpu.memory_space<semaphore_mem>>)
      %dma_wait3A_79 = arith.constant 0 : i32
      %dma_wait3A_80 = tpu.memref_slice %arg5[%arg0, %add3A_64, %dma_wait3A_79] : memref<2x10240x144xf32, #tpu.memory_space<hbm>> -> memref<1x128x144xf32, #tpu.memory_space<hbm>>
      %dma_wait3A_81 = tpu.memref_squeeze %dma_wait3A_80 : memref<1x128x144xf32, #tpu.memory_space<hbm>> -> memref<128x144xf32, #tpu.memory_space<hbm>>
      %dma_wait3A_82 = arith.constant 0 : i32
      %dma_wait3A_83 = tpu.memref_slice %arg5[%arg0, %add3A_64, %dma_wait3A_82] : memref<2x10240x144xf32, #tpu.memory_space<hbm>> -> memref<1x128x144xf32, #tpu.memory_space<hbm>>
      %dma_wait3A_84 = tpu.memref_squeeze %dma_wait3A_83 : memref<1x128x144xf32, #tpu.memory_space<hbm>> -> memref<128x144xf32, #tpu.memory_space<hbm>>
      tpu.wait_dma2 semaphore(%run_scoped3A : memref<!tpu.dma_semaphore, #tpu.memory_space<semaphore_mem>>) src(%arg11 : memref<128x144xf32, #tpu.memory_space<vmem>>) dst(%dma_wait3A_84 : memref<128x144xf32, #tpu.memory_space<hbm>>)
      tpu.yield
    }) : () -> ()
    %mul3A_65 = arith.constant 640 : i32
    %mul3A_66 = arith.muli %arg1, %mul3A_65 : i32
    %add3A_67 = arith.constant 384 : i32
    %add3A_68 = arith.addi %mul3A_66, %add3A_67 : i32
    "tpu.region"() ({
      %run_scoped3A = tpu.sem_alloc : memref<!tpu.dma_semaphore, #tpu.memory_space<semaphore_mem>>
      %dma_start3A_73 = arith.constant 0 : i32
      %dma_start3A_74 = tpu.memref_slice %arg6[%add3A_68, %dma_start3A_73] : memref<10240x144xf32, #tpu.memory_space<vmem_shared>> -> memref<128x144xf32, #tpu.memory_space<vmem_shared>>
      %dma_start3A_75 = arith.constant 0 : i32
      %dma_start3A_76 = tpu.memref_slice %arg6[%add3A_68, %dma_start3A_75] : memref<10240x144xf32, #tpu.memory_space<vmem_shared>> -> memref<128x144xf32, #tpu.memory_space<vmem_shared>>
      tpu.enqueue_dma source(%dma_start3A_76 : memref<128x144xf32, #tpu.memory_space<vmem_shared>>) target(%arg11 : memref<128x144xf32, #tpu.memory_space<vmem>>) target_semaphore(%run_scoped3A : memref<!tpu.dma_semaphore, #tpu.memory_space<semaphore_mem>>)
      %dma_wait3A_77 = arith.constant 0 : i32
      %dma_wait3A_78 = tpu.memref_slice %arg6[%add3A_68, %dma_wait3A_77] : memref<10240x144xf32, #tpu.memory_space<vmem_shared>> -> memref<128x144xf32, #tpu.memory_space<vmem_shared>>
      %dma_wait3A_79 = arith.constant 0 : i32
      %dma_wait3A_80 = tpu.memref_slice %arg6[%add3A_68, %dma_wait3A_79] : memref<10240x144xf32, #tpu.memory_space<vmem_shared>> -> memref<128x144xf32, #tpu.memory_space<vmem_shared>>
      tpu.wait_dma2 semaphore(%run_scoped3A : memref<!tpu.dma_semaphore, #tpu.memory_space<semaphore_mem>>) src(%dma_wait3A_80 : memref<128x144xf32, #tpu.memory_space<vmem_shared>>) dst(%arg11 : memref<128x144xf32, #tpu.memory_space<vmem>>)
      tpu.yield
    }) : () -> ()
    "tpu.region"() ({
      %run_scoped3A = tpu.sem_alloc : memref<!tpu.dma_semaphore, #tpu.memory_space<semaphore_mem>>
      %dma_start3A_73 = arith.constant 0 : i32
      %dma_start3A_74 = tpu.memref_slice %arg5[%arg0, %add3A_68, %dma_start3A_73] : memref<2x10240x144xf32, #tpu.memory_space<hbm>> -> memref<1x128x144xf32, #tpu.memory_space<hbm>>
      %dma_start3A_75 = tpu.memref_squeeze %dma_start3A_74 : memref<1x128x144xf32, #tpu.memory_space<hbm>> -> memref<128x144xf32, #tpu.memory_space<hbm>>
      %dma_start3A_76 = arith.constant 0 : i32
      %dma_start3A_77 = tpu.memref_slice %arg5[%arg0, %add3A_68, %dma_start3A_76] : memref<2x10240x144xf32, #tpu.memory_space<hbm>> -> memref<1x128x144xf32, #tpu.memory_space<hbm>>
      %dma_start3A_78 = tpu.memref_squeeze %dma_start3A_77 : memref<1x128x144xf32, #tpu.memory_space<hbm>> -> memref<128x144xf32, #tpu.memory_space<hbm>>
      tpu.enqueue_dma source(%arg11 : memref<128x144xf32, #tpu.memory_space<vmem>>) target(%dma_start3A_78 : memref<128x144xf32, #tpu.memory_space<hbm>>) target_semaphore(%run_scoped3A : memref<!tpu.dma_semaphore, #tpu.memory_space<semaphore_mem>>)
      %dma_wait3A_79 = arith.constant 0 : i32
      %dma_wait3A_80 = tpu.memref_slice %arg5[%arg0, %add3A_68, %dma_wait3A_79] : memref<2x10240x144xf32, #tpu.memory_space<hbm>> -> memref<1x128x144xf32, #tpu.memory_space<hbm>>
      %dma_wait3A_81 = tpu.memref_squeeze %dma_wait3A_80 : memref<1x128x144xf32, #tpu.memory_space<hbm>> -> memref<128x144xf32, #tpu.memory_space<hbm>>
      %dma_wait3A_82 = arith.constant 0 : i32
      %dma_wait3A_83 = tpu.memref_slice %arg5[%arg0, %add3A_68, %dma_wait3A_82] : memref<2x10240x144xf32, #tpu.memory_space<hbm>> -> memref<1x128x144xf32, #tpu.memory_space<hbm>>
      %dma_wait3A_84 = tpu.memref_squeeze %dma_wait3A_83 : memref<1x128x144xf32, #tpu.memory_space<hbm>> -> memref<128x144xf32, #tpu.memory_space<hbm>>
      tpu.wait_dma2 semaphore(%run_scoped3A : memref<!tpu.dma_semaphore, #tpu.memory_space<semaphore_mem>>) src(%arg11 : memref<128x144xf32, #tpu.memory_space<vmem>>) dst(%dma_wait3A_84 : memref<128x144xf32, #tpu.memory_space<hbm>>)
      tpu.yield
    }) : () -> ()
    %mul3A_69 = arith.constant 640 : i32
    %mul3A_70 = arith.muli %arg1, %mul3A_69 : i32
    %add3A_71 = arith.constant 512 : i32
    %add3A_72 = arith.addi %mul3A_70, %add3A_71 : i32
    "tpu.region"() ({
      %run_scoped3A = tpu.sem_alloc : memref<!tpu.dma_semaphore, #tpu.memory_space<semaphore_mem>>
      %dma_start3A_73 = arith.constant 0 : i32
      %dma_start3A_74 = tpu.memref_slice %arg6[%add3A_72, %dma_start3A_73] : memref<10240x144xf32, #tpu.memory_space<vmem_shared>> -> memref<128x144xf32, #tpu.memory_space<vmem_shared>>
      %dma_start3A_75 = arith.constant 0 : i32
      %dma_start3A_76 = tpu.memref_slice %arg6[%add3A_72, %dma_start3A_75] : memref<10240x144xf32, #tpu.memory_space<vmem_shared>> -> memref<128x144xf32, #tpu.memory_space<vmem_shared>>
      tpu.enqueue_dma source(%dma_start3A_76 : memref<128x144xf32, #tpu.memory_space<vmem_shared>>) target(%arg11 : memref<128x144xf32, #tpu.memory_space<vmem>>) target_semaphore(%run_scoped3A : memref<!tpu.dma_semaphore, #tpu.memory_space<semaphore_mem>>)
      %dma_wait3A_77 = arith.constant 0 : i32
      %dma_wait3A_78 = tpu.memref_slice %arg6[%add3A_72, %dma_wait3A_77] : memref<10240x144xf32, #tpu.memory_space<vmem_shared>> -> memref<128x144xf32, #tpu.memory_space<vmem_shared>>
      %dma_wait3A_79 = arith.constant 0 : i32
      %dma_wait3A_80 = tpu.memref_slice %arg6[%add3A_72, %dma_wait3A_79] : memref<10240x144xf32, #tpu.memory_space<vmem_shared>> -> memref<128x144xf32, #tpu.memory_space<vmem_shared>>
      tpu.wait_dma2 semaphore(%run_scoped3A : memref<!tpu.dma_semaphore, #tpu.memory_space<semaphore_mem>>) src(%dma_wait3A_80 : memref<128x144xf32, #tpu.memory_space<vmem_shared>>) dst(%arg11 : memref<128x144xf32, #tpu.memory_space<vmem>>)
      tpu.yield
    }) : () -> ()
    "tpu.region"() ({
      %run_scoped3A = tpu.sem_alloc : memref<!tpu.dma_semaphore, #tpu.memory_space<semaphore_mem>>
      %dma_start3A_73 = arith.constant 0 : i32
      %dma_start3A_74 = tpu.memref_slice %arg5[%arg0, %add3A_72, %dma_start3A_73] : memref<2x10240x144xf32, #tpu.memory_space<hbm>> -> memref<1x128x144xf32, #tpu.memory_space<hbm>>
      %dma_start3A_75 = tpu.memref_squeeze %dma_start3A_74 : memref<1x128x144xf32, #tpu.memory_space<hbm>> -> memref<128x144xf32, #tpu.memory_space<hbm>>
      %dma_start3A_76 = arith.constant 0 : i32
      %dma_start3A_77 = tpu.memref_slice %arg5[%arg0, %add3A_72, %dma_start3A_76] : memref<2x10240x144xf32, #tpu.memory_space<hbm>> -> memref<1x128x144xf32, #tpu.memory_space<hbm>>
      %dma_start3A_78 = tpu.memref_squeeze %dma_start3A_77 : memref<1x128x144xf32, #tpu.memory_space<hbm>> -> memref<128x144xf32, #tpu.memory_space<hbm>>
      tpu.enqueue_dma source(%arg11 : memref<128x144xf32, #tpu.memory_space<vmem>>) target(%dma_start3A_78 : memref<128x144xf32, #tpu.memory_space<hbm>>) target_semaphore(%run_scoped3A : memref<!tpu.dma_semaphore, #tpu.memory_space<semaphore_mem>>)
      %dma_wait3A_79 = arith.constant 0 : i32
      %dma_wait3A_80 = tpu.memref_slice %arg5[%arg0, %add3A_72, %dma_wait3A_79] : memref<2x10240x144xf32, #tpu.memory_space<hbm>> -> memref<1x128x144xf32, #tpu.memory_space<hbm>>
      %dma_wait3A_81 = tpu.memref_squeeze %dma_wait3A_80 : memref<1x128x144xf32, #tpu.memory_space<hbm>> -> memref<128x144xf32, #tpu.memory_space<hbm>>
      %dma_wait3A_82 = arith.constant 0 : i32
      %dma_wait3A_83 = tpu.memref_slice %arg5[%arg0, %add3A_72, %dma_wait3A_82] : memref<2x10240x144xf32, #tpu.memory_space<hbm>> -> memref<1x128x144xf32, #tpu.memory_space<hbm>>
      %dma_wait3A_84 = tpu.memref_squeeze %dma_wait3A_83 : memref<1x128x144xf32, #tpu.memory_space<hbm>> -> memref<128x144xf32, #tpu.memory_space<hbm>>
      tpu.wait_dma2 semaphore(%run_scoped3A : memref<!tpu.dma_semaphore, #tpu.memory_space<semaphore_mem>>) src(%arg11 : memref<128x144xf32, #tpu.memory_space<vmem>>) dst(%dma_wait3A_84 : memref<128x144xf32, #tpu.memory_space<hbm>>)
      tpu.yield
    }) : () -> ()
    return
  }
}

module attributes {stable_mosaic.version = 14 : i64} {
  func.func @_mm_pad_body(%arg0: i32, %arg1: memref<512x128xf32, #tpu.memory_space<vmem>>, %arg2: memref<128x128xf32, #tpu.memory_space<vmem>>, %arg3: memref<1x128xf32, #tpu.memory_space<vmem>>, %arg4: memref<512x144xf32, #tpu.memory_space<vmem>>) attributes {dimension_semantics = [#tpu.dimension_semantics<arbitrary>], iteration_bounds = array<i64: 20>, scalar_prefetch = 0 : i64, scratch_operands = 0 : i64, tpu.core_type = #tpu.core_type<tc>, window_params = [{transform_indices = @transform_0, window_bounds = array<i64: 512, 128>}, {pipeline_mode = #tpu.pipeline_mode<synchronous>, transform_indices = @transform_1, window_bounds = array<i64: 128, 128>}, {pipeline_mode = #tpu.pipeline_mode<synchronous>, transform_indices = @transform_2, window_bounds = array<i64: 1, 128>}, {transform_indices = @transform_3, window_bounds = array<i64: 512, 144>}]} {
    %get3A = arith.constant 0 : index
    %get3A_0 = arith.constant 0 : index
    %get3A_1 = vector.load %arg1[%get3A, %get3A_0] : memref<512x128xf32, #tpu.memory_space<vmem>>, vector<512x128xf32>
    %get3A_2 = arith.constant 0 : index
    %get3A_3 = arith.constant 0 : index
    %get3A_4 = vector.load %arg2[%get3A_2, %get3A_3] : memref<128x128xf32, #tpu.memory_space<vmem>>, vector<128x128xf32>
    %dot_general3A = arith.constant dense<0.000000e+00> : vector<512x128xf32>
    %dot_general3A_5 = tpu.matmul %get3A_1, %get3A_4, %dot_general3A {dimension_numbers = #tpu.dot_dimension_numbers<[1], [0], [0], [1], [0, 0, 1, 1], [], []>, transpose_lhs_hint = false} : vector<512x128xf32>, vector<128x128xf32>, vector<512x128xf32> -> vector<512x128xf32>
    %get3A_6 = arith.constant 0 : index
    %get3A_7 = arith.constant 0 : index
    %get3A_8 = vector.load %arg3[%get3A_6, %get3A_7] : memref<1x128xf32, #tpu.memory_space<vmem>>, vector<1x128xf32>
    %add3A = vector.broadcast %get3A_8 : vector<1x128xf32> to vector<512x128xf32>
    %add3A_9 = arith.addf %dot_general3A_5, %add3A : vector<512x128xf32>
    %broadcast_in_dim3A = arith.constant 1.000000e+00 : f32
    %broadcast_in_dim3A_10 = vector.broadcast %broadcast_in_dim3A : f32 to vector<512x1xf32>
    %broadcast_in_dim3A_11 = arith.constant 0.000000e+00 : f32
    %broadcast_in_dim3A_12 = vector.broadcast %broadcast_in_dim3A_11 : f32 to vector<512x15xf32>
    %concatenate3A = tpu.concatenate %add3A_9, %broadcast_in_dim3A_10, %broadcast_in_dim3A_12 in 1 : vector<512x128xf32>, vector<512x1xf32>, vector<512x15xf32> -> vector<512x144xf32>
    %swap3A = arith.constant 0 : index
    %swap3A_13 = arith.constant 0 : index
    %swap3A_14 = vector.load %arg4[%swap3A, %swap3A_13] : memref<512x144xf32, #tpu.memory_space<vmem>>, vector<512x144xf32>
    tpu.vector_store %arg4[%swap3A, %swap3A_13], %concatenate3A {strides = array<i32>} : memref<512x144xf32, #tpu.memory_space<vmem>>, vector<512x144xf32>,
    return
  }
  func.func @transform_0(%arg0: i32) -> (i32, i32) {
    %c0_i32 = arith.constant 0 : i32
    %c0_i32_0 = arith.constant 0 : i32
    return %arg0, %c0_i32 : i32, i32
  }
  func.func @transform_1(%arg0: i32) -> (i32, i32) {
    %c0_i32 = arith.constant 0 : i32
    %c0_i32_0 = arith.constant 0 : i32
    %c0_i32_1 = arith.constant 0 : i32
    return %c0_i32, %c0_i32_0 : i32, i32
  }
  func.func @transform_2(%arg0: i32) -> (i32, i32) {
    %c0_i32 = arith.constant 0 : i32
    %c0_i32_0 = arith.constant 0 : i32
    %c0_i32_1 = arith.constant 0 : i32
    return %c0_i32, %c0_i32_0 : i32, i32
  }
  func.func @transform_3(%arg0: i32) -> (i32, i32) {
    %c0_i32 = arith.constant 0 : i32
    %c0_i32_0 = arith.constant 0 : i32
    return %arg0, %c0_i32 : i32, i32
  }
}

module attributes {stable_mosaic.version = 14 : i64} {
  func.func @_comb_body(%arg0: i32, %arg1: memref<2x512x144xf32, #tpu.memory_space<vmem>>, %arg2: memref<512x144xf32, #tpu.memory_space<vmem>>) attributes {dimension_semantics = [#tpu.dimension_semantics<arbitrary>], iteration_bounds = array<i64: 20>, scalar_prefetch = 0 : i64, scratch_operands = 0 : i64, tpu.core_type = #tpu.core_type<tc>, window_params = [{transform_indices = @transform_0, window_bounds = array<i64: 2, 512, 144>}, {transform_indices = @transform_1, window_bounds = array<i64: 512, 144>}]} {
    %get3A = arith.constant 0 : index
    %get3A_0 = arith.constant 0 : index
    %get3A_1 = arith.constant 0 : index
    %get3A_2 = vector.load %arg1[%get3A, %get3A_0, %get3A_1] : memref<2x512x144xf32, #tpu.memory_space<vmem>>, vector<1x512x144xf32>
    %get3A_3 = vector.shape_cast %get3A_2 : vector<1x512x144xf32> to vector<512x144xf32>
    %get3A_4 = arith.constant 1 : index
    %get3A_5 = arith.constant 0 : index
    %get3A_6 = arith.constant 0 : index
    %get3A_7 = vector.load %arg1[%get3A_4, %get3A_5, %get3A_6] : memref<2x512x144xf32, #tpu.memory_space<vmem>>, vector<1x512x144xf32>
    %get3A_8 = vector.shape_cast %get3A_7 : vector<1x512x144xf32> to vector<512x144xf32>
    %add3A = arith.addf %get3A_3, %get3A_8 : vector<512x144xf32>
    %slice3A = vector.extract_strided_slice %add3A {offsets = [0, 128], sizes = [512, 1], strides = [1, 1]} : vector<512x144xf32> to vector<512x1xf32>
    %max3A = arith.constant 1.000000e+00 : f32
    %max3A_9 = vector.broadcast %max3A : f32 to vector<512x1xf32>
    %max3A_10 = arith.maximumf %slice3A, %max3A_9 : vector<512x1xf32>
    %div3A = vector.broadcast %max3A_10 : vector<512x1xf32> to vector<512x144xf32>
    %div3A_11 = arith.divf %add3A, %div3A : vector<512x144xf32>
    %swap3A = arith.constant 0 : index
    %swap3A_12 = arith.constant 0 : index
    %swap3A_13 = vector.load %arg2[%swap3A, %swap3A_12] : memref<512x144xf32, #tpu.memory_space<vmem>>, vector<512x144xf32>
    tpu.vector_store %arg2[%swap3A, %swap3A_12], %div3A_11 {strides = array<i32>} : memref<512x144xf32, #tpu.memory_space<vmem>>, vector<512x144xf32>,
    return
  }
  func.func @transform_0(%arg0: i32) -> (i32, i32, i32) {
    %c0_i32 = arith.constant 0 : i32
    %c0_i32_0 = arith.constant 0 : i32
    %c0_i32_1 = arith.constant 0 : i32
    return %c0_i32, %arg0, %c0_i32_0 : i32, i32, i32
  }
  func.func @transform_1(%arg0: i32) -> (i32, i32) {
    %c0_i32 = arith.constant 0 : i32
    %c0_i32_0 = arith.constant 0 : i32
    return %arg0, %c0_i32 : i32, i32
  }
}

module attributes {stable_mosaic.version = 14 : i64} {
  func.func @_relu_mm_pad_body(%arg0: i32, %arg1: memref<2x512x144xf32, #tpu.memory_space<vmem>>, %arg2: memref<128x128xf32, #tpu.memory_space<vmem>>, %arg3: memref<1x128xf32, #tpu.memory_space<vmem>>, %arg4: memref<512x144xf32, #tpu.memory_space<vmem>>) attributes {dimension_semantics = [#tpu.dimension_semantics<arbitrary>], iteration_bounds = array<i64: 20>, scalar_prefetch = 0 : i64, scratch_operands = 0 : i64, tpu.core_type = #tpu.core_type<tc>, window_params = [{transform_indices = @transform_0, window_bounds = array<i64: 2, 512, 144>}, {pipeline_mode = #tpu.pipeline_mode<synchronous>, transform_indices = @transform_1, window_bounds = array<i64: 128, 128>}, {pipeline_mode = #tpu.pipeline_mode<synchronous>, transform_indices = @transform_2, window_bounds = array<i64: 1, 128>}, {transform_indices = @transform_3, window_bounds = array<i64: 512, 144>}]} {
    %get3A = arith.constant 0 : index
    %get3A_0 = arith.constant 0 : index
    %get3A_1 = arith.constant 0 : index
    %get3A_2 = vector.load %arg1[%get3A, %get3A_0, %get3A_1] : memref<2x512x144xf32, #tpu.memory_space<vmem>>, vector<1x512x144xf32>
    %get3A_3 = vector.shape_cast %get3A_2 : vector<1x512x144xf32> to vector<512x144xf32>
    %get3A_4 = arith.constant 1 : index
    %get3A_5 = arith.constant 0 : index
    %get3A_6 = arith.constant 0 : index
    %get3A_7 = vector.load %arg1[%get3A_4, %get3A_5, %get3A_6] : memref<2x512x144xf32, #tpu.memory_space<vmem>>, vector<1x512x144xf32>
    %get3A_8 = vector.shape_cast %get3A_7 : vector<1x512x144xf32> to vector<512x144xf32>
    %add3A = arith.addf %get3A_3, %get3A_8 : vector<512x144xf32>
    %slice3A = vector.extract_strided_slice %add3A {offsets = [0, 128], sizes = [512, 1], strides = [1, 1]} : vector<512x144xf32> to vector<512x1xf32>
    %max3A = arith.constant 1.000000e+00 : f32
    %max3A_9 = vector.broadcast %max3A : f32 to vector<512x1xf32>
    %max3A_10 = arith.maximumf %slice3A, %max3A_9 : vector<512x1xf32>
    %slice3A_11 = vector.extract_strided_slice %add3A {offsets = [0, 0], sizes = [512, 128], strides = [1, 1]} : vector<512x144xf32> to vector<512x128xf32>
    %div3A = vector.broadcast %max3A_10 : vector<512x1xf32> to vector<512x128xf32>
    %div3A_12 = arith.divf %slice3A_11, %div3A : vector<512x128xf32>
    %max3A_13 = arith.constant 0.000000e+00 : f32
    %max3A_14 = vector.broadcast %max3A_13 : f32 to vector<512x128xf32>
    %max3A_15 = arith.maximumf %div3A_12, %max3A_14 : vector<512x128xf32>
    %get3A_16 = arith.constant 0 : index
    %get3A_17 = arith.constant 0 : index
    %get3A_18 = vector.load %arg2[%get3A_16, %get3A_17] : memref<128x128xf32, #tpu.memory_space<vmem>>, vector<128x128xf32>
    %dot_general3A = arith.constant dense<0.000000e+00> : vector<512x128xf32>
    %dot_general3A_19 = tpu.matmul %max3A_15, %get3A_18, %dot_general3A {dimension_numbers = #tpu.dot_dimension_numbers<[1], [0], [0], [1], [0, 0, 1, 1], [], []>, transpose_lhs_hint = false} : vector<512x128xf32>, vector<128x128xf32>, vector<512x128xf32> -> vector<512x128xf32>
    %get3A_20 = arith.constant 0 : index
    %get3A_21 = arith.constant 0 : index
    %get3A_22 = vector.load %arg3[%get3A_20, %get3A_21] : memref<1x128xf32, #tpu.memory_space<vmem>>, vector<1x128xf32>
    %add3A_23 = vector.broadcast %get3A_22 : vector<1x128xf32> to vector<512x128xf32>
    %add3A_24 = arith.addf %dot_general3A_19, %add3A_23 : vector<512x128xf32>
    %broadcast_in_dim3A = arith.constant 1.000000e+00 : f32
    %broadcast_in_dim3A_25 = vector.broadcast %broadcast_in_dim3A : f32 to vector<512x1xf32>
    %broadcast_in_dim3A_26 = arith.constant 0.000000e+00 : f32
    %broadcast_in_dim3A_27 = vector.broadcast %broadcast_in_dim3A_26 : f32 to vector<512x15xf32>
    %concatenate3A = tpu.concatenate %add3A_24, %broadcast_in_dim3A_25, %broadcast_in_dim3A_27 in 1 : vector<512x128xf32>, vector<512x1xf32>, vector<512x15xf32> -> vector<512x144xf32>
    %swap3A = arith.constant 0 : index
    %swap3A_28 = arith.constant 0 : index
    %swap3A_29 = vector.load %arg4[%swap3A, %swap3A_28] : memref<512x144xf32, #tpu.memory_space<vmem>>, vector<512x144xf32>
    tpu.vector_store %arg4[%swap3A, %swap3A_28], %concatenate3A {strides = array<i32>} : memref<512x144xf32, #tpu.memory_space<vmem>>, vector<512x144xf32>,
    return
  }
  func.func @transform_0(%arg0: i32) -> (i32, i32, i32) {
    %c0_i32 = arith.constant 0 : i32
    %c0_i32_0 = arith.constant 0 : i32
    %c0_i32_1 = arith.constant 0 : i32
    return %c0_i32, %arg0, %c0_i32_0 : i32, i32, i32
  }
  func.func @transform_1(%arg0: i32) -> (i32, i32) {
    %c0_i32 = arith.constant 0 : i32
    %c0_i32_0 = arith.constant 0 : i32
    %c0_i32_1 = arith.constant 0 : i32
    return %c0_i32, %c0_i32_0 : i32, i32
  }
  func.func @transform_2(%arg0: i32) -> (i32, i32) {
    %c0_i32 = arith.constant 0 : i32
    %c0_i32_0 = arith.constant 0 : i32
    %c0_i32_1 = arith.constant 0 : i32
    return %c0_i32, %c0_i32_0 : i32, i32
  }
  func.func @transform_3(%arg0: i32) -> (i32, i32) {
    %c0_i32 = arith.constant 0 : i32
    %c0_i32_0 = arith.constant 0 : i32
    return %arg0, %c0_i32 : i32, i32
  }
}

module attributes {stable_mosaic.version = 14 : i64} {
  func.func @_final_body(%arg0: i32, %arg1: memref<2x400x144xf32, #tpu.memory_space<vmem>>, %arg2: memref<400x128xf32, #tpu.memory_space<vmem>>) attributes {dimension_semantics = [#tpu.dimension_semantics<arbitrary>], iteration_bounds = array<i64: 25>, scalar_prefetch = 0 : i64, scratch_operands = 0 : i64, tpu.core_type = #tpu.core_type<tc>, window_params = [{transform_indices = @transform_0, window_bounds = array<i64: 2, 400, 144>}, {transform_indices = @transform_1, window_bounds = array<i64: 400, 128>}]} {
    %get3A = arith.constant 0 : index
    %get3A_0 = arith.constant 0 : index
    %get3A_1 = arith.constant 0 : index
    %get3A_2 = vector.load %arg1[%get3A, %get3A_0, %get3A_1] : memref<2x400x144xf32, #tpu.memory_space<vmem>>, vector<1x400x144xf32>
    %get3A_3 = vector.shape_cast %get3A_2 : vector<1x400x144xf32> to vector<400x144xf32>
    %get3A_4 = arith.constant 1 : index
    %get3A_5 = arith.constant 0 : index
    %get3A_6 = arith.constant 0 : index
    %get3A_7 = vector.load %arg1[%get3A_4, %get3A_5, %get3A_6] : memref<2x400x144xf32, #tpu.memory_space<vmem>>, vector<1x400x144xf32>
    %get3A_8 = vector.shape_cast %get3A_7 : vector<1x400x144xf32> to vector<400x144xf32>
    %add3A = arith.addf %get3A_3, %get3A_8 : vector<400x144xf32>
    %slice3A = vector.extract_strided_slice %add3A {offsets = [0, 128], sizes = [400, 1], strides = [1, 1]} : vector<400x144xf32> to vector<400x1xf32>
    %max3A = arith.constant 1.000000e+00 : f32
    %max3A_9 = vector.broadcast %max3A : f32 to vector<400x1xf32>
    %max3A_10 = arith.maximumf %slice3A, %max3A_9 : vector<400x1xf32>
    %slice3A_11 = vector.extract_strided_slice %add3A {offsets = [0, 0], sizes = [400, 128], strides = [1, 1]} : vector<400x144xf32> to vector<400x128xf32>
    %div3A = vector.broadcast %max3A_10 : vector<400x1xf32> to vector<400x128xf32>
    %div3A_12 = arith.divf %slice3A_11, %div3A : vector<400x128xf32>
    %max3A_13 = arith.constant 0.000000e+00 : f32
    %max3A_14 = vector.broadcast %max3A_13 : f32 to vector<400x128xf32>
    %max3A_15 = arith.maximumf %div3A_12, %max3A_14 : vector<400x128xf32>
    %swap3A = arith.constant 0 : index
    %swap3A_16 = arith.constant 0 : index
    %swap3A_17 = vector.load %arg2[%swap3A, %swap3A_16] : memref<400x128xf32, #tpu.memory_space<vmem>>, vector<400x128xf32>
    tpu.vector_store %arg2[%swap3A, %swap3A_16], %max3A_15 {strides = array<i32>} : memref<400x128xf32, #tpu.memory_space<vmem>>, vector<400x128xf32>,
    return
  }
  func.func @transform_0(%arg0: i32) -> (i32, i32, i32) {
    %c0_i32 = arith.constant 0 : i32
    %c0_i32_0 = arith.constant 0 : i32
    %c0_i32_1 = arith.constant 0 : i32
    return %c0_i32, %arg0, %c0_i32_0 : i32, i32, i32
  }
  func.func @transform_1(%arg0: i32) -> (i32, i32) {
    %c0_i32 = arith.constant 0 : i32
    %c0_i32_0 = arith.constant 0 : i32
    return %arg0, %c0_i32 : i32, i32
  }
}

</mosaic_0001>

<sc_bundles>
// kernel: kernel.11.cloned.1.call-start
scs
__scs_entry_jumppad:
0x0: {  	(pc) =	sbr.rel $0x88, $3  }
0x1: {  	(tag) =	ssettag $0x0;
	lr =	simm.s32 $0x1  }
0x2: {  	[smem:$0x3F9A] =	sst lr;
	_ =	strace $0xD0000000  }
0x3: {  	_ = 	snop  }
0x4: {  	_ = 	snop  }
0x5: {  	_ = 	snop  }
0x6: {  	_ = 	snop  }
0x7: {  	_ = 	snop  }
__scs_overlays_trampoline_lowered:
0x8: {  	[smem:$0x3FA9] =	sst s0  }
0x9: {  	[smem:$0x3FAA] =	sst s1  }
0xa: {  	[smem:$0x3FAB] =	sst s2  }
0xb: {  	[smem:$0x3FAC] =	sst s3  }
0xc: {  	[smem:$0x3FAD] =	sst s4  }
0xd: {  	[smem:$0x3FAE] =	sst s5  }
0xe: {  	[smem:$0x3FAF] =	sst s6  }
0xf: {  	[smem:$0x3FB0] =	sst s7  }
0x10: {  	[smem:$0x3FB1] =	sst s8  }
0x11: {  	[smem:$0x3FB2] =	sst s9;
	s0 =	simm.s32 @!p0 $0x0  }
0x12: {  	s1 =	sld [smem:$0x3F98];
	s0 =	simm.s32 @p0 $0x1  }
0x13: {  	[smem:$0x3FB3] =	sst s0;
	s0 =	simm.s32 @!p1 $0x0  }
0x14: {  	s2 =	sld [smem:$0x3F97];
	s0 =	simm.s32 @p1 $0x1  }
0x15: {  	[smem:$0x3FB4] =	sst s0;
	s0 =	simm.s32 @!p2 $0x0  }
0x16: {  	s3 =	sld [smem:$0x3FDB];
	s0 =	simm.s32 @p2 $0x1  }
0x17: {  	s4 =	simm.s32 $0x1BF5;
	[smem:$0x3FB6] =	sst s0  }
0x18: {  	s0 =	sld [smem:$0x3F99];
	_ =	swait.ge [sflag:s4], $0x0  }
0x19: {  	s7 =	sld [smem:$0x3F9A]  }
0x1a: {  	s8 =	sadd.s32 $0xFFFFE003, lr  }
0x1b: {  	s9 =	sadd.s32 $0xFFFFFEF7, lr;
	s5 =	simm.s32 $0xFFFFFFFF;
	p2 =	slt.u32 s8, $0xFFFFF086  }
0x1c: {  	p1 =	slt.u32 s9, $0xF7A;
	s5 =	simm.s32 @!p2 $0x0  }
0x1d: {  	s5 =	simm.s32 @p1 $0x1;
	p0 =	seq.s32 s7, s2  }
0x1e: {  	s7 =	smul.u32 @!p0 $0xF7A, s2;
	p2 =	seq.s32 @!p0 s5, $0x0  }
0x1f: {  	s9 =	smul.u32 $0xF7A, s1;
	s8 =	simm.s32 @!p0 $0x1BF5;
	p2 =	por !p2, p0  }
0x20: {  	[sflag:s8] =	ssyncset.s32 @!p0 $0xFFFFF086;
	s6 =	sadd.s32 @!p0 s3, s7;
	s7 =	simm.s32 @!p0 $0x108  }
0x21: {  	s3 =	sadd.s32 s3, s9;
	s6 =	sadd.s32 @!p0 $0x88, s6;
	s7 =	simm.s32 @p2 $0x1082  }
0x22: {  	[simem:s7], [sflag:s8] =	dma.local @!p0 [hbm:s6], $0xF7A  }
0x23: {  	s9 =	sor.u32 $0xD0000000, s2;
	s6 =	simm.s32 $0x108;
	_ =	swait.ge @!p0 [sflag:s8], $0x0  }
0x24: {  	s3 =	sadd.s32 $0x88, s3;
	s6 =	simm.s32 @!p1 $0x1082;
	[sflag:s4] =	ssyncset.s32 $0xFFFFF086  }
0x25: {  	[simem:s6], [sflag:s4] =	dma.local [hbm:s3], $0xF7A  }
0x26: {  	[smem:$0x3F9A] =	sst s1;
	(tag) =	ssettag s2;
	_ =	strace s9  }
0x27: {  	s1 =	sld [smem:$0x3FAA]  }
0x28: {  	s2 =	sld [smem:$0x3FAB]  }
0x29: {  	s4 =	sld [smem:$0x3FAD]  }
0x2a: {  	p0 =	seq.s32 s5, $0x0;
	s5 =	sld [smem:$0x3FAE]  }
0x2b: {  	s6 =	sld [smem:$0x3FAF]  }
0x2c: {  	s7 =	sld [smem:$0x3FB0]  }
0x2d: {  	s3 =	simm.s32 $0x108;
	s8 =	sld [smem:$0x3FB1]  }
0x2e: {  	s3 =	simm.s32 @!p0 $0x1082;
	s9 =	sld [smem:$0x3FB2]  }
0x2f: {  	lr =	sadd.s32 s0, s3;
	s0 =	sld [smem:$0x3FA9]  }
0x30: {  	s3 =	sld [smem:$0x3FAC]  }
0x31: {  	[smem:$0x3FB5] =	sst s10  }
0x32: {  	s10 =	sld [smem:$0x3FB3];
	_ =	sdelay $0x3  }
0x33: {  	p0 =	seq.s32 s10, $0x1;
	s10 =	sld [smem:$0x3FB5];
	_ =	sdelay $0x3  }
0x34: {  	[smem:$0x3FB5] =	sst s10  }
0x35: {  	s10 =	sld [smem:$0x3FB4];
	_ =	sdelay $0x3  }
0x36: {  	p1 =	seq.s32 s10, $0x1;
	s10 =	sld [smem:$0x3FB5];
	_ =	sdelay $0x3  }
0x37: {  	[smem:$0x3FB5] =	sst s10  }
0x38: {  	s10 =	sld [smem:$0x3FB6]  }
0x39: {  	_ = 	snop;
	(pc) =	sbr.ind lr, $3  }
0x3a: {  	_ = 	snop  }
0x3b: {  	_ = 	snop  }
0x3c: {  	p2 =	seq.s32 s10, $0x1;
	s10 =	sld [smem:$0x3FB5]  }
0x3d: {  	_ =	shalt  }
0x3e: {  	_ =	shalt  }
0x3f: {  	_ =	shalt  }
0x40: {  	_ =	shalt  }
0x41: {  	_ =	shalt  }
0x42: {  	_ =	shalt  }
0x43: {  	_ =	shalt  }
0x44: {  	_ =	shalt  }
0x45: {  	_ =	shalt  }
0x46: {  	_ =	shalt  }
0x47: {  	_ =	shalt  }
0x48: {  	_ =	shalt  }
0x49: {  	_ =	shalt  }
0x4a: {  	_ =	shalt  }
0x4b: {  	_ =	shalt  }
0x4c: {  	_ =	shalt  }
0x4d: {  	_ =	shalt  }
0x4e: {  	_ =	shalt  }
0x4f: {  	_ =	shalt  }
0x50: {  	_ =	shalt  }
0x51: {  	_ =	shalt  }
0x52: {  	_ =	shalt  }
0x53: {  	_ =	shalt  }
0x54: {  	_ =	shalt  }
0x55: {  	_ =	shalt  }
0x56: {  	_ =	shalt  }
0x57: {  	_ =	shalt  }
0x58: {  	_ =	shalt  }
0x59: {  	_ =	shalt  }
0x5a: {  	_ =	shalt  }
0x5b: {  	_ =	shalt  }
0x5c: {  	_ =	shalt  }
0x5d: {  	_ =	shalt  }
0x5e: {  	_ =	shalt  }
0x5f: {  	_ =	shalt  }
0x60: {  	_ =	shalt  }
0x61: {  	_ =	shalt  }
0x62: {  	_ =	shalt  }
0x63: {  	_ =	shalt  }
0x64: {  	_ =	shalt  }
0x65: {  	_ =	shalt  }
0x66: {  	_ =	shalt  }
0x67: {  	_ =	shalt  }
0x68: {  	_ =	shalt  }
0x69: {  	_ =	shalt  }
0x6a: {  	_ =	shalt  }
0x6b: {  	_ =	shalt  }
0x6c: {  	_ =	shalt  }
0x6d: {  	_ =	shalt  }
0x6e: {  	_ =	shalt  }
0x6f: {  	_ =	shalt  }
0x70: {  	_ =	shalt  }
0x71: {  	_ =	shalt  }
0x72: {  	_ =	shalt  }
0x73: {  	_ =	shalt  }
0x74: {  	_ =	shalt  }
0x75: {  	_ =	shalt  }
0x76: {  	_ =	shalt  }
0x77: {  	_ =	shalt  }
0x78: {  	_ =	shalt  }
0x79: {  	_ =	shalt  }
0x7a: {  	_ =	shalt  }
0x7b: {  	_ =	shalt  }
0x7c: {  	_ =	shalt  }
0x7d: {  	_ =	shalt  }
0x7e: {  	_ =	shalt  }
0x7f: {  	_ =	shalt  }
0x80: {  	_ =	shalt  }
0x81: {  	_ =	shalt  }
0x82: {  	_ =	shalt  }
0x83: {  	_ =	shalt  }
0x84: {  	_ =	shalt  }
0x85: {  	_ =	shalt  }
0x86: {  	_ =	shalt  }
0x87: {  	_ =	shalt  }
.Lfunc_end0:
.L_simem_size_0:
called_computation_lowered:
.L_overlay_start_0:
0x88: {  	s2 =	sld [smem:$0x3FD9]  }
0x89: {  	s3 =	sld [smem:$0x3FFE];
	_ =	sdelay $0x1  }
0x8a: {  	s1 =	srdreg.scid  }
0x8b: {  	s0 =	sand.u32 $0x1, s1  }
0x8c: {  	s17 =	sshll.u32 s0, $0xA;
	s2 =	sadd.s32 s3, s2  }
0x8d: {  	s2 =	sadd.s32 s2, s17  }
0x8e: {  	[smem:$0x3FC1] =	sst s2  }
0x8f: {  	_ = 	snop  }
0x90: {  	s2 =	sld [smem:$0x3FD0];
	(tm) =	ssettm $0x1  }
0x91: {  	s18 =	sld [smem:$0x3FFB];
	_ =	sdelay $0x3  }
0x92: {  	_ =	strace s18  }
0x93: {  	s3 =	sld [smem:$0x3FFC];
	_ =	sdelay $0x3  }
0x94: {  	_ =	strace s3  }
0x95: {  	s3 =	sld [smem:$0x3FFD];
	_ =	sdelay $0x3  }
0x96: {  	_ =	strace s3  }
0x97: {  	_ =	strace $0x8FFFFFFF  }
0x98: {  	s19 =	sld [smem:$0x3FDB];
	_ =	sdelay $0x1  }
0x99: {  	s4 =	simm.s32 $_scs_section_size  }
0x9a: {  	s5 =	simm.s32 $_size__tile_overlayer_lowered;
	s6 =	simm.s32 $_tile_overlayer_lowered  }
0x9b: {  	s22 =	simm.s32 $0x1BFF;
	s21 =	sshll.u32 s6, $0x1;
	s3 =	sadd.s32 s4, s19  }
0x9c: {  	s7 =	simm.s32 $0x0;
	s20 =	sshll.u32 s5, $0x1;
	s5 =	sadd.s32 s21, s3  }
0x9d: {  	[timem:s7], [sflag:s22] =	dma.local [hbm:s5], s20  }
0x9e: {  	_ =	swait.ge [sflag:s22], s20  }
0x9f: {  	s4 =	ssub.s32 $0x0, s20;
	[sflag:s22] =	ssyncset.done $0x0  }
0xa0: {  	[sflag:s22] =	ssyncadd.s32 s4;
	_ =	sdelay $0x1  }
0xa1: {  	s23 =	simm.s32 $0x1B8B  }
0xa2: {  	_ =	swait.ge [sflag:s23], $0x1  }
0xa3: {  	[sflag:s23] =	ssyncset.done $0x0  }
0xa4: {  	s25 =	simm.s32 $0x1B8E;
	s24 =	sld [smem:$0x3FFE];
	[sflag:s23] =	ssyncadd.s32 $0xFFFFFFFF  }
0xa5: {  	s26 =	simm.s32 $execute0_lowered;
	[smem:$0x3FD2] =	sst s25  }
0xa6: {  	s5 =	sshll.u32 s26, $0x1;
	_ =	strace $0x80000046;
	[dreg:$0x1] =	wrdreg $0xFFFFFFFF  }
0xa7: {  	s28 =	simm.s32 $_size_execute0_lowered;
	s3 =	sadd.s32 s3, s5;
	[dreg:$0x0] =	wrdreg $0x0  }
0xa8: {  	s5 =	sshll.u32 s28, $0x1;
	[dreg:$0x2] =	wrdreg s3  }
0xa9: {  	[dreg:$0x3] =	wrdreg s5  }
0xaa: {  	[dreg:$0x4] =	wrdreg $0xC0  }
0xab: {  	_ =	task [dreg:s7], $0x5FFFF  }
0xac: {  	[dreg:$0x1] =	wrdreg $0xFFFFFFFF  }
0xad: {  	[dreg:$0x0] =	wrdreg $0x60  }
0xae: {  	[dreg:$0x2] =	wrdreg s24  }
0xaf: {  	[dreg:$0x3] =	wrdreg s2  }
0xb0: {  	[dreg:$0x4] =	wrdreg $0x0  }
0xb1: {  	[dreg:$0x5] =	wrdreg $0x9  }
0xb2: {  	_ =	task.clear_ibuf [dreg:s7], $0x6FFFF;
	_ =	strace $0x90000046  }
0xb3: {  	s29 =	simm.s32 $0x9;
	_ =	strace $0x80000048  }
0xb4: {  	_ =	swait.ge [sflag:s29], $0x1  }
0xb5: {  	[sflag:s29] =	ssyncadd.s32 $0xFFFFFFFF  }
0xb6: {  	_ =	strace $0x90000048  }
0xb7: {  	_ =	sfence  }
0xb8: {  	s30 =	sld [smem:$0x0];
	_ =	sdelay $0x2  }
0xb9: {  	s31 =	sshll.u32 s1, $0xD;
	s1 =	sshrl.u32 s1, $0x2  }
0xba: {  	s3 =	sand.u32 $0x4000, s31;
	s1 =	sadd.s32 s1, s30  }
0xbb: {  	s0 =	sor.u32 s3, s0;
	s1 =	sshll.u32 s1, $0x11  }
0xbc: {  	s0 =	sor.u32 s1, s0  }
0xbd: {  	s0 =	sadd.s32 $0x8F2B, s0  }
0xbe: {  	[sflag:s0] =	ssyncadd.remote.s32 $0x1  }
0xbf: {  	_ =	sfence.sel $0xFFFF  }
0xc0: {  	[dreg:$0x0] =	wrdreg $0xFFFFFFFF;
	(pc) =	sbr.abs _section_cstart, $3  }
0xc1: {  	[dreg:$0x1] =	wrdreg $0xFFFFFFFF  }
0xc2: {  	_ =	task.clear_ibuf [dreg:s7], $0x2FFFF;
	_ =	strace $0x9FFFFFFF  }
0xc3: {  	(tm) =	ssettm $0x7FFFFFFF  }
tec
execute0_lowered:
.L_overlay_start_1:
0x0: {  	(tag) =	ssettag $0x1  }
0x1: {  	s1 =	rddreg [dreg:$0x0]  }
0x2: {  	s2 =	rddreg [dreg:$0x1]  }
0x3: {  	s0 =	simm.s32 $0x0;
	s3 =	srdreg.scid;
	s16 =	stileid.u32  }
0x4: {  	s28 =	simm.s32 $0x5;
	s29 =	simm.s32 $0x16800;
	s30 =	simm.s32 $0x16900  }
0x5: {  	s31 =	simm.s32 $0x80;
	s3 =	sand.u32 $0x1, s3;
	s7 =	smul.u32 $0x16800, s16  }
0x6: {  	[smem:$0x7FF] =	sst s0;
	s4 =	sadd.s32 $0x1800, s1;
	s11 =	smul.u32 $0x168000, s3  }
0x7: {  	s8 =	sadd.s32 $0x38600, s1;
	s5 =	sshll.u32 s3, $0x4;
	s17 =	smul.u32 $0x4F0, s3  }
0x8: {  	s6 =	ssub.s32 $0x2, s3;
	s3 =	smul.u32 $0x4F00, s3;
	s5 =	sor.u32 s16, s5  }
0x9: {  	s9 =	sshrl.u32 s6, $0x1;
	s14 =	sadd.s32 $0x9000, s7;
	s21 =	sadd.s32 $0xD800, s7  }
0xa: {  	s22 =	sadd.s32 $0x12000, s7;
	s10 =	smul.u32 $0x2780, s5;
	s12 =	sadd.s32 s7, s11  }
0xb: {  	s6 =	ssub.s32 s6, s9;
	s5 =	smul.u32 $0x4F0, s5;
	s12 =	sshrl.u32 s12, $0x3  }
0xc: {  	s9 =	sadd.s32 $0x4800, s7;
	s15 =	sadd.s32 s11, s21;
	s26 =	sadd.s32 s8, s12  }
0xd: {  	s10 =	sshrl.u32 s10, $0x3;
	s20 =	sadd.s32 s2, s5;
	[dreg:$0x6] =	wrdreg s26  }
0xe: {  	s24 =	sadd.s32 s4, s5;
	s10 =	sadd.s32 $0x4E0, s10;
	[dreg:$0xb] =	wrdreg s20  }
0xf: {  	s25 =	sadd.s32 s11, s9;
	[dreg:$0xc] =	wrdreg s24;
	s13 =	sadd.s32 s2, s10  }
0x10: {  	s12 =	sshrl.u32 s25, $0x3;
	s10 =	sadd.s32 s4, s10;
	[dreg:$0x4] =	wrdreg s13  }
0x11: {  	s5 =	sadd.s32 $0x10, s5;
	s25 =	smul.u32 $0x4F0, s16;
	[dreg:$0x5] =	wrdreg s10  }
0x12: {  	s10 =	sadd.s32 s8, s12;
	s13 =	sadd.s32 s11, s14;
	s12 =	sshrl.u32 s15, $0x3  }
0x13: {  	s11 =	sadd.s32 s11, s22;
	s15 =	smul.u32 $0x4F, s16;
	s16 =	rddreg [dreg:$0x2]  }
0x14: {  	[dreg:$0x7] =	wrdreg s10;
	s10 =	sshrl.u32 s13, $0x3;
	s18 =	sadd.s32 s8, s12  }
0x15: {  	s19 =	sshrl.u32 s11, $0x3;
	s11 =	sadd.s32 s2, s5;
	s12 =	sadd.s32 s4, s5  }
0x16: {  	s20 =	sadd.s32 s14, s16;
	s21 =	sadd.s32 s21, s16;
	s22 =	sadd.s32 s22, s16  }
0x17: {  	s14 =	simm.s32 $0x1;
	s5 =	simm.s32 $0x3;
	s10 =	sadd.s32 s8, s10  }
0x18: {  	[dreg:$0x9] =	wrdreg s18;
	s8 =	sadd.s32 s8, s19;
	s23 =	sadd.s32 s15, s17  }
0x19: {  	s17 =	sadd.s32 $0xB600, s1;
	s18 =	sadd.s32 s7, s16;
	s19 =	sadd.s32 s9, s16  }
0x1a: {  	s1 =	simm.s32 $0x16880;
	s7 =	simm.s32 $0x0;
	[dreg:$0x8] =	wrdreg s10  }
0x1b: {  	[dreg:$0xa] =	wrdreg s8;
	s8 =	sshll.u32 s23, $0x4;
	s23 =	smax.u32 s6, $0x1  }
0x1c: {  	s6 =	simm.s32 $0x4;
	s8 =	sadd.s32 $0x30, s8;
	_ =	strace $0x80000047  }
0x1d: {  	s13 =	sadd.s32 s8, s2;
	s15 =	sadd.s32 s8, s4;
	s4 =	sadd.s32 s3, s4  }
0x1e: {  	s2 =	sadd.s32 s3, s2;
	s3 =	simm.s32 $0x1B200;
	s26 =	sadd.s32 s25, s4  }
0x1f: {  	s2 =	sadd.s32 s25, s2;
	s4 =	simm.s32 $0x2;
	s24 =	sadd.s32 $0x20, s26  }
0x20: {  	v0 =	vimm.f32 $0.0e+00;
	s25 =	sadd.s32 $0x20, s2;
	s26 =	simm.s32 $0x16A00;
	s2 =	simm.s32 $0x16980  }
.LBB2_1:
0x21: {  	s8 =	simm.s32 $0x0;
	s9 =	simm.s32 $0x240  }
.LBB2_2:
0x22: {  	p0 =	sne.s32 s9, $0x11DC0;
	[tilespmem:s8+$0x16A80] =	vst v0  }
0x23: {  	[tilespmem:s8+$0x16A00] =	vst v0  }
0x24: {  	[tilespmem:s8+$0x16A10] =	vst v0  }
0x25: {  	[tilespmem:s8+$0x16A20] =	vst v0  }
.Ltmp0:
0x26: {  	[tilespmem:s8+$0x16A30] =	vst v0;
	(pc) =	sbr.rel @p0 .LBB2_2-.Ltmp0, $4  }
0x27: {  	[tilespmem:s8+$0x16A40] =	vst v0  }
0x28: {  	[tilespmem:s8+$0x16A50] =	vst v0  }
0x29: {  	[tilespmem:s8+$0x16A60] =	vst v0  }
0x2a: {  	[tilespmem:s8+$0x16A70] =	vst v0;
	s8 =	sshra.s32 s9, $0x2;
	s9 =	sadd.s32 $0x240, s9  }
0x2b: {  	[tilespmem:s8+$0x16A80] =	vst v0  }
0x2c: {  	[tilespmem:s8+$0x16A00] =	vst v0  }
0x2d: {  	[tilespmem:s8+$0x16A10] =	vst v0  }
0x2e: {  	[tilespmem:s8+$0x16A20] =	vst v0  }
0x2f: {  	[tilespmem:s8+$0x16A30] =	vst v0  }
0x30: {  	[tilespmem:s8+$0x16A40] =	vst v0  }
0x31: {  	[tilespmem:s8+$0x16A50] =	vst v0  }
0x32: {  	[tilespmem:s8+$0x16A60] =	vst v0  }
0x33: {  	[tilespmem:s8+$0x16A70] =	vst v0  }
0x34: {  	[spmem:s18] =	stream.linear.scatter [tilespmem:s26], [sflag:$0x5], $0x4800, $0x38;
	[tilespmem:$0x1FA00] =	vst v63  }
0x35: {  	_ =	swait.ge [sflag:s28], $0x4800  }
0x36: {  	[sflag:s28] =	ssyncset.done $0x0  }
0x37: {  	[sflag:s28] =	ssyncadd.s32 $0xFFFFB800  }
0x38: {  	[spmem:s19] =	stream.linear.scatter [tilespmem:s26], [sflag:$0x5], $0x4800, $0x38;
	[tilespmem:$0x1FA00] =	vst v63  }
0x39: {  	_ =	swait.ge [sflag:s28], $0x4800  }
0x3a: {  	[sflag:s28] =	ssyncset.done $0x0  }
0x3b: {  	[sflag:s28] =	ssyncadd.s32 $0xFFFFB800  }
0x3c: {  	[spmem:s20] =	stream.linear.scatter [tilespmem:s26], [sflag:$0x5], $0x4800, $0x38;
	[tilespmem:$0x1FA00] =	vst v63  }
0x3d: {  	_ =	swait.ge [sflag:s28], $0x4800  }
0x3e: {  	[sflag:s28] =	ssyncset.done $0x0  }
0x3f: {  	[sflag:s28] =	ssyncadd.s32 $0xFFFFB800  }
0x40: {  	[spmem:s21] =	stream.linear.scatter [tilespmem:s26], [sflag:$0x5], $0x4800, $0x38;
	[tilespmem:$0x1FA00] =	vst v63  }
0x41: {  	_ =	swait.ge [sflag:s28], $0x4800  }
0x42: {  	[sflag:s28] =	ssyncset.done $0x0  }
0x43: {  	[sflag:s28] =	ssyncadd.s32 $0xFFFFB800  }
0x44: {  	[spmem:s22] =	stream.linear.scatter [tilespmem:s26], [sflag:$0x5], $0x4800, $0x38;
	[tilespmem:$0x1FA00] =	vst v63  }
0x45: {  	_ =	swait.ge [sflag:s28], $0x4800  }
0x46: {  	[sflag:s28] =	ssyncset.done $0x0  }
0x47: {  	[sflag:s28] =	ssyncadd.s32 $0xFFFFB800  }
0x48: {  	[bflag:$0x0] =	sbarrier.arrive $0xFFFF  }
0x49: {  	s8 =	simm.s32 $0x0;
	s9 =	rddreg [dreg:$0xb]  }
0x4a: {  	[tilespmem:s29], [sflag:$0x5] =	stream.linear.gather [hbm4b:s9+s8], $0x80, $0x38;
	[tilespmem:$0x1FA00] =	vst v63  }
0x4b: {  	_ =	swait.ge [sflag:s28], $0x80  }
0x4c: {  	[sflag:s28] =	ssyncset.done $0x0  }
0x4d: {  	s10 =	rddreg [dreg:$0xc];
	[sflag:s28] =	ssyncadd.s32 $0xFFFFFF80  }
0x4e: {  	[tilespmem:s30], [sflag:$0x5] =	stream.linear.gather [hbm4b:s10+s8], $0x80, $0x38;
	[tilespmem:$0x1FA00] =	vst v63  }
0x4f: {  	_ =	swait.ge [sflag:s28], $0x80  }
0x50: {  	[sflag:s28] =	ssyncset.done $0x0  }
0x51: {  	[sflag:s28] =	ssyncadd.s32 $0xFFFFFF80  }
0x52: {  	[tilespmem:s26], [sflag:$0x1] =	stream.indirect.gather [hbm4b:s17+s31], $0x90, s29, s31, $0xb8;
	[tilespmem:$0x1FA00] =	vst v63  }
0x53: {  	_ =	swait.ge [sflag:s14], $0x4800  }
0x54: {  	[sflag:s14] =	ssyncset.done $0x0  }
0x55: {  	[sflag:s14] =	ssyncadd.s32 $0xFFFFB800  }
0x56: {  	[spmem:s16] =	stream.indirect.scatter.add.f32 [tilespmem:s26], [sflag:$0x3], $0x90, s30, s31, $0xb8;
	[tilespmem:$0x1FA00] =	vst v63  }
0x57: {  	_ = 	snop  }
0x58: {  	[tilespmem:s1], [sflag:$0x5] =	stream.linear.gather [hbm4b:s11+s8], $0x80, $0x38;
	[tilespmem:$0x1FA00] =	vst v63  }
0x59: {  	_ =	swait.ge [sflag:s28], $0x80  }
0x5a: {  	[sflag:s28] =	ssyncset.done $0x0  }
0x5b: {  	[sflag:s28] =	ssyncadd.s32 $0xFFFFFF80  }
0x5c: {  	[tilespmem:s2], [sflag:$0x5] =	stream.linear.gather [hbm4b:s12+s8], $0x80, $0x38;
	[tilespmem:$0x1FA00] =	vst v63  }
0x5d: {  	_ =	swait.ge [sflag:s28], $0x80  }
0x5e: {  	[sflag:s28] =	ssyncset.done $0x0  }
0x5f: {  	[sflag:s28] =	ssyncadd.s32 $0xFFFFFF80  }
0x60: {  	[tilespmem:s3], [sflag:$0x2] =	stream.indirect.gather [hbm4b:s17+s31], $0x90, s1, s31, $0xb8;
	[tilespmem:$0x1FA00] =	vst v63  }
0x61: {  	_ =	swait.ge [sflag:s4], $0x4800  }
0x62: {  	[sflag:s4] =	ssyncset.done $0x0  }
0x63: {  	[sflag:s4] =	ssyncadd.s32 $0xFFFFB800  }
0x64: {  	[spmem:s16] =	stream.indirect.scatter.add.f32 [tilespmem:s3], [sflag:$0x4], $0x90, s2, s31, $0xb8;
	[tilespmem:$0x1FA00] =	vst v63  }
0x65: {  	_ =	swait.ge [sflag:s5], $0x4800  }
0x66: {  	[sflag:s5] =	ssyncset.done $0x0  }
0x67: {  	s9 =	sadd.s32 $0x0, s25;
	[sflag:s5] =	ssyncadd.s32 $0xFFFFB800  }
0x68: {  	[tilespmem:s29], [sflag:$0x5] =	stream.linear.gather [hbm4b:s9+s0], $0x80, $0x38;
	[tilespmem:$0x1FA00] =	vst v63  }
0x69: {  	_ =	swait.ge [sflag:s28], $0x80  }
0x6a: {  	[sflag:s28] =	ssyncset.done $0x0  }
0x6b: {  	s10 =	sadd.s32 $0x0, s24;
	[sflag:s28] =	ssyncadd.s32 $0xFFFFFF80  }
0x6c: {  	[tilespmem:s30], [sflag:$0x5] =	stream.linear.gather [hbm4b:s10+s0], $0x80, $0x38;
	[tilespmem:$0x1FA00] =	vst v63  }
0x6d: {  	_ =	swait.ge [sflag:s28], $0x80  }
0x6e: {  	[sflag:s28] =	ssyncset.done $0x0  }
0x6f: {  	[sflag:s28] =	ssyncadd.s32 $0xFFFFFF80  }
0x70: {  	[tilespmem:s26], [sflag:$0x1] =	stream.indirect.gather [hbm4b:s17+s31], $0x90, s29, s31, $0xb8;
	[tilespmem:$0x1FA00] =	vst v63  }
0x71: {  	_ =	swait.ge [sflag:s14], $0x4800  }
0x72: {  	[sflag:s14] =	ssyncset.done $0x0  }
0x73: {  	[sflag:s14] =	ssyncadd.s32 $0xFFFFB800  }
0x74: {  	[spmem:s16] =	stream.indirect.scatter.add.f32 [tilespmem:s26], [sflag:$0x3], $0x90, s30, s31, $0xb8;
	[tilespmem:$0x1FA00] =	vst v63  }
0x75: {  	_ =	swait.ge [sflag:s6], $0x4800  }
0x76: {  	[sflag:s6] =	ssyncset.done $0x0  }
0x77: {  	s9 =	sadd.s32 $0x0, s13;
	[sflag:s6] =	ssyncadd.s32 $0xFFFFB800  }
0x78: {  	[tilespmem:s1], [sflag:$0x5] =	stream.linear.gather [hbm4b:s9+s0], $0x80, $0x38;
	[tilespmem:$0x1FA00] =	vst v63  }
0x79: {  	_ =	swait.ge [sflag:s28], $0x80  }
0x7a: {  	[sflag:s28] =	ssyncset.done $0x0  }
0x7b: {  	s10 =	sadd.s32 $0x0, s15;
	[sflag:s28] =	ssyncadd.s32 $0xFFFFFF80  }
0x7c: {  	[tilespmem:s2], [sflag:$0x5] =	stream.linear.gather [hbm4b:s10+s0], $0x80, $0x38;
	[tilespmem:$0x1FA00] =	vst v63  }
0x7d: {  	_ =	swait.ge [sflag:s28], $0x80  }
0x7e: {  	[sflag:s28] =	ssyncset.done $0x0  }
0x7f: {  	[sflag:s28] =	ssyncadd.s32 $0xFFFFFF80  }
0x80: {  	[tilespmem:s3], [sflag:$0x2] =	stream.indirect.gather [hbm4b:s17+s31], $0x90, s1, s31, $0xb8;
	[tilespmem:$0x1FA00] =	vst v63  }
0x81: {  	_ =	swait.ge [sflag:s4], $0x4800  }
0x82: {  	[sflag:s4] =	ssyncset.done $0x0  }
0x83: {  	s8 =	simm.s32 $0x20;
	[sflag:s4] =	ssyncadd.s32 $0xFFFFB800  }
.LBB2_4:
0x84: {  	[spmem:s16] =	stream.indirect.scatter.add.f32 [tilespmem:s3], [sflag:$0x4], $0x90, s2, s31, $0xb8;
	[tilespmem:$0x1FA00] =	vst v63  }
0x85: {  	s9 =	smov.u32 s8  }
0x86: {  	p0 =	sne.s32 s8, $0x4A0;
	s8 =	sadd.s32 $0x20, s8;
	_ =	swait.ge [sflag:s5], $0x4800  }
0x87: {  	[sflag:s5] =	ssyncset.done $0x0  }
0x88: {  	s10 =	sadd.s32 s9, s25;
	[sflag:s5] =	ssyncadd.s32 $0xFFFFB800  }
0x89: {  	[tilespmem:s29], [sflag:$0x5] =	stream.linear.gather [hbm4b:s10+s0], $0x80, $0x38;
	[tilespmem:$0x1FA00] =	vst v63  }
0x8a: {  	_ =	swait.ge [sflag:s28], $0x80  }
0x8b: {  	[sflag:s28] =	ssyncset.done $0x0  }
0x8c: {  	s10 =	sadd.s32 s9, s24;
	[sflag:s28] =	ssyncadd.s32 $0xFFFFFF80  }
0x8d: {  	[tilespmem:s30], [sflag:$0x5] =	stream.linear.gather [hbm4b:s10+s0], $0x80, $0x38;
	[tilespmem:$0x1FA00] =	vst v63  }
0x8e: {  	_ =	swait.ge [sflag:s28], $0x80  }
0x8f: {  	[sflag:s28] =	ssyncset.done $0x0  }
0x90: {  	[sflag:s28] =	ssyncadd.s32 $0xFFFFFF80  }
0x91: {  	[tilespmem:s26], [sflag:$0x1] =	stream.indirect.gather [hbm4b:s17+s31], $0x90, s29, s31, $0xb8;
	[tilespmem:$0x1FA00] =	vst v63  }
0x92: {  	_ =	swait.ge [sflag:s14], $0x4800  }
0x93: {  	[sflag:s14] =	ssyncset.done $0x0  }
0x94: {  	[sflag:s14] =	ssyncadd.s32 $0xFFFFB800  }
0x95: {  	[spmem:s16] =	stream.indirect.scatter.add.f32 [tilespmem:s26], [sflag:$0x3], $0x90, s30, s31, $0xb8;
	[tilespmem:$0x1FA00] =	vst v63  }
0x96: {  	_ =	swait.ge [sflag:s6], $0x4800  }
0x97: {  	[sflag:s6] =	ssyncset.done $0x0  }
0x98: {  	s10 =	sadd.s32 s9, s13;
	[sflag:s6] =	ssyncadd.s32 $0xFFFFB800  }
0x99: {  	[tilespmem:s1], [sflag:$0x5] =	stream.linear.gather [hbm4b:s10+s0], $0x80, $0x38;
	[tilespmem:$0x1FA00] =	vst v63  }
0x9a: {  	_ =	swait.ge [sflag:s28], $0x80  }
0x9b: {  	[sflag:s28] =	ssyncset.done $0x0  }
0x9c: {  	s9 =	sadd.s32 s9, s15;
	[sflag:s28] =	ssyncadd.s32 $0xFFFFFF80  }
0x9d: {  	[tilespmem:s2], [sflag:$0x5] =	stream.linear.gather [hbm4b:s9+s0], $0x80, $0x38;
	[tilespmem:$0x1FA00] =	vst v63  }
0x9e: {  	_ =	swait.ge [sflag:s28], $0x80  }
0x9f: {  	[sflag:s28] =	ssyncset.done $0x0  }
.Ltmp1:
0xa0: {  	[sflag:s28] =	ssyncadd.s32 $0xFFFFFF80;
	(pc) =	sbr.rel @p0 .LBB2_4-.Ltmp1, $4  }
0xa1: {  	[tilespmem:s3], [sflag:$0x2] =	stream.indirect.gather [hbm4b:s17+s31], $0x90, s1, s31, $0xb8;
	[tilespmem:$0x1FA00] =	vst v63  }
0xa2: {  	_ =	swait.ge [sflag:s4], $0x4800  }
0xa3: {  	[sflag:s4] =	ssyncset.done $0x0  }
0xa4: {  	[sflag:s4] =	ssyncadd.s32 $0xFFFFB800  }
0xa5: {  	[spmem:s16] =	stream.indirect.scatter.add.f32 [tilespmem:s3], [sflag:$0x4], $0x90, s2, s31, $0xb8;
	[tilespmem:$0x1FA00] =	vst v63  }
0xa6: {  	_ =	swait.ge [sflag:s5], $0x4800  }
0xa7: {  	[sflag:s5] =	ssyncset.done $0x0  }
0xa8: {  	s8 =	rddreg [dreg:$0x4];
	[sflag:s5] =	ssyncadd.s32 $0xFFFFB800  }
0xa9: {  	[tilespmem:s29], [sflag:$0x5] =	stream.linear.gather [hbm4b:s8+s0], $0x80, $0x38;
	[tilespmem:$0x1FA00] =	vst v63  }
0xaa: {  	_ =	swait.ge [sflag:s28], $0x80  }
0xab: {  	[sflag:s28] =	ssyncset.done $0x0  }
0xac: {  	s9 =	rddreg [dreg:$0x5];
	[sflag:s28] =	ssyncadd.s32 $0xFFFFFF80  }
0xad: {  	[tilespmem:s30], [sflag:$0x5] =	stream.linear.gather [hbm4b:s9+s0], $0x80, $0x38;
	[tilespmem:$0x1FA00] =	vst v63  }
0xae: {  	_ =	swait.ge [sflag:s28], $0x80  }
0xaf: {  	[sflag:s28] =	ssyncset.done $0x0  }
0xb0: {  	[sflag:s28] =	ssyncadd.s32 $0xFFFFFF80  }
0xb1: {  	[tilespmem:s26], [sflag:$0x1] =	stream.indirect.gather [hbm4b:s17+s31], $0x90, s29, s31, $0xb8;
	[tilespmem:$0x1FA00] =	vst v63  }
0xb2: {  	_ =	swait.ge [sflag:s14], $0x4800  }
0xb3: {  	[sflag:s14] =	ssyncset.done $0x0  }
0xb4: {  	[sflag:s14] =	ssyncadd.s32 $0xFFFFB800  }
0xb5: {  	[spmem:s16] =	stream.indirect.scatter.add.f32 [tilespmem:s26], [sflag:$0x3], $0x90, s30, s31, $0xb8;
	[tilespmem:$0x1FA00] =	vst v63  }
0xb6: {  	_ =	swait.ge [sflag:s5], $0x4800  }
0xb7: {  	[sflag:s5] =	ssyncset.done $0x0  }
0xb8: {  	[sflag:s5] =	ssyncadd.s32 $0xFFFFB800  }
0xb9: {  	_ =	swait.ge [sflag:s6], $0x4800  }
0xba: {  	[sflag:s6] =	ssyncset.done $0x0  }
0xbb: {  	[sflag:s6] =	ssyncadd.s32 $0xFFFFB800  }
0xbc: {  	[bflag:$0x0] =	sbarrier.arrive $0xFFFF  }
0xbd: {  	[tilespmem:s26], [sflag:$0x5] =	stream.linear.gather [spmem:s18], $0x4800, $0x38;
	[tilespmem:$0x1FA00] =	vst v63  }
0xbe: {  	_ =	swait.ge [sflag:s28], $0x4800  }
0xbf: {  	[sflag:s28] =	ssyncset.done $0x0  }
0xc0: {  	s10 =	rddreg [dreg:$0x6];
	[sflag:s28] =	ssyncadd.s32 $0xFFFFB800  }
0xc1: {  	[hbm4b:s10+s0] =	stream.linear.scatter [tilespmem:s26], [sflag:$0x5], $0x4800, $0x38;
	[tilespmem:$0x1FA00] =	vst v63  }
0xc2: {  	_ =	swait.ge [sflag:s28], $0x4800  }
0xc3: {  	[sflag:s28] =	ssyncset.done $0x0  }
0xc4: {  	[sflag:s28] =	ssyncadd.s32 $0xFFFFB800  }
0xc5: {  	[tilespmem:s26], [sflag:$0x5] =	stream.linear.gather [spmem:s19], $0x4800, $0x38;
	[tilespmem:$0x1FA00] =	vst v63  }
0xc6: {  	_ =	swait.ge [sflag:s28], $0x4800  }
0xc7: {  	[sflag:s28] =	ssyncset.done $0x0  }
0xc8: {  	s9 =	rddreg [dreg:$0x7];
	[sflag:s28] =	ssyncadd.s32 $0xFFFFB800  }
0xc9: {  	[hbm4b:s9+s0] =	stream.linear.scatter [tilespmem:s26], [sflag:$0x5], $0x4800, $0x38;
	[tilespmem:$0x1FA00] =	vst v63  }
0xca: {  	_ =	swait.ge [sflag:s28], $0x4800  }
0xcb: {  	[sflag:s28] =	ssyncset.done $0x0  }
0xcc: {  	[sflag:s28] =	ssyncadd.s32 $0xFFFFB800  }
0xcd: {  	[tilespmem:s26], [sflag:$0x5] =	stream.linear.gather [spmem:s20], $0x4800, $0x38;
	[tilespmem:$0x1FA00] =	vst v63  }
0xce: {  	_ =	swait.ge [sflag:s28], $0x4800  }
0xcf: {  	[sflag:s28] =	ssyncset.done $0x0  }
0xd0: {  	s10 =	rddreg [dreg:$0x8];
	[sflag:s28] =	ssyncadd.s32 $0xFFFFB800  }
0xd1: {  	[hbm4b:s10+s0] =	stream.linear.scatter [tilespmem:s26], [sflag:$0x5], $0x4800, $0x38;
	[tilespmem:$0x1FA00] =	vst v63  }
0xd2: {  	_ =	swait.ge [sflag:s28], $0x4800  }
0xd3: {  	[sflag:s28] =	ssyncset.done $0x0  }
0xd4: {  	[sflag:s28] =	ssyncadd.s32 $0xFFFFB800  }
0xd5: {  	[tilespmem:s26], [sflag:$0x5] =	stream.linear.gather [spmem:s21], $0x4800, $0x38;
	[tilespmem:$0x1FA00] =	vst v63  }
0xd6: {  	_ =	swait.ge [sflag:s28], $0x4800  }
0xd7: {  	[sflag:s28] =	ssyncset.done $0x0  }
0xd8: {  	s9 =	rddreg [dreg:$0x9];
	[sflag:s28] =	ssyncadd.s32 $0xFFFFB800  }
0xd9: {  	[hbm4b:s9+s0] =	stream.linear.scatter [tilespmem:s26], [sflag:$0x5], $0x4800, $0x38;
	[tilespmem:$0x1FA00] =	vst v63  }
0xda: {  	_ =	swait.ge [sflag:s28], $0x4800  }
0xdb: {  	[sflag:s28] =	ssyncset.done $0x0  }
0xdc: {  	[sflag:s28] =	ssyncadd.s32 $0xFFFFB800  }
0xdd: {  	[tilespmem:s26], [sflag:$0x5] =	stream.linear.gather [spmem:s22], $0x4800, $0x38;
	[tilespmem:$0x1FA00] =	vst v63  }
0xde: {  	s7 =	sadd.s32 $0x1, s7;
	_ =	swait.ge [sflag:s28], $0x4800  }
0xdf: {  	p0 =	sne.s32 s7, s23;
	[sflag:s28] =	ssyncset.done $0x0  }
.Ltmp2:
0xe0: {  	s10 =	rddreg [dreg:$0xa];
	[sflag:s28] =	ssyncadd.s32 $0xFFFFB800;
	(pc) =	sbr.rel @p0 .LBB2_1-.Ltmp2, $4  }
0xe1: {  	[hbm4b:s10+s0] =	stream.linear.scatter [tilespmem:s26], [sflag:$0x5], $0x4800, $0x38;
	[tilespmem:$0x1FA00] =	vst v63  }
0xe2: {  	_ =	swait.ge [sflag:s28], $0x4800  }
0xe3: {  	[sflag:s28] =	ssyncset.done $0x0  }
0xe4: {  	[sflag:s28] =	ssyncadd.s32 $0xFFFFB800  }
0xe5: {  	_ =	sfence.sel $0x180000  }
0xe6: {  	[bflag:$0x0] =	sbarrier.arrive $0xFFFF  }
0xe7: {  	_ =	strace $0x90000047  }
0xe8: {  	s0 =	stileid.u32;
	[bflag:$0x2] =	sbarrier.arrive $0xFFFF  }
0xe9: {  	p0 =	sne.s32 s0, $0x0;
	s0 =	rddreg [dreg:$0x3]  }
0xea: {  	s0 =	sadd.s32 @!p0 $0x100000, s0  }
0xeb: {  	[sflag:s0] =	ssyncadd.tile.s32 @!p0 $0x1;
	_ =	shalt  }
.Lfunc_end2:
_tile_overlayer_lowered:
.L_overlay_start_2:
0xec: {  	(tag) =	ssettag $0x2  }
0xed: {  	s0 =	rddreg [dreg:$0x0];
	s2 =	stileid.u32  }
0xee: {  	s1 =	rddreg [dreg:$0x1];
	p0 =	sne.s32 s2, $0x0  }
0xef: {  	s3 =	rddreg [dreg:$0x2];
	[bflag:$0x3] =	sbarrier.arrive $0xFFFF;
	s2 =	simm.s32 @!p0 $0x1C05  }
0xf0: {  	[timem:s3], [sflag:s2] =	dma.local @!p0 [hbm:s0], s1  }
0xf1: {  	s0 =	simm.s32 @!p0 $0x5  }
0xf2: {  	_ =	swait.ge @!p0 [sflag:s0], s1  }
0xf3: {  	s1 =	ssub.s32 @!p0 $0x0, s1;
	[sflag:s0] =	ssyncset.done @!p0 $0x0  }
0xf4: {  	[sflag:s0] =	ssyncadd.s32 @!p0 s1  }
0xf5: {  	[bflag:$0x3] =	sbarrier.arrive $0xFFFF  }
0xf6: {  	_ =	shalt  }

// kernel: kernel.14.cloned.1.call-start
scs
__scs_entry_jumppad:
0x0: {  	(pc) =	sbr.rel $0x88, $3  }
0x1: {  	(tag) =	ssettag $0x0;
	lr =	simm.s32 $0x1  }
0x2: {  	[smem:$0x3F9A] =	sst lr;
	_ =	strace $0xD0000000  }
0x3: {  	_ = 	snop  }
0x4: {  	_ = 	snop  }
0x5: {  	_ = 	snop  }
0x6: {  	_ = 	snop  }
0x7: {  	_ = 	snop  }
__scs_overlays_trampoline_lowered:
0x8: {  	[smem:$0x3FA9] =	sst s0  }
0x9: {  	[smem:$0x3FAA] =	sst s1  }
0xa: {  	[smem:$0x3FAB] =	sst s2  }
0xb: {  	[smem:$0x3FAC] =	sst s3  }
0xc: {  	[smem:$0x3FAD] =	sst s4  }
0xd: {  	[smem:$0x3FAE] =	sst s5  }
0xe: {  	[smem:$0x3FAF] =	sst s6  }
0xf: {  	[smem:$0x3FB0] =	sst s7  }
0x10: {  	[smem:$0x3FB1] =	sst s8  }
0x11: {  	[smem:$0x3FB2] =	sst s9;
	s0 =	simm.s32 @!p0 $0x0  }
0x12: {  	s1 =	sld [smem:$0x3F98];
	s0 =	simm.s32 @p0 $0x1  }
0x13: {  	[smem:$0x3FB3] =	sst s0;
	s0 =	simm.s32 @!p1 $0x0  }
0x14: {  	s2 =	sld [smem:$0x3F97];
	s0 =	simm.s32 @p1 $0x1  }
0x15: {  	[smem:$0x3FB4] =	sst s0;
	s0 =	simm.s32 @!p2 $0x0  }
0x16: {  	s3 =	sld [smem:$0x3FDB];
	s0 =	simm.s32 @p2 $0x1  }
0x17: {  	s4 =	simm.s32 $0x1BF5;
	[smem:$0x3FB6] =	sst s0  }
0x18: {  	s0 =	sld [smem:$0x3F99];
	_ =	swait.ge [sflag:s4], $0x0  }
0x19: {  	s7 =	sld [smem:$0x3F9A]  }
0x1a: {  	s8 =	sadd.s32 $0xFFFFE003, lr  }
0x1b: {  	s9 =	sadd.s32 $0xFFFFFEF7, lr;
	s5 =	simm.s32 $0xFFFFFFFF;
	p2 =	slt.u32 s8, $0xFFFFF086  }
0x1c: {  	p1 =	slt.u32 s9, $0xF7A;
	s5 =	simm.s32 @!p2 $0x0  }
0x1d: {  	s5 =	simm.s32 @p1 $0x1;
	p0 =	seq.s32 s7, s2  }
0x1e: {  	s7 =	smul.u32 @!p0 $0xF7A, s2;
	p2 =	seq.s32 @!p0 s5, $0x0  }
0x1f: {  	s9 =	smul.u32 $0xF7A, s1;
	s8 =	simm.s32 @!p0 $0x1BF5;
	p2 =	por !p2, p0  }
0x20: {  	[sflag:s8] =	ssyncset.s32 @!p0 $0xFFFFF086;
	s6 =	sadd.s32 @!p0 s3, s7;
	s7 =	simm.s32 @!p0 $0x108  }
0x21: {  	s3 =	sadd.s32 s3, s9;
	s6 =	sadd.s32 @!p0 $0x88, s6;
	s7 =	simm.s32 @p2 $0x1082  }
0x22: {  	[simem:s7], [sflag:s8] =	dma.local @!p0 [hbm:s6], $0xF7A  }
0x23: {  	s9 =	sor.u32 $0xD0000000, s2;
	s6 =	simm.s32 $0x108;
	_ =	swait.ge @!p0 [sflag:s8], $0x0  }
0x24: {  	s3 =	sadd.s32 $0x88, s3;
	s6 =	simm.s32 @!p1 $0x1082;
	[sflag:s4] =	ssyncset.s32 $0xFFFFF086  }
0x25: {  	[simem:s6], [sflag:s4] =	dma.local [hbm:s3], $0xF7A  }
0x26: {  	[smem:$0x3F9A] =	sst s1;
	(tag) =	ssettag s2;
	_ =	strace s9  }
0x27: {  	s1 =	sld [smem:$0x3FAA]  }
0x28: {  	s2 =	sld [smem:$0x3FAB]  }
0x29: {  	s4 =	sld [smem:$0x3FAD]  }
0x2a: {  	p0 =	seq.s32 s5, $0x0;
	s5 =	sld [smem:$0x3FAE]  }
0x2b: {  	s6 =	sld [smem:$0x3FAF]  }
0x2c: {  	s7 =	sld [smem:$0x3FB0]  }
0x2d: {  	s3 =	simm.s32 $0x108;
	s8 =	sld [smem:$0x3FB1]  }
0x2e: {  	s3 =	simm.s32 @!p0 $0x1082;
	s9 =	sld [smem:$0x3FB2]  }
0x2f: {  	lr =	sadd.s32 s0, s3;
	s0 =	sld [smem:$0x3FA9]  }
0x30: {  	s3 =	sld [smem:$0x3FAC]  }
0x31: {  	[smem:$0x3FB5] =	sst s10  }
0x32: {  	s10 =	sld [smem:$0x3FB3];
	_ =	sdelay $0x3  }
0x33: {  	p0 =	seq.s32 s10, $0x1;
	s10 =	sld [smem:$0x3FB5];
	_ =	sdelay $0x3  }
0x34: {  	[smem:$0x3FB5] =	sst s10  }
0x35: {  	s10 =	sld [smem:$0x3FB4];
	_ =	sdelay $0x3  }
0x36: {  	p1 =	seq.s32 s10, $0x1;
	s10 =	sld [smem:$0x3FB5];
	_ =	sdelay $0x3  }
0x37: {  	[smem:$0x3FB5] =	sst s10  }
0x38: {  	s10 =	sld [smem:$0x3FB6]  }
0x39: {  	_ = 	snop;
	(pc) =	sbr.ind lr, $3  }
0x3a: {  	_ = 	snop  }
0x3b: {  	_ = 	snop  }
0x3c: {  	p2 =	seq.s32 s10, $0x1;
	s10 =	sld [smem:$0x3FB5]  }
0x3d: {  	_ =	shalt  }
0x3e: {  	_ =	shalt  }
0x3f: {  	_ =	shalt  }
0x40: {  	_ =	shalt  }
0x41: {  	_ =	shalt  }
0x42: {  	_ =	shalt  }
0x43: {  	_ =	shalt  }
0x44: {  	_ =	shalt  }
0x45: {  	_ =	shalt  }
0x46: {  	_ =	shalt  }
0x47: {  	_ =	shalt  }
0x48: {  	_ =	shalt  }
0x49: {  	_ =	shalt  }
0x4a: {  	_ =	shalt  }
0x4b: {  	_ =	shalt  }
0x4c: {  	_ =	shalt  }
0x4d: {  	_ =	shalt  }
0x4e: {  	_ =	shalt  }
0x4f: {  	_ =	shalt  }
0x50: {  	_ =	shalt  }
0x51: {  	_ =	shalt  }
0x52: {  	_ =	shalt  }
0x53: {  	_ =	shalt  }
0x54: {  	_ =	shalt  }
0x55: {  	_ =	shalt  }
0x56: {  	_ =	shalt  }
0x57: {  	_ =	shalt  }
0x58: {  	_ =	shalt  }
0x59: {  	_ =	shalt  }
0x5a: {  	_ =	shalt  }
0x5b: {  	_ =	shalt  }
0x5c: {  	_ =	shalt  }
0x5d: {  	_ =	shalt  }
0x5e: {  	_ =	shalt  }
0x5f: {  	_ =	shalt  }
0x60: {  	_ =	shalt  }
0x61: {  	_ =	shalt  }
0x62: {  	_ =	shalt  }
0x63: {  	_ =	shalt  }
0x64: {  	_ =	shalt  }
0x65: {  	_ =	shalt  }
0x66: {  	_ =	shalt  }
0x67: {  	_ =	shalt  }
0x68: {  	_ =	shalt  }
0x69: {  	_ =	shalt  }
0x6a: {  	_ =	shalt  }
0x6b: {  	_ =	shalt  }
0x6c: {  	_ =	shalt  }
0x6d: {  	_ =	shalt  }
0x6e: {  	_ =	shalt  }
0x6f: {  	_ =	shalt  }
0x70: {  	_ =	shalt  }
0x71: {  	_ =	shalt  }
0x72: {  	_ =	shalt  }
0x73: {  	_ =	shalt  }
0x74: {  	_ =	shalt  }
0x75: {  	_ =	shalt  }
0x76: {  	_ =	shalt  }
0x77: {  	_ =	shalt  }
0x78: {  	_ =	shalt  }
0x79: {  	_ =	shalt  }
0x7a: {  	_ =	shalt  }
0x7b: {  	_ =	shalt  }
0x7c: {  	_ =	shalt  }
0x7d: {  	_ =	shalt  }
0x7e: {  	_ =	shalt  }
0x7f: {  	_ =	shalt  }
0x80: {  	_ =	shalt  }
0x81: {  	_ =	shalt  }
0x82: {  	_ =	shalt  }
0x83: {  	_ =	shalt  }
0x84: {  	_ =	shalt  }
0x85: {  	_ =	shalt  }
0x86: {  	_ =	shalt  }
0x87: {  	_ =	shalt  }
.Lfunc_end0:
.L_simem_size_0:
called_computation.1_lowered:
.L_overlay_start_0:
0x88: {  	s2 =	sld [smem:$0x3FD9]  }
0x89: {  	s3 =	sld [smem:$0x3FFE];
	_ =	sdelay $0x1  }
0x8a: {  	s1 =	srdreg.scid  }
0x8b: {  	s0 =	sand.u32 $0x1, s1  }
0x8c: {  	s17 =	sshll.u32 s0, $0xA;
	s2 =	sadd.s32 s3, s2  }
0x8d: {  	s2 =	sadd.s32 s2, s17  }
0x8e: {  	[smem:$0x3FC1] =	sst s2  }
0x8f: {  	_ = 	snop  }
0x90: {  	s2 =	sld [smem:$0x3FD0];
	(tm) =	ssettm $0x1  }
0x91: {  	s18 =	sld [smem:$0x3FFB];
	_ =	sdelay $0x3  }
0x92: {  	_ =	strace s18  }
0x93: {  	s3 =	sld [smem:$0x3FFC];
	_ =	sdelay $0x3  }
0x94: {  	_ =	strace s3  }
0x95: {  	s3 =	sld [smem:$0x3FFD];
	_ =	sdelay $0x3  }
0x96: {  	_ =	strace s3  }
0x97: {  	_ =	strace $0x8FFFFFFF  }
0x98: {  	s19 =	sld [smem:$0x3FDB];
	_ =	sdelay $0x1  }
0x99: {  	s4 =	simm.s32 $_scs_section_size  }
0x9a: {  	s5 =	simm.s32 $_size__tile_overlayer_lowered;
	s6 =	simm.s32 $_tile_overlayer_lowered  }
0x9b: {  	s22 =	simm.s32 $0x1BFF;
	s21 =	sshll.u32 s6, $0x1;
	s3 =	sadd.s32 s4, s19  }
0x9c: {  	s7 =	simm.s32 $0x0;
	s20 =	sshll.u32 s5, $0x1;
	s5 =	sadd.s32 s21, s3  }
0x9d: {  	[timem:s7], [sflag:s22] =	dma.local [hbm:s5], s20  }
0x9e: {  	_ =	swait.ge [sflag:s22], s20  }
0x9f: {  	s4 =	ssub.s32 $0x0, s20;
	[sflag:s22] =	ssyncset.done $0x0  }
0xa0: {  	[sflag:s22] =	ssyncadd.s32 s4;
	_ =	sdelay $0x1  }
0xa1: {  	s23 =	simm.s32 $0x1B8B  }
0xa2: {  	_ =	swait.ge [sflag:s23], $0x1  }
0xa3: {  	[sflag:s23] =	ssyncset.done $0x0  }
0xa4: {  	s25 =	simm.s32 $0x1B8E;
	s24 =	sld [smem:$0x3FFE];
	[sflag:s23] =	ssyncadd.s32 $0xFFFFFFFF  }
0xa5: {  	s26 =	simm.s32 $execute0_lowered;
	[smem:$0x3FD2] =	sst s25  }
0xa6: {  	s5 =	sshll.u32 s26, $0x1;
	_ =	strace $0x80000049;
	[dreg:$0x1] =	wrdreg $0xFFFFFFFF  }
0xa7: {  	s28 =	simm.s32 $_size_execute0_lowered;
	s3 =	sadd.s32 s3, s5;
	[dreg:$0x0] =	wrdreg $0x0  }
0xa8: {  	s5 =	sshll.u32 s28, $0x1;
	[dreg:$0x2] =	wrdreg s3  }
0xa9: {  	[dreg:$0x3] =	wrdreg s5  }
0xaa: {  	[dreg:$0x4] =	wrdreg $0xC0  }
0xab: {  	_ =	task [dreg:s7], $0x5FFFF  }
0xac: {  	[dreg:$0x1] =	wrdreg $0xFFFFFFFF  }
0xad: {  	[dreg:$0x0] =	wrdreg $0x60  }
0xae: {  	[dreg:$0x2] =	wrdreg s24  }
0xaf: {  	[dreg:$0x3] =	wrdreg s2  }
0xb0: {  	[dreg:$0x4] =	wrdreg $0x0  }
0xb1: {  	[dreg:$0x5] =	wrdreg $0x9  }
0xb2: {  	_ =	task.clear_ibuf [dreg:s7], $0x6FFFF;
	_ =	strace $0x90000049  }
0xb3: {  	s29 =	simm.s32 $0x9;
	_ =	strace $0x8000004B  }
0xb4: {  	_ =	swait.ge [sflag:s29], $0x1  }
0xb5: {  	[sflag:s29] =	ssyncadd.s32 $0xFFFFFFFF  }
0xb6: {  	_ =	strace $0x9000004B  }
0xb7: {  	_ =	sfence  }
0xb8: {  	s30 =	sld [smem:$0x0];
	_ =	sdelay $0x2  }
0xb9: {  	s31 =	sshll.u32 s1, $0xD;
	s1 =	sshrl.u32 s1, $0x2  }
0xba: {  	s3 =	sand.u32 $0x4000, s31;
	s1 =	sadd.s32 s1, s30  }
0xbb: {  	s0 =	sor.u32 s3, s0;
	s1 =	sshll.u32 s1, $0x11  }
0xbc: {  	s0 =	sor.u32 s1, s0  }
0xbd: {  	s0 =	sadd.s32 $0x8F2B, s0  }
0xbe: {  	[sflag:s0] =	ssyncadd.remote.s32 $0x1  }
0xbf: {  	_ =	sfence.sel $0xFFFF  }
0xc0: {  	[dreg:$0x0] =	wrdreg $0xFFFFFFFF;
	(pc) =	sbr.abs _section_cstart, $3  }
0xc1: {  	[dreg:$0x1] =	wrdreg $0xFFFFFFFF  }
0xc2: {  	_ =	task.clear_ibuf [dreg:s7], $0x2FFFF;
	_ =	strace $0x9FFFFFFF  }
0xc3: {  	(tm) =	ssettm $0x7FFFFFFF  }
tec
execute0_lowered:
.L_overlay_start_1:
0x0: {  	(tag) =	ssettag $0x1  }
0x1: {  	s1 =	rddreg [dreg:$0x0]  }
0x2: {  	s2 =	rddreg [dreg:$0x1]  }
0x3: {  	s0 =	simm.s32 $0x0;
	s3 =	srdreg.scid;
	s16 =	stileid.u32  }
0x4: {  	s28 =	simm.s32 $0x5;
	s29 =	simm.s32 $0x16800;
	s30 =	simm.s32 $0x16900  }
0x5: {  	s31 =	simm.s32 $0x80;
	s3 =	sand.u32 $0x1, s3;
	s7 =	smul.u32 $0x16800, s16  }
0x6: {  	[smem:$0x7FF] =	sst s0;
	s4 =	sadd.s32 $0x1800, s1;
	s11 =	smul.u32 $0x168000, s3  }
0x7: {  	s8 =	sadd.s32 $0x38600, s1;
	s5 =	sshll.u32 s3, $0x4;
	s18 =	smul.u32 $0x4F0, s3  }
0x8: {  	s6 =	ssub.s32 $0x2, s3;
	s3 =	smul.u32 $0x4F00, s3;
	s5 =	sor.u32 s16, s5  }
0x9: {  	s9 =	sshrl.u32 s6, $0x1;
	s14 =	sadd.s32 $0x9000, s7;
	s21 =	sadd.s32 $0xD800, s7  }
0xa: {  	s22 =	sadd.s32 $0x12000, s7;
	s10 =	smul.u32 $0x2780, s5;
	s6 =	ssub.s32 s6, s9  }
0xb: {  	s9 =	sadd.s32 $0x4800, s7;
	s12 =	sadd.s32 s7, s11;
	s15 =	sadd.s32 s11, s14  }
0xc: {  	s5 =	smul.u32 $0x4F0, s5;
	s17 =	sadd.s32 s11, s21;
	s12 =	sshrl.u32 s12, $0x3  }
0xd: {  	s26 =	sadd.s32 s11, s9;
	s11 =	sadd.s32 s11, s22;
	s10 =	sshrl.u32 s10, $0x3  }
0xe: {  	s12 =	sadd.s32 s8, s12;
	s20 =	sshrl.u32 s11, $0x3;
	s23 =	sadd.s32 s4, s5  }
0xf: {  	s25 =	sadd.s32 s2, s5;
	s5 =	sadd.s32 $0x10, s5;
	[dreg:$0x6] =	wrdreg s12  }
0x10: {  	s10 =	sadd.s32 $0x4E0, s10;
	s12 =	sshrl.u32 s17, $0x3;
	[dreg:$0xb] =	wrdreg s23  }
0x11: {  	[dreg:$0xc] =	wrdreg s25;
	s11 =	sadd.s32 s4, s5;
	s17 =	sadd.s32 $0xB600, s1  }
0x12: {  	s23 =	smax.u32 s6, $0x1;
	s1 =	simm.s32 $0x16880;
	s13 =	sadd.s32 s4, s10  }
0x13: {  	s6 =	simm.s32 $0x4;
	s10 =	sadd.s32 s2, s10;
	[dreg:$0x4] =	wrdreg s13  }
0x14: {  	s19 =	sadd.s32 s8, s12;
	[dreg:$0x5] =	wrdreg s10;
	s13 =	sshrl.u32 s26, $0x3  }
0x15: {  	s12 =	sadd.s32 s2, s5;
	[dreg:$0x9] =	wrdreg s19;
	s10 =	sadd.s32 s8, s13  }
0x16: {  	s5 =	simm.s32 $0x3;
	s26 =	smul.u32 $0x4F0, s16;
	[dreg:$0x7] =	wrdreg s10  }
0x17: {  	s10 =	sshrl.u32 s15, $0x3;
	s15 =	smul.u32 $0x4F, s16;
	s16 =	rddreg [dreg:$0x2]  }
0x18: {  	s10 =	sadd.s32 s8, s10;
	s8 =	sadd.s32 s8, s20;
	s19 =	sadd.s32 s9, s16  }
0x19: {  	s20 =	sadd.s32 s14, s16;
	s21 =	sadd.s32 s21, s16;
	s22 =	sadd.s32 s22, s16  }
0x1a: {  	s14 =	simm.s32 $0x1;
	[dreg:$0x8] =	wrdreg s10;
	s24 =	sadd.s32 s15, s18  }
0x1b: {  	[dreg:$0xa] =	wrdreg s8;
	s18 =	sadd.s32 s7, s16;
	s8 =	sshll.u32 s24, $0x4  }
0x1c: {  	s7 =	simm.s32 $0x0;
	_ =	strace $0x8000004A;
	s8 =	sadd.s32 $0x30, s8  }
0x1d: {  	s13 =	sadd.s32 s8, s4;
	s15 =	sadd.s32 s8, s2;
	s2 =	sadd.s32 s3, s2  }
0x1e: {  	s3 =	sadd.s32 s3, s4;
	s4 =	simm.s32 $0x2;
	s2 =	sadd.s32 s26, s2  }
0x1f: {  	s3 =	sadd.s32 s26, s3;
	s26 =	simm.s32 $0x16A00;
	s24 =	sadd.s32 $0x20, s2  }
0x20: {  	v0 =	vimm.f32 $0.0e+00;
	s25 =	sadd.s32 $0x20, s3;
	s2 =	simm.s32 $0x16980;
	s3 =	simm.s32 $0x1B200  }
.LBB2_1:
0x21: {  	s8 =	simm.s32 $0x0;
	s9 =	simm.s32 $0x240  }
.LBB2_2:
0x22: {  	p0 =	sne.s32 s9, $0x11DC0;
	[tilespmem:s8+$0x16A80] =	vst v0  }
0x23: {  	[tilespmem:s8+$0x16A00] =	vst v0  }
0x24: {  	[tilespmem:s8+$0x16A10] =	vst v0  }
0x25: {  	[tilespmem:s8+$0x16A20] =	vst v0  }
.Ltmp0:
0x26: {  	[tilespmem:s8+$0x16A30] =	vst v0;
	(pc) =	sbr.rel @p0 .LBB2_2-.Ltmp0, $4  }
0x27: {  	[tilespmem:s8+$0x16A40] =	vst v0  }
0x28: {  	[tilespmem:s8+$0x16A50] =	vst v0  }
0x29: {  	[tilespmem:s8+$0x16A60] =	vst v0  }
0x2a: {  	[tilespmem:s8+$0x16A70] =	vst v0;
	s8 =	sshra.s32 s9, $0x2;
	s9 =	sadd.s32 $0x240, s9  }
0x2b: {  	[tilespmem:s8+$0x16A80] =	vst v0  }
0x2c: {  	[tilespmem:s8+$0x16A00] =	vst v0  }
0x2d: {  	[tilespmem:s8+$0x16A10] =	vst v0  }
0x2e: {  	[tilespmem:s8+$0x16A20] =	vst v0  }
0x2f: {  	[tilespmem:s8+$0x16A30] =	vst v0  }
0x30: {  	[tilespmem:s8+$0x16A40] =	vst v0  }
0x31: {  	[tilespmem:s8+$0x16A50] =	vst v0  }
0x32: {  	[tilespmem:s8+$0x16A60] =	vst v0  }
0x33: {  	[tilespmem:s8+$0x16A70] =	vst v0  }
0x34: {  	[spmem:s18] =	stream.linear.scatter [tilespmem:s26], [sflag:$0x5], $0x4800, $0x38;
	[tilespmem:$0x1FA00] =	vst v63  }
0x35: {  	_ =	swait.ge [sflag:s28], $0x4800  }
0x36: {  	[sflag:s28] =	ssyncset.done $0x0  }
0x37: {  	[sflag:s28] =	ssyncadd.s32 $0xFFFFB800  }
0x38: {  	[spmem:s19] =	stream.linear.scatter [tilespmem:s26], [sflag:$0x5], $0x4800, $0x38;
	[tilespmem:$0x1FA00] =	vst v63  }
0x39: {  	_ =	swait.ge [sflag:s28], $0x4800  }
0x3a: {  	[sflag:s28] =	ssyncset.done $0x0  }
0x3b: {  	[sflag:s28] =	ssyncadd.s32 $0xFFFFB800  }
0x3c: {  	[spmem:s20] =	stream.linear.scatter [tilespmem:s26], [sflag:$0x5], $0x4800, $0x38;
	[tilespmem:$0x1FA00] =	vst v63  }
0x3d: {  	_ =	swait.ge [sflag:s28], $0x4800  }
0x3e: {  	[sflag:s28] =	ssyncset.done $0x0  }
0x3f: {  	[sflag:s28] =	ssyncadd.s32 $0xFFFFB800  }
0x40: {  	[spmem:s21] =	stream.linear.scatter [tilespmem:s26], [sflag:$0x5], $0x4800, $0x38;
	[tilespmem:$0x1FA00] =	vst v63  }
0x41: {  	_ =	swait.ge [sflag:s28], $0x4800  }
0x42: {  	[sflag:s28] =	ssyncset.done $0x0  }
0x43: {  	[sflag:s28] =	ssyncadd.s32 $0xFFFFB800  }
0x44: {  	[spmem:s22] =	stream.linear.scatter [tilespmem:s26], [sflag:$0x5], $0x4800, $0x38;
	[tilespmem:$0x1FA00] =	vst v63  }
0x45: {  	_ =	swait.ge [sflag:s28], $0x4800  }
0x46: {  	[sflag:s28] =	ssyncset.done $0x0  }
0x47: {  	[sflag:s28] =	ssyncadd.s32 $0xFFFFB800  }
0x48: {  	[bflag:$0x0] =	sbarrier.arrive $0xFFFF  }
0x49: {  	s8 =	simm.s32 $0x0;
	s9 =	rddreg [dreg:$0xb]  }
0x4a: {  	[tilespmem:s29], [sflag:$0x5] =	stream.linear.gather [hbm4b:s9+s8], $0x80, $0x38;
	[tilespmem:$0x1FA00] =	vst v63  }
0x4b: {  	_ =	swait.ge [sflag:s28], $0x80  }
0x4c: {  	[sflag:s28] =	ssyncset.done $0x0  }
0x4d: {  	s10 =	rddreg [dreg:$0xc];
	[sflag:s28] =	ssyncadd.s32 $0xFFFFFF80  }
0x4e: {  	[tilespmem:s30], [sflag:$0x5] =	stream.linear.gather [hbm4b:s10+s8], $0x80, $0x38;
	[tilespmem:$0x1FA00] =	vst v63  }
0x4f: {  	_ =	swait.ge [sflag:s28], $0x80  }
0x50: {  	[sflag:s28] =	ssyncset.done $0x0  }
0x51: {  	[sflag:s28] =	ssyncadd.s32 $0xFFFFFF80  }
0x52: {  	[tilespmem:s26], [sflag:$0x1] =	stream.indirect.gather [hbm4b:s17+s31], $0x90, s29, s31, $0xb8;
	[tilespmem:$0x1FA00] =	vst v63  }
0x53: {  	_ =	swait.ge [sflag:s14], $0x4800  }
0x54: {  	[sflag:s14] =	ssyncset.done $0x0  }
0x55: {  	[sflag:s14] =	ssyncadd.s32 $0xFFFFB800  }
0x56: {  	[spmem:s16] =	stream.indirect.scatter.add.f32 [tilespmem:s26], [sflag:$0x3], $0x90, s30, s31, $0xb8;
	[tilespmem:$0x1FA00] =	vst v63  }
0x57: {  	_ = 	snop  }
0x58: {  	[tilespmem:s1], [sflag:$0x5] =	stream.linear.gather [hbm4b:s11+s8], $0x80, $0x38;
	[tilespmem:$0x1FA00] =	vst v63  }
0x59: {  	_ =	swait.ge [sflag:s28], $0x80  }
0x5a: {  	[sflag:s28] =	ssyncset.done $0x0  }
0x5b: {  	[sflag:s28] =	ssyncadd.s32 $0xFFFFFF80  }
0x5c: {  	[tilespmem:s2], [sflag:$0x5] =	stream.linear.gather [hbm4b:s12+s8], $0x80, $0x38;
	[tilespmem:$0x1FA00] =	vst v63  }
0x5d: {  	_ =	swait.ge [sflag:s28], $0x80  }
0x5e: {  	[sflag:s28] =	ssyncset.done $0x0  }
0x5f: {  	[sflag:s28] =	ssyncadd.s32 $0xFFFFFF80  }
0x60: {  	[tilespmem:s3], [sflag:$0x2] =	stream.indirect.gather [hbm4b:s17+s31], $0x90, s1, s31, $0xb8;
	[tilespmem:$0x1FA00] =	vst v63  }
0x61: {  	_ =	swait.ge [sflag:s4], $0x4800  }
0x62: {  	[sflag:s4] =	ssyncset.done $0x0  }
0x63: {  	[sflag:s4] =	ssyncadd.s32 $0xFFFFB800  }
0x64: {  	[spmem:s16] =	stream.indirect.scatter.add.f32 [tilespmem:s3], [sflag:$0x4], $0x90, s2, s31, $0xb8;
	[tilespmem:$0x1FA00] =	vst v63  }
0x65: {  	_ =	swait.ge [sflag:s5], $0x4800  }
0x66: {  	[sflag:s5] =	ssyncset.done $0x0  }
0x67: {  	s9 =	sadd.s32 $0x0, s25;
	[sflag:s5] =	ssyncadd.s32 $0xFFFFB800  }
0x68: {  	[tilespmem:s29], [sflag:$0x5] =	stream.linear.gather [hbm4b:s9+s0], $0x80, $0x38;
	[tilespmem:$0x1FA00] =	vst v63  }
0x69: {  	_ =	swait.ge [sflag:s28], $0x80  }
0x6a: {  	[sflag:s28] =	ssyncset.done $0x0  }
0x6b: {  	s10 =	sadd.s32 $0x0, s24;
	[sflag:s28] =	ssyncadd.s32 $0xFFFFFF80  }
0x6c: {  	[tilespmem:s30], [sflag:$0x5] =	stream.linear.gather [hbm4b:s10+s0], $0x80, $0x38;
	[tilespmem:$0x1FA00] =	vst v63  }
0x6d: {  	_ =	swait.ge [sflag:s28], $0x80  }
0x6e: {  	[sflag:s28] =	ssyncset.done $0x0  }
0x6f: {  	[sflag:s28] =	ssyncadd.s32 $0xFFFFFF80  }
0x70: {  	[tilespmem:s26], [sflag:$0x1] =	stream.indirect.gather [hbm4b:s17+s31], $0x90, s29, s31, $0xb8;
	[tilespmem:$0x1FA00] =	vst v63  }
0x71: {  	_ =	swait.ge [sflag:s14], $0x4800  }
0x72: {  	[sflag:s14] =	ssyncset.done $0x0  }
0x73: {  	[sflag:s14] =	ssyncadd.s32 $0xFFFFB800  }
0x74: {  	[spmem:s16] =	stream.indirect.scatter.add.f32 [tilespmem:s26], [sflag:$0x3], $0x90, s30, s31, $0xb8;
	[tilespmem:$0x1FA00] =	vst v63  }
0x75: {  	_ =	swait.ge [sflag:s6], $0x4800  }
0x76: {  	[sflag:s6] =	ssyncset.done $0x0  }
0x77: {  	s9 =	sadd.s32 $0x0, s13;
	[sflag:s6] =	ssyncadd.s32 $0xFFFFB800  }
0x78: {  	[tilespmem:s1], [sflag:$0x5] =	stream.linear.gather [hbm4b:s9+s0], $0x80, $0x38;
	[tilespmem:$0x1FA00] =	vst v63  }
0x79: {  	_ =	swait.ge [sflag:s28], $0x80  }
0x7a: {  	[sflag:s28] =	ssyncset.done $0x0  }
0x7b: {  	s10 =	sadd.s32 $0x0, s15;
	[sflag:s28] =	ssyncadd.s32 $0xFFFFFF80  }
0x7c: {  	[tilespmem:s2], [sflag:$0x5] =	stream.linear.gather [hbm4b:s10+s0], $0x80, $0x38;
	[tilespmem:$0x1FA00] =	vst v63  }
0x7d: {  	_ =	swait.ge [sflag:s28], $0x80  }
0x7e: {  	[sflag:s28] =	ssyncset.done $0x0  }
0x7f: {  	[sflag:s28] =	ssyncadd.s32 $0xFFFFFF80  }
0x80: {  	[tilespmem:s3], [sflag:$0x2] =	stream.indirect.gather [hbm4b:s17+s31], $0x90, s1, s31, $0xb8;
	[tilespmem:$0x1FA00] =	vst v63  }
0x81: {  	_ =	swait.ge [sflag:s4], $0x4800  }
0x82: {  	[sflag:s4] =	ssyncset.done $0x0  }
0x83: {  	s8 =	simm.s32 $0x20;
	[sflag:s4] =	ssyncadd.s32 $0xFFFFB800  }
.LBB2_4:
0x84: {  	[spmem:s16] =	stream.indirect.scatter.add.f32 [tilespmem:s3], [sflag:$0x4], $0x90, s2, s31, $0xb8;
	[tilespmem:$0x1FA00] =	vst v63  }
0x85: {  	s9 =	smov.u32 s8  }
0x86: {  	p0 =	sne.s32 s8, $0x4A0;
	s8 =	sadd.s32 $0x20, s8;
	_ =	swait.ge [sflag:s5], $0x4800  }
0x87: {  	[sflag:s5] =	ssyncset.done $0x0  }
0x88: {  	s10 =	sadd.s32 s9, s25;
	[sflag:s5] =	ssyncadd.s32 $0xFFFFB800  }
0x89: {  	[tilespmem:s29], [sflag:$0x5] =	stream.linear.gather [hbm4b:s10+s0], $0x80, $0x38;
	[tilespmem:$0x1FA00] =	vst v63  }
0x8a: {  	_ =	swait.ge [sflag:s28], $0x80  }
0x8b: {  	[sflag:s28] =	ssyncset.done $0x0  }
0x8c: {  	s10 =	sadd.s32 s9, s24;
	[sflag:s28] =	ssyncadd.s32 $0xFFFFFF80  }
0x8d: {  	[tilespmem:s30], [sflag:$0x5] =	stream.linear.gather [hbm4b:s10+s0], $0x80, $0x38;
	[tilespmem:$0x1FA00] =	vst v63  }
0x8e: {  	_ =	swait.ge [sflag:s28], $0x80  }
0x8f: {  	[sflag:s28] =	ssyncset.done $0x0  }
0x90: {  	[sflag:s28] =	ssyncadd.s32 $0xFFFFFF80  }
0x91: {  	[tilespmem:s26], [sflag:$0x1] =	stream.indirect.gather [hbm4b:s17+s31], $0x90, s29, s31, $0xb8;
	[tilespmem:$0x1FA00] =	vst v63  }
0x92: {  	_ =	swait.ge [sflag:s14], $0x4800  }
0x93: {  	[sflag:s14] =	ssyncset.done $0x0  }
0x94: {  	[sflag:s14] =	ssyncadd.s32 $0xFFFFB800  }
0x95: {  	[spmem:s16] =	stream.indirect.scatter.add.f32 [tilespmem:s26], [sflag:$0x3], $0x90, s30, s31, $0xb8;
	[tilespmem:$0x1FA00] =	vst v63  }
0x96: {  	_ =	swait.ge [sflag:s6], $0x4800  }
0x97: {  	[sflag:s6] =	ssyncset.done $0x0  }
0x98: {  	s10 =	sadd.s32 s9, s13;
	[sflag:s6] =	ssyncadd.s32 $0xFFFFB800  }
0x99: {  	[tilespmem:s1], [sflag:$0x5] =	stream.linear.gather [hbm4b:s10+s0], $0x80, $0x38;
	[tilespmem:$0x1FA00] =	vst v63  }
0x9a: {  	_ =	swait.ge [sflag:s28], $0x80  }
0x9b: {  	[sflag:s28] =	ssyncset.done $0x0  }
0x9c: {  	s9 =	sadd.s32 s9, s15;
	[sflag:s28] =	ssyncadd.s32 $0xFFFFFF80  }
0x9d: {  	[tilespmem:s2], [sflag:$0x5] =	stream.linear.gather [hbm4b:s9+s0], $0x80, $0x38;
	[tilespmem:$0x1FA00] =	vst v63  }
0x9e: {  	_ =	swait.ge [sflag:s28], $0x80  }
0x9f: {  	[sflag:s28] =	ssyncset.done $0x0  }
.Ltmp1:
0xa0: {  	[sflag:s28] =	ssyncadd.s32 $0xFFFFFF80;
	(pc) =	sbr.rel @p0 .LBB2_4-.Ltmp1, $4  }
0xa1: {  	[tilespmem:s3], [sflag:$0x2] =	stream.indirect.gather [hbm4b:s17+s31], $0x90, s1, s31, $0xb8;
	[tilespmem:$0x1FA00] =	vst v63  }
0xa2: {  	_ =	swait.ge [sflag:s4], $0x4800  }
0xa3: {  	[sflag:s4] =	ssyncset.done $0x0  }
0xa4: {  	[sflag:s4] =	ssyncadd.s32 $0xFFFFB800  }
0xa5: {  	[spmem:s16] =	stream.indirect.scatter.add.f32 [tilespmem:s3], [sflag:$0x4], $0x90, s2, s31, $0xb8;
	[tilespmem:$0x1FA00] =	vst v63  }
0xa6: {  	_ =	swait.ge [sflag:s5], $0x4800  }
0xa7: {  	[sflag:s5] =	ssyncset.done $0x0  }
0xa8: {  	s8 =	rddreg [dreg:$0x4];
	[sflag:s5] =	ssyncadd.s32 $0xFFFFB800  }
0xa9: {  	[tilespmem:s29], [sflag:$0x5] =	stream.linear.gather [hbm4b:s8+s0], $0x80, $0x38;
	[tilespmem:$0x1FA00] =	vst v63  }
0xaa: {  	_ =	swait.ge [sflag:s28], $0x80  }
0xab: {  	[sflag:s28] =	ssyncset.done $0x0  }
0xac: {  	s9 =	rddreg [dreg:$0x5];
	[sflag:s28] =	ssyncadd.s32 $0xFFFFFF80  }
0xad: {  	[tilespmem:s30], [sflag:$0x5] =	stream.linear.gather [hbm4b:s9+s0], $0x80, $0x38;
	[tilespmem:$0x1FA00] =	vst v63  }
0xae: {  	_ =	swait.ge [sflag:s28], $0x80  }
0xaf: {  	[sflag:s28] =	ssyncset.done $0x0  }
0xb0: {  	[sflag:s28] =	ssyncadd.s32 $0xFFFFFF80  }
0xb1: {  	[tilespmem:s26], [sflag:$0x1] =	stream.indirect.gather [hbm4b:s17+s31], $0x90, s29, s31, $0xb8;
	[tilespmem:$0x1FA00] =	vst v63  }
0xb2: {  	_ =	swait.ge [sflag:s14], $0x4800  }
0xb3: {  	[sflag:s14] =	ssyncset.done $0x0  }
0xb4: {  	[sflag:s14] =	ssyncadd.s32 $0xFFFFB800  }
0xb5: {  	[spmem:s16] =	stream.indirect.scatter.add.f32 [tilespmem:s26], [sflag:$0x3], $0x90, s30, s31, $0xb8;
	[tilespmem:$0x1FA00] =	vst v63  }
0xb6: {  	_ =	swait.ge [sflag:s5], $0x4800  }
0xb7: {  	[sflag:s5] =	ssyncset.done $0x0  }
0xb8: {  	[sflag:s5] =	ssyncadd.s32 $0xFFFFB800  }
0xb9: {  	_ =	swait.ge [sflag:s6], $0x4800  }
0xba: {  	[sflag:s6] =	ssyncset.done $0x0  }
0xbb: {  	[sflag:s6] =	ssyncadd.s32 $0xFFFFB800  }
0xbc: {  	[bflag:$0x0] =	sbarrier.arrive $0xFFFF  }
0xbd: {  	[tilespmem:s26], [sflag:$0x5] =	stream.linear.gather [spmem:s18], $0x4800, $0x38;
	[tilespmem:$0x1FA00] =	vst v63  }
0xbe: {  	_ =	swait.ge [sflag:s28], $0x4800  }
0xbf: {  	[sflag:s28] =	ssyncset.done $0x0  }
0xc0: {  	s10 =	rddreg [dreg:$0x6];
	[sflag:s28] =	ssyncadd.s32 $0xFFFFB800  }
0xc1: {  	[hbm4b:s10+s0] =	stream.linear.scatter [tilespmem:s26], [sflag:$0x5], $0x4800, $0x38;
	[tilespmem:$0x1FA00] =	vst v63  }
0xc2: {  	_ =	swait.ge [sflag:s28], $0x4800  }
0xc3: {  	[sflag:s28] =	ssyncset.done $0x0  }
0xc4: {  	[sflag:s28] =	ssyncadd.s32 $0xFFFFB800  }
0xc5: {  	[tilespmem:s26], [sflag:$0x5] =	stream.linear.gather [spmem:s19], $0x4800, $0x38;
	[tilespmem:$0x1FA00] =	vst v63  }
0xc6: {  	_ =	swait.ge [sflag:s28], $0x4800  }
0xc7: {  	[sflag:s28] =	ssyncset.done $0x0  }
0xc8: {  	s9 =	rddreg [dreg:$0x7];
	[sflag:s28] =	ssyncadd.s32 $0xFFFFB800  }
0xc9: {  	[hbm4b:s9+s0] =	stream.linear.scatter [tilespmem:s26], [sflag:$0x5], $0x4800, $0x38;
	[tilespmem:$0x1FA00] =	vst v63  }
0xca: {  	_ =	swait.ge [sflag:s28], $0x4800  }
0xcb: {  	[sflag:s28] =	ssyncset.done $0x0  }
0xcc: {  	[sflag:s28] =	ssyncadd.s32 $0xFFFFB800  }
0xcd: {  	[tilespmem:s26], [sflag:$0x5] =	stream.linear.gather [spmem:s20], $0x4800, $0x38;
	[tilespmem:$0x1FA00] =	vst v63  }
0xce: {  	_ =	swait.ge [sflag:s28], $0x4800  }
0xcf: {  	[sflag:s28] =	ssyncset.done $0x0  }
0xd0: {  	s10 =	rddreg [dreg:$0x8];
	[sflag:s28] =	ssyncadd.s32 $0xFFFFB800  }
0xd1: {  	[hbm4b:s10+s0] =	stream.linear.scatter [tilespmem:s26], [sflag:$0x5], $0x4800, $0x38;
	[tilespmem:$0x1FA00] =	vst v63  }
0xd2: {  	_ =	swait.ge [sflag:s28], $0x4800  }
0xd3: {  	[sflag:s28] =	ssyncset.done $0x0  }
0xd4: {  	[sflag:s28] =	ssyncadd.s32 $0xFFFFB800  }
0xd5: {  	[tilespmem:s26], [sflag:$0x5] =	stream.linear.gather [spmem:s21], $0x4800, $0x38;
	[tilespmem:$0x1FA00] =	vst v63  }
0xd6: {  	_ =	swait.ge [sflag:s28], $0x4800  }
0xd7: {  	[sflag:s28] =	ssyncset.done $0x0  }
0xd8: {  	s9 =	rddreg [dreg:$0x9];
	[sflag:s28] =	ssyncadd.s32 $0xFFFFB800  }
0xd9: {  	[hbm4b:s9+s0] =	stream.linear.scatter [tilespmem:s26], [sflag:$0x5], $0x4800, $0x38;
	[tilespmem:$0x1FA00] =	vst v63  }
0xda: {  	_ =	swait.ge [sflag:s28], $0x4800  }
0xdb: {  	[sflag:s28] =	ssyncset.done $0x0  }
0xdc: {  	[sflag:s28] =	ssyncadd.s32 $0xFFFFB800  }
0xdd: {  	[tilespmem:s26], [sflag:$0x5] =	stream.linear.gather [spmem:s22], $0x4800, $0x38;
	[tilespmem:$0x1FA00] =	vst v63  }
0xde: {  	s7 =	sadd.s32 $0x1, s7;
	_ =	swait.ge [sflag:s28], $0x4800  }
0xdf: {  	p0 =	sne.s32 s7, s23;
	[sflag:s28] =	ssyncset.done $0x0  }
.Ltmp2:
0xe0: {  	s10 =	rddreg [dreg:$0xa];
	[sflag:s28] =	ssyncadd.s32 $0xFFFFB800;
	(pc) =	sbr.rel @p0 .LBB2_1-.Ltmp2, $4  }
0xe1: {  	[hbm4b:s10+s0] =	stream.linear.scatter [tilespmem:s26], [sflag:$0x5], $0x4800, $0x38;
	[tilespmem:$0x1FA00] =	vst v63  }
0xe2: {  	_ =	swait.ge [sflag:s28], $0x4800  }
0xe3: {  	[sflag:s28] =	ssyncset.done $0x0  }
0xe4: {  	[sflag:s28] =	ssyncadd.s32 $0xFFFFB800  }
0xe5: {  	_ =	sfence.sel $0x180000  }
0xe6: {  	[bflag:$0x0] =	sbarrier.arrive $0xFFFF  }
0xe7: {  	_ =	strace $0x9000004A  }
0xe8: {  	s0 =	stileid.u32;
	[bflag:$0x2] =	sbarrier.arrive $0xFFFF  }
0xe9: {  	p0 =	sne.s32 s0, $0x0;
	s0 =	rddreg [dreg:$0x3]  }
0xea: {  	s0 =	sadd.s32 @!p0 $0x100000, s0  }
0xeb: {  	[sflag:s0] =	ssyncadd.tile.s32 @!p0 $0x1;
	_ =	shalt  }
.Lfunc_end2:
_tile_overlayer_lowered:
.L_overlay_start_2:
0xec: {  	(tag) =	ssettag $0x2  }
0xed: {  	s0 =	rddreg [dreg:$0x0];
	s2 =	stileid.u32  }
0xee: {  	s1 =	rddreg [dreg:$0x1];
	p0 =	sne.s32 s2, $0x0  }
0xef: {  	s3 =	rddreg [dreg:$0x2];
	[bflag:$0x3] =	sbarrier.arrive $0xFFFF;
	s2 =	simm.s32 @!p0 $0x1C05  }
0xf0: {  	[timem:s3], [sflag:s2] =	dma.local @!p0 [hbm:s0], s1  }
0xf1: {  	s0 =	simm.s32 @!p0 $0x5  }
0xf2: {  	_ =	swait.ge @!p0 [sflag:s0], s1  }
0xf3: {  	s1 =	ssub.s32 @!p0 $0x0, s1;
	[sflag:s0] =	ssyncset.done @!p0 $0x0  }
0xf4: {  	[sflag:s0] =	ssyncadd.s32 @!p0 s1  }
0xf5: {  	[bflag:$0x3] =	sbarrier.arrive $0xFFFF  }
0xf6: {  	_ =	shalt  }

// kernel: kernel.17.cloned.1.call-start
scs
__scs_entry_jumppad:
0x0: {  	(pc) =	sbr.rel $0x88, $3  }
0x1: {  	(tag) =	ssettag $0x0;
	lr =	simm.s32 $0x1  }
0x2: {  	[smem:$0x3F9A] =	sst lr;
	_ =	strace $0xD0000000  }
0x3: {  	_ = 	snop  }
0x4: {  	_ = 	snop  }
0x5: {  	_ = 	snop  }
0x6: {  	_ = 	snop  }
0x7: {  	_ = 	snop  }
__scs_overlays_trampoline_lowered:
0x8: {  	[smem:$0x3FA9] =	sst s0  }
0x9: {  	[smem:$0x3FAA] =	sst s1  }
0xa: {  	[smem:$0x3FAB] =	sst s2  }
0xb: {  	[smem:$0x3FAC] =	sst s3  }
0xc: {  	[smem:$0x3FAD] =	sst s4  }
0xd: {  	[smem:$0x3FAE] =	sst s5  }
0xe: {  	[smem:$0x3FAF] =	sst s6  }
0xf: {  	[smem:$0x3FB0] =	sst s7  }
0x10: {  	[smem:$0x3FB1] =	sst s8  }
0x11: {  	[smem:$0x3FB2] =	sst s9;
	s0 =	simm.s32 @!p0 $0x0  }
0x12: {  	s1 =	sld [smem:$0x3F98];
	s0 =	simm.s32 @p0 $0x1  }
0x13: {  	[smem:$0x3FB3] =	sst s0;
	s0 =	simm.s32 @!p1 $0x0  }
0x14: {  	s2 =	sld [smem:$0x3F97];
	s0 =	simm.s32 @p1 $0x1  }
0x15: {  	[smem:$0x3FB4] =	sst s0;
	s0 =	simm.s32 @!p2 $0x0  }
0x16: {  	s3 =	sld [smem:$0x3FDB];
	s0 =	simm.s32 @p2 $0x1  }
0x17: {  	s4 =	simm.s32 $0x1BF5;
	[smem:$0x3FB6] =	sst s0  }
0x18: {  	s0 =	sld [smem:$0x3F99];
	_ =	swait.ge [sflag:s4], $0x0  }
0x19: {  	s7 =	sld [smem:$0x3F9A]  }
0x1a: {  	s8 =	sadd.s32 $0xFFFFE003, lr  }
0x1b: {  	s9 =	sadd.s32 $0xFFFFFEF7, lr;
	s5 =	simm.s32 $0xFFFFFFFF;
	p2 =	slt.u32 s8, $0xFFFFF086  }
0x1c: {  	p1 =	slt.u32 s9, $0xF7A;
	s5 =	simm.s32 @!p2 $0x0  }
0x1d: {  	s5 =	simm.s32 @p1 $0x1;
	p0 =	seq.s32 s7, s2  }
0x1e: {  	s7 =	smul.u32 @!p0 $0xF7A, s2;
	p2 =	seq.s32 @!p0 s5, $0x0  }
0x1f: {  	s9 =	smul.u32 $0xF7A, s1;
	s8 =	simm.s32 @!p0 $0x1BF5;
	p2 =	por !p2, p0  }
0x20: {  	[sflag:s8] =	ssyncset.s32 @!p0 $0xFFFFF086;
	s6 =	sadd.s32 @!p0 s3, s7;
	s7 =	simm.s32 @!p0 $0x108  }
0x21: {  	s3 =	sadd.s32 s3, s9;
	s6 =	sadd.s32 @!p0 $0x88, s6;
	s7 =	simm.s32 @p2 $0x1082  }
0x22: {  	[simem:s7], [sflag:s8] =	dma.local @!p0 [hbm:s6], $0xF7A  }
0x23: {  	s9 =	sor.u32 $0xD0000000, s2;
	s6 =	simm.s32 $0x108;
	_ =	swait.ge @!p0 [sflag:s8], $0x0  }
0x24: {  	s3 =	sadd.s32 $0x88, s3;
	s6 =	simm.s32 @!p1 $0x1082;
	[sflag:s4] =	ssyncset.s32 $0xFFFFF086  }
0x25: {  	[simem:s6], [sflag:s4] =	dma.local [hbm:s3], $0xF7A  }
0x26: {  	[smem:$0x3F9A] =	sst s1;
	(tag) =	ssettag s2;
	_ =	strace s9  }
0x27: {  	s1 =	sld [smem:$0x3FAA]  }
0x28: {  	s2 =	sld [smem:$0x3FAB]  }
0x29: {  	s4 =	sld [smem:$0x3FAD]  }
0x2a: {  	p0 =	seq.s32 s5, $0x0;
	s5 =	sld [smem:$0x3FAE]  }
0x2b: {  	s6 =	sld [smem:$0x3FAF]  }
0x2c: {  	s7 =	sld [smem:$0x3FB0]  }
0x2d: {  	s3 =	simm.s32 $0x108;
	s8 =	sld [smem:$0x3FB1]  }
0x2e: {  	s3 =	simm.s32 @!p0 $0x1082;
	s9 =	sld [smem:$0x3FB2]  }
0x2f: {  	lr =	sadd.s32 s0, s3;
	s0 =	sld [smem:$0x3FA9]  }
0x30: {  	s3 =	sld [smem:$0x3FAC]  }
0x31: {  	[smem:$0x3FB5] =	sst s10  }
0x32: {  	s10 =	sld [smem:$0x3FB3];
	_ =	sdelay $0x3  }
0x33: {  	p0 =	seq.s32 s10, $0x1;
	s10 =	sld [smem:$0x3FB5];
	_ =	sdelay $0x3  }
0x34: {  	[smem:$0x3FB5] =	sst s10  }
0x35: {  	s10 =	sld [smem:$0x3FB4];
	_ =	sdelay $0x3  }
0x36: {  	p1 =	seq.s32 s10, $0x1;
	s10 =	sld [smem:$0x3FB5];
	_ =	sdelay $0x3  }
0x37: {  	[smem:$0x3FB5] =	sst s10  }
0x38: {  	s10 =	sld [smem:$0x3FB6]  }
0x39: {  	_ = 	snop;
	(pc) =	sbr.ind lr, $3  }
0x3a: {  	_ = 	snop  }
0x3b: {  	_ = 	snop  }
0x3c: {  	p2 =	seq.s32 s10, $0x1;
	s10 =	sld [smem:$0x3FB5]  }
0x3d: {  	_ =	shalt  }
0x3e: {  	_ =	shalt  }
0x3f: {  	_ =	shalt  }
0x40: {  	_ =	shalt  }
0x41: {  	_ =	shalt  }
0x42: {  	_ =	shalt  }
0x43: {  	_ =	shalt  }
0x44: {  	_ =	shalt  }
0x45: {  	_ =	shalt  }
0x46: {  	_ =	shalt  }
0x47: {  	_ =	shalt  }
0x48: {  	_ =	shalt  }
0x49: {  	_ =	shalt  }
0x4a: {  	_ =	shalt  }
0x4b: {  	_ =	shalt  }
0x4c: {  	_ =	shalt  }
0x4d: {  	_ =	shalt  }
0x4e: {  	_ =	shalt  }
0x4f: {  	_ =	shalt  }
0x50: {  	_ =	shalt  }
0x51: {  	_ =	shalt  }
0x52: {  	_ =	shalt  }
0x53: {  	_ =	shalt  }
0x54: {  	_ =	shalt  }
0x55: {  	_ =	shalt  }
0x56: {  	_ =	shalt  }
0x57: {  	_ =	shalt  }
0x58: {  	_ =	shalt  }
0x59: {  	_ =	shalt  }
0x5a: {  	_ =	shalt  }
0x5b: {  	_ =	shalt  }
0x5c: {  	_ =	shalt  }
0x5d: {  	_ =	shalt  }
0x5e: {  	_ =	shalt  }
0x5f: {  	_ =	shalt  }
0x60: {  	_ =	shalt  }
0x61: {  	_ =	shalt  }
0x62: {  	_ =	shalt  }
0x63: {  	_ =	shalt  }
0x64: {  	_ =	shalt  }
0x65: {  	_ =	shalt  }
0x66: {  	_ =	shalt  }
0x67: {  	_ =	shalt  }
0x68: {  	_ =	shalt  }
0x69: {  	_ =	shalt  }
0x6a: {  	_ =	shalt  }
0x6b: {  	_ =	shalt  }
0x6c: {  	_ =	shalt  }
0x6d: {  	_ =	shalt  }
0x6e: {  	_ =	shalt  }
0x6f: {  	_ =	shalt  }
0x70: {  	_ =	shalt  }
0x71: {  	_ =	shalt  }
0x72: {  	_ =	shalt  }
0x73: {  	_ =	shalt  }
0x74: {  	_ =	shalt  }
0x75: {  	_ =	shalt  }
0x76: {  	_ =	shalt  }
0x77: {  	_ =	shalt  }
0x78: {  	_ =	shalt  }
0x79: {  	_ =	shalt  }
0x7a: {  	_ =	shalt  }
0x7b: {  	_ =	shalt  }
0x7c: {  	_ =	shalt  }
0x7d: {  	_ =	shalt  }
0x7e: {  	_ =	shalt  }
0x7f: {  	_ =	shalt  }
0x80: {  	_ =	shalt  }
0x81: {  	_ =	shalt  }
0x82: {  	_ =	shalt  }
0x83: {  	_ =	shalt  }
0x84: {  	_ =	shalt  }
0x85: {  	_ =	shalt  }
0x86: {  	_ =	shalt  }
0x87: {  	_ =	shalt  }
.Lfunc_end0:
.L_simem_size_0:
called_computation.2_lowered:
.L_overlay_start_0:
0x88: {  	s2 =	sld [smem:$0x3FD9]  }
0x89: {  	s3 =	sld [smem:$0x3FFE];
	_ =	sdelay $0x1  }
0x8a: {  	s1 =	srdreg.scid  }
0x8b: {  	s0 =	sand.u32 $0x1, s1  }
0x8c: {  	s17 =	sshll.u32 s0, $0xA;
	s2 =	sadd.s32 s3, s2  }
0x8d: {  	s2 =	sadd.s32 s2, s17  }
0x8e: {  	[smem:$0x3FC1] =	sst s2  }
0x8f: {  	_ = 	snop  }
0x90: {  	s2 =	sld [smem:$0x3FD0];
	(tm) =	ssettm $0x1  }
0x91: {  	s18 =	sld [smem:$0x3FFB];
	_ =	sdelay $0x3  }
0x92: {  	_ =	strace s18  }
0x93: {  	s3 =	sld [smem:$0x3FFC];
	_ =	sdelay $0x3  }
0x94: {  	_ =	strace s3  }
0x95: {  	s3 =	sld [smem:$0x3FFD];
	_ =	sdelay $0x3  }
0x96: {  	_ =	strace s3  }
0x97: {  	_ =	strace $0x8FFFFFFF  }
0x98: {  	s19 =	sld [smem:$0x3FDB];
	_ =	sdelay $0x1  }
0x99: {  	s4 =	simm.s32 $_scs_section_size  }
0x9a: {  	s5 =	simm.s32 $_size__tile_overlayer_lowered;
	s6 =	simm.s32 $_tile_overlayer_lowered  }
0x9b: {  	s22 =	simm.s32 $0x1BFF;
	s21 =	sshll.u32 s6, $0x1;
	s3 =	sadd.s32 s4, s19  }
0x9c: {  	s7 =	simm.s32 $0x0;
	s20 =	sshll.u32 s5, $0x1;
	s5 =	sadd.s32 s21, s3  }
0x9d: {  	[timem:s7], [sflag:s22] =	dma.local [hbm:s5], s20  }
0x9e: {  	_ =	swait.ge [sflag:s22], s20  }
0x9f: {  	s4 =	ssub.s32 $0x0, s20;
	[sflag:s22] =	ssyncset.done $0x0  }
0xa0: {  	[sflag:s22] =	ssyncadd.s32 s4;
	_ =	sdelay $0x1  }
0xa1: {  	s23 =	simm.s32 $0x1B8B  }
0xa2: {  	_ =	swait.ge [sflag:s23], $0x1  }
0xa3: {  	[sflag:s23] =	ssyncset.done $0x0  }
0xa4: {  	s25 =	simm.s32 $0x1B8E;
	s24 =	sld [smem:$0x3FFE];
	[sflag:s23] =	ssyncadd.s32 $0xFFFFFFFF  }
0xa5: {  	s26 =	simm.s32 $execute0_lowered;
	[smem:$0x3FD2] =	sst s25  }
0xa6: {  	s5 =	sshll.u32 s26, $0x1;
	_ =	strace $0x8000004C;
	[dreg:$0x1] =	wrdreg $0xFFFFFFFF  }
0xa7: {  	s28 =	simm.s32 $_size_execute0_lowered;
	s3 =	sadd.s32 s3, s5;
	[dreg:$0x0] =	wrdreg $0x0  }
0xa8: {  	s5 =	sshll.u32 s28, $0x1;
	[dreg:$0x2] =	wrdreg s3  }
0xa9: {  	[dreg:$0x3] =	wrdreg s5  }
0xaa: {  	[dreg:$0x4] =	wrdreg $0xC0  }
0xab: {  	_ =	task [dreg:s7], $0x5FFFF  }
0xac: {  	[dreg:$0x1] =	wrdreg $0xFFFFFFFF  }
0xad: {  	[dreg:$0x0] =	wrdreg $0x60  }
0xae: {  	[dreg:$0x2] =	wrdreg s24  }
0xaf: {  	[dreg:$0x3] =	wrdreg s2  }
0xb0: {  	[dreg:$0x4] =	wrdreg $0x0  }
0xb1: {  	[dreg:$0x5] =	wrdreg $0x9  }
0xb2: {  	_ =	task.clear_ibuf [dreg:s7], $0x6FFFF;
	_ =	strace $0x9000004C  }
0xb3: {  	s29 =	simm.s32 $0x9;
	_ =	strace $0x8000004E  }
0xb4: {  	_ =	swait.ge [sflag:s29], $0x1  }
0xb5: {  	[sflag:s29] =	ssyncadd.s32 $0xFFFFFFFF  }
0xb6: {  	_ =	strace $0x9000004E  }
0xb7: {  	_ =	sfence  }
0xb8: {  	s30 =	sld [smem:$0x0];
	_ =	sdelay $0x2  }
0xb9: {  	s31 =	sshll.u32 s1, $0xD;
	s1 =	sshrl.u32 s1, $0x2  }
0xba: {  	s3 =	sand.u32 $0x4000, s31;
	s1 =	sadd.s32 s1, s30  }
0xbb: {  	s0 =	sor.u32 s3, s0;
	s1 =	sshll.u32 s1, $0x11  }
0xbc: {  	s0 =	sor.u32 s1, s0  }
0xbd: {  	s0 =	sadd.s32 $0x8F2B, s0  }
0xbe: {  	[sflag:s0] =	ssyncadd.remote.s32 $0x1  }
0xbf: {  	_ =	sfence.sel $0xFFFF  }
0xc0: {  	[dreg:$0x0] =	wrdreg $0xFFFFFFFF;
	(pc) =	sbr.abs _section_cstart, $3  }
0xc1: {  	[dreg:$0x1] =	wrdreg $0xFFFFFFFF  }
0xc2: {  	_ =	task.clear_ibuf [dreg:s7], $0x2FFFF;
	_ =	strace $0x9FFFFFFF  }
0xc3: {  	(tm) =	ssettm $0x7FFFFFFF  }
tec
execute0_lowered:
.L_overlay_start_1:
0x0: {  	(tag) =	ssettag $0x1  }
0x1: {  	s1 =	rddreg [dreg:$0x0]  }
0x2: {  	s2 =	rddreg [dreg:$0x1]  }
0x3: {  	s0 =	simm.s32 $0x0;
	s3 =	srdreg.scid;
	s16 =	stileid.u32  }
0x4: {  	s28 =	simm.s32 $0x5;
	s29 =	simm.s32 $0x16800;
	s30 =	simm.s32 $0x16900  }
0x5: {  	s31 =	simm.s32 $0x80;
	s3 =	sand.u32 $0x1, s3;
	s7 =	smul.u32 $0x16800, s16  }
0x6: {  	[smem:$0x7FF] =	sst s0;
	s4 =	sadd.s32 $0x1800, s1;
	s11 =	smul.u32 $0x168000, s3  }
0x7: {  	s8 =	sadd.s32 $0x38600, s1;
	s5 =	sshll.u32 s3, $0x4;
	s17 =	smul.u32 $0x4F0, s3  }
0x8: {  	s6 =	ssub.s32 $0x2, s3;
	s3 =	smul.u32 $0x4F00, s3;
	s5 =	sor.u32 s16, s5  }
0x9: {  	s9 =	sshrl.u32 s6, $0x1;
	s14 =	sadd.s32 $0x9000, s7;
	s21 =	sadd.s32 $0xD800, s7  }
0xa: {  	s22 =	sadd.s32 $0x12000, s7;
	s10 =	smul.u32 $0x2780, s5;
	s12 =	sadd.s32 s7, s11  }
0xb: {  	s6 =	ssub.s32 s6, s9;
	s5 =	smul.u32 $0x4F0, s5;
	s12 =	sshrl.u32 s12, $0x3  }
0xc: {  	s9 =	sadd.s32 $0x4800, s7;
	s15 =	sadd.s32 s11, s21;
	s26 =	sadd.s32 s8, s12  }
0xd: {  	s10 =	sshrl.u32 s10, $0x3;
	s20 =	sadd.s32 s2, s5;
	[dreg:$0x6] =	wrdreg s26  }
0xe: {  	s24 =	sadd.s32 s4, s5;
	s10 =	sadd.s32 $0x4E0, s10;
	[dreg:$0xb] =	wrdreg s20  }
0xf: {  	s25 =	sadd.s32 s11, s9;
	[dreg:$0xc] =	wrdreg s24;
	s13 =	sadd.s32 s2, s10  }
0x10: {  	s12 =	sshrl.u32 s25, $0x3;
	s10 =	sadd.s32 s4, s10;
	[dreg:$0x4] =	wrdreg s13  }
0x11: {  	s5 =	sadd.s32 $0x10, s5;
	s25 =	smul.u32 $0x4F0, s16;
	[dreg:$0x5] =	wrdreg s10  }
0x12: {  	s10 =	sadd.s32 s8, s12;
	s13 =	sadd.s32 s11, s14;
	s12 =	sshrl.u32 s15, $0x3  }
0x13: {  	s11 =	sadd.s32 s11, s22;
	s15 =	smul.u32 $0x4F, s16;
	s16 =	rddreg [dreg:$0x2]  }
0x14: {  	[dreg:$0x7] =	wrdreg s10;
	s10 =	sshrl.u32 s13, $0x3;
	s18 =	sadd.s32 s8, s12  }
0x15: {  	s19 =	sshrl.u32 s11, $0x3;
	s11 =	sadd.s32 s2, s5;
	s12 =	sadd.s32 s4, s5  }
0x16: {  	s20 =	sadd.s32 s14, s16;
	s21 =	sadd.s32 s21, s16;
	s22 =	sadd.s32 s22, s16  }
0x17: {  	s14 =	simm.s32 $0x1;
	s5 =	simm.s32 $0x3;
	s10 =	sadd.s32 s8, s10  }
0x18: {  	[dreg:$0x9] =	wrdreg s18;
	s8 =	sadd.s32 s8, s19;
	s23 =	sadd.s32 s15, s17  }
0x19: {  	s17 =	sadd.s32 $0xB600, s1;
	s18 =	sadd.s32 s7, s16;
	s19 =	sadd.s32 s9, s16  }
0x1a: {  	s1 =	simm.s32 $0x16880;
	s7 =	simm.s32 $0x0;
	[dreg:$0x8] =	wrdreg s10  }
0x1b: {  	[dreg:$0xa] =	wrdreg s8;
	s8 =	sshll.u32 s23, $0x4;
	s23 =	smax.u32 s6, $0x1  }
0x1c: {  	s6 =	simm.s32 $0x4;
	s8 =	sadd.s32 $0x30, s8;
	_ =	strace $0x8000004D  }
0x1d: {  	s13 =	sadd.s32 s8, s2;
	s15 =	sadd.s32 s8, s4;
	s4 =	sadd.s32 s3, s4  }
0x1e: {  	s2 =	sadd.s32 s3, s2;
	s3 =	simm.s32 $0x1B200;
	s26 =	sadd.s32 s25, s4  }
0x1f: {  	s2 =	sadd.s32 s25, s2;
	s4 =	simm.s32 $0x2;
	s24 =	sadd.s32 $0x20, s26  }
0x20: {  	v0 =	vimm.f32 $0.0e+00;
	s25 =	sadd.s32 $0x20, s2;
	s26 =	simm.s32 $0x16A00;
	s2 =	simm.s32 $0x16980  }
.LBB2_1:
0x21: {  	s8 =	simm.s32 $0x0;
	s9 =	simm.s32 $0x240  }
.LBB2_2:
0x22: {  	p0 =	sne.s32 s9, $0x11DC0;
	[tilespmem:s8+$0x16A80] =	vst v0  }
0x23: {  	[tilespmem:s8+$0x16A00] =	vst v0  }
0x24: {  	[tilespmem:s8+$0x16A10] =	vst v0  }
0x25: {  	[tilespmem:s8+$0x16A20] =	vst v0  }
.Ltmp0:
0x26: {  	[tilespmem:s8+$0x16A30] =	vst v0;
	(pc) =	sbr.rel @p0 .LBB2_2-.Ltmp0, $4  }
0x27: {  	[tilespmem:s8+$0x16A40] =	vst v0  }
0x28: {  	[tilespmem:s8+$0x16A50] =	vst v0  }
0x29: {  	[tilespmem:s8+$0x16A60] =	vst v0  }
0x2a: {  	[tilespmem:s8+$0x16A70] =	vst v0;
	s8 =	sshra.s32 s9, $0x2;
	s9 =	sadd.s32 $0x240, s9  }
0x2b: {  	[tilespmem:s8+$0x16A80] =	vst v0  }
0x2c: {  	[tilespmem:s8+$0x16A00] =	vst v0  }
0x2d: {  	[tilespmem:s8+$0x16A10] =	vst v0  }
0x2e: {  	[tilespmem:s8+$0x16A20] =	vst v0  }
0x2f: {  	[tilespmem:s8+$0x16A30] =	vst v0  }
0x30: {  	[tilespmem:s8+$0x16A40] =	vst v0  }
0x31: {  	[tilespmem:s8+$0x16A50] =	vst v0  }
0x32: {  	[tilespmem:s8+$0x16A60] =	vst v0  }
0x33: {  	[tilespmem:s8+$0x16A70] =	vst v0  }
0x34: {  	[spmem:s18] =	stream.linear.scatter [tilespmem:s26], [sflag:$0x5], $0x4800, $0x38;
	[tilespmem:$0x1FA00] =	vst v63  }
0x35: {  	_ =	swait.ge [sflag:s28], $0x4800  }
0x36: {  	[sflag:s28] =	ssyncset.done $0x0  }
0x37: {  	[sflag:s28] =	ssyncadd.s32 $0xFFFFB800  }
0x38: {  	[spmem:s19] =	stream.linear.scatter [tilespmem:s26], [sflag:$0x5], $0x4800, $0x38;
	[tilespmem:$0x1FA00] =	vst v63  }
0x39: {  	_ =	swait.ge [sflag:s28], $0x4800  }
0x3a: {  	[sflag:s28] =	ssyncset.done $0x0  }
0x3b: {  	[sflag:s28] =	ssyncadd.s32 $0xFFFFB800  }
0x3c: {  	[spmem:s20] =	stream.linear.scatter [tilespmem:s26], [sflag:$0x5], $0x4800, $0x38;
	[tilespmem:$0x1FA00] =	vst v63  }
0x3d: {  	_ =	swait.ge [sflag:s28], $0x4800  }
0x3e: {  	[sflag:s28] =	ssyncset.done $0x0  }
0x3f: {  	[sflag:s28] =	ssyncadd.s32 $0xFFFFB800  }
0x40: {  	[spmem:s21] =	stream.linear.scatter [tilespmem:s26], [sflag:$0x5], $0x4800, $0x38;
	[tilespmem:$0x1FA00] =	vst v63  }
0x41: {  	_ =	swait.ge [sflag:s28], $0x4800  }
0x42: {  	[sflag:s28] =	ssyncset.done $0x0  }
0x43: {  	[sflag:s28] =	ssyncadd.s32 $0xFFFFB800  }
0x44: {  	[spmem:s22] =	stream.linear.scatter [tilespmem:s26], [sflag:$0x5], $0x4800, $0x38;
	[tilespmem:$0x1FA00] =	vst v63  }
0x45: {  	_ =	swait.ge [sflag:s28], $0x4800  }
0x46: {  	[sflag:s28] =	ssyncset.done $0x0  }
0x47: {  	[sflag:s28] =	ssyncadd.s32 $0xFFFFB800  }
0x48: {  	[bflag:$0x0] =	sbarrier.arrive $0xFFFF  }
0x49: {  	s8 =	simm.s32 $0x0;
	s9 =	rddreg [dreg:$0xb]  }
0x4a: {  	[tilespmem:s29], [sflag:$0x5] =	stream.linear.gather [hbm4b:s9+s8], $0x80, $0x38;
	[tilespmem:$0x1FA00] =	vst v63  }
0x4b: {  	_ =	swait.ge [sflag:s28], $0x80  }
0x4c: {  	[sflag:s28] =	ssyncset.done $0x0  }
0x4d: {  	s10 =	rddreg [dreg:$0xc];
	[sflag:s28] =	ssyncadd.s32 $0xFFFFFF80  }
0x4e: {  	[tilespmem:s30], [sflag:$0x5] =	stream.linear.gather [hbm4b:s10+s8], $0x80, $0x38;
	[tilespmem:$0x1FA00] =	vst v63  }
0x4f: {  	_ =	swait.ge [sflag:s28], $0x80  }
0x50: {  	[sflag:s28] =	ssyncset.done $0x0  }
0x51: {  	[sflag:s28] =	ssyncadd.s32 $0xFFFFFF80  }
0x52: {  	[tilespmem:s26], [sflag:$0x1] =	stream.indirect.gather [hbm4b:s17+s31], $0x90, s29, s31, $0xb8;
	[tilespmem:$0x1FA00] =	vst v63  }
0x53: {  	_ =	swait.ge [sflag:s14], $0x4800  }
0x54: {  	[sflag:s14] =	ssyncset.done $0x0  }
0x55: {  	[sflag:s14] =	ssyncadd.s32 $0xFFFFB800  }
0x56: {  	[spmem:s16] =	stream.indirect.scatter.add.f32 [tilespmem:s26], [sflag:$0x3], $0x90, s30, s31, $0xb8;
	[tilespmem:$0x1FA00] =	vst v63  }
0x57: {  	_ = 	snop  }
0x58: {  	[tilespmem:s1], [sflag:$0x5] =	stream.linear.gather [hbm4b:s11+s8], $0x80, $0x38;
	[tilespmem:$0x1FA00] =	vst v63  }
0x59: {  	_ =	swait.ge [sflag:s28], $0x80  }
0x5a: {  	[sflag:s28] =	ssyncset.done $0x0  }
0x5b: {  	[sflag:s28] =	ssyncadd.s32 $0xFFFFFF80  }
0x5c: {  	[tilespmem:s2], [sflag:$0x5] =	stream.linear.gather [hbm4b:s12+s8], $0x80, $0x38;
	[tilespmem:$0x1FA00] =	vst v63  }
0x5d: {  	_ =	swait.ge [sflag:s28], $0x80  }
0x5e: {  	[sflag:s28] =	ssyncset.done $0x0  }
0x5f: {  	[sflag:s28] =	ssyncadd.s32 $0xFFFFFF80  }
0x60: {  	[tilespmem:s3], [sflag:$0x2] =	stream.indirect.gather [hbm4b:s17+s31], $0x90, s1, s31, $0xb8;
	[tilespmem:$0x1FA00] =	vst v63  }
0x61: {  	_ =	swait.ge [sflag:s4], $0x4800  }
0x62: {  	[sflag:s4] =	ssyncset.done $0x0  }
0x63: {  	[sflag:s4] =	ssyncadd.s32 $0xFFFFB800  }
0x64: {  	[spmem:s16] =	stream.indirect.scatter.add.f32 [tilespmem:s3], [sflag:$0x4], $0x90, s2, s31, $0xb8;
	[tilespmem:$0x1FA00] =	vst v63  }
0x65: {  	_ =	swait.ge [sflag:s5], $0x4800  }
0x66: {  	[sflag:s5] =	ssyncset.done $0x0  }
0x67: {  	s9 =	sadd.s32 $0x0, s25;
	[sflag:s5] =	ssyncadd.s32 $0xFFFFB800  }
0x68: {  	[tilespmem:s29], [sflag:$0x5] =	stream.linear.gather [hbm4b:s9+s0], $0x80, $0x38;
	[tilespmem:$0x1FA00] =	vst v63  }
0x69: {  	_ =	swait.ge [sflag:s28], $0x80  }
0x6a: {  	[sflag:s28] =	ssyncset.done $0x0  }
0x6b: {  	s10 =	sadd.s32 $0x0, s24;
	[sflag:s28] =	ssyncadd.s32 $0xFFFFFF80  }
0x6c: {  	[tilespmem:s30], [sflag:$0x5] =	stream.linear.gather [hbm4b:s10+s0], $0x80, $0x38;
	[tilespmem:$0x1FA00] =	vst v63  }
0x6d: {  	_ =	swait.ge [sflag:s28], $0x80  }
0x6e: {  	[sflag:s28] =	ssyncset.done $0x0  }
0x6f: {  	[sflag:s28] =	ssyncadd.s32 $0xFFFFFF80  }
0x70: {  	[tilespmem:s26], [sflag:$0x1] =	stream.indirect.gather [hbm4b:s17+s31], $0x90, s29, s31, $0xb8;
	[tilespmem:$0x1FA00] =	vst v63  }
0x71: {  	_ =	swait.ge [sflag:s14], $0x4800  }
0x72: {  	[sflag:s14] =	ssyncset.done $0x0  }
0x73: {  	[sflag:s14] =	ssyncadd.s32 $0xFFFFB800  }
0x74: {  	[spmem:s16] =	stream.indirect.scatter.add.f32 [tilespmem:s26], [sflag:$0x3], $0x90, s30, s31, $0xb8;
	[tilespmem:$0x1FA00] =	vst v63  }
0x75: {  	_ =	swait.ge [sflag:s6], $0x4800  }
0x76: {  	[sflag:s6] =	ssyncset.done $0x0  }
0x77: {  	s9 =	sadd.s32 $0x0, s13;
	[sflag:s6] =	ssyncadd.s32 $0xFFFFB800  }
0x78: {  	[tilespmem:s1], [sflag:$0x5] =	stream.linear.gather [hbm4b:s9+s0], $0x80, $0x38;
	[tilespmem:$0x1FA00] =	vst v63  }
0x79: {  	_ =	swait.ge [sflag:s28], $0x80  }
0x7a: {  	[sflag:s28] =	ssyncset.done $0x0  }
0x7b: {  	s10 =	sadd.s32 $0x0, s15;
	[sflag:s28] =	ssyncadd.s32 $0xFFFFFF80  }
0x7c: {  	[tilespmem:s2], [sflag:$0x5] =	stream.linear.gather [hbm4b:s10+s0], $0x80, $0x38;
	[tilespmem:$0x1FA00] =	vst v63  }
0x7d: {  	_ =	swait.ge [sflag:s28], $0x80  }
0x7e: {  	[sflag:s28] =	ssyncset.done $0x0  }
0x7f: {  	[sflag:s28] =	ssyncadd.s32 $0xFFFFFF80  }
0x80: {  	[tilespmem:s3], [sflag:$0x2] =	stream.indirect.gather [hbm4b:s17+s31], $0x90, s1, s31, $0xb8;
	[tilespmem:$0x1FA00] =	vst v63  }
0x81: {  	_ =	swait.ge [sflag:s4], $0x4800  }
0x82: {  	[sflag:s4] =	ssyncset.done $0x0  }
0x83: {  	s8 =	simm.s32 $0x20;
	[sflag:s4] =	ssyncadd.s32 $0xFFFFB800  }
.LBB2_4:
0x84: {  	[spmem:s16] =	stream.indirect.scatter.add.f32 [tilespmem:s3], [sflag:$0x4], $0x90, s2, s31, $0xb8;
	[tilespmem:$0x1FA00] =	vst v63  }
0x85: {  	s9 =	smov.u32 s8  }
0x86: {  	p0 =	sne.s32 s8, $0x4A0;
	s8 =	sadd.s32 $0x20, s8;
	_ =	swait.ge [sflag:s5], $0x4800  }
0x87: {  	[sflag:s5] =	ssyncset.done $0x0  }
0x88: {  	s10 =	sadd.s32 s9, s25;
	[sflag:s5] =	ssyncadd.s32 $0xFFFFB800  }
0x89: {  	[tilespmem:s29], [sflag:$0x5] =	stream.linear.gather [hbm4b:s10+s0], $0x80, $0x38;
	[tilespmem:$0x1FA00] =	vst v63  }
0x8a: {  	_ =	swait.ge [sflag:s28], $0x80  }
0x8b: {  	[sflag:s28] =	ssyncset.done $0x0  }
0x8c: {  	s10 =	sadd.s32 s9, s24;
	[sflag:s28] =	ssyncadd.s32 $0xFFFFFF80  }
0x8d: {  	[tilespmem:s30], [sflag:$0x5] =	stream.linear.gather [hbm4b:s10+s0], $0x80, $0x38;
	[tilespmem:$0x1FA00] =	vst v63  }
0x8e: {  	_ =	swait.ge [sflag:s28], $0x80  }
0x8f: {  	[sflag:s28] =	ssyncset.done $0x0  }
0x90: {  	[sflag:s28] =	ssyncadd.s32 $0xFFFFFF80  }
0x91: {  	[tilespmem:s26], [sflag:$0x1] =	stream.indirect.gather [hbm4b:s17+s31], $0x90, s29, s31, $0xb8;
	[tilespmem:$0x1FA00] =	vst v63  }
0x92: {  	_ =	swait.ge [sflag:s14], $0x4800  }
0x93: {  	[sflag:s14] =	ssyncset.done $0x0  }
0x94: {  	[sflag:s14] =	ssyncadd.s32 $0xFFFFB800  }
0x95: {  	[spmem:s16] =	stream.indirect.scatter.add.f32 [tilespmem:s26], [sflag:$0x3], $0x90, s30, s31, $0xb8;
	[tilespmem:$0x1FA00] =	vst v63  }
0x96: {  	_ =	swait.ge [sflag:s6], $0x4800  }
0x97: {  	[sflag:s6] =	ssyncset.done $0x0  }
0x98: {  	s10 =	sadd.s32 s9, s13;
	[sflag:s6] =	ssyncadd.s32 $0xFFFFB800  }
0x99: {  	[tilespmem:s1], [sflag:$0x5] =	stream.linear.gather [hbm4b:s10+s0], $0x80, $0x38;
	[tilespmem:$0x1FA00] =	vst v63  }
0x9a: {  	_ =	swait.ge [sflag:s28], $0x80  }
0x9b: {  	[sflag:s28] =	ssyncset.done $0x0  }
0x9c: {  	s9 =	sadd.s32 s9, s15;
	[sflag:s28] =	ssyncadd.s32 $0xFFFFFF80  }
0x9d: {  	[tilespmem:s2], [sflag:$0x5] =	stream.linear.gather [hbm4b:s9+s0], $0x80, $0x38;
	[tilespmem:$0x1FA00] =	vst v63  }
0x9e: {  	_ =	swait.ge [sflag:s28], $0x80  }
0x9f: {  	[sflag:s28] =	ssyncset.done $0x0  }
.Ltmp1:
0xa0: {  	[sflag:s28] =	ssyncadd.s32 $0xFFFFFF80;
	(pc) =	sbr.rel @p0 .LBB2_4-.Ltmp1, $4  }
0xa1: {  	[tilespmem:s3], [sflag:$0x2] =	stream.indirect.gather [hbm4b:s17+s31], $0x90, s1, s31, $0xb8;
	[tilespmem:$0x1FA00] =	vst v63  }
0xa2: {  	_ =	swait.ge [sflag:s4], $0x4800  }
0xa3: {  	[sflag:s4] =	ssyncset.done $0x0  }
0xa4: {  	[sflag:s4] =	ssyncadd.s32 $0xFFFFB800  }
0xa5: {  	[spmem:s16] =	stream.indirect.scatter.add.f32 [tilespmem:s3], [sflag:$0x4], $0x90, s2, s31, $0xb8;
	[tilespmem:$0x1FA00] =	vst v63  }
0xa6: {  	_ =	swait.ge [sflag:s5], $0x4800  }
0xa7: {  	[sflag:s5] =	ssyncset.done $0x0  }
0xa8: {  	s8 =	rddreg [dreg:$0x4];
	[sflag:s5] =	ssyncadd.s32 $0xFFFFB800  }
0xa9: {  	[tilespmem:s29], [sflag:$0x5] =	stream.linear.gather [hbm4b:s8+s0], $0x80, $0x38;
	[tilespmem:$0x1FA00] =	vst v63  }
0xaa: {  	_ =	swait.ge [sflag:s28], $0x80  }
0xab: {  	[sflag:s28] =	ssyncset.done $0x0  }
0xac: {  	s9 =	rddreg [dreg:$0x5];
	[sflag:s28] =	ssyncadd.s32 $0xFFFFFF80  }
0xad: {  	[tilespmem:s30], [sflag:$0x5] =	stream.linear.gather [hbm4b:s9+s0], $0x80, $0x38;
	[tilespmem:$0x1FA00] =	vst v63  }
0xae: {  	_ =	swait.ge [sflag:s28], $0x80  }
0xaf: {  	[sflag:s28] =	ssyncset.done $0x0  }
0xb0: {  	[sflag:s28] =	ssyncadd.s32 $0xFFFFFF80  }
0xb1: {  	[tilespmem:s26], [sflag:$0x1] =	stream.indirect.gather [hbm4b:s17+s31], $0x90, s29, s31, $0xb8;
	[tilespmem:$0x1FA00] =	vst v63  }
0xb2: {  	_ =	swait.ge [sflag:s14], $0x4800  }
0xb3: {  	[sflag:s14] =	ssyncset.done $0x0  }
0xb4: {  	[sflag:s14] =	ssyncadd.s32 $0xFFFFB800  }
0xb5: {  	[spmem:s16] =	stream.indirect.scatter.add.f32 [tilespmem:s26], [sflag:$0x3], $0x90, s30, s31, $0xb8;
	[tilespmem:$0x1FA00] =	vst v63  }
0xb6: {  	_ =	swait.ge [sflag:s5], $0x4800  }
0xb7: {  	[sflag:s5] =	ssyncset.done $0x0  }
0xb8: {  	[sflag:s5] =	ssyncadd.s32 $0xFFFFB800  }
0xb9: {  	_ =	swait.ge [sflag:s6], $0x4800  }
0xba: {  	[sflag:s6] =	ssyncset.done $0x0  }
0xbb: {  	[sflag:s6] =	ssyncadd.s32 $0xFFFFB800  }
0xbc: {  	[bflag:$0x0] =	sbarrier.arrive $0xFFFF  }
0xbd: {  	[tilespmem:s26], [sflag:$0x5] =	stream.linear.gather [spmem:s18], $0x4800, $0x38;
	[tilespmem:$0x1FA00] =	vst v63  }
0xbe: {  	_ =	swait.ge [sflag:s28], $0x4800  }
0xbf: {  	[sflag:s28] =	ssyncset.done $0x0  }
0xc0: {  	s10 =	rddreg [dreg:$0x6];
	[sflag:s28] =	ssyncadd.s32 $0xFFFFB800  }
0xc1: {  	[hbm4b:s10+s0] =	stream.linear.scatter [tilespmem:s26], [sflag:$0x5], $0x4800, $0x38;
	[tilespmem:$0x1FA00] =	vst v63  }
0xc2: {  	_ =	swait.ge [sflag:s28], $0x4800  }
0xc3: {  	[sflag:s28] =	ssyncset.done $0x0  }
0xc4: {  	[sflag:s28] =	ssyncadd.s32 $0xFFFFB800  }
0xc5: {  	[tilespmem:s26], [sflag:$0x5] =	stream.linear.gather [spmem:s19], $0x4800, $0x38;
	[tilespmem:$0x1FA00] =	vst v63  }
0xc6: {  	_ =	swait.ge [sflag:s28], $0x4800  }
0xc7: {  	[sflag:s28] =	ssyncset.done $0x0  }
0xc8: {  	s9 =	rddreg [dreg:$0x7];
	[sflag:s28] =	ssyncadd.s32 $0xFFFFB800  }
0xc9: {  	[hbm4b:s9+s0] =	stream.linear.scatter [tilespmem:s26], [sflag:$0x5], $0x4800, $0x38;
	[tilespmem:$0x1FA00] =	vst v63  }
0xca: {  	_ =	swait.ge [sflag:s28], $0x4800  }
0xcb: {  	[sflag:s28] =	ssyncset.done $0x0  }
0xcc: {  	[sflag:s28] =	ssyncadd.s32 $0xFFFFB800  }
0xcd: {  	[tilespmem:s26], [sflag:$0x5] =	stream.linear.gather [spmem:s20], $0x4800, $0x38;
	[tilespmem:$0x1FA00] =	vst v63  }
0xce: {  	_ =	swait.ge [sflag:s28], $0x4800  }
0xcf: {  	[sflag:s28] =	ssyncset.done $0x0  }
0xd0: {  	s10 =	rddreg [dreg:$0x8];
	[sflag:s28] =	ssyncadd.s32 $0xFFFFB800  }
0xd1: {  	[hbm4b:s10+s0] =	stream.linear.scatter [tilespmem:s26], [sflag:$0x5], $0x4800, $0x38;
	[tilespmem:$0x1FA00] =	vst v63  }
0xd2: {  	_ =	swait.ge [sflag:s28], $0x4800  }
0xd3: {  	[sflag:s28] =	ssyncset.done $0x0  }
0xd4: {  	[sflag:s28] =	ssyncadd.s32 $0xFFFFB800  }
0xd5: {  	[tilespmem:s26], [sflag:$0x5] =	stream.linear.gather [spmem:s21], $0x4800, $0x38;
	[tilespmem:$0x1FA00] =	vst v63  }
0xd6: {  	_ =	swait.ge [sflag:s28], $0x4800  }
0xd7: {  	[sflag:s28] =	ssyncset.done $0x0  }
0xd8: {  	s9 =	rddreg [dreg:$0x9];
	[sflag:s28] =	ssyncadd.s32 $0xFFFFB800  }
0xd9: {  	[hbm4b:s9+s0] =	stream.linear.scatter [tilespmem:s26], [sflag:$0x5], $0x4800, $0x38;
	[tilespmem:$0x1FA00] =	vst v63  }
0xda: {  	_ =	swait.ge [sflag:s28], $0x4800  }
0xdb: {  	[sflag:s28] =	ssyncset.done $0x0  }
0xdc: {  	[sflag:s28] =	ssyncadd.s32 $0xFFFFB800  }
0xdd: {  	[tilespmem:s26], [sflag:$0x5] =	stream.linear.gather [spmem:s22], $0x4800, $0x38;
	[tilespmem:$0x1FA00] =	vst v63  }
0xde: {  	s7 =	sadd.s32 $0x1, s7;
	_ =	swait.ge [sflag:s28], $0x4800  }
0xdf: {  	p0 =	sne.s32 s7, s23;
	[sflag:s28] =	ssyncset.done $0x0  }
.Ltmp2:
0xe0: {  	s10 =	rddreg [dreg:$0xa];
	[sflag:s28] =	ssyncadd.s32 $0xFFFFB800;
	(pc) =	sbr.rel @p0 .LBB2_1-.Ltmp2, $4  }
0xe1: {  	[hbm4b:s10+s0] =	stream.linear.scatter [tilespmem:s26], [sflag:$0x5], $0x4800, $0x38;
	[tilespmem:$0x1FA00] =	vst v63  }
0xe2: {  	_ =	swait.ge [sflag:s28], $0x4800  }
0xe3: {  	[sflag:s28] =	ssyncset.done $0x0  }
0xe4: {  	[sflag:s28] =	ssyncadd.s32 $0xFFFFB800  }
0xe5: {  	_ =	sfence.sel $0x180000  }
0xe6: {  	[bflag:$0x0] =	sbarrier.arrive $0xFFFF  }
0xe7: {  	_ =	strace $0x9000004D  }
0xe8: {  	s0 =	stileid.u32;
	[bflag:$0x2] =	sbarrier.arrive $0xFFFF  }
0xe9: {  	p0 =	sne.s32 s0, $0x0;
	s0 =	rddreg [dreg:$0x3]  }
0xea: {  	s0 =	sadd.s32 @!p0 $0x100000, s0  }
0xeb: {  	[sflag:s0] =	ssyncadd.tile.s32 @!p0 $0x1;
	_ =	shalt  }
.Lfunc_end2:
_tile_overlayer_lowered:
.L_overlay_start_2:
0xec: {  	(tag) =	ssettag $0x2  }
0xed: {  	s0 =	rddreg [dreg:$0x0];
	s2 =	stileid.u32  }
0xee: {  	s1 =	rddreg [dreg:$0x1];
	p0 =	sne.s32 s2, $0x0  }
0xef: {  	s3 =	rddreg [dreg:$0x2];
	[bflag:$0x3] =	sbarrier.arrive $0xFFFF;
	s2 =	simm.s32 @!p0 $0x1C05  }
0xf0: {  	[timem:s3], [sflag:s2] =	dma.local @!p0 [hbm:s0], s1  }
0xf1: {  	s0 =	simm.s32 @!p0 $0x5  }
0xf2: {  	_ =	swait.ge @!p0 [sflag:s0], s1  }
0xf3: {  	s1 =	ssub.s32 @!p0 $0x0, s1;
	[sflag:s0] =	ssyncset.done @!p0 $0x0  }
0xf4: {  	[sflag:s0] =	ssyncadd.s32 @!p0 s1  }
0xf5: {  	[bflag:$0x3] =	sbarrier.arrive $0xFFFF  }
0xf6: {  	_ =	shalt  }

// kernel: kernel.20.cloned.1.call-start
scs
__scs_entry_jumppad:
0x0: {  	(pc) =	sbr.rel $0x88, $3  }
0x1: {  	(tag) =	ssettag $0x0;
	lr =	simm.s32 $0x1  }
0x2: {  	[smem:$0x3F9A] =	sst lr;
	_ =	strace $0xD0000000  }
0x3: {  	_ = 	snop  }
0x4: {  	_ = 	snop  }
0x5: {  	_ = 	snop  }
0x6: {  	_ = 	snop  }
0x7: {  	_ = 	snop  }
__scs_overlays_trampoline_lowered:
0x8: {  	[smem:$0x3FA9] =	sst s0  }
0x9: {  	[smem:$0x3FAA] =	sst s1  }
0xa: {  	[smem:$0x3FAB] =	sst s2  }
0xb: {  	[smem:$0x3FAC] =	sst s3  }
0xc: {  	[smem:$0x3FAD] =	sst s4  }
0xd: {  	[smem:$0x3FAE] =	sst s5  }
0xe: {  	[smem:$0x3FAF] =	sst s6  }
0xf: {  	[smem:$0x3FB0] =	sst s7  }
0x10: {  	[smem:$0x3FB1] =	sst s8  }
0x11: {  	[smem:$0x3FB2] =	sst s9;
	s0 =	simm.s32 @!p0 $0x0  }
0x12: {  	s1 =	sld [smem:$0x3F98];
	s0 =	simm.s32 @p0 $0x1  }
0x13: {  	[smem:$0x3FB3] =	sst s0;
	s0 =	simm.s32 @!p1 $0x0  }
0x14: {  	s2 =	sld [smem:$0x3F97];
	s0 =	simm.s32 @p1 $0x1  }
0x15: {  	[smem:$0x3FB4] =	sst s0;
	s0 =	simm.s32 @!p2 $0x0  }
0x16: {  	s3 =	sld [smem:$0x3FDB];
	s0 =	simm.s32 @p2 $0x1  }
0x17: {  	s4 =	simm.s32 $0x1BF5;
	[smem:$0x3FB6] =	sst s0  }
0x18: {  	s0 =	sld [smem:$0x3F99];
	_ =	swait.ge [sflag:s4], $0x0  }
0x19: {  	s7 =	sld [smem:$0x3F9A]  }
0x1a: {  	s8 =	sadd.s32 $0xFFFFE003, lr  }
0x1b: {  	s9 =	sadd.s32 $0xFFFFFEF7, lr;
	s5 =	simm.s32 $0xFFFFFFFF;
	p2 =	slt.u32 s8, $0xFFFFF086  }
0x1c: {  	p1 =	slt.u32 s9, $0xF7A;
	s5 =	simm.s32 @!p2 $0x0  }
0x1d: {  	s5 =	simm.s32 @p1 $0x1;
	p0 =	seq.s32 s7, s2  }
0x1e: {  	s7 =	smul.u32 @!p0 $0xF7A, s2;
	p2 =	seq.s32 @!p0 s5, $0x0  }
0x1f: {  	s9 =	smul.u32 $0xF7A, s1;
	s8 =	simm.s32 @!p0 $0x1BF5;
	p2 =	por !p2, p0  }
0x20: {  	[sflag:s8] =	ssyncset.s32 @!p0 $0xFFFFF086;
	s6 =	sadd.s32 @!p0 s3, s7;
	s7 =	simm.s32 @!p0 $0x108  }
0x21: {  	s3 =	sadd.s32 s3, s9;
	s6 =	sadd.s32 @!p0 $0x88, s6;
	s7 =	simm.s32 @p2 $0x1082  }
0x22: {  	[simem:s7], [sflag:s8] =	dma.local @!p0 [hbm:s6], $0xF7A  }
0x23: {  	s9 =	sor.u32 $0xD0000000, s2;
	s6 =	simm.s32 $0x108;
	_ =	swait.ge @!p0 [sflag:s8], $0x0  }
0x24: {  	s3 =	sadd.s32 $0x88, s3;
	s6 =	simm.s32 @!p1 $0x1082;
	[sflag:s4] =	ssyncset.s32 $0xFFFFF086  }
0x25: {  	[simem:s6], [sflag:s4] =	dma.local [hbm:s3], $0xF7A  }
0x26: {  	[smem:$0x3F9A] =	sst s1;
	(tag) =	ssettag s2;
	_ =	strace s9  }
0x27: {  	s1 =	sld [smem:$0x3FAA]  }
0x28: {  	s2 =	sld [smem:$0x3FAB]  }
0x29: {  	s4 =	sld [smem:$0x3FAD]  }
0x2a: {  	p0 =	seq.s32 s5, $0x0;
	s5 =	sld [smem:$0x3FAE]  }
0x2b: {  	s6 =	sld [smem:$0x3FAF]  }
0x2c: {  	s7 =	sld [smem:$0x3FB0]  }
0x2d: {  	s3 =	simm.s32 $0x108;
	s8 =	sld [smem:$0x3FB1]  }
0x2e: {  	s3 =	simm.s32 @!p0 $0x1082;
	s9 =	sld [smem:$0x3FB2]  }
0x2f: {  	lr =	sadd.s32 s0, s3;
	s0 =	sld [smem:$0x3FA9]  }
0x30: {  	s3 =	sld [smem:$0x3FAC]  }
0x31: {  	[smem:$0x3FB5] =	sst s10  }
0x32: {  	s10 =	sld [smem:$0x3FB3];
	_ =	sdelay $0x3  }
0x33: {  	p0 =	seq.s32 s10, $0x1;
	s10 =	sld [smem:$0x3FB5];
	_ =	sdelay $0x3  }
0x34: {  	[smem:$0x3FB5] =	sst s10  }
0x35: {  	s10 =	sld [smem:$0x3FB4];
	_ =	sdelay $0x3  }
0x36: {  	p1 =	seq.s32 s10, $0x1;
	s10 =	sld [smem:$0x3FB5];
	_ =	sdelay $0x3  }
0x37: {  	[smem:$0x3FB5] =	sst s10  }
0x38: {  	s10 =	sld [smem:$0x3FB6]  }
0x39: {  	_ = 	snop;
	(pc) =	sbr.ind lr, $3  }
0x3a: {  	_ = 	snop  }
0x3b: {  	_ = 	snop  }
0x3c: {  	p2 =	seq.s32 s10, $0x1;
	s10 =	sld [smem:$0x3FB5]  }
0x3d: {  	_ =	shalt  }
0x3e: {  	_ =	shalt  }
0x3f: {  	_ =	shalt  }
0x40: {  	_ =	shalt  }
0x41: {  	_ =	shalt  }
0x42: {  	_ =	shalt  }
0x43: {  	_ =	shalt  }
0x44: {  	_ =	shalt  }
0x45: {  	_ =	shalt  }
0x46: {  	_ =	shalt  }
0x47: {  	_ =	shalt  }
0x48: {  	_ =	shalt  }
0x49: {  	_ =	shalt  }
0x4a: {  	_ =	shalt  }
0x4b: {  	_ =	shalt  }
0x4c: {  	_ =	shalt  }
0x4d: {  	_ =	shalt  }
0x4e: {  	_ =	shalt  }
0x4f: {  	_ =	shalt  }
0x50: {  	_ =	shalt  }
0x51: {  	_ =	shalt  }
0x52: {  	_ =	shalt  }
0x53: {  	_ =	shalt  }
0x54: {  	_ =	shalt  }
0x55: {  	_ =	shalt  }
0x56: {  	_ =	shalt  }
0x57: {  	_ =	shalt  }
0x58: {  	_ =	shalt  }
0x59: {  	_ =	shalt  }
0x5a: {  	_ =	shalt  }
0x5b: {  	_ =	shalt  }
0x5c: {  	_ =	shalt  }
0x5d: {  	_ =	shalt  }
0x5e: {  	_ =	shalt  }
0x5f: {  	_ =	shalt  }
0x60: {  	_ =	shalt  }
0x61: {  	_ =	shalt  }
0x62: {  	_ =	shalt  }
0x63: {  	_ =	shalt  }
0x64: {  	_ =	shalt  }
0x65: {  	_ =	shalt  }
0x66: {  	_ =	shalt  }
0x67: {  	_ =	shalt  }
0x68: {  	_ =	shalt  }
0x69: {  	_ =	shalt  }
0x6a: {  	_ =	shalt  }
0x6b: {  	_ =	shalt  }
0x6c: {  	_ =	shalt  }
0x6d: {  	_ =	shalt  }
0x6e: {  	_ =	shalt  }
0x6f: {  	_ =	shalt  }
0x70: {  	_ =	shalt  }
0x71: {  	_ =	shalt  }
0x72: {  	_ =	shalt  }
0x73: {  	_ =	shalt  }
0x74: {  	_ =	shalt  }
0x75: {  	_ =	shalt  }
0x76: {  	_ =	shalt  }
0x77: {  	_ =	shalt  }
0x78: {  	_ =	shalt  }
0x79: {  	_ =	shalt  }
0x7a: {  	_ =	shalt  }
0x7b: {  	_ =	shalt  }
0x7c: {  	_ =	shalt  }
0x7d: {  	_ =	shalt  }
0x7e: {  	_ =	shalt  }
0x7f: {  	_ =	shalt  }
0x80: {  	_ =	shalt  }
0x81: {  	_ =	shalt  }
0x82: {  	_ =	shalt  }
0x83: {  	_ =	shalt  }
0x84: {  	_ =	shalt  }
0x85: {  	_ =	shalt  }
0x86: {  	_ =	shalt  }
0x87: {  	_ =	shalt  }
.Lfunc_end0:
.L_simem_size_0:
called_computation.3_lowered:
.L_overlay_start_0:
0x88: {  	s2 =	sld [smem:$0x3FD9]  }
0x89: {  	s3 =	sld [smem:$0x3FFE];
	_ =	sdelay $0x1  }
0x8a: {  	s1 =	srdreg.scid  }
0x8b: {  	s0 =	sand.u32 $0x1, s1  }
0x8c: {  	s17 =	sshll.u32 s0, $0xA;
	s2 =	sadd.s32 s3, s2  }
0x8d: {  	s2 =	sadd.s32 s2, s17  }
0x8e: {  	[smem:$0x3FC1] =	sst s2  }
0x8f: {  	_ = 	snop  }
0x90: {  	s2 =	sld [smem:$0x3FD0];
	(tm) =	ssettm $0x1  }
0x91: {  	s18 =	sld [smem:$0x3FFB];
	_ =	sdelay $0x3  }
0x92: {  	_ =	strace s18  }
0x93: {  	s3 =	sld [smem:$0x3FFC];
	_ =	sdelay $0x3  }
0x94: {  	_ =	strace s3  }
0x95: {  	s3 =	sld [smem:$0x3FFD];
	_ =	sdelay $0x3  }
0x96: {  	_ =	strace s3  }
0x97: {  	_ =	strace $0x8FFFFFFF  }
0x98: {  	s19 =	sld [smem:$0x3FDB];
	_ =	sdelay $0x1  }
0x99: {  	s4 =	simm.s32 $_scs_section_size  }
0x9a: {  	s5 =	simm.s32 $_size__tile_overlayer_lowered;
	s6 =	simm.s32 $_tile_overlayer_lowered  }
0x9b: {  	s22 =	simm.s32 $0x1BFF;
	s21 =	sshll.u32 s6, $0x1;
	s3 =	sadd.s32 s4, s19  }
0x9c: {  	s7 =	simm.s32 $0x0;
	s20 =	sshll.u32 s5, $0x1;
	s5 =	sadd.s32 s21, s3  }
0x9d: {  	[timem:s7], [sflag:s22] =	dma.local [hbm:s5], s20  }
0x9e: {  	_ =	swait.ge [sflag:s22], s20  }
0x9f: {  	s4 =	ssub.s32 $0x0, s20;
	[sflag:s22] =	ssyncset.done $0x0  }
0xa0: {  	[sflag:s22] =	ssyncadd.s32 s4;
	_ =	sdelay $0x1  }
0xa1: {  	s23 =	simm.s32 $0x1B8B  }
0xa2: {  	_ =	swait.ge [sflag:s23], $0x1  }
0xa3: {  	[sflag:s23] =	ssyncset.done $0x0  }
0xa4: {  	s25 =	simm.s32 $0x1B8E;
	s24 =	sld [smem:$0x3FFE];
	[sflag:s23] =	ssyncadd.s32 $0xFFFFFFFF  }
0xa5: {  	s26 =	simm.s32 $execute0_lowered;
	[smem:$0x3FD2] =	sst s25  }
0xa6: {  	s5 =	sshll.u32 s26, $0x1;
	_ =	strace $0x8000004F;
	[dreg:$0x1] =	wrdreg $0xFFFFFFFF  }
0xa7: {  	s28 =	simm.s32 $_size_execute0_lowered;
	s3 =	sadd.s32 s3, s5;
	[dreg:$0x0] =	wrdreg $0x0  }
0xa8: {  	s5 =	sshll.u32 s28, $0x1;
	[dreg:$0x2] =	wrdreg s3  }
0xa9: {  	[dreg:$0x3] =	wrdreg s5  }
0xaa: {  	[dreg:$0x4] =	wrdreg $0xC0  }
0xab: {  	_ =	task [dreg:s7], $0x5FFFF  }
0xac: {  	[dreg:$0x1] =	wrdreg $0xFFFFFFFF  }
0xad: {  	[dreg:$0x0] =	wrdreg $0x60  }
0xae: {  	[dreg:$0x2] =	wrdreg s24  }
0xaf: {  	[dreg:$0x3] =	wrdreg s2  }
0xb0: {  	[dreg:$0x4] =	wrdreg $0x0  }
0xb1: {  	[dreg:$0x5] =	wrdreg $0x9  }
0xb2: {  	_ =	task.clear_ibuf [dreg:s7], $0x6FFFF;
	_ =	strace $0x9000004F  }
0xb3: {  	s29 =	simm.s32 $0x9;
	_ =	strace $0x80000051  }
0xb4: {  	_ =	swait.ge [sflag:s29], $0x1  }
0xb5: {  	[sflag:s29] =	ssyncadd.s32 $0xFFFFFFFF  }
0xb6: {  	_ =	strace $0x90000051  }
0xb7: {  	_ =	sfence  }
0xb8: {  	s30 =	sld [smem:$0x0];
	_ =	sdelay $0x2  }
0xb9: {  	s31 =	sshll.u32 s1, $0xD;
	s1 =	sshrl.u32 s1, $0x2  }
0xba: {  	s3 =	sand.u32 $0x4000, s31;
	s1 =	sadd.s32 s1, s30  }
0xbb: {  	s0 =	sor.u32 s3, s0;
	s1 =	sshll.u32 s1, $0x11  }
0xbc: {  	s0 =	sor.u32 s1, s0  }
0xbd: {  	s0 =	sadd.s32 $0x8F2B, s0  }
0xbe: {  	[sflag:s0] =	ssyncadd.remote.s32 $0x1  }
0xbf: {  	_ =	sfence.sel $0xFFFF  }
0xc0: {  	[dreg:$0x0] =	wrdreg $0xFFFFFFFF;
	(pc) =	sbr.abs _section_cstart, $3  }
0xc1: {  	[dreg:$0x1] =	wrdreg $0xFFFFFFFF  }
0xc2: {  	_ =	task.clear_ibuf [dreg:s7], $0x2FFFF;
	_ =	strace $0x9FFFFFFF  }
0xc3: {  	(tm) =	ssettm $0x7FFFFFFF  }
tec
execute0_lowered:
.L_overlay_start_1:
0x0: {  	(tag) =	ssettag $0x1  }
0x1: {  	s1 =	rddreg [dreg:$0x0]  }
0x2: {  	s2 =	rddreg [dreg:$0x1]  }
0x3: {  	s0 =	simm.s32 $0x0;
	s3 =	srdreg.scid;
	s16 =	stileid.u32  }
0x4: {  	s28 =	simm.s32 $0x5;
	s29 =	simm.s32 $0x16800;
	s30 =	simm.s32 $0x16900  }
0x5: {  	s31 =	simm.s32 $0x80;
	s3 =	sand.u32 $0x1, s3;
	s7 =	smul.u32 $0x16800, s16  }
0x6: {  	[smem:$0x7FF] =	sst s0;
	s4 =	sadd.s32 $0x1800, s1;
	s11 =	smul.u32 $0x168000, s3  }
0x7: {  	s8 =	sadd.s32 $0x38600, s1;
	s5 =	sshll.u32 s3, $0x4;
	s18 =	smul.u32 $0x4F0, s3  }
0x8: {  	s6 =	ssub.s32 $0x2, s3;
	s3 =	smul.u32 $0x4F00, s3;
	s5 =	sor.u32 s16, s5  }
0x9: {  	s9 =	sshrl.u32 s6, $0x1;
	s14 =	sadd.s32 $0x9000, s7;
	s21 =	sadd.s32 $0xD800, s7  }
0xa: {  	s22 =	sadd.s32 $0x12000, s7;
	s10 =	smul.u32 $0x2780, s5;
	s6 =	ssub.s32 s6, s9  }
0xb: {  	s9 =	sadd.s32 $0x4800, s7;
	s12 =	sadd.s32 s7, s11;
	s15 =	sadd.s32 s11, s14  }
0xc: {  	s5 =	smul.u32 $0x4F0, s5;
	s17 =	sadd.s32 s11, s21;
	s12 =	sshrl.u32 s12, $0x3  }
0xd: {  	s26 =	sadd.s32 s11, s9;
	s11 =	sadd.s32 s11, s22;
	s10 =	sshrl.u32 s10, $0x3  }
0xe: {  	s12 =	sadd.s32 s8, s12;
	s20 =	sshrl.u32 s11, $0x3;
	s23 =	sadd.s32 s4, s5  }
0xf: {  	s25 =	sadd.s32 s2, s5;
	s5 =	sadd.s32 $0x10, s5;
	[dreg:$0x6] =	wrdreg s12  }
0x10: {  	s10 =	sadd.s32 $0x4E0, s10;
	s12 =	sshrl.u32 s17, $0x3;
	[dreg:$0xb] =	wrdreg s23  }
0x11: {  	[dreg:$0xc] =	wrdreg s25;
	s11 =	sadd.s32 s4, s5;
	s17 =	sadd.s32 $0xB600, s1  }
0x12: {  	s23 =	smax.u32 s6, $0x1;
	s1 =	simm.s32 $0x16880;
	s13 =	sadd.s32 s4, s10  }
0x13: {  	s6 =	simm.s32 $0x4;
	s10 =	sadd.s32 s2, s10;
	[dreg:$0x4] =	wrdreg s13  }
0x14: {  	s19 =	sadd.s32 s8, s12;
	[dreg:$0x5] =	wrdreg s10;
	s13 =	sshrl.u32 s26, $0x3  }
0x15: {  	s12 =	sadd.s32 s2, s5;
	[dreg:$0x9] =	wrdreg s19;
	s10 =	sadd.s32 s8, s13  }
0x16: {  	s5 =	simm.s32 $0x3;
	s26 =	smul.u32 $0x4F0, s16;
	[dreg:$0x7] =	wrdreg s10  }
0x17: {  	s10 =	sshrl.u32 s15, $0x3;
	s15 =	smul.u32 $0x4F, s16;
	s16 =	rddreg [dreg:$0x2]  }
0x18: {  	s10 =	sadd.s32 s8, s10;
	s8 =	sadd.s32 s8, s20;
	s19 =	sadd.s32 s9, s16  }
0x19: {  	s20 =	sadd.s32 s14, s16;
	s21 =	sadd.s32 s21, s16;
	s22 =	sadd.s32 s22, s16  }
0x1a: {  	s14 =	simm.s32 $0x1;
	[dreg:$0x8] =	wrdreg s10;
	s24 =	sadd.s32 s15, s18  }
0x1b: {  	[dreg:$0xa] =	wrdreg s8;
	s18 =	sadd.s32 s7, s16;
	s8 =	sshll.u32 s24, $0x4  }
0x1c: {  	s7 =	simm.s32 $0x0;
	_ =	strace $0x80000050;
	s8 =	sadd.s32 $0x30, s8  }
0x1d: {  	s13 =	sadd.s32 s8, s4;
	s15 =	sadd.s32 s8, s2;
	s2 =	sadd.s32 s3, s2  }
0x1e: {  	s3 =	sadd.s32 s3, s4;
	s4 =	simm.s32 $0x2;
	s2 =	sadd.s32 s26, s2  }
0x1f: {  	s3 =	sadd.s32 s26, s3;
	s26 =	simm.s32 $0x16A00;
	s24 =	sadd.s32 $0x20, s2  }
0x20: {  	v0 =	vimm.f32 $0.0e+00;
	s25 =	sadd.s32 $0x20, s3;
	s2 =	simm.s32 $0x16980;
	s3 =	simm.s32 $0x1B200  }
.LBB2_1:
0x21: {  	s8 =	simm.s32 $0x0;
	s9 =	simm.s32 $0x240  }
.LBB2_2:
0x22: {  	p0 =	sne.s32 s9, $0x11DC0;
	[tilespmem:s8+$0x16A80] =	vst v0  }
0x23: {  	[tilespmem:s8+$0x16A00] =	vst v0  }
0x24: {  	[tilespmem:s8+$0x16A10] =	vst v0  }
0x25: {  	[tilespmem:s8+$0x16A20] =	vst v0  }
.Ltmp0:
0x26: {  	[tilespmem:s8+$0x16A30] =	vst v0;
	(pc) =	sbr.rel @p0 .LBB2_2-.Ltmp0, $4  }
0x27: {  	[tilespmem:s8+$0x16A40] =	vst v0  }
0x28: {  	[tilespmem:s8+$0x16A50] =	vst v0  }
0x29: {  	[tilespmem:s8+$0x16A60] =	vst v0  }
0x2a: {  	[tilespmem:s8+$0x16A70] =	vst v0;
	s8 =	sshra.s32 s9, $0x2;
	s9 =	sadd.s32 $0x240, s9  }
0x2b: {  	[tilespmem:s8+$0x16A80] =	vst v0  }
0x2c: {  	[tilespmem:s8+$0x16A00] =	vst v0  }
0x2d: {  	[tilespmem:s8+$0x16A10] =	vst v0  }
0x2e: {  	[tilespmem:s8+$0x16A20] =	vst v0  }
0x2f: {  	[tilespmem:s8+$0x16A30] =	vst v0  }
0x30: {  	[tilespmem:s8+$0x16A40] =	vst v0  }
0x31: {  	[tilespmem:s8+$0x16A50] =	vst v0  }
0x32: {  	[tilespmem:s8+$0x16A60] =	vst v0  }
0x33: {  	[tilespmem:s8+$0x16A70] =	vst v0  }
0x34: {  	[spmem:s18] =	stream.linear.scatter [tilespmem:s26], [sflag:$0x5], $0x4800, $0x38;
	[tilespmem:$0x1FA00] =	vst v63  }
0x35: {  	_ =	swait.ge [sflag:s28], $0x4800  }
0x36: {  	[sflag:s28] =	ssyncset.done $0x0  }
0x37: {  	[sflag:s28] =	ssyncadd.s32 $0xFFFFB800  }
0x38: {  	[spmem:s19] =	stream.linear.scatter [tilespmem:s26], [sflag:$0x5], $0x4800, $0x38;
	[tilespmem:$0x1FA00] =	vst v63  }
0x39: {  	_ =	swait.ge [sflag:s28], $0x4800  }
0x3a: {  	[sflag:s28] =	ssyncset.done $0x0  }
0x3b: {  	[sflag:s28] =	ssyncadd.s32 $0xFFFFB800  }
0x3c: {  	[spmem:s20] =	stream.linear.scatter [tilespmem:s26], [sflag:$0x5], $0x4800, $0x38;
	[tilespmem:$0x1FA00] =	vst v63  }
0x3d: {  	_ =	swait.ge [sflag:s28], $0x4800  }
0x3e: {  	[sflag:s28] =	ssyncset.done $0x0  }
0x3f: {  	[sflag:s28] =	ssyncadd.s32 $0xFFFFB800  }
0x40: {  	[spmem:s21] =	stream.linear.scatter [tilespmem:s26], [sflag:$0x5], $0x4800, $0x38;
	[tilespmem:$0x1FA00] =	vst v63  }
0x41: {  	_ =	swait.ge [sflag:s28], $0x4800  }
0x42: {  	[sflag:s28] =	ssyncset.done $0x0  }
0x43: {  	[sflag:s28] =	ssyncadd.s32 $0xFFFFB800  }
0x44: {  	[spmem:s22] =	stream.linear.scatter [tilespmem:s26], [sflag:$0x5], $0x4800, $0x38;
	[tilespmem:$0x1FA00] =	vst v63  }
0x45: {  	_ =	swait.ge [sflag:s28], $0x4800  }
0x46: {  	[sflag:s28] =	ssyncset.done $0x0  }
0x47: {  	[sflag:s28] =	ssyncadd.s32 $0xFFFFB800  }
0x48: {  	[bflag:$0x0] =	sbarrier.arrive $0xFFFF  }
0x49: {  	s8 =	simm.s32 $0x0;
	s9 =	rddreg [dreg:$0xb]  }
0x4a: {  	[tilespmem:s29], [sflag:$0x5] =	stream.linear.gather [hbm4b:s9+s8], $0x80, $0x38;
	[tilespmem:$0x1FA00] =	vst v63  }
0x4b: {  	_ =	swait.ge [sflag:s28], $0x80  }
0x4c: {  	[sflag:s28] =	ssyncset.done $0x0  }
0x4d: {  	s10 =	rddreg [dreg:$0xc];
	[sflag:s28] =	ssyncadd.s32 $0xFFFFFF80  }
0x4e: {  	[tilespmem:s30], [sflag:$0x5] =	stream.linear.gather [hbm4b:s10+s8], $0x80, $0x38;
	[tilespmem:$0x1FA00] =	vst v63  }
0x4f: {  	_ =	swait.ge [sflag:s28], $0x80  }
0x50: {  	[sflag:s28] =	ssyncset.done $0x0  }
0x51: {  	[sflag:s28] =	ssyncadd.s32 $0xFFFFFF80  }
0x52: {  	[tilespmem:s26], [sflag:$0x1] =	stream.indirect.gather [hbm4b:s17+s31], $0x90, s29, s31, $0xb8;
	[tilespmem:$0x1FA00] =	vst v63  }
0x53: {  	_ =	swait.ge [sflag:s14], $0x4800  }
0x54: {  	[sflag:s14] =	ssyncset.done $0x0  }
0x55: {  	[sflag:s14] =	ssyncadd.s32 $0xFFFFB800  }
0x56: {  	[spmem:s16] =	stream.indirect.scatter.add.f32 [tilespmem:s26], [sflag:$0x3], $0x90, s30, s31, $0xb8;
	[tilespmem:$0x1FA00] =	vst v63  }
0x57: {  	_ = 	snop  }
0x58: {  	[tilespmem:s1], [sflag:$0x5] =	stream.linear.gather [hbm4b:s11+s8], $0x80, $0x38;
	[tilespmem:$0x1FA00] =	vst v63  }
0x59: {  	_ =	swait.ge [sflag:s28], $0x80  }
0x5a: {  	[sflag:s28] =	ssyncset.done $0x0  }
0x5b: {  	[sflag:s28] =	ssyncadd.s32 $0xFFFFFF80  }
0x5c: {  	[tilespmem:s2], [sflag:$0x5] =	stream.linear.gather [hbm4b:s12+s8], $0x80, $0x38;
	[tilespmem:$0x1FA00] =	vst v63  }
0x5d: {  	_ =	swait.ge [sflag:s28], $0x80  }
0x5e: {  	[sflag:s28] =	ssyncset.done $0x0  }
0x5f: {  	[sflag:s28] =	ssyncadd.s32 $0xFFFFFF80  }
0x60: {  	[tilespmem:s3], [sflag:$0x2] =	stream.indirect.gather [hbm4b:s17+s31], $0x90, s1, s31, $0xb8;
	[tilespmem:$0x1FA00] =	vst v63  }
0x61: {  	_ =	swait.ge [sflag:s4], $0x4800  }
0x62: {  	[sflag:s4] =	ssyncset.done $0x0  }
0x63: {  	[sflag:s4] =	ssyncadd.s32 $0xFFFFB800  }
0x64: {  	[spmem:s16] =	stream.indirect.scatter.add.f32 [tilespmem:s3], [sflag:$0x4], $0x90, s2, s31, $0xb8;
	[tilespmem:$0x1FA00] =	vst v63  }
0x65: {  	_ =	swait.ge [sflag:s5], $0x4800  }
0x66: {  	[sflag:s5] =	ssyncset.done $0x0  }
0x67: {  	s9 =	sadd.s32 $0x0, s25;
	[sflag:s5] =	ssyncadd.s32 $0xFFFFB800  }
0x68: {  	[tilespmem:s29], [sflag:$0x5] =	stream.linear.gather [hbm4b:s9+s0], $0x80, $0x38;
	[tilespmem:$0x1FA00] =	vst v63  }
0x69: {  	_ =	swait.ge [sflag:s28], $0x80  }
0x6a: {  	[sflag:s28] =	ssyncset.done $0x0  }
0x6b: {  	s10 =	sadd.s32 $0x0, s24;
	[sflag:s28] =	ssyncadd.s32 $0xFFFFFF80  }
0x6c: {  	[tilespmem:s30], [sflag:$0x5] =	stream.linear.gather [hbm4b:s10+s0], $0x80, $0x38;
	[tilespmem:$0x1FA00] =	vst v63  }
0x6d: {  	_ =	swait.ge [sflag:s28], $0x80  }
0x6e: {  	[sflag:s28] =	ssyncset.done $0x0  }
0x6f: {  	[sflag:s28] =	ssyncadd.s32 $0xFFFFFF80  }
0x70: {  	[tilespmem:s26], [sflag:$0x1] =	stream.indirect.gather [hbm4b:s17+s31], $0x90, s29, s31, $0xb8;
	[tilespmem:$0x1FA00] =	vst v63  }
0x71: {  	_ =	swait.ge [sflag:s14], $0x4800  }
0x72: {  	[sflag:s14] =	ssyncset.done $0x0  }
0x73: {  	[sflag:s14] =	ssyncadd.s32 $0xFFFFB800  }
0x74: {  	[spmem:s16] =	stream.indirect.scatter.add.f32 [tilespmem:s26], [sflag:$0x3], $0x90, s30, s31, $0xb8;
	[tilespmem:$0x1FA00] =	vst v63  }
0x75: {  	_ =	swait.ge [sflag:s6], $0x4800  }
0x76: {  	[sflag:s6] =	ssyncset.done $0x0  }
0x77: {  	s9 =	sadd.s32 $0x0, s13;
	[sflag:s6] =	ssyncadd.s32 $0xFFFFB800  }
0x78: {  	[tilespmem:s1], [sflag:$0x5] =	stream.linear.gather [hbm4b:s9+s0], $0x80, $0x38;
	[tilespmem:$0x1FA00] =	vst v63  }
0x79: {  	_ =	swait.ge [sflag:s28], $0x80  }
0x7a: {  	[sflag:s28] =	ssyncset.done $0x0  }
0x7b: {  	s10 =	sadd.s32 $0x0, s15;
	[sflag:s28] =	ssyncadd.s32 $0xFFFFFF80  }
0x7c: {  	[tilespmem:s2], [sflag:$0x5] =	stream.linear.gather [hbm4b:s10+s0], $0x80, $0x38;
	[tilespmem:$0x1FA00] =	vst v63  }
0x7d: {  	_ =	swait.ge [sflag:s28], $0x80  }
0x7e: {  	[sflag:s28] =	ssyncset.done $0x0  }
0x7f: {  	[sflag:s28] =	ssyncadd.s32 $0xFFFFFF80  }
0x80: {  	[tilespmem:s3], [sflag:$0x2] =	stream.indirect.gather [hbm4b:s17+s31], $0x90, s1, s31, $0xb8;
	[tilespmem:$0x1FA00] =	vst v63  }
0x81: {  	_ =	swait.ge [sflag:s4], $0x4800  }
0x82: {  	[sflag:s4] =	ssyncset.done $0x0  }
0x83: {  	s8 =	simm.s32 $0x20;
	[sflag:s4] =	ssyncadd.s32 $0xFFFFB800  }
.LBB2_4:
0x84: {  	[spmem:s16] =	stream.indirect.scatter.add.f32 [tilespmem:s3], [sflag:$0x4], $0x90, s2, s31, $0xb8;
	[tilespmem:$0x1FA00] =	vst v63  }
0x85: {  	s9 =	smov.u32 s8  }
0x86: {  	p0 =	sne.s32 s8, $0x4A0;
	s8 =	sadd.s32 $0x20, s8;
	_ =	swait.ge [sflag:s5], $0x4800  }
0x87: {  	[sflag:s5] =	ssyncset.done $0x0  }
0x88: {  	s10 =	sadd.s32 s9, s25;
	[sflag:s5] =	ssyncadd.s32 $0xFFFFB800  }
0x89: {  	[tilespmem:s29], [sflag:$0x5] =	stream.linear.gather [hbm4b:s10+s0], $0x80, $0x38;
	[tilespmem:$0x1FA00] =	vst v63  }
0x8a: {  	_ =	swait.ge [sflag:s28], $0x80  }
0x8b: {  	[sflag:s28] =	ssyncset.done $0x0  }
0x8c: {  	s10 =	sadd.s32 s9, s24;
	[sflag:s28] =	ssyncadd.s32 $0xFFFFFF80  }
0x8d: {  	[tilespmem:s30], [sflag:$0x5] =	stream.linear.gather [hbm4b:s10+s0], $0x80, $0x38;
	[tilespmem:$0x1FA00] =	vst v63  }
0x8e: {  	_ =	swait.ge [sflag:s28], $0x80  }
0x8f: {  	[sflag:s28] =	ssyncset.done $0x0  }
0x90: {  	[sflag:s28] =	ssyncadd.s32 $0xFFFFFF80  }
0x91: {  	[tilespmem:s26], [sflag:$0x1] =	stream.indirect.gather [hbm4b:s17+s31], $0x90, s29, s31, $0xb8;
	[tilespmem:$0x1FA00] =	vst v63  }
0x92: {  	_ =	swait.ge [sflag:s14], $0x4800  }
0x93: {  	[sflag:s14] =	ssyncset.done $0x0  }
0x94: {  	[sflag:s14] =	ssyncadd.s32 $0xFFFFB800  }
0x95: {  	[spmem:s16] =	stream.indirect.scatter.add.f32 [tilespmem:s26], [sflag:$0x3], $0x90, s30, s31, $0xb8;
	[tilespmem:$0x1FA00] =	vst v63  }
0x96: {  	_ =	swait.ge [sflag:s6], $0x4800  }
0x97: {  	[sflag:s6] =	ssyncset.done $0x0  }
0x98: {  	s10 =	sadd.s32 s9, s13;
	[sflag:s6] =	ssyncadd.s32 $0xFFFFB800  }
0x99: {  	[tilespmem:s1], [sflag:$0x5] =	stream.linear.gather [hbm4b:s10+s0], $0x80, $0x38;
	[tilespmem:$0x1FA00] =	vst v63  }
0x9a: {  	_ =	swait.ge [sflag:s28], $0x80  }
0x9b: {  	[sflag:s28] =	ssyncset.done $0x0  }
0x9c: {  	s9 =	sadd.s32 s9, s15;
	[sflag:s28] =	ssyncadd.s32 $0xFFFFFF80  }
0x9d: {  	[tilespmem:s2], [sflag:$0x5] =	stream.linear.gather [hbm4b:s9+s0], $0x80, $0x38;
	[tilespmem:$0x1FA00] =	vst v63  }
0x9e: {  	_ =	swait.ge [sflag:s28], $0x80  }
0x9f: {  	[sflag:s28] =	ssyncset.done $0x0  }
.Ltmp1:
0xa0: {  	[sflag:s28] =	ssyncadd.s32 $0xFFFFFF80;
	(pc) =	sbr.rel @p0 .LBB2_4-.Ltmp1, $4  }
0xa1: {  	[tilespmem:s3], [sflag:$0x2] =	stream.indirect.gather [hbm4b:s17+s31], $0x90, s1, s31, $0xb8;
	[tilespmem:$0x1FA00] =	vst v63  }
0xa2: {  	_ =	swait.ge [sflag:s4], $0x4800  }
0xa3: {  	[sflag:s4] =	ssyncset.done $0x0  }
0xa4: {  	[sflag:s4] =	ssyncadd.s32 $0xFFFFB800  }
0xa5: {  	[spmem:s16] =	stream.indirect.scatter.add.f32 [tilespmem:s3], [sflag:$0x4], $0x90, s2, s31, $0xb8;
	[tilespmem:$0x1FA00] =	vst v63  }
0xa6: {  	_ =	swait.ge [sflag:s5], $0x4800  }
0xa7: {  	[sflag:s5] =	ssyncset.done $0x0  }
0xa8: {  	s8 =	rddreg [dreg:$0x4];
	[sflag:s5] =	ssyncadd.s32 $0xFFFFB800  }
0xa9: {  	[tilespmem:s29], [sflag:$0x5] =	stream.linear.gather [hbm4b:s8+s0], $0x80, $0x38;
	[tilespmem:$0x1FA00] =	vst v63  }
0xaa: {  	_ =	swait.ge [sflag:s28], $0x80  }
0xab: {  	[sflag:s28] =	ssyncset.done $0x0  }
0xac: {  	s9 =	rddreg [dreg:$0x5];
	[sflag:s28] =	ssyncadd.s32 $0xFFFFFF80  }
0xad: {  	[tilespmem:s30], [sflag:$0x5] =	stream.linear.gather [hbm4b:s9+s0], $0x80, $0x38;
	[tilespmem:$0x1FA00] =	vst v63  }
0xae: {  	_ =	swait.ge [sflag:s28], $0x80  }
0xaf: {  	[sflag:s28] =	ssyncset.done $0x0  }
0xb0: {  	[sflag:s28] =	ssyncadd.s32 $0xFFFFFF80  }
0xb1: {  	[tilespmem:s26], [sflag:$0x1] =	stream.indirect.gather [hbm4b:s17+s31], $0x90, s29, s31, $0xb8;
	[tilespmem:$0x1FA00] =	vst v63  }
0xb2: {  	_ =	swait.ge [sflag:s14], $0x4800  }
0xb3: {  	[sflag:s14] =	ssyncset.done $0x0  }
0xb4: {  	[sflag:s14] =	ssyncadd.s32 $0xFFFFB800  }
0xb5: {  	[spmem:s16] =	stream.indirect.scatter.add.f32 [tilespmem:s26], [sflag:$0x3], $0x90, s30, s31, $0xb8;
	[tilespmem:$0x1FA00] =	vst v63  }
0xb6: {  	_ =	swait.ge [sflag:s5], $0x4800  }
0xb7: {  	[sflag:s5] =	ssyncset.done $0x0  }
0xb8: {  	[sflag:s5] =	ssyncadd.s32 $0xFFFFB800  }
0xb9: {  	_ =	swait.ge [sflag:s6], $0x4800  }
0xba: {  	[sflag:s6] =	ssyncset.done $0x0  }
0xbb: {  	[sflag:s6] =	ssyncadd.s32 $0xFFFFB800  }
0xbc: {  	[bflag:$0x0] =	sbarrier.arrive $0xFFFF  }
0xbd: {  	[tilespmem:s26], [sflag:$0x5] =	stream.linear.gather [spmem:s18], $0x4800, $0x38;
	[tilespmem:$0x1FA00] =	vst v63  }
0xbe: {  	_ =	swait.ge [sflag:s28], $0x4800  }
0xbf: {  	[sflag:s28] =	ssyncset.done $0x0  }
0xc0: {  	s10 =	rddreg [dreg:$0x6];
	[sflag:s28] =	ssyncadd.s32 $0xFFFFB800  }
0xc1: {  	[hbm4b:s10+s0] =	stream.linear.scatter [tilespmem:s26], [sflag:$0x5], $0x4800, $0x38;
	[tilespmem:$0x1FA00] =	vst v63  }
0xc2: {  	_ =	swait.ge [sflag:s28], $0x4800  }
0xc3: {  	[sflag:s28] =	ssyncset.done $0x0  }
0xc4: {  	[sflag:s28] =	ssyncadd.s32 $0xFFFFB800  }
0xc5: {  	[tilespmem:s26], [sflag:$0x5] =	stream.linear.gather [spmem:s19], $0x4800, $0x38;
	[tilespmem:$0x1FA00] =	vst v63  }
0xc6: {  	_ =	swait.ge [sflag:s28], $0x4800  }
0xc7: {  	[sflag:s28] =	ssyncset.done $0x0  }
0xc8: {  	s9 =	rddreg [dreg:$0x7];
	[sflag:s28] =	ssyncadd.s32 $0xFFFFB800  }
0xc9: {  	[hbm4b:s9+s0] =	stream.linear.scatter [tilespmem:s26], [sflag:$0x5], $0x4800, $0x38;
	[tilespmem:$0x1FA00] =	vst v63  }
0xca: {  	_ =	swait.ge [sflag:s28], $0x4800  }
0xcb: {  	[sflag:s28] =	ssyncset.done $0x0  }
0xcc: {  	[sflag:s28] =	ssyncadd.s32 $0xFFFFB800  }
0xcd: {  	[tilespmem:s26], [sflag:$0x5] =	stream.linear.gather [spmem:s20], $0x4800, $0x38;
	[tilespmem:$0x1FA00] =	vst v63  }
0xce: {  	_ =	swait.ge [sflag:s28], $0x4800  }
0xcf: {  	[sflag:s28] =	ssyncset.done $0x0  }
0xd0: {  	s10 =	rddreg [dreg:$0x8];
	[sflag:s28] =	ssyncadd.s32 $0xFFFFB800  }
0xd1: {  	[hbm4b:s10+s0] =	stream.linear.scatter [tilespmem:s26], [sflag:$0x5], $0x4800, $0x38;
	[tilespmem:$0x1FA00] =	vst v63  }
0xd2: {  	_ =	swait.ge [sflag:s28], $0x4800  }
0xd3: {  	[sflag:s28] =	ssyncset.done $0x0  }
0xd4: {  	[sflag:s28] =	ssyncadd.s32 $0xFFFFB800  }
0xd5: {  	[tilespmem:s26], [sflag:$0x5] =	stream.linear.gather [spmem:s21], $0x4800, $0x38;
	[tilespmem:$0x1FA00] =	vst v63  }
0xd6: {  	_ =	swait.ge [sflag:s28], $0x4800  }
0xd7: {  	[sflag:s28] =	ssyncset.done $0x0  }
0xd8: {  	s9 =	rddreg [dreg:$0x9];
	[sflag:s28] =	ssyncadd.s32 $0xFFFFB800  }
0xd9: {  	[hbm4b:s9+s0] =	stream.linear.scatter [tilespmem:s26], [sflag:$0x5], $0x4800, $0x38;
	[tilespmem:$0x1FA00] =	vst v63  }
0xda: {  	_ =	swait.ge [sflag:s28], $0x4800  }
0xdb: {  	[sflag:s28] =	ssyncset.done $0x0  }
0xdc: {  	[sflag:s28] =	ssyncadd.s32 $0xFFFFB800  }
0xdd: {  	[tilespmem:s26], [sflag:$0x5] =	stream.linear.gather [spmem:s22], $0x4800, $0x38;
	[tilespmem:$0x1FA00] =	vst v63  }
0xde: {  	s7 =	sadd.s32 $0x1, s7;
	_ =	swait.ge [sflag:s28], $0x4800  }
0xdf: {  	p0 =	sne.s32 s7, s23;
	[sflag:s28] =	ssyncset.done $0x0  }
.Ltmp2:
0xe0: {  	s10 =	rddreg [dreg:$0xa];
	[sflag:s28] =	ssyncadd.s32 $0xFFFFB800;
	(pc) =	sbr.rel @p0 .LBB2_1-.Ltmp2, $4  }
0xe1: {  	[hbm4b:s10+s0] =	stream.linear.scatter [tilespmem:s26], [sflag:$0x5], $0x4800, $0x38;
	[tilespmem:$0x1FA00] =	vst v63  }
0xe2: {  	_ =	swait.ge [sflag:s28], $0x4800  }
0xe3: {  	[sflag:s28] =	ssyncset.done $0x0  }
0xe4: {  	[sflag:s28] =	ssyncadd.s32 $0xFFFFB800  }
0xe5: {  	_ =	sfence.sel $0x180000  }
0xe6: {  	[bflag:$0x0] =	sbarrier.arrive $0xFFFF  }
0xe7: {  	_ =	strace $0x90000050  }
0xe8: {  	s0 =	stileid.u32;
	[bflag:$0x2] =	sbarrier.arrive $0xFFFF  }
0xe9: {  	p0 =	sne.s32 s0, $0x0;
	s0 =	rddreg [dreg:$0x3]  }
0xea: {  	s0 =	sadd.s32 @!p0 $0x100000, s0  }
0xeb: {  	[sflag:s0] =	ssyncadd.tile.s32 @!p0 $0x1;
	_ =	shalt  }
.Lfunc_end2:
_tile_overlayer_lowered:
.L_overlay_start_2:
0xec: {  	(tag) =	ssettag $0x2  }
0xed: {  	s0 =	rddreg [dreg:$0x0];
	s2 =	stileid.u32  }
0xee: {  	s1 =	rddreg [dreg:$0x1];
	p0 =	sne.s32 s2, $0x0  }
0xef: {  	s3 =	rddreg [dreg:$0x2];
	[bflag:$0x3] =	sbarrier.arrive $0xFFFF;
	s2 =	simm.s32 @!p0 $0x1C05  }
0xf0: {  	[timem:s3], [sflag:s2] =	dma.local @!p0 [hbm:s0], s1  }
0xf1: {  	s0 =	simm.s32 @!p0 $0x5  }
0xf2: {  	_ =	swait.ge @!p0 [sflag:s0], s1  }
0xf3: {  	s1 =	ssub.s32 @!p0 $0x0, s1;
	[sflag:s0] =	ssyncset.done @!p0 $0x0  }
0xf4: {  	[sflag:s0] =	ssyncadd.s32 @!p0 s1  }
0xf5: {  	[bflag:$0x3] =	sbarrier.arrive $0xFFFF  }
0xf6: {  	_ =	shalt  }

</sc_bundles>
